<compile_context>
chip_gen: v7x
topology: tpu7x:2x2x1
jax: 0.10.2.dev20260603
libtpu: 0.0.44.dev20260713+nightly
codegen_flags: <defaults>
</compile_context>

<pallas_src>
import functools

import jax
import jax.numpy as jnp
from jax import lax
from jax.experimental import pallas as pl
from jax.experimental.pallas import tpu as pltpu
from jax.experimental.pallas import tpu_sc as plsc

EMB_SIZE = 1000000
EMB_DIM = 64
BATCH = 16384
NEG = 5
NSC = 6
PITCH = 128

_info = plsc.get_sparse_core_info()
NC = _info.num_cores
NS = _info.num_subcores
NW = NC * NS
BPW = BATCH // NW
NPW = BPW * NEG
CHUNK = 64
NCHUNK = BPW // CHUNK
NEG_CHUNK = CHUNK * NEG


def _sc_scores(pos_u, pos_v, neg_flat, u_pad, v_pad):
    mesh = plsc.VectorSubcoreMesh(core_axis_name="c", subcore_axis_name="s")

    @functools.partial(
        pl.kernel,
        mesh=mesh,
        out_type=jax.ShapeDtypeStruct((NW * NSC * BPW,), jnp.float32),
        scratch_types=[
            pltpu.VMEM((BPW,), jnp.int32),
            pltpu.VMEM((BPW,), jnp.int32),
            pltpu.VMEM((NPW,), jnp.int32),
            pltpu.VMEM((CHUNK, PITCH), jnp.float32),
            pltpu.VMEM((CHUNK, PITCH), jnp.float32),
            pltpu.VMEM((NEG_CHUNK, PITCH), jnp.float32),
            pltpu.VMEM((NSC * BPW,), jnp.float32),
            pltpu.SemaphoreType.DMA,
        ],
        compiler_params=pltpu.CompilerParams(
            needs_layout_passes=False, use_tc_tiling_on_sc=True),
    )
    def kern(pos_u_h, pos_v_h, neg_h, u_w, v_w, out_h,
             idx_u, idx_v, idx_n, u_rows, v_rows, n_rows, scores, sem):
        wid = lax.axis_index("s") * NC + lax.axis_index("c")
        base = wid * BPW
        pltpu.sync_copy(pos_u_h.at[pl.ds(base, BPW)], idx_u)
        pltpu.sync_copy(pos_v_h.at[pl.ds(base, BPW)], idx_v)
        pltpu.sync_copy(neg_h.at[pl.ds(base * NEG, NPW)], idx_n)

        lane = lax.iota(jnp.int32, 16)

        def chunk_body(c, carry):
            cpys = [
                pltpu.async_copy(u_w.at[idx_u.at[pl.ds(c * CHUNK, CHUNK)]],
                                 u_rows, sem),
                pltpu.async_copy(v_w.at[idx_v.at[pl.ds(c * CHUNK, CHUNK)]],
                                 v_rows, sem),
            ]
            off = 0
            while off < NEG_CHUNK:
                ln = min(128, NEG_CHUNK - off)
                cpys.append(pltpu.async_copy(
                    v_w.at[idx_n.at[pl.ds(c * NEG_CHUNK + off, ln)]],
                    n_rows.at[pl.ds(off, ln)], sem))
                off += ln
            for cpy in cpys:
                cpy.wait()

            def group_body(g, carry2):
                rb = c * CHUNK + g * 16
                acc = [jnp.zeros((16,), jnp.float32) for _ in range(NSC)]
                for r in range(16):
                    row = g * 16 + r
                    u = [u_rows[row, pl.ds(16 * j, 16)] for j in range(4)]
                    v = [v_rows[row, pl.ds(16 * j, 16)] for j in range(4)]
                    m = lane == r
                    s = u[0] * v[0] + u[1] * v[1] + u[2] * v[2] + u[3] * v[3]
                    acc[0] = jnp.where(m, jnp.sum(s), acc[0])
                    for k in range(NEG):
                        nrow = row * NEG + k
                        n = [n_rows[nrow, pl.ds(16 * j, 16)]
                             for j in range(4)]
                        sk = (u[0] * n[0] + u[1] * n[1]
                              + u[2] * n[2] + u[3] * n[3])
                        acc[1 + k] = jnp.where(m, jnp.sum(sk), acc[1 + k])
                for col in range(NSC):
                    scores[pl.ds(col * BPW + rb, 16)] = acc[col]
                return carry2

            lax.fori_loop(0, CHUNK // 16, group_body, 0)
            return carry

        lax.fori_loop(0, NCHUNK, chunk_body, 0)

        pltpu.sync_copy(scores, out_h.at[pl.ds(wid * NSC * BPW, NSC * BPW)])

    return kern(pos_u, pos_v, neg_flat, u_pad, v_pad)


_TC_ROWS = BATCH * NSC // 128


def _tc_loss(scores):
    flat = scores.reshape(_TC_ROWS, 128)

    def body(s_ref, o_ref):
        x = s_ref[...]
        idx = (lax.broadcasted_iota(jnp.int32, (_TC_ROWS, 128), 0) * 128
               + lax.broadcasted_iota(jnp.int32, (_TC_ROWS, 128), 1))
        col = (idx // BPW) % NSC
        t = jnp.clip(x, -10.0, 10.0)
        t = jnp.where(col == 0, -t, t)
        contrib = jnp.log(1.0 + jnp.exp(t))
        o_ref[0, 0] = jnp.sum(contrib) / BATCH

    return pl.pallas_call(
        body,
        out_shape=jax.ShapeDtypeStruct((1, 1), jnp.float32),
        in_specs=[pl.BlockSpec((_TC_ROWS, 128), lambda: (0, 0))],
        out_specs=pl.BlockSpec(memory_space=pltpu.SMEM),
    )(flat)


def kernel(pos_u, pos_v, neg_v, u_weight, v_weight):
    pos_u = pos_u.astype(jnp.int32)
    pos_v = pos_v.astype(jnp.int32)
    neg_flat = neg_v.reshape(-1).astype(jnp.int32)
    u_pad = jnp.pad(u_weight, ((0, 0), (0, PITCH - EMB_DIM)))
    v_pad = jnp.pad(v_weight, ((0, 0), (0, PITCH - EMB_DIM)))
    scores = _sc_scores(pos_u, pos_v, neg_flat, u_pad, v_pad)
    return _tc_loss(scores)[0, 0]

# --- scband reference (transcript-rebuilt; emitter-appended) ---
"""Pipeline reference for scband-skip-gram-model-83322365542554 (READ-ONLY COPY).

The authoritative reference and input builder live on the scoring server;
editing this copy changes nothing except your own understanding.
"""

import jax, jax.numpy as jnp
import numpy as np

EMB_SIZE = 1000000
EMB_DIM = 64
BATCH = 16384
NEG = 5


def setup_inputs(seed: int = 0) -> dict:
    key = jax.random.key(seed)
    k1, k2, k3, k4 = jax.random.split(key, 4)
    pos_u = jax.random.randint(k1, (BATCH,), 0, EMB_SIZE, dtype=jnp.int64) if jax.config.jax_enable_x64 else jax.random.randint(k1, (BATCH,), 0, EMB_SIZE).astype(jnp.int32)
    pos_v = jax.random.randint(k2, (BATCH,), 0, EMB_SIZE).astype(pos_u.dtype)
    neg_v = jax.random.randint(k3, (BATCH, NEG), 0, EMB_SIZE).astype(pos_u.dtype)
    initrange = 1.0 / EMB_DIM
    u_weight = jax.random.uniform(k4, (EMB_SIZE, EMB_DIM), dtype=jnp.float32, minval=-initrange, maxval=initrange)
    v_weight = jnp.zeros((EMB_SIZE, EMB_DIM), dtype=jnp.float32)
    return {"pos_u": pos_u, "pos_v": pos_v, "neg_v": neg_v, "u_weight": u_weight, "v_weight": v_weight}


def reference(pos_u, pos_v, neg_v, u_weight, v_weight):
    # embedding lookups (gather)
    emb_u = jnp.take(u_weight, pos_u, axis=0)            # [B, D]
    emb_v = jnp.take(v_weight, pos_v, axis=0)            # [B, D]
    emb_neg_v = jnp.take(v_weight, neg_v, axis=0)        # [B, NEG, D]
    # positive score
    score = jnp.sum(emb_u * emb_v, axis=1)               # [B]
    score = jnp.clip(score, -10.0, 10.0)
    score = -jax.nn.log_sigmoid(score)
    # negative score: bmm([B,NEG,D], [B,D,1]) -> [B,NEG]
    neg_score = jnp.einsum('bkd,bd->bk', emb_neg_v, emb_u)
    neg_score = jnp.clip(neg_score, -10.0, 10.0)
    neg_score = -jnp.sum(jax.nn.log_sigmoid(-neg_score), axis=1)  # [B]
    return jnp.mean(score + neg_score)

if __name__ == "__main__":
    import jax
    _d = setup_inputs()
    print(jax.jit(kernel)(*tuple(_d.values())))

</pallas_src>

<mosaic_0001>
#map = affine_map<(d0, d1) -> (0)>
#map1 = affine_map<(d0, d1) -> (0, 0)>
module attributes {stable_mosaic.version = 14 : i64} {
  func.func @kern(%arg0: i32, %arg1: i32, %arg2: memref<16384xi32, #tpu.memory_space<hbm>>, %arg3: memref<16384xi32, #tpu.memory_space<hbm>>, %arg4: memref<81920xi32, #tpu.memory_space<hbm>>, %arg5: memref<1000000x128xf32, #tpu.memory_space<hbm>>, %arg6: memref<1000000x128xf32, #tpu.memory_space<hbm>>, %arg7: memref<98304xf32, #tpu.memory_space<hbm>>, %arg8: memref<512xi32, #tpu.memory_space<vmem>>, %arg9: memref<512xi32, #tpu.memory_space<vmem>>, %arg10: memref<2560xi32, #tpu.memory_space<vmem>>, %arg11: memref<64x128xf32, #tpu.memory_space<vmem>>, %arg12: memref<64x128xf32, #tpu.memory_space<vmem>>, %arg13: memref<320x128xf32, #tpu.memory_space<vmem>>, %arg14: memref<3072xf32, #tpu.memory_space<vmem>>, %arg15: memref<!tpu.dma_semaphore, #tpu.memory_space<semaphore_mem>>) attributes {dimension_semantics = [#tpu.dimension_semantics<core_parallel>, #tpu.dimension_semantics<subcore_parallel>], iteration_bounds = array<i64: 2, 16>, scalar_prefetch = 0 : i64, scratch_operands = 8 : i64, tpu.core_type = #tpu.core_type<sc_vector_subcore>, window_params = [{transform_indices = #map}, {transform_indices = #map}, {transform_indices = #map}, {transform_indices = #map1}, {transform_indices = #map1}, {transform_indices = #map}]} {
    %mul3A = arith.constant 2 : i32
    %mul3A_0 = arith.muli %arg1, %mul3A : i32
    %add3A = arith.addi %mul3A_0, %arg0 : i32
    %mul3A_1 = arith.constant 512 : i32
    %mul3A_2 = arith.muli %add3A, %mul3A_1 : i32
    "tpu.region"() ({
      %run_scoped3A = tpu.sem_alloc : memref<!tpu.dma_semaphore, #tpu.memory_space<semaphore_mem>>
      %dma_start3A = tpu.memref_slice %arg2[%mul3A_2] : memref<16384xi32, #tpu.memory_space<hbm>> -> memref<512xi32, #tpu.memory_space<hbm>>
      %dma_start3A_14 = tpu.memref_slice %arg2[%mul3A_2] : memref<16384xi32, #tpu.memory_space<hbm>> -> memref<512xi32, #tpu.memory_space<hbm>>
      tpu.enqueue_dma source(%dma_start3A_14 : memref<512xi32, #tpu.memory_space<hbm>>) target(%arg8 : memref<512xi32, #tpu.memory_space<vmem>>) target_semaphore(%run_scoped3A : memref<!tpu.dma_semaphore, #tpu.memory_space<semaphore_mem>>)
      %dma_wait3A = tpu.memref_slice %arg2[%mul3A_2] : memref<16384xi32, #tpu.memory_space<hbm>> -> memref<512xi32, #tpu.memory_space<hbm>>
      %dma_wait3A_15 = tpu.memref_slice %arg2[%mul3A_2] : memref<16384xi32, #tpu.memory_space<hbm>> -> memref<512xi32, #tpu.memory_space<hbm>>
      tpu.wait_dma2 semaphore(%run_scoped3A : memref<!tpu.dma_semaphore, #tpu.memory_space<semaphore_mem>>) src(%dma_wait3A_15 : memref<512xi32, #tpu.memory_space<hbm>>) dst(%arg8 : memref<512xi32, #tpu.memory_space<vmem>>)
      tpu.yield
    }) : () -> ()
    "tpu.region"() ({
      %run_scoped3A = tpu.sem_alloc : memref<!tpu.dma_semaphore, #tpu.memory_space<semaphore_mem>>
      %dma_start3A = tpu.memref_slice %arg3[%mul3A_2] : memref<16384xi32, #tpu.memory_space<hbm>> -> memref<512xi32, #tpu.memory_space<hbm>>
      %dma_start3A_14 = tpu.memref_slice %arg3[%mul3A_2] : memref<16384xi32, #tpu.memory_space<hbm>> -> memref<512xi32, #tpu.memory_space<hbm>>
      tpu.enqueue_dma source(%dma_start3A_14 : memref<512xi32, #tpu.memory_space<hbm>>) target(%arg9 : memref<512xi32, #tpu.memory_space<vmem>>) target_semaphore(%run_scoped3A : memref<!tpu.dma_semaphore, #tpu.memory_space<semaphore_mem>>)
      %dma_wait3A = tpu.memref_slice %arg3[%mul3A_2] : memref<16384xi32, #tpu.memory_space<hbm>> -> memref<512xi32, #tpu.memory_space<hbm>>
      %dma_wait3A_15 = tpu.memref_slice %arg3[%mul3A_2] : memref<16384xi32, #tpu.memory_space<hbm>> -> memref<512xi32, #tpu.memory_space<hbm>>
      tpu.wait_dma2 semaphore(%run_scoped3A : memref<!tpu.dma_semaphore, #tpu.memory_space<semaphore_mem>>) src(%dma_wait3A_15 : memref<512xi32, #tpu.memory_space<hbm>>) dst(%arg9 : memref<512xi32, #tpu.memory_space<vmem>>)
      tpu.yield
    }) : () -> ()
    %mul3A_3 = arith.constant 5 : i32
    %mul3A_4 = arith.muli %mul3A_2, %mul3A_3 : i32
    "tpu.region"() ({
      %run_scoped3A = tpu.sem_alloc : memref<!tpu.dma_semaphore, #tpu.memory_space<semaphore_mem>>
      %dma_start3A = tpu.memref_slice %arg4[%mul3A_4] : memref<81920xi32, #tpu.memory_space<hbm>> -> memref<2560xi32, #tpu.memory_space<hbm>>
      %dma_start3A_14 = tpu.memref_slice %arg4[%mul3A_4] : memref<81920xi32, #tpu.memory_space<hbm>> -> memref<2560xi32, #tpu.memory_space<hbm>>
      tpu.enqueue_dma source(%dma_start3A_14 : memref<2560xi32, #tpu.memory_space<hbm>>) target(%arg10 : memref<2560xi32, #tpu.memory_space<vmem>>) target_semaphore(%run_scoped3A : memref<!tpu.dma_semaphore, #tpu.memory_space<semaphore_mem>>)
      %dma_wait3A = tpu.memref_slice %arg4[%mul3A_4] : memref<81920xi32, #tpu.memory_space<hbm>> -> memref<2560xi32, #tpu.memory_space<hbm>>
      %dma_wait3A_15 = tpu.memref_slice %arg4[%mul3A_4] : memref<81920xi32, #tpu.memory_space<hbm>> -> memref<2560xi32, #tpu.memory_space<hbm>>
      tpu.wait_dma2 semaphore(%run_scoped3A : memref<!tpu.dma_semaphore, #tpu.memory_space<semaphore_mem>>) src(%dma_wait3A_15 : memref<2560xi32, #tpu.memory_space<hbm>>) dst(%arg10 : memref<2560xi32, #tpu.memory_space<vmem>>)
      tpu.yield
    }) : () -> ()
    %iota3A = tpu.iota {dimensions = array<i32: 0>} : vector<16xi32>
    %scan3A = arith.constant 0 : i32
    %scan3A_5 = arith.constant 0 : i32
    %scan3A_6 = arith.constant 8 : i32
    %scan3A_7 = arith.addi %scan3A_5, %scan3A_6 : i32
    %scan3A_8 = arith.constant 1 : i32
    scf.for %scan3A_14 = %scan3A_5 to %scan3A_7 step %scan3A_8  : i32 {
      %mul3A_15 = arith.constant 64 : i32
      %mul3A_16 = arith.muli %scan3A_14, %mul3A_15 : i32
      %dma_start3A = tpu.memref_slice %arg8[%mul3A_16] : memref<512xi32, #tpu.memory_space<vmem>> -> memref<64xi32, #tpu.memory_space<vmem>>
      %dma_start3A_17 = arith.constant 0 : i32
      %dma_start3A_18 = arith.constant 0 : i32
      %dma_start3A_19 = tpu.memref_slice %arg5[%dma_start3A_17, %dma_start3A_18] : memref<1000000x128xf32, #tpu.memory_space<hbm>> -> memref<1000000x128xf32, #tpu.memory_space<hbm>>
      tpu.enqueue_indirect_dma source(%dma_start3A_19 : memref<1000000x128xf32, #tpu.memory_space<hbm>>) target(%arg11 : memref<64x128xf32, #tpu.memory_space<vmem>>) offsets(%dma_start3A : memref<64xi32, #tpu.memory_space<vmem>>) semaphore(%arg15 : memref<!tpu.dma_semaphore, #tpu.memory_space<semaphore_mem>>)
      %mul3A_20 = arith.constant 64 : i32
      %mul3A_21 = arith.muli %scan3A_14, %mul3A_20 : i32
      %dma_start3A_22 = tpu.memref_slice %arg9[%mul3A_21] : memref<512xi32, #tpu.memory_space<vmem>> -> memref<64xi32, #tpu.memory_space<vmem>>
      %dma_start3A_23 = arith.constant 0 : i32
      %dma_start3A_24 = arith.constant 0 : i32
      %dma_start3A_25 = tpu.memref_slice %arg6[%dma_start3A_23, %dma_start3A_24] : memref<1000000x128xf32, #tpu.memory_space<hbm>> -> memref<1000000x128xf32, #tpu.memory_space<hbm>>
      tpu.enqueue_indirect_dma source(%dma_start3A_25 : memref<1000000x128xf32, #tpu.memory_space<hbm>>) target(%arg12 : memref<64x128xf32, #tpu.memory_space<vmem>>) offsets(%dma_start3A_22 : memref<64xi32, #tpu.memory_space<vmem>>) semaphore(%arg15 : memref<!tpu.dma_semaphore, #tpu.memory_space<semaphore_mem>>)
      %mul3A_26 = arith.constant 320 : i32
      %mul3A_27 = arith.muli %scan3A_14, %mul3A_26 : i32
      %add3A_28 = arith.constant 0 : i32
      %add3A_29 = arith.addi %mul3A_27, %add3A_28 : i32
      %dma_start3A_30 = arith.constant 0 : i32
      %dma_start3A_31 = arith.constant 0 : i32
      %dma_start3A_32 = tpu.memref_slice %arg13[%dma_start3A_30, %dma_start3A_31] : memref<320x128xf32, #tpu.memory_space<vmem>> -> memref<128x128xf32, #tpu.memory_space<vmem>>
      %dma_start3A_33 = tpu.memref_slice %arg10[%add3A_29] : memref<2560xi32, #tpu.memory_space<vmem>> -> memref<128xi32, #tpu.memory_space<vmem>>
      %dma_start3A_34 = arith.constant 0 : i32
      %dma_start3A_35 = arith.constant 0 : i32
      %dma_start3A_36 = tpu.memref_slice %arg6[%dma_start3A_34, %dma_start3A_35] : memref<1000000x128xf32, #tpu.memory_space<hbm>> -> memref<1000000x128xf32, #tpu.memory_space<hbm>>
      tpu.enqueue_indirect_dma source(%dma_start3A_36 : memref<1000000x128xf32, #tpu.memory_space<hbm>>) target(%dma_start3A_32 : memref<128x128xf32, #tpu.memory_space<vmem>>) offsets(%dma_start3A_33 : memref<128xi32, #tpu.memory_space<vmem>>) semaphore(%arg15 : memref<!tpu.dma_semaphore, #tpu.memory_space<semaphore_mem>>)
      %mul3A_37 = arith.constant 320 : i32
      %mul3A_38 = arith.muli %scan3A_14, %mul3A_37 : i32
      %add3A_39 = arith.constant 128 : i32
      %add3A_40 = arith.addi %mul3A_38, %add3A_39 : i32
      %dma_start3A_41 = arith.constant 128 : i32
      %dma_start3A_42 = arith.constant 0 : i32
      %dma_start3A_43 = tpu.memref_slice %arg13[%dma_start3A_41, %dma_start3A_42] : memref<320x128xf32, #tpu.memory_space<vmem>> -> memref<128x128xf32, #tpu.memory_space<vmem>>
      %dma_start3A_44 = tpu.memref_slice %arg10[%add3A_40] : memref<2560xi32, #tpu.memory_space<vmem>> -> memref<128xi32, #tpu.memory_space<vmem>>
      %dma_start3A_45 = arith.constant 0 : i32
      %dma_start3A_46 = arith.constant 0 : i32
      %dma_start3A_47 = tpu.memref_slice %arg6[%dma_start3A_45, %dma_start3A_46] : memref<1000000x128xf32, #tpu.memory_space<hbm>> -> memref<1000000x128xf32, #tpu.memory_space<hbm>>
      tpu.enqueue_indirect_dma source(%dma_start3A_47 : memref<1000000x128xf32, #tpu.memory_space<hbm>>) target(%dma_start3A_43 : memref<128x128xf32, #tpu.memory_space<vmem>>) offsets(%dma_start3A_44 : memref<128xi32, #tpu.memory_space<vmem>>) semaphore(%arg15 : memref<!tpu.dma_semaphore, #tpu.memory_space<semaphore_mem>>)
      %mul3A_48 = arith.constant 320 : i32
      %mul3A_49 = arith.muli %scan3A_14, %mul3A_48 : i32
      %add3A_50 = arith.constant 256 : i32
      %add3A_51 = arith.addi %mul3A_49, %add3A_50 : i32
      %dma_start3A_52 = arith.constant 256 : i32
      %dma_start3A_53 = arith.constant 0 : i32
      %dma_start3A_54 = tpu.memref_slice %arg13[%dma_start3A_52, %dma_start3A_53] : memref<320x128xf32, #tpu.memory_space<vmem>> -> memref<64x128xf32, #tpu.memory_space<vmem>>
      %dma_start3A_55 = tpu.memref_slice %arg10[%add3A_51] : memref<2560xi32, #tpu.memory_space<vmem>> -> memref<64xi32, #tpu.memory_space<vmem>>
      %dma_start3A_56 = arith.constant 0 : i32
      %dma_start3A_57 = arith.constant 0 : i32
      %dma_start3A_58 = tpu.memref_slice %arg6[%dma_start3A_56, %dma_start3A_57] : memref<1000000x128xf32, #tpu.memory_space<hbm>> -> memref<1000000x128xf32, #tpu.memory_space<hbm>>
      tpu.enqueue_indirect_dma source(%dma_start3A_58 : memref<1000000x128xf32, #tpu.memory_space<hbm>>) target(%dma_start3A_54 : memref<64x128xf32, #tpu.memory_space<vmem>>) offsets(%dma_start3A_55 : memref<64xi32, #tpu.memory_space<vmem>>) semaphore(%arg15 : memref<!tpu.dma_semaphore, #tpu.memory_space<semaphore_mem>>)
      %dma_wait3A = tpu.memref_slice %arg8[%mul3A_16] : memref<512xi32, #tpu.memory_space<vmem>> -> memref<64xi32, #tpu.memory_space<vmem>>
      %dma_wait3A_59 = arith.constant 0 : i32
      %dma_wait3A_60 = arith.constant 0 : i32
      %dma_wait3A_61 = tpu.memref_slice %arg5[%dma_wait3A_59, %dma_wait3A_60] : memref<1000000x128xf32, #tpu.memory_space<hbm>> -> memref<1000000x128xf32, #tpu.memory_space<hbm>>
      tpu.wait_indirect_dma semaphore(%arg15 : memref<!tpu.dma_semaphore, #tpu.memory_space<semaphore_mem>>) src(%dma_wait3A_61 : memref<1000000x128xf32, #tpu.memory_space<hbm>>) dst(%arg11 : memref<64x128xf32, #tpu.memory_space<vmem>>)
      %dma_wait3A_62 = tpu.memref_slice %arg9[%mul3A_21] : memref<512xi32, #tpu.memory_space<vmem>> -> memref<64xi32, #tpu.memory_space<vmem>>
      %dma_wait3A_63 = arith.constant 0 : i32
      %dma_wait3A_64 = arith.constant 0 : i32
      %dma_wait3A_65 = tpu.memref_slice %arg6[%dma_wait3A_63, %dma_wait3A_64] : memref<1000000x128xf32, #tpu.memory_space<hbm>> -> memref<1000000x128xf32, #tpu.memory_space<hbm>>
      tpu.wait_indirect_dma semaphore(%arg15 : memref<!tpu.dma_semaphore, #tpu.memory_space<semaphore_mem>>) src(%dma_wait3A_65 : memref<1000000x128xf32, #tpu.memory_space<hbm>>) dst(%arg12 : memref<64x128xf32, #tpu.memory_space<vmem>>)
      %dma_wait3A_66 = arith.constant 0 : i32
      %dma_wait3A_67 = arith.constant 0 : i32
      %dma_wait3A_68 = tpu.memref_slice %arg13[%dma_wait3A_66, %dma_wait3A_67] : memref<320x128xf32, #tpu.memory_space<vmem>> -> memref<128x128xf32, #tpu.memory_space<vmem>>
      %dma_wait3A_69 = tpu.memref_slice %arg10[%add3A_29] : memref<2560xi32, #tpu.memory_space<vmem>> -> memref<128xi32, #tpu.memory_space<vmem>>
      %dma_wait3A_70 = arith.constant 0 : i32
      %dma_wait3A_71 = arith.constant 0 : i32
      %dma_wait3A_72 = tpu.memref_slice %arg6[%dma_wait3A_70, %dma_wait3A_71] : memref<1000000x128xf32, #tpu.memory_space<hbm>> -> memref<1000000x128xf32, #tpu.memory_space<hbm>>
      tpu.wait_indirect_dma semaphore(%arg15 : memref<!tpu.dma_semaphore, #tpu.memory_space<semaphore_mem>>) src(%dma_wait3A_72 : memref<1000000x128xf32, #tpu.memory_space<hbm>>) dst(%dma_wait3A_68 : memref<128x128xf32, #tpu.memory_space<vmem>>)
      %dma_wait3A_73 = arith.constant 128 : i32
      %dma_wait3A_74 = arith.constant 0 : i32
      %dma_wait3A_75 = tpu.memref_slice %arg13[%dma_wait3A_73, %dma_wait3A_74] : memref<320x128xf32, #tpu.memory_space<vmem>> -> memref<128x128xf32, #tpu.memory_space<vmem>>
      %dma_wait3A_76 = tpu.memref_slice %arg10[%add3A_40] : memref<2560xi32, #tpu.memory_space<vmem>> -> memref<128xi32, #tpu.memory_space<vmem>>
      %dma_wait3A_77 = arith.constant 0 : i32
      %dma_wait3A_78 = arith.constant 0 : i32
      %dma_wait3A_79 = tpu.memref_slice %arg6[%dma_wait3A_77, %dma_wait3A_78] : memref<1000000x128xf32, #tpu.memory_space<hbm>> -> memref<1000000x128xf32, #tpu.memory_space<hbm>>
      tpu.wait_indirect_dma semaphore(%arg15 : memref<!tpu.dma_semaphore, #tpu.memory_space<semaphore_mem>>) src(%dma_wait3A_79 : memref<1000000x128xf32, #tpu.memory_space<hbm>>) dst(%dma_wait3A_75 : memref<128x128xf32, #tpu.memory_space<vmem>>)
      %dma_wait3A_80 = arith.constant 256 : i32
      %dma_wait3A_81 = arith.constant 0 : i32
      %dma_wait3A_82 = tpu.memref_slice %arg13[%dma_wait3A_80, %dma_wait3A_81] : memref<320x128xf32, #tpu.memory_space<vmem>> -> memref<64x128xf32, #tpu.memory_space<vmem>>
      %dma_wait3A_83 = tpu.memref_slice %arg10[%add3A_51] : memref<2560xi32, #tpu.memory_space<vmem>> -> memref<64xi32, #tpu.memory_space<vmem>>
      %dma_wait3A_84 = arith.constant 0 : i32
      %dma_wait3A_85 = arith.constant 0 : i32
      %dma_wait3A_86 = tpu.memref_slice %arg6[%dma_wait3A_84, %dma_wait3A_85] : memref<1000000x128xf32, #tpu.memory_space<hbm>> -> memref<1000000x128xf32, #tpu.memory_space<hbm>>
      tpu.wait_indirect_dma semaphore(%arg15 : memref<!tpu.dma_semaphore, #tpu.memory_space<semaphore_mem>>) src(%dma_wait3A_86 : memref<1000000x128xf32, #tpu.memory_space<hbm>>) dst(%dma_wait3A_82 : memref<64x128xf32, #tpu.memory_space<vmem>>)
      %scan3A_87 = arith.constant 0 : i32
      %scan3A_88 = arith.constant 0 : i32
      %scan3A_89 = arith.constant 4 : i32
      %scan3A_90 = arith.addi %scan3A_88, %scan3A_89 : i32
      %scan3A_91 = arith.constant 1 : i32
      scf.for %scan3A_93 = %scan3A_88 to %scan3A_90 step %scan3A_91  : i32 {
        %mul3A_94 = arith.constant 64 : i32
        %mul3A_95 = arith.muli %scan3A_14, %mul3A_94 : i32
        %mul3A_96 = arith.constant 16 : i32
        %mul3A_97 = arith.muli %scan3A_93, %mul3A_96 : i32
        %add3A_98 = arith.addi %mul3A_95, %mul3A_97 : i32
        %broadcast_in_dim3A = arith.constant 0.000000e+00 : f32
        %broadcast_in_dim3A_99 = vector.broadcast %broadcast_in_dim3A : f32 to vector<16xf32>
        %broadcast_in_dim3A_100 = arith.constant 0.000000e+00 : f32
        %broadcast_in_dim3A_101 = vector.broadcast %broadcast_in_dim3A_100 : f32 to vector<16xf32>
        %broadcast_in_dim3A_102 = arith.constant 0.000000e+00 : f32
        %broadcast_in_dim3A_103 = vector.broadcast %broadcast_in_dim3A_102 : f32 to vector<16xf32>
        %broadcast_in_dim3A_104 = arith.constant 0.000000e+00 : f32
        %broadcast_in_dim3A_105 = vector.broadcast %broadcast_in_dim3A_104 : f32 to vector<16xf32>
        %broadcast_in_dim3A_106 = arith.constant 0.000000e+00 : f32
        %broadcast_in_dim3A_107 = vector.broadcast %broadcast_in_dim3A_106 : f32 to vector<16xf32>
        %broadcast_in_dim3A_108 = arith.constant 0.000000e+00 : f32
        %broadcast_in_dim3A_109 = vector.broadcast %broadcast_in_dim3A_108 : f32 to vector<16xf32>
        %mul3A_110 = arith.constant 16 : i32
        %mul3A_111 = arith.muli %scan3A_93, %mul3A_110 : i32
        %add3A_112 = arith.constant 0 : i32
        %add3A_113 = arith.addi %mul3A_111, %add3A_112 : i32
        %get3A = arith.index_cast %add3A_113 : i32 to index
        %get3A_114 = arith.constant 0 : index
        %get3A_115 = tpu.vector_load %arg11[%get3A, %get3A_114] {strides = array<i32>} : memref<64x128xf32, #tpu.memory_space<vmem>>, vector<16xf32>,
        %get3A_116 = arith.index_cast %add3A_113 : i32 to index
        %get3A_117 = arith.constant 16 : index
        %get3A_118 = tpu.vector_load %arg11[%get3A_116, %get3A_117] {strides = array<i32>} : memref<64x128xf32, #tpu.memory_space<vmem>>, vector<16xf32>,
        %get3A_119 = arith.index_cast %add3A_113 : i32 to index
        %get3A_120 = arith.constant 32 : index
        %get3A_121 = tpu.vector_load %arg11[%get3A_119, %get3A_120] {strides = array<i32>} : memref<64x128xf32, #tpu.memory_space<vmem>>, vector<16xf32>,
        %get3A_122 = arith.index_cast %add3A_113 : i32 to index
        %get3A_123 = arith.constant 48 : index
        %get3A_124 = tpu.vector_load %arg11[%get3A_122, %get3A_123] {strides = array<i32>} : memref<64x128xf32, #tpu.memory_space<vmem>>, vector<16xf32>,
        %get3A_125 = arith.index_cast %add3A_113 : i32 to index
        %get3A_126 = arith.constant 0 : index
        %get3A_127 = tpu.vector_load %arg12[%get3A_125, %get3A_126] {strides = array<i32>} : memref<64x128xf32, #tpu.memory_space<vmem>>, vector<16xf32>,
        %get3A_128 = arith.index_cast %add3A_113 : i32 to index
        %get3A_129 = arith.constant 16 : index
        %get3A_130 = tpu.vector_load %arg12[%get3A_128, %get3A_129] {strides = array<i32>} : memref<64x128xf32, #tpu.memory_space<vmem>>, vector<16xf32>,
        %get3A_131 = arith.index_cast %add3A_113 : i32 to index
        %get3A_132 = arith.constant 32 : index
        %get3A_133 = tpu.vector_load %arg12[%get3A_131, %get3A_132] {strides = array<i32>} : memref<64x128xf32, #tpu.memory_space<vmem>>, vector<16xf32>,
        %get3A_134 = arith.index_cast %add3A_113 : i32 to index
        %get3A_135 = arith.constant 48 : index
        %get3A_136 = tpu.vector_load %arg12[%get3A_134, %get3A_135] {strides = array<i32>} : memref<64x128xf32, #tpu.memory_space<vmem>>, vector<16xf32>,
        %eq3A = arith.constant 0 : i32
        %eq3A_137 = vector.broadcast %eq3A : i32 to vector<16xi32>
        %eq3A_138 = arith.cmpi eq, %iota3A, %eq3A_137 : vector<16xi32>
        %mul3A_139 = arith.mulf %get3A_115, %get3A_127 : vector<16xf32>
        %mul3A_140 = arith.mulf %get3A_118, %get3A_130 : vector<16xf32>
        %add3A_141 = arith.addf %mul3A_139, %mul3A_140 : vector<16xf32>
        %mul3A_142 = arith.mulf %get3A_121, %get3A_133 : vector<16xf32>
        %add3A_143 = arith.addf %add3A_141, %mul3A_142 : vector<16xf32>
        %mul3A_144 = arith.mulf %get3A_124, %get3A_136 : vector<16xf32>
        %add3A_145 = arith.addf %add3A_143, %mul3A_144 : vector<16xf32>
        %reduce_sum3A = arith.constant true
        %reduce_sum3A_146 = vector.broadcast %reduce_sum3A : i1 to vector<16xi1>
        %reduce_sum3A_147 = tpu.scan <sum>, %add3A_145 masked %reduce_sum3A_146 : vector<16xf32>, vector<16xi1> -> vector<16xf32>
        %reduce_sum3A_148 = vector.extract %reduce_sum3A_147[15] : f32 from vector<16xf32>
        %broadcast_in_dim3A_149 = vector.broadcast %reduce_sum3A_148 : f32 to vector<16xf32>
        %select_n3A = arith.select %eq3A_138, %broadcast_in_dim3A_149, %broadcast_in_dim3A_99 : vector<16xi1>, vector<16xf32>
        %mul3A_150 = arith.constant 5 : i32
        %mul3A_151 = arith.muli %add3A_113, %mul3A_150 : i32
        %add3A_152 = arith.constant 0 : i32
        %add3A_153 = arith.addi %mul3A_151, %add3A_152 : i32
        %get3A_154 = arith.index_cast %add3A_153 : i32 to index
        %get3A_155 = arith.constant 0 : index
        %get3A_156 = tpu.vector_load %arg13[%get3A_154, %get3A_155] {strides = array<i32>} : memref<320x128xf32, #tpu.memory_space<vmem>>, vector<16xf32>,
        %get3A_157 = arith.index_cast %add3A_153 : i32 to index
        %get3A_158 = arith.constant 16 : index
        %get3A_159 = tpu.vector_load %arg13[%get3A_157, %get3A_158] {strides = array<i32>} : memref<320x128xf32, #tpu.memory_space<vmem>>, vector<16xf32>,
        %get3A_160 = arith.index_cast %add3A_153 : i32 to index
        %get3A_161 = arith.constant 32 : index
        %get3A_162 = tpu.vector_load %arg13[%get3A_160, %get3A_161] {strides = array<i32>} : memref<320x128xf32, #tpu.memory_space<vmem>>, vector<16xf32>,
        %get3A_163 = arith.index_cast %add3A_153 : i32 to index
        %get3A_164 = arith.constant 48 : index
        %get3A_165 = tpu.vector_load %arg13[%get3A_163, %get3A_164] {strides = array<i32>} : memref<320x128xf32, #tpu.memory_space<vmem>>, vector<16xf32>,
        %mul3A_166 = arith.mulf %get3A_115, %get3A_156 : vector<16xf32>
        %mul3A_167 = arith.mulf %get3A_118, %get3A_159 : vector<16xf32>
        %add3A_168 = arith.addf %mul3A_166, %mul3A_167 : vector<16xf32>
        %mul3A_169 = arith.mulf %get3A_121, %get3A_162 : vector<16xf32>
        %add3A_170 = arith.addf %add3A_168, %mul3A_169 : vector<16xf32>
        %mul3A_171 = arith.mulf %get3A_124, %get3A_165 : vector<16xf32>
        %add3A_172 = arith.addf %add3A_170, %mul3A_171 : vector<16xf32>
        %reduce_sum3A_173 = arith.constant true
        %reduce_sum3A_174 = vector.broadcast %reduce_sum3A_173 : i1 to vector<16xi1>
        %reduce_sum3A_175 = tpu.scan <sum>, %add3A_172 masked %reduce_sum3A_174 : vector<16xf32>, vector<16xi1> -> vector<16xf32>
        %reduce_sum3A_176 = vector.extract %reduce_sum3A_175[15] : f32 from vector<16xf32>
        %broadcast_in_dim3A_177 = vector.broadcast %reduce_sum3A_176 : f32 to vector<16xf32>
        %select_n3A_178 = arith.select %eq3A_138, %broadcast_in_dim3A_177, %broadcast_in_dim3A_101 : vector<16xi1>, vector<16xf32>
        %mul3A_179 = arith.constant 5 : i32
        %mul3A_180 = arith.muli %add3A_113, %mul3A_179 : i32
        %add3A_181 = arith.constant 1 : i32
        %add3A_182 = arith.addi %mul3A_180, %add3A_181 : i32
        %get3A_183 = arith.index_cast %add3A_182 : i32 to index
        %get3A_184 = arith.constant 0 : index
        %get3A_185 = tpu.vector_load %arg13[%get3A_183, %get3A_184] {strides = array<i32>} : memref<320x128xf32, #tpu.memory_space<vmem>>, vector<16xf32>,
        %get3A_186 = arith.index_cast %add3A_182 : i32 to index
        %get3A_187 = arith.constant 16 : index
        %get3A_188 = tpu.vector_load %arg13[%get3A_186, %get3A_187] {strides = array<i32>} : memref<320x128xf32, #tpu.memory_space<vmem>>, vector<16xf32>,
        %get3A_189 = arith.index_cast %add3A_182 : i32 to index
        %get3A_190 = arith.constant 32 : index
        %get3A_191 = tpu.vector_load %arg13[%get3A_189, %get3A_190] {strides = array<i32>} : memref<320x128xf32, #tpu.memory_space<vmem>>, vector<16xf32>,
        %get3A_192 = arith.index_cast %add3A_182 : i32 to index
        %get3A_193 = arith.constant 48 : index
        %get3A_194 = tpu.vector_load %arg13[%get3A_192, %get3A_193] {strides = array<i32>} : memref<320x128xf32, #tpu.memory_space<vmem>>, vector<16xf32>,
        %mul3A_195 = arith.mulf %get3A_115, %get3A_185 : vector<16xf32>
        %mul3A_196 = arith.mulf %get3A_118, %get3A_188 : vector<16xf32>
        %add3A_197 = arith.addf %mul3A_195, %mul3A_196 : vector<16xf32>
        %mul3A_198 = arith.mulf %get3A_121, %get3A_191 : vector<16xf32>
        %add3A_199 = arith.addf %add3A_197, %mul3A_198 : vector<16xf32>
        %mul3A_200 = arith.mulf %get3A_124, %get3A_194 : vector<16xf32>
        %add3A_201 = arith.addf %add3A_199, %mul3A_200 : vector<16xf32>
        %reduce_sum3A_202 = arith.constant true
        %reduce_sum3A_203 = vector.broadcast %reduce_sum3A_202 : i1 to vector<16xi1>
        %reduce_sum3A_204 = tpu.scan <sum>, %add3A_201 masked %reduce_sum3A_203 : vector<16xf32>, vector<16xi1> -> vector<16xf32>
        %reduce_sum3A_205 = vector.extract %reduce_sum3A_204[15] : f32 from vector<16xf32>
        %broadcast_in_dim3A_206 = vector.broadcast %reduce_sum3A_205 : f32 to vector<16xf32>
        %select_n3A_207 = arith.select %eq3A_138, %broadcast_in_dim3A_206, %broadcast_in_dim3A_103 : vector<16xi1>, vector<16xf32>
        %mul3A_208 = arith.constant 5 : i32
        %mul3A_209 = arith.muli %add3A_113, %mul3A_208 : i32
        %add3A_210 = arith.constant 2 : i32
        %add3A_211 = arith.addi %mul3A_209, %add3A_210 : i32
        %get3A_212 = arith.index_cast %add3A_211 : i32 to index
        %get3A_213 = arith.constant 0 : index
        %get3A_214 = tpu.vector_load %arg13[%get3A_212, %get3A_213] {strides = array<i32>} : memref<320x128xf32, #tpu.memory_space<vmem>>, vector<16xf32>,
        %get3A_215 = arith.index_cast %add3A_211 : i32 to index
        %get3A_216 = arith.constant 16 : index
        %get3A_217 = tpu.vector_load %arg13[%get3A_215, %get3A_216] {strides = array<i32>} : memref<320x128xf32, #tpu.memory_space<vmem>>, vector<16xf32>,
        %get3A_218 = arith.index_cast %add3A_211 : i32 to index
        %get3A_219 = arith.constant 32 : index
        %get3A_220 = tpu.vector_load %arg13[%get3A_218, %get3A_219] {strides = array<i32>} : memref<320x128xf32, #tpu.memory_space<vmem>>, vector<16xf32>,
        %get3A_221 = arith.index_cast %add3A_211 : i32 to index
        %get3A_222 = arith.constant 48 : index
        %get3A_223 = tpu.vector_load %arg13[%get3A_221, %get3A_222] {strides = array<i32>} : memref<320x128xf32, #tpu.memory_space<vmem>>, vector<16xf32>,
        %mul3A_224 = arith.mulf %get3A_115, %get3A_214 : vector<16xf32>
        %mul3A_225 = arith.mulf %get3A_118, %get3A_217 : vector<16xf32>
        %add3A_226 = arith.addf %mul3A_224, %mul3A_225 : vector<16xf32>
        %mul3A_227 = arith.mulf %get3A_121, %get3A_220 : vector<16xf32>
        %add3A_228 = arith.addf %add3A_226, %mul3A_227 : vector<16xf32>
        %mul3A_229 = arith.mulf %get3A_124, %get3A_223 : vector<16xf32>
        %add3A_230 = arith.addf %add3A_228, %mul3A_229 : vector<16xf32>
        %reduce_sum3A_231 = arith.constant true
        %reduce_sum3A_232 = vector.broadcast %reduce_sum3A_231 : i1 to vector<16xi1>
        %reduce_sum3A_233 = tpu.scan <sum>, %add3A_230 masked %reduce_sum3A_232 : vector<16xf32>, vector<16xi1> -> vector<16xf32>
        %reduce_sum3A_234 = vector.extract %reduce_sum3A_233[15] : f32 from vector<16xf32>
        %broadcast_in_dim3A_235 = vector.broadcast %reduce_sum3A_234 : f32 to vector<16xf32>
        %select_n3A_236 = arith.select %eq3A_138, %broadcast_in_dim3A_235, %broadcast_in_dim3A_105 : vector<16xi1>, vector<16xf32>
        %mul3A_237 = arith.constant 5 : i32
        %mul3A_238 = arith.muli %add3A_113, %mul3A_237 : i32
        %add3A_239 = arith.constant 3 : i32
        %add3A_240 = arith.addi %mul3A_238, %add3A_239 : i32
        %get3A_241 = arith.index_cast %add3A_240 : i32 to index
        %get3A_242 = arith.constant 0 : index
        %get3A_243 = tpu.vector_load %arg13[%get3A_241, %get3A_242] {strides = array<i32>} : memref<320x128xf32, #tpu.memory_space<vmem>>, vector<16xf32>,
        %get3A_244 = arith.index_cast %add3A_240 : i32 to index
        %get3A_245 = arith.constant 16 : index
        %get3A_246 = tpu.vector_load %arg13[%get3A_244, %get3A_245] {strides = array<i32>} : memref<320x128xf32, #tpu.memory_space<vmem>>, vector<16xf32>,
        %get3A_247 = arith.index_cast %add3A_240 : i32 to index
        %get3A_248 = arith.constant 32 : index
        %get3A_249 = tpu.vector_load %arg13[%get3A_247, %get3A_248] {strides = array<i32>} : memref<320x128xf32, #tpu.memory_space<vmem>>, vector<16xf32>,
        %get3A_250 = arith.index_cast %add3A_240 : i32 to index
        %get3A_251 = arith.constant 48 : index
        %get3A_252 = tpu.vector_load %arg13[%get3A_250, %get3A_251] {strides = array<i32>} : memref<320x128xf32, #tpu.memory_space<vmem>>, vector<16xf32>,
        %mul3A_253 = arith.mulf %get3A_115, %get3A_243 : vector<16xf32>
        %mul3A_254 = arith.mulf %get3A_118, %get3A_246 : vector<16xf32>
        %add3A_255 = arith.addf %mul3A_253, %mul3A_254 : vector<16xf32>
        %mul3A_256 = arith.mulf %get3A_121, %get3A_249 : vector<16xf32>
        %add3A_257 = arith.addf %add3A_255, %mul3A_256 : vector<16xf32>
        %mul3A_258 = arith.mulf %get3A_124, %get3A_252 : vector<16xf32>
        %add3A_259 = arith.addf %add3A_257, %mul3A_258 : vector<16xf32>
        %reduce_sum3A_260 = arith.constant true
        %reduce_sum3A_261 = vector.broadcast %reduce_sum3A_260 : i1 to vector<16xi1>
        %reduce_sum3A_262 = tpu.scan <sum>, %add3A_259 masked %reduce_sum3A_261 : vector<16xf32>, vector<16xi1> -> vector<16xf32>
        %reduce_sum3A_263 = vector.extract %reduce_sum3A_262[15] : f32 from vector<16xf32>
        %broadcast_in_dim3A_264 = vector.broadcast %reduce_sum3A_263 : f32 to vector<16xf32>
        %select_n3A_265 = arith.select %eq3A_138, %broadcast_in_dim3A_264, %broadcast_in_dim3A_107 : vector<16xi1>, vector<16xf32>
        %mul3A_266 = arith.constant 5 : i32
        %mul3A_267 = arith.muli %add3A_113, %mul3A_266 : i32
        %add3A_268 = arith.constant 4 : i32
        %add3A_269 = arith.addi %mul3A_267, %add3A_268 : i32
        %get3A_270 = arith.index_cast %add3A_269 : i32 to index
        %get3A_271 = arith.constant 0 : index
        %get3A_272 = tpu.vector_load %arg13[%get3A_270, %get3A_271] {strides = array<i32>} : memref<320x128xf32, #tpu.memory_space<vmem>>, vector<16xf32>,
        %get3A_273 = arith.index_cast %add3A_269 : i32 to index
        %get3A_274 = arith.constant 16 : index
        %get3A_275 = tpu.vector_load %arg13[%get3A_273, %get3A_274] {strides = array<i32>} : memref<320x128xf32, #tpu.memory_space<vmem>>, vector<16xf32>,
        %get3A_276 = arith.index_cast %add3A_269 : i32 to index
        %get3A_277 = arith.constant 32 : index
        %get3A_278 = tpu.vector_load %arg13[%get3A_276, %get3A_277] {strides = array<i32>} : memref<320x128xf32, #tpu.memory_space<vmem>>, vector<16xf32>,
        %get3A_279 = arith.index_cast %add3A_269 : i32 to index
        %get3A_280 = arith.constant 48 : index
        %get3A_281 = tpu.vector_load %arg13[%get3A_279, %get3A_280] {strides = array<i32>} : memref<320x128xf32, #tpu.memory_space<vmem>>, vector<16xf32>,
        %mul3A_282 = arith.mulf %get3A_115, %get3A_272 : vector<16xf32>
        %mul3A_283 = arith.mulf %get3A_118, %get3A_275 : vector<16xf32>
        %add3A_284 = arith.addf %mul3A_282, %mul3A_283 : vector<16xf32>
        %mul3A_285 = arith.mulf %get3A_121, %get3A_278 : vector<16xf32>
        %add3A_286 = arith.addf %add3A_284, %mul3A_285 : vector<16xf32>
        %mul3A_287 = arith.mulf %get3A_124, %get3A_281 : vector<16xf32>
        %add3A_288 = arith.addf %add3A_286, %mul3A_287 : vector<16xf32>
        %reduce_sum3A_289 = arith.constant true
        %reduce_sum3A_290 = vector.broadcast %reduce_sum3A_289 : i1 to vector<16xi1>
        %reduce_sum3A_291 = tpu.scan <sum>, %add3A_288 masked %reduce_sum3A_290 : vector<16xf32>, vector<16xi1> -> vector<16xf32>
        %reduce_sum3A_292 = vector.extract %reduce_sum3A_291[15] : f32 from vector<16xf32>
        %broadcast_in_dim3A_293 = vector.broadcast %reduce_sum3A_292 : f32 to vector<16xf32>
        %select_n3A_294 = arith.select %eq3A_138, %broadcast_in_dim3A_293, %broadcast_in_dim3A_109 : vector<16xi1>, vector<16xf32>
        %mul3A_295 = arith.constant 16 : i32
        %mul3A_296 = arith.muli %scan3A_93, %mul3A_295 : i32
        %add3A_297 = arith.constant 1 : i32
        %add3A_298 = arith.addi %mul3A_296, %add3A_297 : i32
        %get3A_299 = arith.index_cast %add3A_298 : i32 to index
        %get3A_300 = arith.constant 0 : index
        %get3A_301 = tpu.vector_load %arg11[%get3A_299, %get3A_300] {strides = array<i32>} : memref<64x128xf32, #tpu.memory_space<vmem>>, vector<16xf32>,
        %get3A_302 = arith.index_cast %add3A_298 : i32 to index
        %get3A_303 = arith.constant 16 : index
        %get3A_304 = tpu.vector_load %arg11[%get3A_302, %get3A_303] {strides = array<i32>} : memref<64x128xf32, #tpu.memory_space<vmem>>, vector<16xf32>,
        %get3A_305 = arith.index_cast %add3A_298 : i32 to index
        %get3A_306 = arith.constant 32 : index
        %get3A_307 = tpu.vector_load %arg11[%get3A_305, %get3A_306] {strides = array<i32>} : memref<64x128xf32, #tpu.memory_space<vmem>>, vector<16xf32>,
        %get3A_308 = arith.index_cast %add3A_298 : i32 to index
        %get3A_309 = arith.constant 48 : index
        %get3A_310 = tpu.vector_load %arg11[%get3A_308, %get3A_309] {strides = array<i32>} : memref<64x128xf32, #tpu.memory_space<vmem>>, vector<16xf32>,
        %get3A_311 = arith.index_cast %add3A_298 : i32 to index
        %get3A_312 = arith.constant 0 : index
        %get3A_313 = tpu.vector_load %arg12[%get3A_311, %get3A_312] {strides = array<i32>} : memref<64x128xf32, #tpu.memory_space<vmem>>, vector<16xf32>,
        %get3A_314 = arith.index_cast %add3A_298 : i32 to index
        %get3A_315 = arith.constant 16 : index
        %get3A_316 = tpu.vector_load %arg12[%get3A_314, %get3A_315] {strides = array<i32>} : memref<64x128xf32, #tpu.memory_space<vmem>>, vector<16xf32>,
        %get3A_317 = arith.index_cast %add3A_298 : i32 to index
        %get3A_318 = arith.constant 32 : index
        %get3A_319 = tpu.vector_load %arg12[%get3A_317, %get3A_318] {strides = array<i32>} : memref<64x128xf32, #tpu.memory_space<vmem>>, vector<16xf32>,
        %get3A_320 = arith.index_cast %add3A_298 : i32 to index
        %get3A_321 = arith.constant 48 : index
        %get3A_322 = tpu.vector_load %arg12[%get3A_320, %get3A_321] {strides = array<i32>} : memref<64x128xf32, #tpu.memory_space<vmem>>, vector<16xf32>,
        %eq3A_323 = arith.constant 1 : i32
        %eq3A_324 = vector.broadcast %eq3A_323 : i32 to vector<16xi32>
        %eq3A_325 = arith.cmpi eq, %iota3A, %eq3A_324 : vector<16xi32>
        %mul3A_326 = arith.mulf %get3A_301, %get3A_313 : vector<16xf32>
        %mul3A_327 = arith.mulf %get3A_304, %get3A_316 : vector<16xf32>
        %add3A_328 = arith.addf %mul3A_326, %mul3A_327 : vector<16xf32>
        %mul3A_329 = arith.mulf %get3A_307, %get3A_319 : vector<16xf32>
        %add3A_330 = arith.addf %add3A_328, %mul3A_329 : vector<16xf32>
        %mul3A_331 = arith.mulf %get3A_310, %get3A_322 : vector<16xf32>
        %add3A_332 = arith.addf %add3A_330, %mul3A_331 : vector<16xf32>
        %reduce_sum3A_333 = arith.constant true
        %reduce_sum3A_334 = vector.broadcast %reduce_sum3A_333 : i1 to vector<16xi1>
        %reduce_sum3A_335 = tpu.scan <sum>, %add3A_332 masked %reduce_sum3A_334 : vector<16xf32>, vector<16xi1> -> vector<16xf32>
        %reduce_sum3A_336 = vector.extract %reduce_sum3A_335[15] : f32 from vector<16xf32>
        %broadcast_in_dim3A_337 = vector.broadcast %reduce_sum3A_336 : f32 to vector<16xf32>
        %select_n3A_338 = arith.select %eq3A_325, %broadcast_in_dim3A_337, %select_n3A : vector<16xi1>, vector<16xf32>
        %mul3A_339 = arith.constant 5 : i32
        %mul3A_340 = arith.muli %add3A_298, %mul3A_339 : i32
        %add3A_341 = arith.constant 0 : i32
        %add3A_342 = arith.addi %mul3A_340, %add3A_341 : i32
        %get3A_343 = arith.index_cast %add3A_342 : i32 to index
        %get3A_344 = arith.constant 0 : index
        %get3A_345 = tpu.vector_load %arg13[%get3A_343, %get3A_344] {strides = array<i32>} : memref<320x128xf32, #tpu.memory_space<vmem>>, vector<16xf32>,
        %get3A_346 = arith.index_cast %add3A_342 : i32 to index
        %get3A_347 = arith.constant 16 : index
        %get3A_348 = tpu.vector_load %arg13[%get3A_346, %get3A_347] {strides = array<i32>} : memref<320x128xf32, #tpu.memory_space<vmem>>, vector<16xf32>,
        %get3A_349 = arith.index_cast %add3A_342 : i32 to index
        %get3A_350 = arith.constant 32 : index
        %get3A_351 = tpu.vector_load %arg13[%get3A_349, %get3A_350] {strides = array<i32>} : memref<320x128xf32, #tpu.memory_space<vmem>>, vector<16xf32>,
        %get3A_352 = arith.index_cast %add3A_342 : i32 to index
        %get3A_353 = arith.constant 48 : index
        %get3A_354 = tpu.vector_load %arg13[%get3A_352, %get3A_353] {strides = array<i32>} : memref<320x128xf32, #tpu.memory_space<vmem>>, vector<16xf32>,
        %mul3A_355 = arith.mulf %get3A_301, %get3A_345 : vector<16xf32>
        %mul3A_356 = arith.mulf %get3A_304, %get3A_348 : vector<16xf32>
        %add3A_357 = arith.addf %mul3A_355, %mul3A_356 : vector<16xf32>
        %mul3A_358 = arith.mulf %get3A_307, %get3A_351 : vector<16xf32>
        %add3A_359 = arith.addf %add3A_357, %mul3A_358 : vector<16xf32>
        %mul3A_360 = arith.mulf %get3A_310, %get3A_354 : vector<16xf32>
        %add3A_361 = arith.addf %add3A_359, %mul3A_360 : vector<16xf32>
        %reduce_sum3A_362 = arith.constant true
        %reduce_sum3A_363 = vector.broadcast %reduce_sum3A_362 : i1 to vector<16xi1>
        %reduce_sum3A_364 = tpu.scan <sum>, %add3A_361 masked %reduce_sum3A_363 : vector<16xf32>, vector<16xi1> -> vector<16xf32>
        %reduce_sum3A_365 = vector.extract %reduce_sum3A_364[15] : f32 from vector<16xf32>
        %broadcast_in_dim3A_366 = vector.broadcast %reduce_sum3A_365 : f32 to vector<16xf32>
        %select_n3A_367 = arith.select %eq3A_325, %broadcast_in_dim3A_366, %select_n3A_178 : vector<16xi1>, vector<16xf32>
        %mul3A_368 = arith.constant 5 : i32
        %mul3A_369 = arith.muli %add3A_298, %mul3A_368 : i32
        %add3A_370 = arith.constant 1 : i32
        %add3A_371 = arith.addi %mul3A_369, %add3A_370 : i32
        %get3A_372 = arith.index_cast %add3A_371 : i32 to index
        %get3A_373 = arith.constant 0 : index
        %get3A_374 = tpu.vector_load %arg13[%get3A_372, %get3A_373] {strides = array<i32>} : memref<320x128xf32, #tpu.memory_space<vmem>>, vector<16xf32>,
        %get3A_375 = arith.index_cast %add3A_371 : i32 to index
        %get3A_376 = arith.constant 16 : index
        %get3A_377 = tpu.vector_load %arg13[%get3A_375, %get3A_376] {strides = array<i32>} : memref<320x128xf32, #tpu.memory_space<vmem>>, vector<16xf32>,
        %get3A_378 = arith.index_cast %add3A_371 : i32 to index
        %get3A_379 = arith.constant 32 : index
        %get3A_380 = tpu.vector_load %arg13[%get3A_378, %get3A_379] {strides = array<i32>} : memref<320x128xf32, #tpu.memory_space<vmem>>, vector<16xf32>,
        %get3A_381 = arith.index_cast %add3A_371 : i32 to index
        %get3A_382 = arith.constant 48 : index
        %get3A_383 = tpu.vector_load %arg13[%get3A_381, %get3A_382] {strides = array<i32>} : memref<320x128xf32, #tpu.memory_space<vmem>>, vector<16xf32>,
        %mul3A_384 = arith.mulf %get3A_301, %get3A_374 : vector<16xf32>
        %mul3A_385 = arith.mulf %get3A_304, %get3A_377 : vector<16xf32>
        %add3A_386 = arith.addf %mul3A_384, %mul3A_385 : vector<16xf32>
        %mul3A_387 = arith.mulf %get3A_307, %get3A_380 : vector<16xf32>
        %add3A_388 = arith.addf %add3A_386, %mul3A_387 : vector<16xf32>
        %mul3A_389 = arith.mulf %get3A_310, %get3A_383 : vector<16xf32>
        %add3A_390 = arith.addf %add3A_388, %mul3A_389 : vector<16xf32>
        %reduce_sum3A_391 = arith.constant true
        %reduce_sum3A_392 = vector.broadcast %reduce_sum3A_391 : i1 to vector<16xi1>
        %reduce_sum3A_393 = tpu.scan <sum>, %add3A_390 masked %reduce_sum3A_392 : vector<16xf32>, vector<16xi1> -> vector<16xf32>
        %reduce_sum3A_394 = vector.extract %reduce_sum3A_393[15] : f32 from vector<16xf32>
        %broadcast_in_dim3A_395 = vector.broadcast %reduce_sum3A_394 : f32 to vector<16xf32>
        %select_n3A_396 = arith.select %eq3A_325, %broadcast_in_dim3A_395, %select_n3A_207 : vector<16xi1>, vector<16xf32>
        %mul3A_397 = arith.constant 5 : i32
        %mul3A_398 = arith.muli %add3A_298, %mul3A_397 : i32
        %add3A_399 = arith.constant 2 : i32
        %add3A_400 = arith.addi %mul3A_398, %add3A_399 : i32
        %get3A_401 = arith.index_cast %add3A_400 : i32 to index
        %get3A_402 = arith.constant 0 : index
        %get3A_403 = tpu.vector_load %arg13[%get3A_401, %get3A_402] {strides = array<i32>} : memref<320x128xf32, #tpu.memory_space<vmem>>, vector<16xf32>,
        %get3A_404 = arith.index_cast %add3A_400 : i32 to index
        %get3A_405 = arith.constant 16 : index
        %get3A_406 = tpu.vector_load %arg13[%get3A_404, %get3A_405] {strides = array<i32>} : memref<320x128xf32, #tpu.memory_space<vmem>>, vector<16xf32>,
        %get3A_407 = arith.index_cast %add3A_400 : i32 to index
        %get3A_408 = arith.constant 32 : index
        %get3A_409 = tpu.vector_load %arg13[%get3A_407, %get3A_408] {strides = array<i32>} : memref<320x128xf32, #tpu.memory_space<vmem>>, vector<16xf32>,
        %get3A_410 = arith.index_cast %add3A_400 : i32 to index
        %get3A_411 = arith.constant 48 : index
        %get3A_412 = tpu.vector_load %arg13[%get3A_410, %get3A_411] {strides = array<i32>} : memref<320x128xf32, #tpu.memory_space<vmem>>, vector<16xf32>,
        %mul3A_413 = arith.mulf %get3A_301, %get3A_403 : vector<16xf32>
        %mul3A_414 = arith.mulf %get3A_304, %get3A_406 : vector<16xf32>
        %add3A_415 = arith.addf %mul3A_413, %mul3A_414 : vector<16xf32>
        %mul3A_416 = arith.mulf %get3A_307, %get3A_409 : vector<16xf32>
        %add3A_417 = arith.addf %add3A_415, %mul3A_416 : vector<16xf32>
        %mul3A_418 = arith.mulf %get3A_310, %get3A_412 : vector<16xf32>
        %add3A_419 = arith.addf %add3A_417, %mul3A_418 : vector<16xf32>
        %reduce_sum3A_420 = arith.constant true
        %reduce_sum3A_421 = vector.broadcast %reduce_sum3A_420 : i1 to vector<16xi1>
        %reduce_sum3A_422 = tpu.scan <sum>, %add3A_419 masked %reduce_sum3A_421 : vector<16xf32>, vector<16xi1> -> vector<16xf32>
        %reduce_sum3A_423 = vector.extract %reduce_sum3A_422[15] : f32 from vector<16xf32>
        %broadcast_in_dim3A_424 = vector.broadcast %reduce_sum3A_423 : f32 to vector<16xf32>
        %select_n3A_425 = arith.select %eq3A_325, %broadcast_in_dim3A_424, %select_n3A_236 : vector<16xi1>, vector<16xf32>
        %mul3A_426 = arith.constant 5 : i32
        %mul3A_427 = arith.muli %add3A_298, %mul3A_426 : i32
        %add3A_428 = arith.constant 3 : i32
        %add3A_429 = arith.addi %mul3A_427, %add3A_428 : i32
        %get3A_430 = arith.index_cast %add3A_429 : i32 to index
        %get3A_431 = arith.constant 0 : index
        %get3A_432 = tpu.vector_load %arg13[%get3A_430, %get3A_431] {strides = array<i32>} : memref<320x128xf32, #tpu.memory_space<vmem>>, vector<16xf32>,
        %get3A_433 = arith.index_cast %add3A_429 : i32 to index
        %get3A_434 = arith.constant 16 : index
        %get3A_435 = tpu.vector_load %arg13[%get3A_433, %get3A_434] {strides = array<i32>} : memref<320x128xf32, #tpu.memory_space<vmem>>, vector<16xf32>,
        %get3A_436 = arith.index_cast %add3A_429 : i32 to index
        %get3A_437 = arith.constant 32 : index
        %get3A_438 = tpu.vector_load %arg13[%get3A_436, %get3A_437] {strides = array<i32>} : memref<320x128xf32, #tpu.memory_space<vmem>>, vector<16xf32>,
        %get3A_439 = arith.index_cast %add3A_429 : i32 to index
        %get3A_440 = arith.constant 48 : index
        %get3A_441 = tpu.vector_load %arg13[%get3A_439, %get3A_440] {strides = array<i32>} : memref<320x128xf32, #tpu.memory_space<vmem>>, vector<16xf32>,
        %mul3A_442 = arith.mulf %get3A_301, %get3A_432 : vector<16xf32>
        %mul3A_443 = arith.mulf %get3A_304, %get3A_435 : vector<16xf32>
        %add3A_444 = arith.addf %mul3A_442, %mul3A_443 : vector<16xf32>
        %mul3A_445 = arith.mulf %get3A_307, %get3A_438 : vector<16xf32>
        %add3A_446 = arith.addf %add3A_444, %mul3A_445 : vector<16xf32>
        %mul3A_447 = arith.mulf %get3A_310, %get3A_441 : vector<16xf32>
        %add3A_448 = arith.addf %add3A_446, %mul3A_447 : vector<16xf32>
        %reduce_sum3A_449 = arith.constant true
        %reduce_sum3A_450 = vector.broadcast %reduce_sum3A_449 : i1 to vector<16xi1>
        %reduce_sum3A_451 = tpu.scan <sum>, %add3A_448 masked %reduce_sum3A_450 : vector<16xf32>, vector<16xi1> -> vector<16xf32>
        %reduce_sum3A_452 = vector.extract %reduce_sum3A_451[15] : f32 from vector<16xf32>
        %broadcast_in_dim3A_453 = vector.broadcast %reduce_sum3A_452 : f32 to vector<16xf32>
        %select_n3A_454 = arith.select %eq3A_325, %broadcast_in_dim3A_453, %select_n3A_265 : vector<16xi1>, vector<16xf32>
        %mul3A_455 = arith.constant 5 : i32
        %mul3A_456 = arith.muli %add3A_298, %mul3A_455 : i32
        %add3A_457 = arith.constant 4 : i32
        %add3A_458 = arith.addi %mul3A_456, %add3A_457 : i32
        %get3A_459 = arith.index_cast %add3A_458 : i32 to index
        %get3A_460 = arith.constant 0 : index
        %get3A_461 = tpu.vector_load %arg13[%get3A_459, %get3A_460] {strides = array<i32>} : memref<320x128xf32, #tpu.memory_space<vmem>>, vector<16xf32>,
        %get3A_462 = arith.index_cast %add3A_458 : i32 to index
        %get3A_463 = arith.constant 16 : index
        %get3A_464 = tpu.vector_load %arg13[%get3A_462, %get3A_463] {strides = array<i32>} : memref<320x128xf32, #tpu.memory_space<vmem>>, vector<16xf32>,
        %get3A_465 = arith.index_cast %add3A_458 : i32 to index
        %get3A_466 = arith.constant 32 : index
        %get3A_467 = tpu.vector_load %arg13[%get3A_465, %get3A_466] {strides = array<i32>} : memref<320x128xf32, #tpu.memory_space<vmem>>, vector<16xf32>,
        %get3A_468 = arith.index_cast %add3A_458 : i32 to index
        %get3A_469 = arith.constant 48 : index
        %get3A_470 = tpu.vector_load %arg13[%get3A_468, %get3A_469] {strides = array<i32>} : memref<320x128xf32, #tpu.memory_space<vmem>>, vector<16xf32>,
        %mul3A_471 = arith.mulf %get3A_301, %get3A_461 : vector<16xf32>
        %mul3A_472 = arith.mulf %get3A_304, %get3A_464 : vector<16xf32>
        %add3A_473 = arith.addf %mul3A_471, %mul3A_472 : vector<16xf32>
        %mul3A_474 = arith.mulf %get3A_307, %get3A_467 : vector<16xf32>
        %add3A_475 = arith.addf %add3A_473, %mul3A_474 : vector<16xf32>
        %mul3A_476 = arith.mulf %get3A_310, %get3A_470 : vector<16xf32>
        %add3A_477 = arith.addf %add3A_475, %mul3A_476 : vector<16xf32>
        %reduce_sum3A_478 = arith.constant true
        %reduce_sum3A_479 = vector.broadcast %reduce_sum3A_478 : i1 to vector<16xi1>
        %reduce_sum3A_480 = tpu.scan <sum>, %add3A_477 masked %reduce_sum3A_479 : vector<16xf32>, vector<16xi1> -> vector<16xf32>
        %reduce_sum3A_481 = vector.extract %reduce_sum3A_480[15] : f32 from vector<16xf32>
        %broadcast_in_dim3A_482 = vector.broadcast %reduce_sum3A_481 : f32 to vector<16xf32>
        %select_n3A_483 = arith.select %eq3A_325, %broadcast_in_dim3A_482, %select_n3A_294 : vector<16xi1>, vector<16xf32>
        %mul3A_484 = arith.constant 16 : i32
        %mul3A_485 = arith.muli %scan3A_93, %mul3A_484 : i32
        %add3A_486 = arith.constant 2 : i32
        %add3A_487 = arith.addi %mul3A_485, %add3A_486 : i32
        %get3A_488 = arith.index_cast %add3A_487 : i32 to index
        %get3A_489 = arith.constant 0 : index
        %get3A_490 = tpu.vector_load %arg11[%get3A_488, %get3A_489] {strides = array<i32>} : memref<64x128xf32, #tpu.memory_space<vmem>>, vector<16xf32>,
        %get3A_491 = arith.index_cast %add3A_487 : i32 to index
        %get3A_492 = arith.constant 16 : index
        %get3A_493 = tpu.vector_load %arg11[%get3A_491, %get3A_492] {strides = array<i32>} : memref<64x128xf32, #tpu.memory_space<vmem>>, vector<16xf32>,
        %get3A_494 = arith.index_cast %add3A_487 : i32 to index
        %get3A_495 = arith.constant 32 : index
        %get3A_496 = tpu.vector_load %arg11[%get3A_494, %get3A_495] {strides = array<i32>} : memref<64x128xf32, #tpu.memory_space<vmem>>, vector<16xf32>,
        %get3A_497 = arith.index_cast %add3A_487 : i32 to index
        %get3A_498 = arith.constant 48 : index
        %get3A_499 = tpu.vector_load %arg11[%get3A_497, %get3A_498] {strides = array<i32>} : memref<64x128xf32, #tpu.memory_space<vmem>>, vector<16xf32>,
        %get3A_500 = arith.index_cast %add3A_487 : i32 to index
        %get3A_501 = arith.constant 0 : index
        %get3A_502 = tpu.vector_load %arg12[%get3A_500, %get3A_501] {strides = array<i32>} : memref<64x128xf32, #tpu.memory_space<vmem>>, vector<16xf32>,
        %get3A_503 = arith.index_cast %add3A_487 : i32 to index
        %get3A_504 = arith.constant 16 : index
        %get3A_505 = tpu.vector_load %arg12[%get3A_503, %get3A_504] {strides = array<i32>} : memref<64x128xf32, #tpu.memory_space<vmem>>, vector<16xf32>,
        %get3A_506 = arith.index_cast %add3A_487 : i32 to index
        %get3A_507 = arith.constant 32 : index
        %get3A_508 = tpu.vector_load %arg12[%get3A_506, %get3A_507] {strides = array<i32>} : memref<64x128xf32, #tpu.memory_space<vmem>>, vector<16xf32>,
        %get3A_509 = arith.index_cast %add3A_487 : i32 to index
        %get3A_510 = arith.constant 48 : index
        %get3A_511 = tpu.vector_load %arg12[%get3A_509, %get3A_510] {strides = array<i32>} : memref<64x128xf32, #tpu.memory_space<vmem>>, vector<16xf32>,
        %eq3A_512 = arith.constant 2 : i32
        %eq3A_513 = vector.broadcast %eq3A_512 : i32 to vector<16xi32>
        %eq3A_514 = arith.cmpi eq, %iota3A, %eq3A_513 : vector<16xi32>
        %mul3A_515 = arith.mulf %get3A_490, %get3A_502 : vector<16xf32>
        %mul3A_516 = arith.mulf %get3A_493, %get3A_505 : vector<16xf32>
        %add3A_517 = arith.addf %mul3A_515, %mul3A_516 : vector<16xf32>
        %mul3A_518 = arith.mulf %get3A_496, %get3A_508 : vector<16xf32>
        %add3A_519 = arith.addf %add3A_517, %mul3A_518 : vector<16xf32>
        %mul3A_520 = arith.mulf %get3A_499, %get3A_511 : vector<16xf32>
        %add3A_521 = arith.addf %add3A_519, %mul3A_520 : vector<16xf32>
        %reduce_sum3A_522 = arith.constant true
        %reduce_sum3A_523 = vector.broadcast %reduce_sum3A_522 : i1 to vector<16xi1>
        %reduce_sum3A_524 = tpu.scan <sum>, %add3A_521 masked %reduce_sum3A_523 : vector<16xf32>, vector<16xi1> -> vector<16xf32>
        %reduce_sum3A_525 = vector.extract %reduce_sum3A_524[15] : f32 from vector<16xf32>
        %broadcast_in_dim3A_526 = vector.broadcast %reduce_sum3A_525 : f32 to vector<16xf32>
        %select_n3A_527 = arith.select %eq3A_514, %broadcast_in_dim3A_526, %select_n3A_338 : vector<16xi1>, vector<16xf32>
        %mul3A_528 = arith.constant 5 : i32
        %mul3A_529 = arith.muli %add3A_487, %mul3A_528 : i32
        %add3A_530 = arith.constant 0 : i32
        %add3A_531 = arith.addi %mul3A_529, %add3A_530 : i32
        %get3A_532 = arith.index_cast %add3A_531 : i32 to index
        %get3A_533 = arith.constant 0 : index
        %get3A_534 = tpu.vector_load %arg13[%get3A_532, %get3A_533] {strides = array<i32>} : memref<320x128xf32, #tpu.memory_space<vmem>>, vector<16xf32>,
        %get3A_535 = arith.index_cast %add3A_531 : i32 to index
        %get3A_536 = arith.constant 16 : index
        %get3A_537 = tpu.vector_load %arg13[%get3A_535, %get3A_536] {strides = array<i32>} : memref<320x128xf32, #tpu.memory_space<vmem>>, vector<16xf32>,
        %get3A_538 = arith.index_cast %add3A_531 : i32 to index
        %get3A_539 = arith.constant 32 : index
        %get3A_540 = tpu.vector_load %arg13[%get3A_538, %get3A_539] {strides = array<i32>} : memref<320x128xf32, #tpu.memory_space<vmem>>, vector<16xf32>,
        %get3A_541 = arith.index_cast %add3A_531 : i32 to index
        %get3A_542 = arith.constant 48 : index
        %get3A_543 = tpu.vector_load %arg13[%get3A_541, %get3A_542] {strides = array<i32>} : memref<320x128xf32, #tpu.memory_space<vmem>>, vector<16xf32>,
        %mul3A_544 = arith.mulf %get3A_490, %get3A_534 : vector<16xf32>
        %mul3A_545 = arith.mulf %get3A_493, %get3A_537 : vector<16xf32>
        %add3A_546 = arith.addf %mul3A_544, %mul3A_545 : vector<16xf32>
        %mul3A_547 = arith.mulf %get3A_496, %get3A_540 : vector<16xf32>
        %add3A_548 = arith.addf %add3A_546, %mul3A_547 : vector<16xf32>
        %mul3A_549 = arith.mulf %get3A_499, %get3A_543 : vector<16xf32>
        %add3A_550 = arith.addf %add3A_548, %mul3A_549 : vector<16xf32>
        %reduce_sum3A_551 = arith.constant true
        %reduce_sum3A_552 = vector.broadcast %reduce_sum3A_551 : i1 to vector<16xi1>
        %reduce_sum3A_553 = tpu.scan <sum>, %add3A_550 masked %reduce_sum3A_552 : vector<16xf32>, vector<16xi1> -> vector<16xf32>
        %reduce_sum3A_554 = vector.extract %reduce_sum3A_553[15] : f32 from vector<16xf32>
        %broadcast_in_dim3A_555 = vector.broadcast %reduce_sum3A_554 : f32 to vector<16xf32>
        %select_n3A_556 = arith.select %eq3A_514, %broadcast_in_dim3A_555, %select_n3A_367 : vector<16xi1>, vector<16xf32>
        %mul3A_557 = arith.constant 5 : i32
        %mul3A_558 = arith.muli %add3A_487, %mul3A_557 : i32
        %add3A_559 = arith.constant 1 : i32
        %add3A_560 = arith.addi %mul3A_558, %add3A_559 : i32
        %get3A_561 = arith.index_cast %add3A_560 : i32 to index
        %get3A_562 = arith.constant 0 : index
        %get3A_563 = tpu.vector_load %arg13[%get3A_561, %get3A_562] {strides = array<i32>} : memref<320x128xf32, #tpu.memory_space<vmem>>, vector<16xf32>,
        %get3A_564 = arith.index_cast %add3A_560 : i32 to index
        %get3A_565 = arith.constant 16 : index
        %get3A_566 = tpu.vector_load %arg13[%get3A_564, %get3A_565] {strides = array<i32>} : memref<320x128xf32, #tpu.memory_space<vmem>>, vector<16xf32>,
        %get3A_567 = arith.index_cast %add3A_560 : i32 to index
        %get3A_568 = arith.constant 32 : index
        %get3A_569 = tpu.vector_load %arg13[%get3A_567, %get3A_568] {strides = array<i32>} : memref<320x128xf32, #tpu.memory_space<vmem>>, vector<16xf32>,
        %get3A_570 = arith.index_cast %add3A_560 : i32 to index
        %get3A_571 = arith.constant 48 : index
        %get3A_572 = tpu.vector_load %arg13[%get3A_570, %get3A_571] {strides = array<i32>} : memref<320x128xf32, #tpu.memory_space<vmem>>, vector<16xf32>,
        %mul3A_573 = arith.mulf %get3A_490, %get3A_563 : vector<16xf32>
        %mul3A_574 = arith.mulf %get3A_493, %get3A_566 : vector<16xf32>
        %add3A_575 = arith.addf %mul3A_573, %mul3A_574 : vector<16xf32>
        %mul3A_576 = arith.mulf %get3A_496, %get3A_569 : vector<16xf32>
        %add3A_577 = arith.addf %add3A_575, %mul3A_576 : vector<16xf32>
        %mul3A_578 = arith.mulf %get3A_499, %get3A_572 : vector<16xf32>
        %add3A_579 = arith.addf %add3A_577, %mul3A_578 : vector<16xf32>
        %reduce_sum3A_580 = arith.constant true
        %reduce_sum3A_581 = vector.broadcast %reduce_sum3A_580 : i1 to vector<16xi1>
        %reduce_sum3A_582 = tpu.scan <sum>, %add3A_579 masked %reduce_sum3A_581 : vector<16xf32>, vector<16xi1> -> vector<16xf32>
        %reduce_sum3A_583 = vector.extract %reduce_sum3A_582[15] : f32 from vector<16xf32>
        %broadcast_in_dim3A_584 = vector.broadcast %reduce_sum3A_583 : f32 to vector<16xf32>
        %select_n3A_585 = arith.select %eq3A_514, %broadcast_in_dim3A_584, %select_n3A_396 : vector<16xi1>, vector<16xf32>
        %mul3A_586 = arith.constant 5 : i32
        %mul3A_587 = arith.muli %add3A_487, %mul3A_586 : i32
        %add3A_588 = arith.constant 2 : i32
        %add3A_589 = arith.addi %mul3A_587, %add3A_588 : i32
        %get3A_590 = arith.index_cast %add3A_589 : i32 to index
        %get3A_591 = arith.constant 0 : index
        %get3A_592 = tpu.vector_load %arg13[%get3A_590, %get3A_591] {strides = array<i32>} : memref<320x128xf32, #tpu.memory_space<vmem>>, vector<16xf32>,
        %get3A_593 = arith.index_cast %add3A_589 : i32 to index
        %get3A_594 = arith.constant 16 : index
        %get3A_595 = tpu.vector_load %arg13[%get3A_593, %get3A_594] {strides = array<i32>} : memref<320x128xf32, #tpu.memory_space<vmem>>, vector<16xf32>,
        %get3A_596 = arith.index_cast %add3A_589 : i32 to index
        %get3A_597 = arith.constant 32 : index
        %get3A_598 = tpu.vector_load %arg13[%get3A_596, %get3A_597] {strides = array<i32>} : memref<320x128xf32, #tpu.memory_space<vmem>>, vector<16xf32>,
        %get3A_599 = arith.index_cast %add3A_589 : i32 to index
        %get3A_600 = arith.constant 48 : index
        %get3A_601 = tpu.vector_load %arg13[%get3A_599, %get3A_600] {strides = array<i32>} : memref<320x128xf32, #tpu.memory_space<vmem>>, vector<16xf32>,
        %mul3A_602 = arith.mulf %get3A_490, %get3A_592 : vector<16xf32>
        %mul3A_603 = arith.mulf %get3A_493, %get3A_595 : vector<16xf32>
        %add3A_604 = arith.addf %mul3A_602, %mul3A_603 : vector<16xf32>
        %mul3A_605 = arith.mulf %get3A_496, %get3A_598 : vector<16xf32>
        %add3A_606 = arith.addf %add3A_604, %mul3A_605 : vector<16xf32>
        %mul3A_607 = arith.mulf %get3A_499, %get3A_601 : vector<16xf32>
        %add3A_608 = arith.addf %add3A_606, %mul3A_607 : vector<16xf32>
        %reduce_sum3A_609 = arith.constant true
        %reduce_sum3A_610 = vector.broadcast %reduce_sum3A_609 : i1 to vector<16xi1>
        %reduce_sum3A_611 = tpu.scan <sum>, %add3A_608 masked %reduce_sum3A_610 : vector<16xf32>, vector<16xi1> -> vector<16xf32>
        %reduce_sum3A_612 = vector.extract %reduce_sum3A_611[15] : f32 from vector<16xf32>
        %broadcast_in_dim3A_613 = vector.broadcast %reduce_sum3A_612 : f32 to vector<16xf32>
        %select_n3A_614 = arith.select %eq3A_514, %broadcast_in_dim3A_613, %select_n3A_425 : vector<16xi1>, vector<16xf32>
        %mul3A_615 = arith.constant 5 : i32
        %mul3A_616 = arith.muli %add3A_487, %mul3A_615 : i32
        %add3A_617 = arith.constant 3 : i32
        %add3A_618 = arith.addi %mul3A_616, %add3A_617 : i32
        %get3A_619 = arith.index_cast %add3A_618 : i32 to index
        %get3A_620 = arith.constant 0 : index
        %get3A_621 = tpu.vector_load %arg13[%get3A_619, %get3A_620] {strides = array<i32>} : memref<320x128xf32, #tpu.memory_space<vmem>>, vector<16xf32>,
        %get3A_622 = arith.index_cast %add3A_618 : i32 to index
        %get3A_623 = arith.constant 16 : index
        %get3A_624 = tpu.vector_load %arg13[%get3A_622, %get3A_623] {strides = array<i32>} : memref<320x128xf32, #tpu.memory_space<vmem>>, vector<16xf32>,
        %get3A_625 = arith.index_cast %add3A_618 : i32 to index
        %get3A_626 = arith.constant 32 : index
        %get3A_627 = tpu.vector_load %arg13[%get3A_625, %get3A_626] {strides = array<i32>} : memref<320x128xf32, #tpu.memory_space<vmem>>, vector<16xf32>,
        %get3A_628 = arith.index_cast %add3A_618 : i32 to index
        %get3A_629 = arith.constant 48 : index
        %get3A_630 = tpu.vector_load %arg13[%get3A_628, %get3A_629] {strides = array<i32>} : memref<320x128xf32, #tpu.memory_space<vmem>>, vector<16xf32>,
        %mul3A_631 = arith.mulf %get3A_490, %get3A_621 : vector<16xf32>
        %mul3A_632 = arith.mulf %get3A_493, %get3A_624 : vector<16xf32>
        %add3A_633 = arith.addf %mul3A_631, %mul3A_632 : vector<16xf32>
        %mul3A_634 = arith.mulf %get3A_496, %get3A_627 : vector<16xf32>
        %add3A_635 = arith.addf %add3A_633, %mul3A_634 : vector<16xf32>
        %mul3A_636 = arith.mulf %get3A_499, %get3A_630 : vector<16xf32>
        %add3A_637 = arith.addf %add3A_635, %mul3A_636 : vector<16xf32>
        %reduce_sum3A_638 = arith.constant true
        %reduce_sum3A_639 = vector.broadcast %reduce_sum3A_638 : i1 to vector<16xi1>
        %reduce_sum3A_640 = tpu.scan <sum>, %add3A_637 masked %reduce_sum3A_639 : vector<16xf32>, vector<16xi1> -> vector<16xf32>
        %reduce_sum3A_641 = vector.extract %reduce_sum3A_640[15] : f32 from vector<16xf32>
        %broadcast_in_dim3A_642 = vector.broadcast %reduce_sum3A_641 : f32 to vector<16xf32>
        %select_n3A_643 = arith.select %eq3A_514, %broadcast_in_dim3A_642, %select_n3A_454 : vector<16xi1>, vector<16xf32>
        %mul3A_644 = arith.constant 5 : i32
        %mul3A_645 = arith.muli %add3A_487, %mul3A_644 : i32
        %add3A_646 = arith.constant 4 : i32
        %add3A_647 = arith.addi %mul3A_645, %add3A_646 : i32
        %get3A_648 = arith.index_cast %add3A_647 : i32 to index
        %get3A_649 = arith.constant 0 : index
        %get3A_650 = tpu.vector_load %arg13[%get3A_648, %get3A_649] {strides = array<i32>} : memref<320x128xf32, #tpu.memory_space<vmem>>, vector<16xf32>,
        %get3A_651 = arith.index_cast %add3A_647 : i32 to index
        %get3A_652 = arith.constant 16 : index
        %get3A_653 = tpu.vector_load %arg13[%get3A_651, %get3A_652] {strides = array<i32>} : memref<320x128xf32, #tpu.memory_space<vmem>>, vector<16xf32>,
        %get3A_654 = arith.index_cast %add3A_647 : i32 to index
        %get3A_655 = arith.constant 32 : index
        %get3A_656 = tpu.vector_load %arg13[%get3A_654, %get3A_655] {strides = array<i32>} : memref<320x128xf32, #tpu.memory_space<vmem>>, vector<16xf32>,
        %get3A_657 = arith.index_cast %add3A_647 : i32 to index
        %get3A_658 = arith.constant 48 : index
        %get3A_659 = tpu.vector_load %arg13[%get3A_657, %get3A_658] {strides = array<i32>} : memref<320x128xf32, #tpu.memory_space<vmem>>, vector<16xf32>,
        %mul3A_660 = arith.mulf %get3A_490, %get3A_650 : vector<16xf32>
        %mul3A_661 = arith.mulf %get3A_493, %get3A_653 : vector<16xf32>
        %add3A_662 = arith.addf %mul3A_660, %mul3A_661 : vector<16xf32>
        %mul3A_663 = arith.mulf %get3A_496, %get3A_656 : vector<16xf32>
        %add3A_664 = arith.addf %add3A_662, %mul3A_663 : vector<16xf32>
        %mul3A_665 = arith.mulf %get3A_499, %get3A_659 : vector<16xf32>
        %add3A_666 = arith.addf %add3A_664, %mul3A_665 : vector<16xf32>
        %reduce_sum3A_667 = arith.constant true
        %reduce_sum3A_668 = vector.broadcast %reduce_sum3A_667 : i1 to vector<16xi1>
        %reduce_sum3A_669 = tpu.scan <sum>, %add3A_666 masked %reduce_sum3A_668 : vector<16xf32>, vector<16xi1> -> vector<16xf32>
        %reduce_sum3A_670 = vector.extract %reduce_sum3A_669[15] : f32 from vector<16xf32>
        %broadcast_in_dim3A_671 = vector.broadcast %reduce_sum3A_670 : f32 to vector<16xf32>
        %select_n3A_672 = arith.select %eq3A_514, %broadcast_in_dim3A_671, %select_n3A_483 : vector<16xi1>, vector<16xf32>
        %mul3A_673 = arith.constant 16 : i32
        %mul3A_674 = arith.muli %scan3A_93, %mul3A_673 : i32
        %add3A_675 = arith.constant 3 : i32
        %add3A_676 = arith.addi %mul3A_674, %add3A_675 : i32
        %get3A_677 = arith.index_cast %add3A_676 : i32 to index
        %get3A_678 = arith.constant 0 : index
        %get3A_679 = tpu.vector_load %arg11[%get3A_677, %get3A_678] {strides = array<i32>} : memref<64x128xf32, #tpu.memory_space<vmem>>, vector<16xf32>,
        %get3A_680 = arith.index_cast %add3A_676 : i32 to index
        %get3A_681 = arith.constant 16 : index
        %get3A_682 = tpu.vector_load %arg11[%get3A_680, %get3A_681] {strides = array<i32>} : memref<64x128xf32, #tpu.memory_space<vmem>>, vector<16xf32>,
        %get3A_683 = arith.index_cast %add3A_676 : i32 to index
        %get3A_684 = arith.constant 32 : index
        %get3A_685 = tpu.vector_load %arg11[%get3A_683, %get3A_684] {strides = array<i32>} : memref<64x128xf32, #tpu.memory_space<vmem>>, vector<16xf32>,
        %get3A_686 = arith.index_cast %add3A_676 : i32 to index
        %get3A_687 = arith.constant 48 : index
        %get3A_688 = tpu.vector_load %arg11[%get3A_686, %get3A_687] {strides = array<i32>} : memref<64x128xf32, #tpu.memory_space<vmem>>, vector<16xf32>,
        %get3A_689 = arith.index_cast %add3A_676 : i32 to index
        %get3A_690 = arith.constant 0 : index
        %get3A_691 = tpu.vector_load %arg12[%get3A_689, %get3A_690] {strides = array<i32>} : memref<64x128xf32, #tpu.memory_space<vmem>>, vector<16xf32>,
        %get3A_692 = arith.index_cast %add3A_676 : i32 to index
        %get3A_693 = arith.constant 16 : index
        %get3A_694 = tpu.vector_load %arg12[%get3A_692, %get3A_693] {strides = array<i32>} : memref<64x128xf32, #tpu.memory_space<vmem>>, vector<16xf32>,
        %get3A_695 = arith.index_cast %add3A_676 : i32 to index
        %get3A_696 = arith.constant 32 : index
        %get3A_697 = tpu.vector_load %arg12[%get3A_695, %get3A_696] {strides = array<i32>} : memref<64x128xf32, #tpu.memory_space<vmem>>, vector<16xf32>,
        %get3A_698 = arith.index_cast %add3A_676 : i32 to index
        %get3A_699 = arith.constant 48 : index
        %get3A_700 = tpu.vector_load %arg12[%get3A_698, %get3A_699] {strides = array<i32>} : memref<64x128xf32, #tpu.memory_space<vmem>>, vector<16xf32>,
        %eq3A_701 = arith.constant 3 : i32
        %eq3A_702 = vector.broadcast %eq3A_701 : i32 to vector<16xi32>
        %eq3A_703 = arith.cmpi eq, %iota3A, %eq3A_702 : vector<16xi32>
        %mul3A_704 = arith.mulf %get3A_679, %get3A_691 : vector<16xf32>
        %mul3A_705 = arith.mulf %get3A_682, %get3A_694 : vector<16xf32>
        %add3A_706 = arith.addf %mul3A_704, %mul3A_705 : vector<16xf32>
        %mul3A_707 = arith.mulf %get3A_685, %get3A_697 : vector<16xf32>
        %add3A_708 = arith.addf %add3A_706, %mul3A_707 : vector<16xf32>
        %mul3A_709 = arith.mulf %get3A_688, %get3A_700 : vector<16xf32>
        %add3A_710 = arith.addf %add3A_708, %mul3A_709 : vector<16xf32>
        %reduce_sum3A_711 = arith.constant true
        %reduce_sum3A_712 = vector.broadcast %reduce_sum3A_711 : i1 to vector<16xi1>
        %reduce_sum3A_713 = tpu.scan <sum>, %add3A_710 masked %reduce_sum3A_712 : vector<16xf32>, vector<16xi1> -> vector<16xf32>
        %reduce_sum3A_714 = vector.extract %reduce_sum3A_713[15] : f32 from vector<16xf32>
        %broadcast_in_dim3A_715 = vector.broadcast %reduce_sum3A_714 : f32 to vector<16xf32>
        %select_n3A_716 = arith.select %eq3A_703, %broadcast_in_dim3A_715, %select_n3A_527 : vector<16xi1>, vector<16xf32>
        %mul3A_717 = arith.constant 5 : i32
        %mul3A_718 = arith.muli %add3A_676, %mul3A_717 : i32
        %add3A_719 = arith.constant 0 : i32
        %add3A_720 = arith.addi %mul3A_718, %add3A_719 : i32
        %get3A_721 = arith.index_cast %add3A_720 : i32 to index
        %get3A_722 = arith.constant 0 : index
        %get3A_723 = tpu.vector_load %arg13[%get3A_721, %get3A_722] {strides = array<i32>} : memref<320x128xf32, #tpu.memory_space<vmem>>, vector<16xf32>,
        %get3A_724 = arith.index_cast %add3A_720 : i32 to index
        %get3A_725 = arith.constant 16 : index
        %get3A_726 = tpu.vector_load %arg13[%get3A_724, %get3A_725] {strides = array<i32>} : memref<320x128xf32, #tpu.memory_space<vmem>>, vector<16xf32>,
        %get3A_727 = arith.index_cast %add3A_720 : i32 to index
        %get3A_728 = arith.constant 32 : index
        %get3A_729 = tpu.vector_load %arg13[%get3A_727, %get3A_728] {strides = array<i32>} : memref<320x128xf32, #tpu.memory_space<vmem>>, vector<16xf32>,
        %get3A_730 = arith.index_cast %add3A_720 : i32 to index
        %get3A_731 = arith.constant 48 : index
        %get3A_732 = tpu.vector_load %arg13[%get3A_730, %get3A_731] {strides = array<i32>} : memref<320x128xf32, #tpu.memory_space<vmem>>, vector<16xf32>,
        %mul3A_733 = arith.mulf %get3A_679, %get3A_723 : vector<16xf32>
        %mul3A_734 = arith.mulf %get3A_682, %get3A_726 : vector<16xf32>
        %add3A_735 = arith.addf %mul3A_733, %mul3A_734 : vector<16xf32>
        %mul3A_736 = arith.mulf %get3A_685, %get3A_729 : vector<16xf32>
        %add3A_737 = arith.addf %add3A_735, %mul3A_736 : vector<16xf32>
        %mul3A_738 = arith.mulf %get3A_688, %get3A_732 : vector<16xf32>
        %add3A_739 = arith.addf %add3A_737, %mul3A_738 : vector<16xf32>
        %reduce_sum3A_740 = arith.constant true
        %reduce_sum3A_741 = vector.broadcast %reduce_sum3A_740 : i1 to vector<16xi1>
        %reduce_sum3A_742 = tpu.scan <sum>, %add3A_739 masked %reduce_sum3A_741 : vector<16xf32>, vector<16xi1> -> vector<16xf32>
        %reduce_sum3A_743 = vector.extract %reduce_sum3A_742[15] : f32 from vector<16xf32>
        %broadcast_in_dim3A_744 = vector.broadcast %reduce_sum3A_743 : f32 to vector<16xf32>
        %select_n3A_745 = arith.select %eq3A_703, %broadcast_in_dim3A_744, %select_n3A_556 : vector<16xi1>, vector<16xf32>
        %mul3A_746 = arith.constant 5 : i32
        %mul3A_747 = arith.muli %add3A_676, %mul3A_746 : i32
        %add3A_748 = arith.constant 1 : i32
        %add3A_749 = arith.addi %mul3A_747, %add3A_748 : i32
        %get3A_750 = arith.index_cast %add3A_749 : i32 to index
        %get3A_751 = arith.constant 0 : index
        %get3A_752 = tpu.vector_load %arg13[%get3A_750, %get3A_751] {strides = array<i32>} : memref<320x128xf32, #tpu.memory_space<vmem>>, vector<16xf32>,
        %get3A_753 = arith.index_cast %add3A_749 : i32 to index
        %get3A_754 = arith.constant 16 : index
        %get3A_755 = tpu.vector_load %arg13[%get3A_753, %get3A_754] {strides = array<i32>} : memref<320x128xf32, #tpu.memory_space<vmem>>, vector<16xf32>,
        %get3A_756 = arith.index_cast %add3A_749 : i32 to index
        %get3A_757 = arith.constant 32 : index
        %get3A_758 = tpu.vector_load %arg13[%get3A_756, %get3A_757] {strides = array<i32>} : memref<320x128xf32, #tpu.memory_space<vmem>>, vector<16xf32>,
        %get3A_759 = arith.index_cast %add3A_749 : i32 to index
        %get3A_760 = arith.constant 48 : index
        %get3A_761 = tpu.vector_load %arg13[%get3A_759, %get3A_760] {strides = array<i32>} : memref<320x128xf32, #tpu.memory_space<vmem>>, vector<16xf32>,
        %mul3A_762 = arith.mulf %get3A_679, %get3A_752 : vector<16xf32>
        %mul3A_763 = arith.mulf %get3A_682, %get3A_755 : vector<16xf32>
        %add3A_764 = arith.addf %mul3A_762, %mul3A_763 : vector<16xf32>
        %mul3A_765 = arith.mulf %get3A_685, %get3A_758 : vector<16xf32>
        %add3A_766 = arith.addf %add3A_764, %mul3A_765 : vector<16xf32>
        %mul3A_767 = arith.mulf %get3A_688, %get3A_761 : vector<16xf32>
        %add3A_768 = arith.addf %add3A_766, %mul3A_767 : vector<16xf32>
        %reduce_sum3A_769 = arith.constant true
        %reduce_sum3A_770 = vector.broadcast %reduce_sum3A_769 : i1 to vector<16xi1>
        %reduce_sum3A_771 = tpu.scan <sum>, %add3A_768 masked %reduce_sum3A_770 : vector<16xf32>, vector<16xi1> -> vector<16xf32>
        %reduce_sum3A_772 = vector.extract %reduce_sum3A_771[15] : f32 from vector<16xf32>
        %broadcast_in_dim3A_773 = vector.broadcast %reduce_sum3A_772 : f32 to vector<16xf32>
        %select_n3A_774 = arith.select %eq3A_703, %broadcast_in_dim3A_773, %select_n3A_585 : vector<16xi1>, vector<16xf32>
        %mul3A_775 = arith.constant 5 : i32
        %mul3A_776 = arith.muli %add3A_676, %mul3A_775 : i32
        %add3A_777 = arith.constant 2 : i32
        %add3A_778 = arith.addi %mul3A_776, %add3A_777 : i32
        %get3A_779 = arith.index_cast %add3A_778 : i32 to index
        %get3A_780 = arith.constant 0 : index
        %get3A_781 = tpu.vector_load %arg13[%get3A_779, %get3A_780] {strides = array<i32>} : memref<320x128xf32, #tpu.memory_space<vmem>>, vector<16xf32>,
        %get3A_782 = arith.index_cast %add3A_778 : i32 to index
        %get3A_783 = arith.constant 16 : index
        %get3A_784 = tpu.vector_load %arg13[%get3A_782, %get3A_783] {strides = array<i32>} : memref<320x128xf32, #tpu.memory_space<vmem>>, vector<16xf32>,
        %get3A_785 = arith.index_cast %add3A_778 : i32 to index
        %get3A_786 = arith.constant 32 : index
        %get3A_787 = tpu.vector_load %arg13[%get3A_785, %get3A_786] {strides = array<i32>} : memref<320x128xf32, #tpu.memory_space<vmem>>, vector<16xf32>,
        %get3A_788 = arith.index_cast %add3A_778 : i32 to index
        %get3A_789 = arith.constant 48 : index
        %get3A_790 = tpu.vector_load %arg13[%get3A_788, %get3A_789] {strides = array<i32>} : memref<320x128xf32, #tpu.memory_space<vmem>>, vector<16xf32>,
        %mul3A_791 = arith.mulf %get3A_679, %get3A_781 : vector<16xf32>
        %mul3A_792 = arith.mulf %get3A_682, %get3A_784 : vector<16xf32>
        %add3A_793 = arith.addf %mul3A_791, %mul3A_792 : vector<16xf32>
        %mul3A_794 = arith.mulf %get3A_685, %get3A_787 : vector<16xf32>
        %add3A_795 = arith.addf %add3A_793, %mul3A_794 : vector<16xf32>
        %mul3A_796 = arith.mulf %get3A_688, %get3A_790 : vector<16xf32>
        %add3A_797 = arith.addf %add3A_795, %mul3A_796 : vector<16xf32>
        %reduce_sum3A_798 = arith.constant true
        %reduce_sum3A_799 = vector.broadcast %reduce_sum3A_798 : i1 to vector<16xi1>
        %reduce_sum3A_800 = tpu.scan <sum>, %add3A_797 masked %reduce_sum3A_799 : vector<16xf32>, vector<16xi1> -> vector<16xf32>
        %reduce_sum3A_801 = vector.extract %reduce_sum3A_800[15] : f32 from vector<16xf32>
        %broadcast_in_dim3A_802 = vector.broadcast %reduce_sum3A_801 : f32 to vector<16xf32>
        %select_n3A_803 = arith.select %eq3A_703, %broadcast_in_dim3A_802, %select_n3A_614 : vector<16xi1>, vector<16xf32>
        %mul3A_804 = arith.constant 5 : i32
        %mul3A_805 = arith.muli %add3A_676, %mul3A_804 : i32
        %add3A_806 = arith.constant 3 : i32
        %add3A_807 = arith.addi %mul3A_805, %add3A_806 : i32
        %get3A_808 = arith.index_cast %add3A_807 : i32 to index
        %get3A_809 = arith.constant 0 : index
        %get3A_810 = tpu.vector_load %arg13[%get3A_808, %get3A_809] {strides = array<i32>} : memref<320x128xf32, #tpu.memory_space<vmem>>, vector<16xf32>,
        %get3A_811 = arith.index_cast %add3A_807 : i32 to index
        %get3A_812 = arith.constant 16 : index
        %get3A_813 = tpu.vector_load %arg13[%get3A_811, %get3A_812] {strides = array<i32>} : memref<320x128xf32, #tpu.memory_space<vmem>>, vector<16xf32>,
        %get3A_814 = arith.index_cast %add3A_807 : i32 to index
        %get3A_815 = arith.constant 32 : index
        %get3A_816 = tpu.vector_load %arg13[%get3A_814, %get3A_815] {strides = array<i32>} : memref<320x128xf32, #tpu.memory_space<vmem>>, vector<16xf32>,
        %get3A_817 = arith.index_cast %add3A_807 : i32 to index
        %get3A_818 = arith.constant 48 : index
        %get3A_819 = tpu.vector_load %arg13[%get3A_817, %get3A_818] {strides = array<i32>} : memref<320x128xf32, #tpu.memory_space<vmem>>, vector<16xf32>,
        %mul3A_820 = arith.mulf %get3A_679, %get3A_810 : vector<16xf32>
        %mul3A_821 = arith.mulf %get3A_682, %get3A_813 : vector<16xf32>
        %add3A_822 = arith.addf %mul3A_820, %mul3A_821 : vector<16xf32>
        %mul3A_823 = arith.mulf %get3A_685, %get3A_816 : vector<16xf32>
        %add3A_824 = arith.addf %add3A_822, %mul3A_823 : vector<16xf32>
        %mul3A_825 = arith.mulf %get3A_688, %get3A_819 : vector<16xf32>
        %add3A_826 = arith.addf %add3A_824, %mul3A_825 : vector<16xf32>
        %reduce_sum3A_827 = arith.constant true
        %reduce_sum3A_828 = vector.broadcast %reduce_sum3A_827 : i1 to vector<16xi1>
        %reduce_sum3A_829 = tpu.scan <sum>, %add3A_826 masked %reduce_sum3A_828 : vector<16xf32>, vector<16xi1> -> vector<16xf32>
        %reduce_sum3A_830 = vector.extract %reduce_sum3A_829[15] : f32 from vector<16xf32>
        %broadcast_in_dim3A_831 = vector.broadcast %reduce_sum3A_830 : f32 to vector<16xf32>
        %select_n3A_832 = arith.select %eq3A_703, %broadcast_in_dim3A_831, %select_n3A_643 : vector<16xi1>, vector<16xf32>
        %mul3A_833 = arith.constant 5 : i32
        %mul3A_834 = arith.muli %add3A_676, %mul3A_833 : i32
        %add3A_835 = arith.constant 4 : i32
        %add3A_836 = arith.addi %mul3A_834, %add3A_835 : i32
        %get3A_837 = arith.index_cast %add3A_836 : i32 to index
        %get3A_838 = arith.constant 0 : index
        %get3A_839 = tpu.vector_load %arg13[%get3A_837, %get3A_838] {strides = array<i32>} : memref<320x128xf32, #tpu.memory_space<vmem>>, vector<16xf32>,
        %get3A_840 = arith.index_cast %add3A_836 : i32 to index
        %get3A_841 = arith.constant 16 : index
        %get3A_842 = tpu.vector_load %arg13[%get3A_840, %get3A_841] {strides = array<i32>} : memref<320x128xf32, #tpu.memory_space<vmem>>, vector<16xf32>,
        %get3A_843 = arith.index_cast %add3A_836 : i32 to index
        %get3A_844 = arith.constant 32 : index
        %get3A_845 = tpu.vector_load %arg13[%get3A_843, %get3A_844] {strides = array<i32>} : memref<320x128xf32, #tpu.memory_space<vmem>>, vector<16xf32>,
        %get3A_846 = arith.index_cast %add3A_836 : i32 to index
        %get3A_847 = arith.constant 48 : index
        %get3A_848 = tpu.vector_load %arg13[%get3A_846, %get3A_847] {strides = array<i32>} : memref<320x128xf32, #tpu.memory_space<vmem>>, vector<16xf32>,
        %mul3A_849 = arith.mulf %get3A_679, %get3A_839 : vector<16xf32>
        %mul3A_850 = arith.mulf %get3A_682, %get3A_842 : vector<16xf32>
        %add3A_851 = arith.addf %mul3A_849, %mul3A_850 : vector<16xf32>
        %mul3A_852 = arith.mulf %get3A_685, %get3A_845 : vector<16xf32>
        %add3A_853 = arith.addf %add3A_851, %mul3A_852 : vector<16xf32>
        %mul3A_854 = arith.mulf %get3A_688, %get3A_848 : vector<16xf32>
        %add3A_855 = arith.addf %add3A_853, %mul3A_854 : vector<16xf32>
        %reduce_sum3A_856 = arith.constant true
        %reduce_sum3A_857 = vector.broadcast %reduce_sum3A_856 : i1 to vector<16xi1>
        %reduce_sum3A_858 = tpu.scan <sum>, %add3A_855 masked %reduce_sum3A_857 : vector<16xf32>, vector<16xi1> -> vector<16xf32>
        %reduce_sum3A_859 = vector.extract %reduce_sum3A_858[15] : f32 from vector<16xf32>
        %broadcast_in_dim3A_860 = vector.broadcast %reduce_sum3A_859 : f32 to vector<16xf32>
        %select_n3A_861 = arith.select %eq3A_703, %broadcast_in_dim3A_860, %select_n3A_672 : vector<16xi1>, vector<16xf32>
        %mul3A_862 = arith.constant 16 : i32
        %mul3A_863 = arith.muli %scan3A_93, %mul3A_862 : i32
        %add3A_864 = arith.constant 4 : i32
        %add3A_865 = arith.addi %mul3A_863, %add3A_864 : i32
        %get3A_866 = arith.index_cast %add3A_865 : i32 to index
        %get3A_867 = arith.constant 0 : index
        %get3A_868 = tpu.vector_load %arg11[%get3A_866, %get3A_867] {strides = array<i32>} : memref<64x128xf32, #tpu.memory_space<vmem>>, vector<16xf32>,
        %get3A_869 = arith.index_cast %add3A_865 : i32 to index
        %get3A_870 = arith.constant 16 : index
        %get3A_871 = tpu.vector_load %arg11[%get3A_869, %get3A_870] {strides = array<i32>} : memref<64x128xf32, #tpu.memory_space<vmem>>, vector<16xf32>,
        %get3A_872 = arith.index_cast %add3A_865 : i32 to index
        %get3A_873 = arith.constant 32 : index
        %get3A_874 = tpu.vector_load %arg11[%get3A_872, %get3A_873] {strides = array<i32>} : memref<64x128xf32, #tpu.memory_space<vmem>>, vector<16xf32>,
        %get3A_875 = arith.index_cast %add3A_865 : i32 to index
        %get3A_876 = arith.constant 48 : index
        %get3A_877 = tpu.vector_load %arg11[%get3A_875, %get3A_876] {strides = array<i32>} : memref<64x128xf32, #tpu.memory_space<vmem>>, vector<16xf32>,
        %get3A_878 = arith.index_cast %add3A_865 : i32 to index
        %get3A_879 = arith.constant 0 : index
        %get3A_880 = tpu.vector_load %arg12[%get3A_878, %get3A_879] {strides = array<i32>} : memref<64x128xf32, #tpu.memory_space<vmem>>, vector<16xf32>,
        %get3A_881 = arith.index_cast %add3A_865 : i32 to index
        %get3A_882 = arith.constant 16 : index
        %get3A_883 = tpu.vector_load %arg12[%get3A_881, %get3A_882] {strides = array<i32>} : memref<64x128xf32, #tpu.memory_space<vmem>>, vector<16xf32>,
        %get3A_884 = arith.index_cast %add3A_865 : i32 to index
        %get3A_885 = arith.constant 32 : index
        %get3A_886 = tpu.vector_load %arg12[%get3A_884, %get3A_885] {strides = array<i32>} : memref<64x128xf32, #tpu.memory_space<vmem>>, vector<16xf32>,
        %get3A_887 = arith.index_cast %add3A_865 : i32 to index
        %get3A_888 = arith.constant 48 : index
        %get3A_889 = tpu.vector_load %arg12[%get3A_887, %get3A_888] {strides = array<i32>} : memref<64x128xf32, #tpu.memory_space<vmem>>, vector<16xf32>,
        %eq3A_890 = arith.constant 4 : i32
        %eq3A_891 = vector.broadcast %eq3A_890 : i32 to vector<16xi32>
        %eq3A_892 = arith.cmpi eq, %iota3A, %eq3A_891 : vector<16xi32>
        %mul3A_893 = arith.mulf %get3A_868, %get3A_880 : vector<16xf32>
        %mul3A_894 = arith.mulf %get3A_871, %get3A_883 : vector<16xf32>
        %add3A_895 = arith.addf %mul3A_893, %mul3A_894 : vector<16xf32>
        %mul3A_896 = arith.mulf %get3A_874, %get3A_886 : vector<16xf32>
        %add3A_897 = arith.addf %add3A_895, %mul3A_896 : vector<16xf32>
        %mul3A_898 = arith.mulf %get3A_877, %get3A_889 : vector<16xf32>
        %add3A_899 = arith.addf %add3A_897, %mul3A_898 : vector<16xf32>
        %reduce_sum3A_900 = arith.constant true
        %reduce_sum3A_901 = vector.broadcast %reduce_sum3A_900 : i1 to vector<16xi1>
        %reduce_sum3A_902 = tpu.scan <sum>, %add3A_899 masked %reduce_sum3A_901 : vector<16xf32>, vector<16xi1> -> vector<16xf32>
        %reduce_sum3A_903 = vector.extract %reduce_sum3A_902[15] : f32 from vector<16xf32>
        %broadcast_in_dim3A_904 = vector.broadcast %reduce_sum3A_903 : f32 to vector<16xf32>
        %select_n3A_905 = arith.select %eq3A_892, %broadcast_in_dim3A_904, %select_n3A_716 : vector<16xi1>, vector<16xf32>
        %mul3A_906 = arith.constant 5 : i32
        %mul3A_907 = arith.muli %add3A_865, %mul3A_906 : i32
        %add3A_908 = arith.constant 0 : i32
        %add3A_909 = arith.addi %mul3A_907, %add3A_908 : i32
        %get3A_910 = arith.index_cast %add3A_909 : i32 to index
        %get3A_911 = arith.constant 0 : index
        %get3A_912 = tpu.vector_load %arg13[%get3A_910, %get3A_911] {strides = array<i32>} : memref<320x128xf32, #tpu.memory_space<vmem>>, vector<16xf32>,
        %get3A_913 = arith.index_cast %add3A_909 : i32 to index
        %get3A_914 = arith.constant 16 : index
        %get3A_915 = tpu.vector_load %arg13[%get3A_913, %get3A_914] {strides = array<i32>} : memref<320x128xf32, #tpu.memory_space<vmem>>, vector<16xf32>,
        %get3A_916 = arith.index_cast %add3A_909 : i32 to index
        %get3A_917 = arith.constant 32 : index
        %get3A_918 = tpu.vector_load %arg13[%get3A_916, %get3A_917] {strides = array<i32>} : memref<320x128xf32, #tpu.memory_space<vmem>>, vector<16xf32>,
        %get3A_919 = arith.index_cast %add3A_909 : i32 to index
        %get3A_920 = arith.constant 48 : index
        %get3A_921 = tpu.vector_load %arg13[%get3A_919, %get3A_920] {strides = array<i32>} : memref<320x128xf32, #tpu.memory_space<vmem>>, vector<16xf32>,
        %mul3A_922 = arith.mulf %get3A_868, %get3A_912 : vector<16xf32>
        %mul3A_923 = arith.mulf %get3A_871, %get3A_915 : vector<16xf32>
        %add3A_924 = arith.addf %mul3A_922, %mul3A_923 : vector<16xf32>
        %mul3A_925 = arith.mulf %get3A_874, %get3A_918 : vector<16xf32>
        %add3A_926 = arith.addf %add3A_924, %mul3A_925 : vector<16xf32>
        %mul3A_927 = arith.mulf %get3A_877, %get3A_921 : vector<16xf32>
        %add3A_928 = arith.addf %add3A_926, %mul3A_927 : vector<16xf32>
        %reduce_sum3A_929 = arith.constant true
        %reduce_sum3A_930 = vector.broadcast %reduce_sum3A_929 : i1 to vector<16xi1>
        %reduce_sum3A_931 = tpu.scan <sum>, %add3A_928 masked %reduce_sum3A_930 : vector<16xf32>, vector<16xi1> -> vector<16xf32>
        %reduce_sum3A_932 = vector.extract %reduce_sum3A_931[15] : f32 from vector<16xf32>
        %broadcast_in_dim3A_933 = vector.broadcast %reduce_sum3A_932 : f32 to vector<16xf32>
        %select_n3A_934 = arith.select %eq3A_892, %broadcast_in_dim3A_933, %select_n3A_745 : vector<16xi1>, vector<16xf32>
        %mul3A_935 = arith.constant 5 : i32
        %mul3A_936 = arith.muli %add3A_865, %mul3A_935 : i32
        %add3A_937 = arith.constant 1 : i32
        %add3A_938 = arith.addi %mul3A_936, %add3A_937 : i32
        %get3A_939 = arith.index_cast %add3A_938 : i32 to index
        %get3A_940 = arith.constant 0 : index
        %get3A_941 = tpu.vector_load %arg13[%get3A_939, %get3A_940] {strides = array<i32>} : memref<320x128xf32, #tpu.memory_space<vmem>>, vector<16xf32>,
        %get3A_942 = arith.index_cast %add3A_938 : i32 to index
        %get3A_943 = arith.constant 16 : index
        %get3A_944 = tpu.vector_load %arg13[%get3A_942, %get3A_943] {strides = array<i32>} : memref<320x128xf32, #tpu.memory_space<vmem>>, vector<16xf32>,
        %get3A_945 = arith.index_cast %add3A_938 : i32 to index
        %get3A_946 = arith.constant 32 : index
        %get3A_947 = tpu.vector_load %arg13[%get3A_945, %get3A_946] {strides = array<i32>} : memref<320x128xf32, #tpu.memory_space<vmem>>, vector<16xf32>,
        %get3A_948 = arith.index_cast %add3A_938 : i32 to index
        %get3A_949 = arith.constant 48 : index
        %get3A_950 = tpu.vector_load %arg13[%get3A_948, %get3A_949] {strides = array<i32>} : memref<320x128xf32, #tpu.memory_space<vmem>>, vector<16xf32>,
        %mul3A_951 = arith.mulf %get3A_868, %get3A_941 : vector<16xf32>
        %mul3A_952 = arith.mulf %get3A_871, %get3A_944 : vector<16xf32>
        %add3A_953 = arith.addf %mul3A_951, %mul3A_952 : vector<16xf32>
        %mul3A_954 = arith.mulf %get3A_874, %get3A_947 : vector<16xf32>
        %add3A_955 = arith.addf %add3A_953, %mul3A_954 : vector<16xf32>
        %mul3A_956 = arith.mulf %get3A_877, %get3A_950 : vector<16xf32>
        %add3A_957 = arith.addf %add3A_955, %mul3A_956 : vector<16xf32>
        %reduce_sum3A_958 = arith.constant true
        %reduce_sum3A_959 = vector.broadcast %reduce_sum3A_958 : i1 to vector<16xi1>
        %reduce_sum3A_960 = tpu.scan <sum>, %add3A_957 masked %reduce_sum3A_959 : vector<16xf32>, vector<16xi1> -> vector<16xf32>
        %reduce_sum3A_961 = vector.extract %reduce_sum3A_960[15] : f32 from vector<16xf32>
        %broadcast_in_dim3A_962 = vector.broadcast %reduce_sum3A_961 : f32 to vector<16xf32>
        %select_n3A_963 = arith.select %eq3A_892, %broadcast_in_dim3A_962, %select_n3A_774 : vector<16xi1>, vector<16xf32>
        %mul3A_964 = arith.constant 5 : i32
        %mul3A_965 = arith.muli %add3A_865, %mul3A_964 : i32
        %add3A_966 = arith.constant 2 : i32
        %add3A_967 = arith.addi %mul3A_965, %add3A_966 : i32
        %get3A_968 = arith.index_cast %add3A_967 : i32 to index
        %get3A_969 = arith.constant 0 : index
        %get3A_970 = tpu.vector_load %arg13[%get3A_968, %get3A_969] {strides = array<i32>} : memref<320x128xf32, #tpu.memory_space<vmem>>, vector<16xf32>,
        %get3A_971 = arith.index_cast %add3A_967 : i32 to index
        %get3A_972 = arith.constant 16 : index
        %get3A_973 = tpu.vector_load %arg13[%get3A_971, %get3A_972] {strides = array<i32>} : memref<320x128xf32, #tpu.memory_space<vmem>>, vector<16xf32>,
        %get3A_974 = arith.index_cast %add3A_967 : i32 to index
        %get3A_975 = arith.constant 32 : index
        %get3A_976 = tpu.vector_load %arg13[%get3A_974, %get3A_975] {strides = array<i32>} : memref<320x128xf32, #tpu.memory_space<vmem>>, vector<16xf32>,
        %get3A_977 = arith.index_cast %add3A_967 : i32 to index
        %get3A_978 = arith.constant 48 : index
        %get3A_979 = tpu.vector_load %arg13[%get3A_977, %get3A_978] {strides = array<i32>} : memref<320x128xf32, #tpu.memory_space<vmem>>, vector<16xf32>,
        %mul3A_980 = arith.mulf %get3A_868, %get3A_970 : vector<16xf32>
        %mul3A_981 = arith.mulf %get3A_871, %get3A_973 : vector<16xf32>
        %add3A_982 = arith.addf %mul3A_980, %mul3A_981 : vector<16xf32>
        %mul3A_983 = arith.mulf %get3A_874, %get3A_976 : vector<16xf32>
        %add3A_984 = arith.addf %add3A_982, %mul3A_983 : vector<16xf32>
        %mul3A_985 = arith.mulf %get3A_877, %get3A_979 : vector<16xf32>
        %add3A_986 = arith.addf %add3A_984, %mul3A_985 : vector<16xf32>
        %reduce_sum3A_987 = arith.constant true
        %reduce_sum3A_988 = vector.broadcast %reduce_sum3A_987 : i1 to vector<16xi1>
        %reduce_sum3A_989 = tpu.scan <sum>, %add3A_986 masked %reduce_sum3A_988 : vector<16xf32>, vector<16xi1> -> vector<16xf32>
        %reduce_sum3A_990 = vector.extract %reduce_sum3A_989[15] : f32 from vector<16xf32>
        %broadcast_in_dim3A_991 = vector.broadcast %reduce_sum3A_990 : f32 to vector<16xf32>
        %select_n3A_992 = arith.select %eq3A_892, %broadcast_in_dim3A_991, %select_n3A_803 : vector<16xi1>, vector<16xf32>
        %mul3A_993 = arith.constant 5 : i32
        %mul3A_994 = arith.muli %add3A_865, %mul3A_993 : i32
        %add3A_995 = arith.constant 3 : i32
        %add3A_996 = arith.addi %mul3A_994, %add3A_995 : i32
        %get3A_997 = arith.index_cast %add3A_996 : i32 to index
        %get3A_998 = arith.constant 0 : index
        %get3A_999 = tpu.vector_load %arg13[%get3A_997, %get3A_998] {strides = array<i32>} : memref<320x128xf32, #tpu.memory_space<vmem>>, vector<16xf32>,
        %get3A_1000 = arith.index_cast %add3A_996 : i32 to index
        %get3A_1001 = arith.constant 16 : index
        %get3A_1002 = tpu.vector_load %arg13[%get3A_1000, %get3A_1001] {strides = array<i32>} : memref<320x128xf32, #tpu.memory_space<vmem>>, vector<16xf32>,
        %get3A_1003 = arith.index_cast %add3A_996 : i32 to index
        %get3A_1004 = arith.constant 32 : index
        %get3A_1005 = tpu.vector_load %arg13[%get3A_1003, %get3A_1004] {strides = array<i32>} : memref<320x128xf32, #tpu.memory_space<vmem>>, vector<16xf32>,
        %get3A_1006 = arith.index_cast %add3A_996 : i32 to index
        %get3A_1007 = arith.constant 48 : index
        %get3A_1008 = tpu.vector_load %arg13[%get3A_1006, %get3A_1007] {strides = array<i32>} : memref<320x128xf32, #tpu.memory_space<vmem>>, vector<16xf32>,
        %mul3A_1009 = arith.mulf %get3A_868, %get3A_999 : vector<16xf32>
        %mul3A_1010 = arith.mulf %get3A_871, %get3A_1002 : vector<16xf32>
        %add3A_1011 = arith.addf %mul3A_1009, %mul3A_1010 : vector<16xf32>
        %mul3A_1012 = arith.mulf %get3A_874, %get3A_1005 : vector<16xf32>
        %add3A_1013 = arith.addf %add3A_1011, %mul3A_1012 : vector<16xf32>
        %mul3A_1014 = arith.mulf %get3A_877, %get3A_1008 : vector<16xf32>
        %add3A_1015 = arith.addf %add3A_1013, %mul3A_1014 : vector<16xf32>
        %reduce_sum3A_1016 = arith.constant true
        %reduce_sum3A_1017 = vector.broadcast %reduce_sum3A_1016 : i1 to vector<16xi1>
        %reduce_sum3A_1018 = tpu.scan <sum>, %add3A_1015 masked %reduce_sum3A_1017 : vector<16xf32>, vector<16xi1> -> vector<16xf32>
        %reduce_sum3A_1019 = vector.extract %reduce_sum3A_1018[15] : f32 from vector<16xf32>
        %broadcast_in_dim3A_1020 = vector.broadcast %reduce_sum3A_1019 : f32 to vector<16xf32>
        %select_n3A_1021 = arith.select %eq3A_892, %broadcast_in_dim3A_1020, %select_n3A_832 : vector<16xi1>, vector<16xf32>
        %mul3A_1022 = arith.constant 5 : i32
        %mul3A_1023 = arith.muli %add3A_865, %mul3A_1022 : i32
        %add3A_1024 = arith.constant 4 : i32
        %add3A_1025 = arith.addi %mul3A_1023, %add3A_1024 : i32
        %get3A_1026 = arith.index_cast %add3A_1025 : i32 to index
        %get3A_1027 = arith.constant 0 : index
        %get3A_1028 = tpu.vector_load %arg13[%get3A_1026, %get3A_1027] {strides = array<i32>} : memref<320x128xf32, #tpu.memory_space<vmem>>, vector<16xf32>,
        %get3A_1029 = arith.index_cast %add3A_1025 : i32 to index
        %get3A_1030 = arith.constant 16 : index
        %get3A_1031 = tpu.vector_load %arg13[%get3A_1029, %get3A_1030] {strides = array<i32>} : memref<320x128xf32, #tpu.memory_space<vmem>>, vector<16xf32>,
        %get3A_1032 = arith.index_cast %add3A_1025 : i32 to index
        %get3A_1033 = arith.constant 32 : index
        %get3A_1034 = tpu.vector_load %arg13[%get3A_1032, %get3A_1033] {strides = array<i32>} : memref<320x128xf32, #tpu.memory_space<vmem>>, vector<16xf32>,
        %get3A_1035 = arith.index_cast %add3A_1025 : i32 to index
        %get3A_1036 = arith.constant 48 : index
        %get3A_1037 = tpu.vector_load %arg13[%get3A_1035, %get3A_1036] {strides = array<i32>} : memref<320x128xf32, #tpu.memory_space<vmem>>, vector<16xf32>,
        %mul3A_1038 = arith.mulf %get3A_868, %get3A_1028 : vector<16xf32>
        %mul3A_1039 = arith.mulf %get3A_871, %get3A_1031 : vector<16xf32>
        %add3A_1040 = arith.addf %mul3A_1038, %mul3A_1039 : vector<16xf32>
        %mul3A_1041 = arith.mulf %get3A_874, %get3A_1034 : vector<16xf32>
        %add3A_1042 = arith.addf %add3A_1040, %mul3A_1041 : vector<16xf32>
        %mul3A_1043 = arith.mulf %get3A_877, %get3A_1037 : vector<16xf32>
        %add3A_1044 = arith.addf %add3A_1042, %mul3A_1043 : vector<16xf32>
        %reduce_sum3A_1045 = arith.constant true
        %reduce_sum3A_1046 = vector.broadcast %reduce_sum3A_1045 : i1 to vector<16xi1>
        %reduce_sum3A_1047 = tpu.scan <sum>, %add3A_1044 masked %reduce_sum3A_1046 : vector<16xf32>, vector<16xi1> -> vector<16xf32>
        %reduce_sum3A_1048 = vector.extract %reduce_sum3A_1047[15] : f32 from vector<16xf32>
        %broadcast_in_dim3A_1049 = vector.broadcast %reduce_sum3A_1048 : f32 to vector<16xf32>
        %select_n3A_1050 = arith.select %eq3A_892, %broadcast_in_dim3A_1049, %select_n3A_861 : vector<16xi1>, vector<16xf32>
        %mul3A_1051 = arith.constant 16 : i32
        %mul3A_1052 = arith.muli %scan3A_93, %mul3A_1051 : i32
        %add3A_1053 = arith.constant 5 : i32
        %add3A_1054 = arith.addi %mul3A_1052, %add3A_1053 : i32
        %get3A_1055 = arith.index_cast %add3A_1054 : i32 to index
        %get3A_1056 = arith.constant 0 : index
        %get3A_1057 = tpu.vector_load %arg11[%get3A_1055, %get3A_1056] {strides = array<i32>} : memref<64x128xf32, #tpu.memory_space<vmem>>, vector<16xf32>,
        %get3A_1058 = arith.index_cast %add3A_1054 : i32 to index
        %get3A_1059 = arith.constant 16 : index
        %get3A_1060 = tpu.vector_load %arg11[%get3A_1058, %get3A_1059] {strides = array<i32>} : memref<64x128xf32, #tpu.memory_space<vmem>>, vector<16xf32>,
        %get3A_1061 = arith.index_cast %add3A_1054 : i32 to index
        %get3A_1062 = arith.constant 32 : index
        %get3A_1063 = tpu.vector_load %arg11[%get3A_1061, %get3A_1062] {strides = array<i32>} : memref<64x128xf32, #tpu.memory_space<vmem>>, vector<16xf32>,
        %get3A_1064 = arith.index_cast %add3A_1054 : i32 to index
        %get3A_1065 = arith.constant 48 : index
        %get3A_1066 = tpu.vector_load %arg11[%get3A_1064, %get3A_1065] {strides = array<i32>} : memref<64x128xf32, #tpu.memory_space<vmem>>, vector<16xf32>,
        %get3A_1067 = arith.index_cast %add3A_1054 : i32 to index
        %get3A_1068 = arith.constant 0 : index
        %get3A_1069 = tpu.vector_load %arg12[%get3A_1067, %get3A_1068] {strides = array<i32>} : memref<64x128xf32, #tpu.memory_space<vmem>>, vector<16xf32>,
        %get3A_1070 = arith.index_cast %add3A_1054 : i32 to index
        %get3A_1071 = arith.constant 16 : index
        %get3A_1072 = tpu.vector_load %arg12[%get3A_1070, %get3A_1071] {strides = array<i32>} : memref<64x128xf32, #tpu.memory_space<vmem>>, vector<16xf32>,
        %get3A_1073 = arith.index_cast %add3A_1054 : i32 to index
        %get3A_1074 = arith.constant 32 : index
        %get3A_1075 = tpu.vector_load %arg12[%get3A_1073, %get3A_1074] {strides = array<i32>} : memref<64x128xf32, #tpu.memory_space<vmem>>, vector<16xf32>,
        %get3A_1076 = arith.index_cast %add3A_1054 : i32 to index
        %get3A_1077 = arith.constant 48 : index
        %get3A_1078 = tpu.vector_load %arg12[%get3A_1076, %get3A_1077] {strides = array<i32>} : memref<64x128xf32, #tpu.memory_space<vmem>>, vector<16xf32>,
        %eq3A_1079 = arith.constant 5 : i32
        %eq3A_1080 = vector.broadcast %eq3A_1079 : i32 to vector<16xi32>
        %eq3A_1081 = arith.cmpi eq, %iota3A, %eq3A_1080 : vector<16xi32>
        %mul3A_1082 = arith.mulf %get3A_1057, %get3A_1069 : vector<16xf32>
        %mul3A_1083 = arith.mulf %get3A_1060, %get3A_1072 : vector<16xf32>
        %add3A_1084 = arith.addf %mul3A_1082, %mul3A_1083 : vector<16xf32>
        %mul3A_1085 = arith.mulf %get3A_1063, %get3A_1075 : vector<16xf32>
        %add3A_1086 = arith.addf %add3A_1084, %mul3A_1085 : vector<16xf32>
        %mul3A_1087 = arith.mulf %get3A_1066, %get3A_1078 : vector<16xf32>
        %add3A_1088 = arith.addf %add3A_1086, %mul3A_1087 : vector<16xf32>
        %reduce_sum3A_1089 = arith.constant true
        %reduce_sum3A_1090 = vector.broadcast %reduce_sum3A_1089 : i1 to vector<16xi1>
        %reduce_sum3A_1091 = tpu.scan <sum>, %add3A_1088 masked %reduce_sum3A_1090 : vector<16xf32>, vector<16xi1> -> vector<16xf32>
        %reduce_sum3A_1092 = vector.extract %reduce_sum3A_1091[15] : f32 from vector<16xf32>
        %broadcast_in_dim3A_1093 = vector.broadcast %reduce_sum3A_1092 : f32 to vector<16xf32>
        %select_n3A_1094 = arith.select %eq3A_1081, %broadcast_in_dim3A_1093, %select_n3A_905 : vector<16xi1>, vector<16xf32>
        %mul3A_1095 = arith.constant 5 : i32
        %mul3A_1096 = arith.muli %add3A_1054, %mul3A_1095 : i32
        %add3A_1097 = arith.constant 0 : i32
        %add3A_1098 = arith.addi %mul3A_1096, %add3A_1097 : i32
        %get3A_1099 = arith.index_cast %add3A_1098 : i32 to index
        %get3A_1100 = arith.constant 0 : index
        %get3A_1101 = tpu.vector_load %arg13[%get3A_1099, %get3A_1100] {strides = array<i32>} : memref<320x128xf32, #tpu.memory_space<vmem>>, vector<16xf32>,
        %get3A_1102 = arith.index_cast %add3A_1098 : i32 to index
        %get3A_1103 = arith.constant 16 : index
        %get3A_1104 = tpu.vector_load %arg13[%get3A_1102, %get3A_1103] {strides = array<i32>} : memref<320x128xf32, #tpu.memory_space<vmem>>, vector<16xf32>,
        %get3A_1105 = arith.index_cast %add3A_1098 : i32 to index
        %get3A_1106 = arith.constant 32 : index
        %get3A_1107 = tpu.vector_load %arg13[%get3A_1105, %get3A_1106] {strides = array<i32>} : memref<320x128xf32, #tpu.memory_space<vmem>>, vector<16xf32>,
        %get3A_1108 = arith.index_cast %add3A_1098 : i32 to index
        %get3A_1109 = arith.constant 48 : index
        %get3A_1110 = tpu.vector_load %arg13[%get3A_1108, %get3A_1109] {strides = array<i32>} : memref<320x128xf32, #tpu.memory_space<vmem>>, vector<16xf32>,
        %mul3A_1111 = arith.mulf %get3A_1057, %get3A_1101 : vector<16xf32>
        %mul3A_1112 = arith.mulf %get3A_1060, %get3A_1104 : vector<16xf32>
        %add3A_1113 = arith.addf %mul3A_1111, %mul3A_1112 : vector<16xf32>
        %mul3A_1114 = arith.mulf %get3A_1063, %get3A_1107 : vector<16xf32>
        %add3A_1115 = arith.addf %add3A_1113, %mul3A_1114 : vector<16xf32>
        %mul3A_1116 = arith.mulf %get3A_1066, %get3A_1110 : vector<16xf32>
        %add3A_1117 = arith.addf %add3A_1115, %mul3A_1116 : vector<16xf32>
        %reduce_sum3A_1118 = arith.constant true
        %reduce_sum3A_1119 = vector.broadcast %reduce_sum3A_1118 : i1 to vector<16xi1>
        %reduce_sum3A_1120 = tpu.scan <sum>, %add3A_1117 masked %reduce_sum3A_1119 : vector<16xf32>, vector<16xi1> -> vector<16xf32>
        %reduce_sum3A_1121 = vector.extract %reduce_sum3A_1120[15] : f32 from vector<16xf32>
        %broadcast_in_dim3A_1122 = vector.broadcast %reduce_sum3A_1121 : f32 to vector<16xf32>
        %select_n3A_1123 = arith.select %eq3A_1081, %broadcast_in_dim3A_1122, %select_n3A_934 : vector<16xi1>, vector<16xf32>
        %mul3A_1124 = arith.constant 5 : i32
        %mul3A_1125 = arith.muli %add3A_1054, %mul3A_1124 : i32
        %add3A_1126 = arith.constant 1 : i32
        %add3A_1127 = arith.addi %mul3A_1125, %add3A_1126 : i32
        %get3A_1128 = arith.index_cast %add3A_1127 : i32 to index
        %get3A_1129 = arith.constant 0 : index
        %get3A_1130 = tpu.vector_load %arg13[%get3A_1128, %get3A_1129] {strides = array<i32>} : memref<320x128xf32, #tpu.memory_space<vmem>>, vector<16xf32>,
        %get3A_1131 = arith.index_cast %add3A_1127 : i32 to index
        %get3A_1132 = arith.constant 16 : index
        %get3A_1133 = tpu.vector_load %arg13[%get3A_1131, %get3A_1132] {strides = array<i32>} : memref<320x128xf32, #tpu.memory_space<vmem>>, vector<16xf32>,
        %get3A_1134 = arith.index_cast %add3A_1127 : i32 to index
        %get3A_1135 = arith.constant 32 : index
        %get3A_1136 = tpu.vector_load %arg13[%get3A_1134, %get3A_1135] {strides = array<i32>} : memref<320x128xf32, #tpu.memory_space<vmem>>, vector<16xf32>,
        %get3A_1137 = arith.index_cast %add3A_1127 : i32 to index
        %get3A_1138 = arith.constant 48 : index
        %get3A_1139 = tpu.vector_load %arg13[%get3A_1137, %get3A_1138] {strides = array<i32>} : memref<320x128xf32, #tpu.memory_space<vmem>>, vector<16xf32>,
        %mul3A_1140 = arith.mulf %get3A_1057, %get3A_1130 : vector<16xf32>
        %mul3A_1141 = arith.mulf %get3A_1060, %get3A_1133 : vector<16xf32>
        %add3A_1142 = arith.addf %mul3A_1140, %mul3A_1141 : vector<16xf32>
        %mul3A_1143 = arith.mulf %get3A_1063, %get3A_1136 : vector<16xf32>
        %add3A_1144 = arith.addf %add3A_1142, %mul3A_1143 : vector<16xf32>
        %mul3A_1145 = arith.mulf %get3A_1066, %get3A_1139 : vector<16xf32>
        %add3A_1146 = arith.addf %add3A_1144, %mul3A_1145 : vector<16xf32>
        %reduce_sum3A_1147 = arith.constant true
        %reduce_sum3A_1148 = vector.broadcast %reduce_sum3A_1147 : i1 to vector<16xi1>
        %reduce_sum3A_1149 = tpu.scan <sum>, %add3A_1146 masked %reduce_sum3A_1148 : vector<16xf32>, vector<16xi1> -> vector<16xf32>
        %reduce_sum3A_1150 = vector.extract %reduce_sum3A_1149[15] : f32 from vector<16xf32>
        %broadcast_in_dim3A_1151 = vector.broadcast %reduce_sum3A_1150 : f32 to vector<16xf32>
        %select_n3A_1152 = arith.select %eq3A_1081, %broadcast_in_dim3A_1151, %select_n3A_963 : vector<16xi1>, vector<16xf32>
        %mul3A_1153 = arith.constant 5 : i32
        %mul3A_1154 = arith.muli %add3A_1054, %mul3A_1153 : i32
        %add3A_1155 = arith.constant 2 : i32
        %add3A_1156 = arith.addi %mul3A_1154, %add3A_1155 : i32
        %get3A_1157 = arith.index_cast %add3A_1156 : i32 to index
        %get3A_1158 = arith.constant 0 : index
        %get3A_1159 = tpu.vector_load %arg13[%get3A_1157, %get3A_1158] {strides = array<i32>} : memref<320x128xf32, #tpu.memory_space<vmem>>, vector<16xf32>,
        %get3A_1160 = arith.index_cast %add3A_1156 : i32 to index
        %get3A_1161 = arith.constant 16 : index
        %get3A_1162 = tpu.vector_load %arg13[%get3A_1160, %get3A_1161] {strides = array<i32>} : memref<320x128xf32, #tpu.memory_space<vmem>>, vector<16xf32>,
        %get3A_1163 = arith.index_cast %add3A_1156 : i32 to index
        %get3A_1164 = arith.constant 32 : index
        %get3A_1165 = tpu.vector_load %arg13[%get3A_1163, %get3A_1164] {strides = array<i32>} : memref<320x128xf32, #tpu.memory_space<vmem>>, vector<16xf32>,
        %get3A_1166 = arith.index_cast %add3A_1156 : i32 to index
        %get3A_1167 = arith.constant 48 : index
        %get3A_1168 = tpu.vector_load %arg13[%get3A_1166, %get3A_1167] {strides = array<i32>} : memref<320x128xf32, #tpu.memory_space<vmem>>, vector<16xf32>,
        %mul3A_1169 = arith.mulf %get3A_1057, %get3A_1159 : vector<16xf32>
        %mul3A_1170 = arith.mulf %get3A_1060, %get3A_1162 : vector<16xf32>
        %add3A_1171 = arith.addf %mul3A_1169, %mul3A_1170 : vector<16xf32>
        %mul3A_1172 = arith.mulf %get3A_1063, %get3A_1165 : vector<16xf32>
        %add3A_1173 = arith.addf %add3A_1171, %mul3A_1172 : vector<16xf32>
        %mul3A_1174 = arith.mulf %get3A_1066, %get3A_1168 : vector<16xf32>
        %add3A_1175 = arith.addf %add3A_1173, %mul3A_1174 : vector<16xf32>
        %reduce_sum3A_1176 = arith.constant true
        %reduce_sum3A_1177 = vector.broadcast %reduce_sum3A_1176 : i1 to vector<16xi1>
        %reduce_sum3A_1178 = tpu.scan <sum>, %add3A_1175 masked %reduce_sum3A_1177 : vector<16xf32>, vector<16xi1> -> vector<16xf32>
        %reduce_sum3A_1179 = vector.extract %reduce_sum3A_1178[15] : f32 from vector<16xf32>
        %broadcast_in_dim3A_1180 = vector.broadcast %reduce_sum3A_1179 : f32 to vector<16xf32>
        %select_n3A_1181 = arith.select %eq3A_1081, %broadcast_in_dim3A_1180, %select_n3A_992 : vector<16xi1>, vector<16xf32>
        %mul3A_1182 = arith.constant 5 : i32
        %mul3A_1183 = arith.muli %add3A_1054, %mul3A_1182 : i32
        %add3A_1184 = arith.constant 3 : i32
        %add3A_1185 = arith.addi %mul3A_1183, %add3A_1184 : i32
        %get3A_1186 = arith.index_cast %add3A_1185 : i32 to index
        %get3A_1187 = arith.constant 0 : index
        %get3A_1188 = tpu.vector_load %arg13[%get3A_1186, %get3A_1187] {strides = array<i32>} : memref<320x128xf32, #tpu.memory_space<vmem>>, vector<16xf32>,
        %get3A_1189 = arith.index_cast %add3A_1185 : i32 to index
        %get3A_1190 = arith.constant 16 : index
        %get3A_1191 = tpu.vector_load %arg13[%get3A_1189, %get3A_1190] {strides = array<i32>} : memref<320x128xf32, #tpu.memory_space<vmem>>, vector<16xf32>,
        %get3A_1192 = arith.index_cast %add3A_1185 : i32 to index
        %get3A_1193 = arith.constant 32 : index
        %get3A_1194 = tpu.vector_load %arg13[%get3A_1192, %get3A_1193] {strides = array<i32>} : memref<320x128xf32, #tpu.memory_space<vmem>>, vector<16xf32>,
        %get3A_1195 = arith.index_cast %add3A_1185 : i32 to index
        %get3A_1196 = arith.constant 48 : index
        %get3A_1197 = tpu.vector_load %arg13[%get3A_1195, %get3A_1196] {strides = array<i32>} : memref<320x128xf32, #tpu.memory_space<vmem>>, vector<16xf32>,
        %mul3A_1198 = arith.mulf %get3A_1057, %get3A_1188 : vector<16xf32>
        %mul3A_1199 = arith.mulf %get3A_1060, %get3A_1191 : vector<16xf32>
        %add3A_1200 = arith.addf %mul3A_1198, %mul3A_1199 : vector<16xf32>
        %mul3A_1201 = arith.mulf %get3A_1063, %get3A_1194 : vector<16xf32>
        %add3A_1202 = arith.addf %add3A_1200, %mul3A_1201 : vector<16xf32>
        %mul3A_1203 = arith.mulf %get3A_1066, %get3A_1197 : vector<16xf32>
        %add3A_1204 = arith.addf %add3A_1202, %mul3A_1203 : vector<16xf32>
        %reduce_sum3A_1205 = arith.constant true
        %reduce_sum3A_1206 = vector.broadcast %reduce_sum3A_1205 : i1 to vector<16xi1>
        %reduce_sum3A_1207 = tpu.scan <sum>, %add3A_1204 masked %reduce_sum3A_1206 : vector<16xf32>, vector<16xi1> -> vector<16xf32>
        %reduce_sum3A_1208 = vector.extract %reduce_sum3A_1207[15] : f32 from vector<16xf32>
        %broadcast_in_dim3A_1209 = vector.broadcast %reduce_sum3A_1208 : f32 to vector<16xf32>
        %select_n3A_1210 = arith.select %eq3A_1081, %broadcast_in_dim3A_1209, %select_n3A_1021 : vector<16xi1>, vector<16xf32>
        %mul3A_1211 = arith.constant 5 : i32
        %mul3A_1212 = arith.muli %add3A_1054, %mul3A_1211 : i32
        %add3A_1213 = arith.constant 4 : i32
        %add3A_1214 = arith.addi %mul3A_1212, %add3A_1213 : i32
        %get3A_1215 = arith.index_cast %add3A_1214 : i32 to index
        %get3A_1216 = arith.constant 0 : index
        %get3A_1217 = tpu.vector_load %arg13[%get3A_1215, %get3A_1216] {strides = array<i32>} : memref<320x128xf32, #tpu.memory_space<vmem>>, vector<16xf32>,
        %get3A_1218 = arith.index_cast %add3A_1214 : i32 to index
        %get3A_1219 = arith.constant 16 : index
        %get3A_1220 = tpu.vector_load %arg13[%get3A_1218, %get3A_1219] {strides = array<i32>} : memref<320x128xf32, #tpu.memory_space<vmem>>, vector<16xf32>,
        %get3A_1221 = arith.index_cast %add3A_1214 : i32 to index
        %get3A_1222 = arith.constant 32 : index
        %get3A_1223 = tpu.vector_load %arg13[%get3A_1221, %get3A_1222] {strides = array<i32>} : memref<320x128xf32, #tpu.memory_space<vmem>>, vector<16xf32>,
        %get3A_1224 = arith.index_cast %add3A_1214 : i32 to index
        %get3A_1225 = arith.constant 48 : index
        %get3A_1226 = tpu.vector_load %arg13[%get3A_1224, %get3A_1225] {strides = array<i32>} : memref<320x128xf32, #tpu.memory_space<vmem>>, vector<16xf32>,
        %mul3A_1227 = arith.mulf %get3A_1057, %get3A_1217 : vector<16xf32>
        %mul3A_1228 = arith.mulf %get3A_1060, %get3A_1220 : vector<16xf32>
        %add3A_1229 = arith.addf %mul3A_1227, %mul3A_1228 : vector<16xf32>
        %mul3A_1230 = arith.mulf %get3A_1063, %get3A_1223 : vector<16xf32>
        %add3A_1231 = arith.addf %add3A_1229, %mul3A_1230 : vector<16xf32>
        %mul3A_1232 = arith.mulf %get3A_1066, %get3A_1226 : vector<16xf32>
        %add3A_1233 = arith.addf %add3A_1231, %mul3A_1232 : vector<16xf32>
        %reduce_sum3A_1234 = arith.constant true
        %reduce_sum3A_1235 = vector.broadcast %reduce_sum3A_1234 : i1 to vector<16xi1>
        %reduce_sum3A_1236 = tpu.scan <sum>, %add3A_1233 masked %reduce_sum3A_1235 : vector<16xf32>, vector<16xi1> -> vector<16xf32>
        %reduce_sum3A_1237 = vector.extract %reduce_sum3A_1236[15] : f32 from vector<16xf32>
        %broadcast_in_dim3A_1238 = vector.broadcast %reduce_sum3A_1237 : f32 to vector<16xf32>
        %select_n3A_1239 = arith.select %eq3A_1081, %broadcast_in_dim3A_1238, %select_n3A_1050 : vector<16xi1>, vector<16xf32>
        %mul3A_1240 = arith.constant 16 : i32
        %mul3A_1241 = arith.muli %scan3A_93, %mul3A_1240 : i32
        %add3A_1242 = arith.constant 6 : i32
        %add3A_1243 = arith.addi %mul3A_1241, %add3A_1242 : i32
        %get3A_1244 = arith.index_cast %add3A_1243 : i32 to index
        %get3A_1245 = arith.constant 0 : index
        %get3A_1246 = tpu.vector_load %arg11[%get3A_1244, %get3A_1245] {strides = array<i32>} : memref<64x128xf32, #tpu.memory_space<vmem>>, vector<16xf32>,
        %get3A_1247 = arith.index_cast %add3A_1243 : i32 to index
        %get3A_1248 = arith.constant 16 : index
        %get3A_1249 = tpu.vector_load %arg11[%get3A_1247, %get3A_1248] {strides = array<i32>} : memref<64x128xf32, #tpu.memory_space<vmem>>, vector<16xf32>,
        %get3A_1250 = arith.index_cast %add3A_1243 : i32 to index
        %get3A_1251 = arith.constant 32 : index
        %get3A_1252 = tpu.vector_load %arg11[%get3A_1250, %get3A_1251] {strides = array<i32>} : memref<64x128xf32, #tpu.memory_space<vmem>>, vector<16xf32>,
        %get3A_1253 = arith.index_cast %add3A_1243 : i32 to index
        %get3A_1254 = arith.constant 48 : index
        %get3A_1255 = tpu.vector_load %arg11[%get3A_1253, %get3A_1254] {strides = array<i32>} : memref<64x128xf32, #tpu.memory_space<vmem>>, vector<16xf32>,
        %get3A_1256 = arith.index_cast %add3A_1243 : i32 to index
        %get3A_1257 = arith.constant 0 : index
        %get3A_1258 = tpu.vector_load %arg12[%get3A_1256, %get3A_1257] {strides = array<i32>} : memref<64x128xf32, #tpu.memory_space<vmem>>, vector<16xf32>,
        %get3A_1259 = arith.index_cast %add3A_1243 : i32 to index
        %get3A_1260 = arith.constant 16 : index
        %get3A_1261 = tpu.vector_load %arg12[%get3A_1259, %get3A_1260] {strides = array<i32>} : memref<64x128xf32, #tpu.memory_space<vmem>>, vector<16xf32>,
        %get3A_1262 = arith.index_cast %add3A_1243 : i32 to index
        %get3A_1263 = arith.constant 32 : index
        %get3A_1264 = tpu.vector_load %arg12[%get3A_1262, %get3A_1263] {strides = array<i32>} : memref<64x128xf32, #tpu.memory_space<vmem>>, vector<16xf32>,
        %get3A_1265 = arith.index_cast %add3A_1243 : i32 to index
        %get3A_1266 = arith.constant 48 : index
        %get3A_1267 = tpu.vector_load %arg12[%get3A_1265, %get3A_1266] {strides = array<i32>} : memref<64x128xf32, #tpu.memory_space<vmem>>, vector<16xf32>,
        %eq3A_1268 = arith.constant 6 : i32
        %eq3A_1269 = vector.broadcast %eq3A_1268 : i32 to vector<16xi32>
        %eq3A_1270 = arith.cmpi eq, %iota3A, %eq3A_1269 : vector<16xi32>
        %mul3A_1271 = arith.mulf %get3A_1246, %get3A_1258 : vector<16xf32>
        %mul3A_1272 = arith.mulf %get3A_1249, %get3A_1261 : vector<16xf32>
        %add3A_1273 = arith.addf %mul3A_1271, %mul3A_1272 : vector<16xf32>
        %mul3A_1274 = arith.mulf %get3A_1252, %get3A_1264 : vector<16xf32>
        %add3A_1275 = arith.addf %add3A_1273, %mul3A_1274 : vector<16xf32>
        %mul3A_1276 = arith.mulf %get3A_1255, %get3A_1267 : vector<16xf32>
        %add3A_1277 = arith.addf %add3A_1275, %mul3A_1276 : vector<16xf32>
        %reduce_sum3A_1278 = arith.constant true
        %reduce_sum3A_1279 = vector.broadcast %reduce_sum3A_1278 : i1 to vector<16xi1>
        %reduce_sum3A_1280 = tpu.scan <sum>, %add3A_1277 masked %reduce_sum3A_1279 : vector<16xf32>, vector<16xi1> -> vector<16xf32>
        %reduce_sum3A_1281 = vector.extract %reduce_sum3A_1280[15] : f32 from vector<16xf32>
        %broadcast_in_dim3A_1282 = vector.broadcast %reduce_sum3A_1281 : f32 to vector<16xf32>
        %select_n3A_1283 = arith.select %eq3A_1270, %broadcast_in_dim3A_1282, %select_n3A_1094 : vector<16xi1>, vector<16xf32>
        %mul3A_1284 = arith.constant 5 : i32
        %mul3A_1285 = arith.muli %add3A_1243, %mul3A_1284 : i32
        %add3A_1286 = arith.constant 0 : i32
        %add3A_1287 = arith.addi %mul3A_1285, %add3A_1286 : i32
        %get3A_1288 = arith.index_cast %add3A_1287 : i32 to index
        %get3A_1289 = arith.constant 0 : index
        %get3A_1290 = tpu.vector_load %arg13[%get3A_1288, %get3A_1289] {strides = array<i32>} : memref<320x128xf32, #tpu.memory_space<vmem>>, vector<16xf32>,
        %get3A_1291 = arith.index_cast %add3A_1287 : i32 to index
        %get3A_1292 = arith.constant 16 : index
        %get3A_1293 = tpu.vector_load %arg13[%get3A_1291, %get3A_1292] {strides = array<i32>} : memref<320x128xf32, #tpu.memory_space<vmem>>, vector<16xf32>,
        %get3A_1294 = arith.index_cast %add3A_1287 : i32 to index
        %get3A_1295 = arith.constant 32 : index
        %get3A_1296 = tpu.vector_load %arg13[%get3A_1294, %get3A_1295] {strides = array<i32>} : memref<320x128xf32, #tpu.memory_space<vmem>>, vector<16xf32>,
        %get3A_1297 = arith.index_cast %add3A_1287 : i32 to index
        %get3A_1298 = arith.constant 48 : index
        %get3A_1299 = tpu.vector_load %arg13[%get3A_1297, %get3A_1298] {strides = array<i32>} : memref<320x128xf32, #tpu.memory_space<vmem>>, vector<16xf32>,
        %mul3A_1300 = arith.mulf %get3A_1246, %get3A_1290 : vector<16xf32>
        %mul3A_1301 = arith.mulf %get3A_1249, %get3A_1293 : vector<16xf32>
        %add3A_1302 = arith.addf %mul3A_1300, %mul3A_1301 : vector<16xf32>
        %mul3A_1303 = arith.mulf %get3A_1252, %get3A_1296 : vector<16xf32>
        %add3A_1304 = arith.addf %add3A_1302, %mul3A_1303 : vector<16xf32>
        %mul3A_1305 = arith.mulf %get3A_1255, %get3A_1299 : vector<16xf32>
        %add3A_1306 = arith.addf %add3A_1304, %mul3A_1305 : vector<16xf32>
        %reduce_sum3A_1307 = arith.constant true
        %reduce_sum3A_1308 = vector.broadcast %reduce_sum3A_1307 : i1 to vector<16xi1>
        %reduce_sum3A_1309 = tpu.scan <sum>, %add3A_1306 masked %reduce_sum3A_1308 : vector<16xf32>, vector<16xi1> -> vector<16xf32>
        %reduce_sum3A_1310 = vector.extract %reduce_sum3A_1309[15] : f32 from vector<16xf32>
        %broadcast_in_dim3A_1311 = vector.broadcast %reduce_sum3A_1310 : f32 to vector<16xf32>
        %select_n3A_1312 = arith.select %eq3A_1270, %broadcast_in_dim3A_1311, %select_n3A_1123 : vector<16xi1>, vector<16xf32>
        %mul3A_1313 = arith.constant 5 : i32
        %mul3A_1314 = arith.muli %add3A_1243, %mul3A_1313 : i32
        %add3A_1315 = arith.constant 1 : i32
        %add3A_1316 = arith.addi %mul3A_1314, %add3A_1315 : i32
        %get3A_1317 = arith.index_cast %add3A_1316 : i32 to index
        %get3A_1318 = arith.constant 0 : index
        %get3A_1319 = tpu.vector_load %arg13[%get3A_1317, %get3A_1318] {strides = array<i32>} : memref<320x128xf32, #tpu.memory_space<vmem>>, vector<16xf32>,
        %get3A_1320 = arith.index_cast %add3A_1316 : i32 to index
        %get3A_1321 = arith.constant 16 : index
        %get3A_1322 = tpu.vector_load %arg13[%get3A_1320, %get3A_1321] {strides = array<i32>} : memref<320x128xf32, #tpu.memory_space<vmem>>, vector<16xf32>,
        %get3A_1323 = arith.index_cast %add3A_1316 : i32 to index
        %get3A_1324 = arith.constant 32 : index
        %get3A_1325 = tpu.vector_load %arg13[%get3A_1323, %get3A_1324] {strides = array<i32>} : memref<320x128xf32, #tpu.memory_space<vmem>>, vector<16xf32>,
        %get3A_1326 = arith.index_cast %add3A_1316 : i32 to index
        %get3A_1327 = arith.constant 48 : index
        %get3A_1328 = tpu.vector_load %arg13[%get3A_1326, %get3A_1327] {strides = array<i32>} : memref<320x128xf32, #tpu.memory_space<vmem>>, vector<16xf32>,
        %mul3A_1329 = arith.mulf %get3A_1246, %get3A_1319 : vector<16xf32>
        %mul3A_1330 = arith.mulf %get3A_1249, %get3A_1322 : vector<16xf32>
        %add3A_1331 = arith.addf %mul3A_1329, %mul3A_1330 : vector<16xf32>
        %mul3A_1332 = arith.mulf %get3A_1252, %get3A_1325 : vector<16xf32>
        %add3A_1333 = arith.addf %add3A_1331, %mul3A_1332 : vector<16xf32>
        %mul3A_1334 = arith.mulf %get3A_1255, %get3A_1328 : vector<16xf32>
        %add3A_1335 = arith.addf %add3A_1333, %mul3A_1334 : vector<16xf32>
        %reduce_sum3A_1336 = arith.constant true
        %reduce_sum3A_1337 = vector.broadcast %reduce_sum3A_1336 : i1 to vector<16xi1>
        %reduce_sum3A_1338 = tpu.scan <sum>, %add3A_1335 masked %reduce_sum3A_1337 : vector<16xf32>, vector<16xi1> -> vector<16xf32>
        %reduce_sum3A_1339 = vector.extract %reduce_sum3A_1338[15] : f32 from vector<16xf32>
        %broadcast_in_dim3A_1340 = vector.broadcast %reduce_sum3A_1339 : f32 to vector<16xf32>
        %select_n3A_1341 = arith.select %eq3A_1270, %broadcast_in_dim3A_1340, %select_n3A_1152 : vector<16xi1>, vector<16xf32>
        %mul3A_1342 = arith.constant 5 : i32
        %mul3A_1343 = arith.muli %add3A_1243, %mul3A_1342 : i32
        %add3A_1344 = arith.constant 2 : i32
        %add3A_1345 = arith.addi %mul3A_1343, %add3A_1344 : i32
        %get3A_1346 = arith.index_cast %add3A_1345 : i32 to index
        %get3A_1347 = arith.constant 0 : index
        %get3A_1348 = tpu.vector_load %arg13[%get3A_1346, %get3A_1347] {strides = array<i32>} : memref<320x128xf32, #tpu.memory_space<vmem>>, vector<16xf32>,
        %get3A_1349 = arith.index_cast %add3A_1345 : i32 to index
        %get3A_1350 = arith.constant 16 : index
        %get3A_1351 = tpu.vector_load %arg13[%get3A_1349, %get3A_1350] {strides = array<i32>} : memref<320x128xf32, #tpu.memory_space<vmem>>, vector<16xf32>,
        %get3A_1352 = arith.index_cast %add3A_1345 : i32 to index
        %get3A_1353 = arith.constant 32 : index
        %get3A_1354 = tpu.vector_load %arg13[%get3A_1352, %get3A_1353] {strides = array<i32>} : memref<320x128xf32, #tpu.memory_space<vmem>>, vector<16xf32>,
        %get3A_1355 = arith.index_cast %add3A_1345 : i32 to index
        %get3A_1356 = arith.constant 48 : index
        %get3A_1357 = tpu.vector_load %arg13[%get3A_1355, %get3A_1356] {strides = array<i32>} : memref<320x128xf32, #tpu.memory_space<vmem>>, vector<16xf32>,
        %mul3A_1358 = arith.mulf %get3A_1246, %get3A_1348 : vector<16xf32>
        %mul3A_1359 = arith.mulf %get3A_1249, %get3A_1351 : vector<16xf32>
        %add3A_1360 = arith.addf %mul3A_1358, %mul3A_1359 : vector<16xf32>
        %mul3A_1361 = arith.mulf %get3A_1252, %get3A_1354 : vector<16xf32>
        %add3A_1362 = arith.addf %add3A_1360, %mul3A_1361 : vector<16xf32>
        %mul3A_1363 = arith.mulf %get3A_1255, %get3A_1357 : vector<16xf32>
        %add3A_1364 = arith.addf %add3A_1362, %mul3A_1363 : vector<16xf32>
        %reduce_sum3A_1365 = arith.constant true
        %reduce_sum3A_1366 = vector.broadcast %reduce_sum3A_1365 : i1 to vector<16xi1>
        %reduce_sum3A_1367 = tpu.scan <sum>, %add3A_1364 masked %reduce_sum3A_1366 : vector<16xf32>, vector<16xi1> -> vector<16xf32>
        %reduce_sum3A_1368 = vector.extract %reduce_sum3A_1367[15] : f32 from vector<16xf32>
        %broadcast_in_dim3A_1369 = vector.broadcast %reduce_sum3A_1368 : f32 to vector<16xf32>
        %select_n3A_1370 = arith.select %eq3A_1270, %broadcast_in_dim3A_1369, %select_n3A_1181 : vector<16xi1>, vector<16xf32>
        %mul3A_1371 = arith.constant 5 : i32
        %mul3A_1372 = arith.muli %add3A_1243, %mul3A_1371 : i32
        %add3A_1373 = arith.constant 3 : i32
        %add3A_1374 = arith.addi %mul3A_1372, %add3A_1373 : i32
        %get3A_1375 = arith.index_cast %add3A_1374 : i32 to index
        %get3A_1376 = arith.constant 0 : index
        %get3A_1377 = tpu.vector_load %arg13[%get3A_1375, %get3A_1376] {strides = array<i32>} : memref<320x128xf32, #tpu.memory_space<vmem>>, vector<16xf32>,
        %get3A_1378 = arith.index_cast %add3A_1374 : i32 to index
        %get3A_1379 = arith.constant 16 : index
        %get3A_1380 = tpu.vector_load %arg13[%get3A_1378, %get3A_1379] {strides = array<i32>} : memref<320x128xf32, #tpu.memory_space<vmem>>, vector<16xf32>,
        %get3A_1381 = arith.index_cast %add3A_1374 : i32 to index
        %get3A_1382 = arith.constant 32 : index
        %get3A_1383 = tpu.vector_load %arg13[%get3A_1381, %get3A_1382] {strides = array<i32>} : memref<320x128xf32, #tpu.memory_space<vmem>>, vector<16xf32>,
        %get3A_1384 = arith.index_cast %add3A_1374 : i32 to index
        %get3A_1385 = arith.constant 48 : index
        %get3A_1386 = tpu.vector_load %arg13[%get3A_1384, %get3A_1385] {strides = array<i32>} : memref<320x128xf32, #tpu.memory_space<vmem>>, vector<16xf32>,
        %mul3A_1387 = arith.mulf %get3A_1246, %get3A_1377 : vector<16xf32>
        %mul3A_1388 = arith.mulf %get3A_1249, %get3A_1380 : vector<16xf32>
        %add3A_1389 = arith.addf %mul3A_1387, %mul3A_1388 : vector<16xf32>
        %mul3A_1390 = arith.mulf %get3A_1252, %get3A_1383 : vector<16xf32>
        %add3A_1391 = arith.addf %add3A_1389, %mul3A_1390 : vector<16xf32>
        %mul3A_1392 = arith.mulf %get3A_1255, %get3A_1386 : vector<16xf32>
        %add3A_1393 = arith.addf %add3A_1391, %mul3A_1392 : vector<16xf32>
        %reduce_sum3A_1394 = arith.constant true
        %reduce_sum3A_1395 = vector.broadcast %reduce_sum3A_1394 : i1 to vector<16xi1>
        %reduce_sum3A_1396 = tpu.scan <sum>, %add3A_1393 masked %reduce_sum3A_1395 : vector<16xf32>, vector<16xi1> -> vector<16xf32>
        %reduce_sum3A_1397 = vector.extract %reduce_sum3A_1396[15] : f32 from vector<16xf32>
        %broadcast_in_dim3A_1398 = vector.broadcast %reduce_sum3A_1397 : f32 to vector<16xf32>
        %select_n3A_1399 = arith.select %eq3A_1270, %broadcast_in_dim3A_1398, %select_n3A_1210 : vector<16xi1>, vector<16xf32>
        %mul3A_1400 = arith.constant 5 : i32
        %mul3A_1401 = arith.muli %add3A_1243, %mul3A_1400 : i32
        %add3A_1402 = arith.constant 4 : i32
        %add3A_1403 = arith.addi %mul3A_1401, %add3A_1402 : i32
        %get3A_1404 = arith.index_cast %add3A_1403 : i32 to index
        %get3A_1405 = arith.constant 0 : index
        %get3A_1406 = tpu.vector_load %arg13[%get3A_1404, %get3A_1405] {strides = array<i32>} : memref<320x128xf32, #tpu.memory_space<vmem>>, vector<16xf32>,
        %get3A_1407 = arith.index_cast %add3A_1403 : i32 to index
        %get3A_1408 = arith.constant 16 : index
        %get3A_1409 = tpu.vector_load %arg13[%get3A_1407, %get3A_1408] {strides = array<i32>} : memref<320x128xf32, #tpu.memory_space<vmem>>, vector<16xf32>,
        %get3A_1410 = arith.index_cast %add3A_1403 : i32 to index
        %get3A_1411 = arith.constant 32 : index
        %get3A_1412 = tpu.vector_load %arg13[%get3A_1410, %get3A_1411] {strides = array<i32>} : memref<320x128xf32, #tpu.memory_space<vmem>>, vector<16xf32>,
        %get3A_1413 = arith.index_cast %add3A_1403 : i32 to index
        %get3A_1414 = arith.constant 48 : index
        %get3A_1415 = tpu.vector_load %arg13[%get3A_1413, %get3A_1414] {strides = array<i32>} : memref<320x128xf32, #tpu.memory_space<vmem>>, vector<16xf32>,
        %mul3A_1416 = arith.mulf %get3A_1246, %get3A_1406 : vector<16xf32>
        %mul3A_1417 = arith.mulf %get3A_1249, %get3A_1409 : vector<16xf32>
        %add3A_1418 = arith.addf %mul3A_1416, %mul3A_1417 : vector<16xf32>
        %mul3A_1419 = arith.mulf %get3A_1252, %get3A_1412 : vector<16xf32>
        %add3A_1420 = arith.addf %add3A_1418, %mul3A_1419 : vector<16xf32>
        %mul3A_1421 = arith.mulf %get3A_1255, %get3A_1415 : vector<16xf32>
        %add3A_1422 = arith.addf %add3A_1420, %mul3A_1421 : vector<16xf32>
        %reduce_sum3A_1423 = arith.constant true
        %reduce_sum3A_1424 = vector.broadcast %reduce_sum3A_1423 : i1 to vector<16xi1>
        %reduce_sum3A_1425 = tpu.scan <sum>, %add3A_1422 masked %reduce_sum3A_1424 : vector<16xf32>, vector<16xi1> -> vector<16xf32>
        %reduce_sum3A_1426 = vector.extract %reduce_sum3A_1425[15] : f32 from vector<16xf32>
        %broadcast_in_dim3A_1427 = vector.broadcast %reduce_sum3A_1426 : f32 to vector<16xf32>
        %select_n3A_1428 = arith.select %eq3A_1270, %broadcast_in_dim3A_1427, %select_n3A_1239 : vector<16xi1>, vector<16xf32>
        %mul3A_1429 = arith.constant 16 : i32
        %mul3A_1430 = arith.muli %scan3A_93, %mul3A_1429 : i32
        %add3A_1431 = arith.constant 7 : i32
        %add3A_1432 = arith.addi %mul3A_1430, %add3A_1431 : i32
        %get3A_1433 = arith.index_cast %add3A_1432 : i32 to index
        %get3A_1434 = arith.constant 0 : index
        %get3A_1435 = tpu.vector_load %arg11[%get3A_1433, %get3A_1434] {strides = array<i32>} : memref<64x128xf32, #tpu.memory_space<vmem>>, vector<16xf32>,
        %get3A_1436 = arith.index_cast %add3A_1432 : i32 to index
        %get3A_1437 = arith.constant 16 : index
        %get3A_1438 = tpu.vector_load %arg11[%get3A_1436, %get3A_1437] {strides = array<i32>} : memref<64x128xf32, #tpu.memory_space<vmem>>, vector<16xf32>,
        %get3A_1439 = arith.index_cast %add3A_1432 : i32 to index
        %get3A_1440 = arith.constant 32 : index
        %get3A_1441 = tpu.vector_load %arg11[%get3A_1439, %get3A_1440] {strides = array<i32>} : memref<64x128xf32, #tpu.memory_space<vmem>>, vector<16xf32>,
        %get3A_1442 = arith.index_cast %add3A_1432 : i32 to index
        %get3A_1443 = arith.constant 48 : index
        %get3A_1444 = tpu.vector_load %arg11[%get3A_1442, %get3A_1443] {strides = array<i32>} : memref<64x128xf32, #tpu.memory_space<vmem>>, vector<16xf32>,
        %get3A_1445 = arith.index_cast %add3A_1432 : i32 to index
        %get3A_1446 = arith.constant 0 : index
        %get3A_1447 = tpu.vector_load %arg12[%get3A_1445, %get3A_1446] {strides = array<i32>} : memref<64x128xf32, #tpu.memory_space<vmem>>, vector<16xf32>,
        %get3A_1448 = arith.index_cast %add3A_1432 : i32 to index
        %get3A_1449 = arith.constant 16 : index
        %get3A_1450 = tpu.vector_load %arg12[%get3A_1448, %get3A_1449] {strides = array<i32>} : memref<64x128xf32, #tpu.memory_space<vmem>>, vector<16xf32>,
        %get3A_1451 = arith.index_cast %add3A_1432 : i32 to index
        %get3A_1452 = arith.constant 32 : index
        %get3A_1453 = tpu.vector_load %arg12[%get3A_1451, %get3A_1452] {strides = array<i32>} : memref<64x128xf32, #tpu.memory_space<vmem>>, vector<16xf32>,
        %get3A_1454 = arith.index_cast %add3A_1432 : i32 to index
        %get3A_1455 = arith.constant 48 : index
        %get3A_1456 = tpu.vector_load %arg12[%get3A_1454, %get3A_1455] {strides = array<i32>} : memref<64x128xf32, #tpu.memory_space<vmem>>, vector<16xf32>,
        %eq3A_1457 = arith.constant 7 : i32
        %eq3A_1458 = vector.broadcast %eq3A_1457 : i32 to vector<16xi32>
        %eq3A_1459 = arith.cmpi eq, %iota3A, %eq3A_1458 : vector<16xi32>
        %mul3A_1460 = arith.mulf %get3A_1435, %get3A_1447 : vector<16xf32>
        %mul3A_1461 = arith.mulf %get3A_1438, %get3A_1450 : vector<16xf32>
        %add3A_1462 = arith.addf %mul3A_1460, %mul3A_1461 : vector<16xf32>
        %mul3A_1463 = arith.mulf %get3A_1441, %get3A_1453 : vector<16xf32>
        %add3A_1464 = arith.addf %add3A_1462, %mul3A_1463 : vector<16xf32>
        %mul3A_1465 = arith.mulf %get3A_1444, %get3A_1456 : vector<16xf32>
        %add3A_1466 = arith.addf %add3A_1464, %mul3A_1465 : vector<16xf32>
        %reduce_sum3A_1467 = arith.constant true
        %reduce_sum3A_1468 = vector.broadcast %reduce_sum3A_1467 : i1 to vector<16xi1>
        %reduce_sum3A_1469 = tpu.scan <sum>, %add3A_1466 masked %reduce_sum3A_1468 : vector<16xf32>, vector<16xi1> -> vector<16xf32>
        %reduce_sum3A_1470 = vector.extract %reduce_sum3A_1469[15] : f32 from vector<16xf32>
        %broadcast_in_dim3A_1471 = vector.broadcast %reduce_sum3A_1470 : f32 to vector<16xf32>
        %select_n3A_1472 = arith.select %eq3A_1459, %broadcast_in_dim3A_1471, %select_n3A_1283 : vector<16xi1>, vector<16xf32>
        %mul3A_1473 = arith.constant 5 : i32
        %mul3A_1474 = arith.muli %add3A_1432, %mul3A_1473 : i32
        %add3A_1475 = arith.constant 0 : i32
        %add3A_1476 = arith.addi %mul3A_1474, %add3A_1475 : i32
        %get3A_1477 = arith.index_cast %add3A_1476 : i32 to index
        %get3A_1478 = arith.constant 0 : index
        %get3A_1479 = tpu.vector_load %arg13[%get3A_1477, %get3A_1478] {strides = array<i32>} : memref<320x128xf32, #tpu.memory_space<vmem>>, vector<16xf32>,
        %get3A_1480 = arith.index_cast %add3A_1476 : i32 to index
        %get3A_1481 = arith.constant 16 : index
        %get3A_1482 = tpu.vector_load %arg13[%get3A_1480, %get3A_1481] {strides = array<i32>} : memref<320x128xf32, #tpu.memory_space<vmem>>, vector<16xf32>,
        %get3A_1483 = arith.index_cast %add3A_1476 : i32 to index
        %get3A_1484 = arith.constant 32 : index
        %get3A_1485 = tpu.vector_load %arg13[%get3A_1483, %get3A_1484] {strides = array<i32>} : memref<320x128xf32, #tpu.memory_space<vmem>>, vector<16xf32>,
        %get3A_1486 = arith.index_cast %add3A_1476 : i32 to index
        %get3A_1487 = arith.constant 48 : index
        %get3A_1488 = tpu.vector_load %arg13[%get3A_1486, %get3A_1487] {strides = array<i32>} : memref<320x128xf32, #tpu.memory_space<vmem>>, vector<16xf32>,
        %mul3A_1489 = arith.mulf %get3A_1435, %get3A_1479 : vector<16xf32>
        %mul3A_1490 = arith.mulf %get3A_1438, %get3A_1482 : vector<16xf32>
        %add3A_1491 = arith.addf %mul3A_1489, %mul3A_1490 : vector<16xf32>
        %mul3A_1492 = arith.mulf %get3A_1441, %get3A_1485 : vector<16xf32>
        %add3A_1493 = arith.addf %add3A_1491, %mul3A_1492 : vector<16xf32>
        %mul3A_1494 = arith.mulf %get3A_1444, %get3A_1488 : vector<16xf32>
        %add3A_1495 = arith.addf %add3A_1493, %mul3A_1494 : vector<16xf32>
        %reduce_sum3A_1496 = arith.constant true
        %reduce_sum3A_1497 = vector.broadcast %reduce_sum3A_1496 : i1 to vector<16xi1>
        %reduce_sum3A_1498 = tpu.scan <sum>, %add3A_1495 masked %reduce_sum3A_1497 : vector<16xf32>, vector<16xi1> -> vector<16xf32>
        %reduce_sum3A_1499 = vector.extract %reduce_sum3A_1498[15] : f32 from vector<16xf32>
        %broadcast_in_dim3A_1500 = vector.broadcast %reduce_sum3A_1499 : f32 to vector<16xf32>
        %select_n3A_1501 = arith.select %eq3A_1459, %broadcast_in_dim3A_1500, %select_n3A_1312 : vector<16xi1>, vector<16xf32>
        %mul3A_1502 = arith.constant 5 : i32
        %mul3A_1503 = arith.muli %add3A_1432, %mul3A_1502 : i32
        %add3A_1504 = arith.constant 1 : i32
        %add3A_1505 = arith.addi %mul3A_1503, %add3A_1504 : i32
        %get3A_1506 = arith.index_cast %add3A_1505 : i32 to index
        %get3A_1507 = arith.constant 0 : index
        %get3A_1508 = tpu.vector_load %arg13[%get3A_1506, %get3A_1507] {strides = array<i32>} : memref<320x128xf32, #tpu.memory_space<vmem>>, vector<16xf32>,
        %get3A_1509 = arith.index_cast %add3A_1505 : i32 to index
        %get3A_1510 = arith.constant 16 : index
        %get3A_1511 = tpu.vector_load %arg13[%get3A_1509, %get3A_1510] {strides = array<i32>} : memref<320x128xf32, #tpu.memory_space<vmem>>, vector<16xf32>,
        %get3A_1512 = arith.index_cast %add3A_1505 : i32 to index
        %get3A_1513 = arith.constant 32 : index
        %get3A_1514 = tpu.vector_load %arg13[%get3A_1512, %get3A_1513] {strides = array<i32>} : memref<320x128xf32, #tpu.memory_space<vmem>>, vector<16xf32>,
        %get3A_1515 = arith.index_cast %add3A_1505 : i32 to index
        %get3A_1516 = arith.constant 48 : index
        %get3A_1517 = tpu.vector_load %arg13[%get3A_1515, %get3A_1516] {strides = array<i32>} : memref<320x128xf32, #tpu.memory_space<vmem>>, vector<16xf32>,
        %mul3A_1518 = arith.mulf %get3A_1435, %get3A_1508 : vector<16xf32>
        %mul3A_1519 = arith.mulf %get3A_1438, %get3A_1511 : vector<16xf32>
        %add3A_1520 = arith.addf %mul3A_1518, %mul3A_1519 : vector<16xf32>
        %mul3A_1521 = arith.mulf %get3A_1441, %get3A_1514 : vector<16xf32>
        %add3A_1522 = arith.addf %add3A_1520, %mul3A_1521 : vector<16xf32>
        %mul3A_1523 = arith.mulf %get3A_1444, %get3A_1517 : vector<16xf32>
        %add3A_1524 = arith.addf %add3A_1522, %mul3A_1523 : vector<16xf32>
        %reduce_sum3A_1525 = arith.constant true
        %reduce_sum3A_1526 = vector.broadcast %reduce_sum3A_1525 : i1 to vector<16xi1>
        %reduce_sum3A_1527 = tpu.scan <sum>, %add3A_1524 masked %reduce_sum3A_1526 : vector<16xf32>, vector<16xi1> -> vector<16xf32>
        %reduce_sum3A_1528 = vector.extract %reduce_sum3A_1527[15] : f32 from vector<16xf32>
        %broadcast_in_dim3A_1529 = vector.broadcast %reduce_sum3A_1528 : f32 to vector<16xf32>
        %select_n3A_1530 = arith.select %eq3A_1459, %broadcast_in_dim3A_1529, %select_n3A_1341 : vector<16xi1>, vector<16xf32>
        %mul3A_1531 = arith.constant 5 : i32
        %mul3A_1532 = arith.muli %add3A_1432, %mul3A_1531 : i32
        %add3A_1533 = arith.constant 2 : i32
        %add3A_1534 = arith.addi %mul3A_1532, %add3A_1533 : i32
        %get3A_1535 = arith.index_cast %add3A_1534 : i32 to index
        %get3A_1536 = arith.constant 0 : index
        %get3A_1537 = tpu.vector_load %arg13[%get3A_1535, %get3A_1536] {strides = array<i32>} : memref<320x128xf32, #tpu.memory_space<vmem>>, vector<16xf32>,
        %get3A_1538 = arith.index_cast %add3A_1534 : i32 to index
        %get3A_1539 = arith.constant 16 : index
        %get3A_1540 = tpu.vector_load %arg13[%get3A_1538, %get3A_1539] {strides = array<i32>} : memref<320x128xf32, #tpu.memory_space<vmem>>, vector<16xf32>,
        %get3A_1541 = arith.index_cast %add3A_1534 : i32 to index
        %get3A_1542 = arith.constant 32 : index
        %get3A_1543 = tpu.vector_load %arg13[%get3A_1541, %get3A_1542] {strides = array<i32>} : memref<320x128xf32, #tpu.memory_space<vmem>>, vector<16xf32>,
        %get3A_1544 = arith.index_cast %add3A_1534 : i32 to index
        %get3A_1545 = arith.constant 48 : index
        %get3A_1546 = tpu.vector_load %arg13[%get3A_1544, %get3A_1545] {strides = array<i32>} : memref<320x128xf32, #tpu.memory_space<vmem>>, vector<16xf32>,
        %mul3A_1547 = arith.mulf %get3A_1435, %get3A_1537 : vector<16xf32>
        %mul3A_1548 = arith.mulf %get3A_1438, %get3A_1540 : vector<16xf32>
        %add3A_1549 = arith.addf %mul3A_1547, %mul3A_1548 : vector<16xf32>
        %mul3A_1550 = arith.mulf %get3A_1441, %get3A_1543 : vector<16xf32>
        %add3A_1551 = arith.addf %add3A_1549, %mul3A_1550 : vector<16xf32>
        %mul3A_1552 = arith.mulf %get3A_1444, %get3A_1546 : vector<16xf32>
        %add3A_1553 = arith.addf %add3A_1551, %mul3A_1552 : vector<16xf32>
        %reduce_sum3A_1554 = arith.constant true
        %reduce_sum3A_1555 = vector.broadcast %reduce_sum3A_1554 : i1 to vector<16xi1>
        %reduce_sum3A_1556 = tpu.scan <sum>, %add3A_1553 masked %reduce_sum3A_1555 : vector<16xf32>, vector<16xi1> -> vector<16xf32>
        %reduce_sum3A_1557 = vector.extract %reduce_sum3A_1556[15] : f32 from vector<16xf32>
        %broadcast_in_dim3A_1558 = vector.broadcast %reduce_sum3A_1557 : f32 to vector<16xf32>
        %select_n3A_1559 = arith.select %eq3A_1459, %broadcast_in_dim3A_1558, %select_n3A_1370 : vector<16xi1>, vector<16xf32>
        %mul3A_1560 = arith.constant 5 : i32
        %mul3A_1561 = arith.muli %add3A_1432, %mul3A_1560 : i32
        %add3A_1562 = arith.constant 3 : i32
        %add3A_1563 = arith.addi %mul3A_1561, %add3A_1562 : i32
        %get3A_1564 = arith.index_cast %add3A_1563 : i32 to index
        %get3A_1565 = arith.constant 0 : index
        %get3A_1566 = tpu.vector_load %arg13[%get3A_1564, %get3A_1565] {strides = array<i32>} : memref<320x128xf32, #tpu.memory_space<vmem>>, vector<16xf32>,
        %get3A_1567 = arith.index_cast %add3A_1563 : i32 to index
        %get3A_1568 = arith.constant 16 : index
        %get3A_1569 = tpu.vector_load %arg13[%get3A_1567, %get3A_1568] {strides = array<i32>} : memref<320x128xf32, #tpu.memory_space<vmem>>, vector<16xf32>,
        %get3A_1570 = arith.index_cast %add3A_1563 : i32 to index
        %get3A_1571 = arith.constant 32 : index
        %get3A_1572 = tpu.vector_load %arg13[%get3A_1570, %get3A_1571] {strides = array<i32>} : memref<320x128xf32, #tpu.memory_space<vmem>>, vector<16xf32>,
        %get3A_1573 = arith.index_cast %add3A_1563 : i32 to index
        %get3A_1574 = arith.constant 48 : index
        %get3A_1575 = tpu.vector_load %arg13[%get3A_1573, %get3A_1574] {strides = array<i32>} : memref<320x128xf32, #tpu.memory_space<vmem>>, vector<16xf32>,
        %mul3A_1576 = arith.mulf %get3A_1435, %get3A_1566 : vector<16xf32>
        %mul3A_1577 = arith.mulf %get3A_1438, %get3A_1569 : vector<16xf32>
        %add3A_1578 = arith.addf %mul3A_1576, %mul3A_1577 : vector<16xf32>
        %mul3A_1579 = arith.mulf %get3A_1441, %get3A_1572 : vector<16xf32>
        %add3A_1580 = arith.addf %add3A_1578, %mul3A_1579 : vector<16xf32>
        %mul3A_1581 = arith.mulf %get3A_1444, %get3A_1575 : vector<16xf32>
        %add3A_1582 = arith.addf %add3A_1580, %mul3A_1581 : vector<16xf32>
        %reduce_sum3A_1583 = arith.constant true
        %reduce_sum3A_1584 = vector.broadcast %reduce_sum3A_1583 : i1 to vector<16xi1>
        %reduce_sum3A_1585 = tpu.scan <sum>, %add3A_1582 masked %reduce_sum3A_1584 : vector<16xf32>, vector<16xi1> -> vector<16xf32>
        %reduce_sum3A_1586 = vector.extract %reduce_sum3A_1585[15] : f32 from vector<16xf32>
        %broadcast_in_dim3A_1587 = vector.broadcast %reduce_sum3A_1586 : f32 to vector<16xf32>
        %select_n3A_1588 = arith.select %eq3A_1459, %broadcast_in_dim3A_1587, %select_n3A_1399 : vector<16xi1>, vector<16xf32>
        %mul3A_1589 = arith.constant 5 : i32
        %mul3A_1590 = arith.muli %add3A_1432, %mul3A_1589 : i32
        %add3A_1591 = arith.constant 4 : i32
        %add3A_1592 = arith.addi %mul3A_1590, %add3A_1591 : i32
        %get3A_1593 = arith.index_cast %add3A_1592 : i32 to index
        %get3A_1594 = arith.constant 0 : index
        %get3A_1595 = tpu.vector_load %arg13[%get3A_1593, %get3A_1594] {strides = array<i32>} : memref<320x128xf32, #tpu.memory_space<vmem>>, vector<16xf32>,
        %get3A_1596 = arith.index_cast %add3A_1592 : i32 to index
        %get3A_1597 = arith.constant 16 : index
        %get3A_1598 = tpu.vector_load %arg13[%get3A_1596, %get3A_1597] {strides = array<i32>} : memref<320x128xf32, #tpu.memory_space<vmem>>, vector<16xf32>,
        %get3A_1599 = arith.index_cast %add3A_1592 : i32 to index
        %get3A_1600 = arith.constant 32 : index
        %get3A_1601 = tpu.vector_load %arg13[%get3A_1599, %get3A_1600] {strides = array<i32>} : memref<320x128xf32, #tpu.memory_space<vmem>>, vector<16xf32>,
        %get3A_1602 = arith.index_cast %add3A_1592 : i32 to index
        %get3A_1603 = arith.constant 48 : index
        %get3A_1604 = tpu.vector_load %arg13[%get3A_1602, %get3A_1603] {strides = array<i32>} : memref<320x128xf32, #tpu.memory_space<vmem>>, vector<16xf32>,
        %mul3A_1605 = arith.mulf %get3A_1435, %get3A_1595 : vector<16xf32>
        %mul3A_1606 = arith.mulf %get3A_1438, %get3A_1598 : vector<16xf32>
        %add3A_1607 = arith.addf %mul3A_1605, %mul3A_1606 : vector<16xf32>
        %mul3A_1608 = arith.mulf %get3A_1441, %get3A_1601 : vector<16xf32>
        %add3A_1609 = arith.addf %add3A_1607, %mul3A_1608 : vector<16xf32>
        %mul3A_1610 = arith.mulf %get3A_1444, %get3A_1604 : vector<16xf32>
        %add3A_1611 = arith.addf %add3A_1609, %mul3A_1610 : vector<16xf32>
        %reduce_sum3A_1612 = arith.constant true
        %reduce_sum3A_1613 = vector.broadcast %reduce_sum3A_1612 : i1 to vector<16xi1>
        %reduce_sum3A_1614 = tpu.scan <sum>, %add3A_1611 masked %reduce_sum3A_1613 : vector<16xf32>, vector<16xi1> -> vector<16xf32>
        %reduce_sum3A_1615 = vector.extract %reduce_sum3A_1614[15] : f32 from vector<16xf32>
        %broadcast_in_dim3A_1616 = vector.broadcast %reduce_sum3A_1615 : f32 to vector<16xf32>
        %select_n3A_1617 = arith.select %eq3A_1459, %broadcast_in_dim3A_1616, %select_n3A_1428 : vector<16xi1>, vector<16xf32>
        %mul3A_1618 = arith.constant 16 : i32
        %mul3A_1619 = arith.muli %scan3A_93, %mul3A_1618 : i32
        %add3A_1620 = arith.constant 8 : i32
        %add3A_1621 = arith.addi %mul3A_1619, %add3A_1620 : i32
        %get3A_1622 = arith.index_cast %add3A_1621 : i32 to index
        %get3A_1623 = arith.constant 0 : index
        %get3A_1624 = tpu.vector_load %arg11[%get3A_1622, %get3A_1623] {strides = array<i32>} : memref<64x128xf32, #tpu.memory_space<vmem>>, vector<16xf32>,
        %get3A_1625 = arith.index_cast %add3A_1621 : i32 to index
        %get3A_1626 = arith.constant 16 : index
        %get3A_1627 = tpu.vector_load %arg11[%get3A_1625, %get3A_1626] {strides = array<i32>} : memref<64x128xf32, #tpu.memory_space<vmem>>, vector<16xf32>,
        %get3A_1628 = arith.index_cast %add3A_1621 : i32 to index
        %get3A_1629 = arith.constant 32 : index
        %get3A_1630 = tpu.vector_load %arg11[%get3A_1628, %get3A_1629] {strides = array<i32>} : memref<64x128xf32, #tpu.memory_space<vmem>>, vector<16xf32>,
        %get3A_1631 = arith.index_cast %add3A_1621 : i32 to index
        %get3A_1632 = arith.constant 48 : index
        %get3A_1633 = tpu.vector_load %arg11[%get3A_1631, %get3A_1632] {strides = array<i32>} : memref<64x128xf32, #tpu.memory_space<vmem>>, vector<16xf32>,
        %get3A_1634 = arith.index_cast %add3A_1621 : i32 to index
        %get3A_1635 = arith.constant 0 : index
        %get3A_1636 = tpu.vector_load %arg12[%get3A_1634, %get3A_1635] {strides = array<i32>} : memref<64x128xf32, #tpu.memory_space<vmem>>, vector<16xf32>,
        %get3A_1637 = arith.index_cast %add3A_1621 : i32 to index
        %get3A_1638 = arith.constant 16 : index
        %get3A_1639 = tpu.vector_load %arg12[%get3A_1637, %get3A_1638] {strides = array<i32>} : memref<64x128xf32, #tpu.memory_space<vmem>>, vector<16xf32>,
        %get3A_1640 = arith.index_cast %add3A_1621 : i32 to index
        %get3A_1641 = arith.constant 32 : index
        %get3A_1642 = tpu.vector_load %arg12[%get3A_1640, %get3A_1641] {strides = array<i32>} : memref<64x128xf32, #tpu.memory_space<vmem>>, vector<16xf32>,
        %get3A_1643 = arith.index_cast %add3A_1621 : i32 to index
        %get3A_1644 = arith.constant 48 : index
        %get3A_1645 = tpu.vector_load %arg12[%get3A_1643, %get3A_1644] {strides = array<i32>} : memref<64x128xf32, #tpu.memory_space<vmem>>, vector<16xf32>,
        %eq3A_1646 = arith.constant 8 : i32
        %eq3A_1647 = vector.broadcast %eq3A_1646 : i32 to vector<16xi32>
        %eq3A_1648 = arith.cmpi eq, %iota3A, %eq3A_1647 : vector<16xi32>
        %mul3A_1649 = arith.mulf %get3A_1624, %get3A_1636 : vector<16xf32>
        %mul3A_1650 = arith.mulf %get3A_1627, %get3A_1639 : vector<16xf32>
        %add3A_1651 = arith.addf %mul3A_1649, %mul3A_1650 : vector<16xf32>
        %mul3A_1652 = arith.mulf %get3A_1630, %get3A_1642 : vector<16xf32>
        %add3A_1653 = arith.addf %add3A_1651, %mul3A_1652 : vector<16xf32>
        %mul3A_1654 = arith.mulf %get3A_1633, %get3A_1645 : vector<16xf32>
        %add3A_1655 = arith.addf %add3A_1653, %mul3A_1654 : vector<16xf32>
        %reduce_sum3A_1656 = arith.constant true
        %reduce_sum3A_1657 = vector.broadcast %reduce_sum3A_1656 : i1 to vector<16xi1>
        %reduce_sum3A_1658 = tpu.scan <sum>, %add3A_1655 masked %reduce_sum3A_1657 : vector<16xf32>, vector<16xi1> -> vector<16xf32>
        %reduce_sum3A_1659 = vector.extract %reduce_sum3A_1658[15] : f32 from vector<16xf32>
        %broadcast_in_dim3A_1660 = vector.broadcast %reduce_sum3A_1659 : f32 to vector<16xf32>
        %select_n3A_1661 = arith.select %eq3A_1648, %broadcast_in_dim3A_1660, %select_n3A_1472 : vector<16xi1>, vector<16xf32>
        %mul3A_1662 = arith.constant 5 : i32
        %mul3A_1663 = arith.muli %add3A_1621, %mul3A_1662 : i32
        %add3A_1664 = arith.constant 0 : i32
        %add3A_1665 = arith.addi %mul3A_1663, %add3A_1664 : i32
        %get3A_1666 = arith.index_cast %add3A_1665 : i32 to index
        %get3A_1667 = arith.constant 0 : index
        %get3A_1668 = tpu.vector_load %arg13[%get3A_1666, %get3A_1667] {strides = array<i32>} : memref<320x128xf32, #tpu.memory_space<vmem>>, vector<16xf32>,
        %get3A_1669 = arith.index_cast %add3A_1665 : i32 to index
        %get3A_1670 = arith.constant 16 : index
        %get3A_1671 = tpu.vector_load %arg13[%get3A_1669, %get3A_1670] {strides = array<i32>} : memref<320x128xf32, #tpu.memory_space<vmem>>, vector<16xf32>,
        %get3A_1672 = arith.index_cast %add3A_1665 : i32 to index
        %get3A_1673 = arith.constant 32 : index
        %get3A_1674 = tpu.vector_load %arg13[%get3A_1672, %get3A_1673] {strides = array<i32>} : memref<320x128xf32, #tpu.memory_space<vmem>>, vector<16xf32>,
        %get3A_1675 = arith.index_cast %add3A_1665 : i32 to index
        %get3A_1676 = arith.constant 48 : index
        %get3A_1677 = tpu.vector_load %arg13[%get3A_1675, %get3A_1676] {strides = array<i32>} : memref<320x128xf32, #tpu.memory_space<vmem>>, vector<16xf32>,
        %mul3A_1678 = arith.mulf %get3A_1624, %get3A_1668 : vector<16xf32>
        %mul3A_1679 = arith.mulf %get3A_1627, %get3A_1671 : vector<16xf32>
        %add3A_1680 = arith.addf %mul3A_1678, %mul3A_1679 : vector<16xf32>
        %mul3A_1681 = arith.mulf %get3A_1630, %get3A_1674 : vector<16xf32>
        %add3A_1682 = arith.addf %add3A_1680, %mul3A_1681 : vector<16xf32>
        %mul3A_1683 = arith.mulf %get3A_1633, %get3A_1677 : vector<16xf32>
        %add3A_1684 = arith.addf %add3A_1682, %mul3A_1683 : vector<16xf32>
        %reduce_sum3A_1685 = arith.constant true
        %reduce_sum3A_1686 = vector.broadcast %reduce_sum3A_1685 : i1 to vector<16xi1>
        %reduce_sum3A_1687 = tpu.scan <sum>, %add3A_1684 masked %reduce_sum3A_1686 : vector<16xf32>, vector<16xi1> -> vector<16xf32>
        %reduce_sum3A_1688 = vector.extract %reduce_sum3A_1687[15] : f32 from vector<16xf32>
        %broadcast_in_dim3A_1689 = vector.broadcast %reduce_sum3A_1688 : f32 to vector<16xf32>
        %select_n3A_1690 = arith.select %eq3A_1648, %broadcast_in_dim3A_1689, %select_n3A_1501 : vector<16xi1>, vector<16xf32>
        %mul3A_1691 = arith.constant 5 : i32
        %mul3A_1692 = arith.muli %add3A_1621, %mul3A_1691 : i32
        %add3A_1693 = arith.constant 1 : i32
        %add3A_1694 = arith.addi %mul3A_1692, %add3A_1693 : i32
        %get3A_1695 = arith.index_cast %add3A_1694 : i32 to index
        %get3A_1696 = arith.constant 0 : index
        %get3A_1697 = tpu.vector_load %arg13[%get3A_1695, %get3A_1696] {strides = array<i32>} : memref<320x128xf32, #tpu.memory_space<vmem>>, vector<16xf32>,
        %get3A_1698 = arith.index_cast %add3A_1694 : i32 to index
        %get3A_1699 = arith.constant 16 : index
        %get3A_1700 = tpu.vector_load %arg13[%get3A_1698, %get3A_1699] {strides = array<i32>} : memref<320x128xf32, #tpu.memory_space<vmem>>, vector<16xf32>,
        %get3A_1701 = arith.index_cast %add3A_1694 : i32 to index
        %get3A_1702 = arith.constant 32 : index
        %get3A_1703 = tpu.vector_load %arg13[%get3A_1701, %get3A_1702] {strides = array<i32>} : memref<320x128xf32, #tpu.memory_space<vmem>>, vector<16xf32>,
        %get3A_1704 = arith.index_cast %add3A_1694 : i32 to index
        %get3A_1705 = arith.constant 48 : index
        %get3A_1706 = tpu.vector_load %arg13[%get3A_1704, %get3A_1705] {strides = array<i32>} : memref<320x128xf32, #tpu.memory_space<vmem>>, vector<16xf32>,
        %mul3A_1707 = arith.mulf %get3A_1624, %get3A_1697 : vector<16xf32>
        %mul3A_1708 = arith.mulf %get3A_1627, %get3A_1700 : vector<16xf32>
        %add3A_1709 = arith.addf %mul3A_1707, %mul3A_1708 : vector<16xf32>
        %mul3A_1710 = arith.mulf %get3A_1630, %get3A_1703 : vector<16xf32>
        %add3A_1711 = arith.addf %add3A_1709, %mul3A_1710 : vector<16xf32>
        %mul3A_1712 = arith.mulf %get3A_1633, %get3A_1706 : vector<16xf32>
        %add3A_1713 = arith.addf %add3A_1711, %mul3A_1712 : vector<16xf32>
        %reduce_sum3A_1714 = arith.constant true
        %reduce_sum3A_1715 = vector.broadcast %reduce_sum3A_1714 : i1 to vector<16xi1>
        %reduce_sum3A_1716 = tpu.scan <sum>, %add3A_1713 masked %reduce_sum3A_1715 : vector<16xf32>, vector<16xi1> -> vector<16xf32>
        %reduce_sum3A_1717 = vector.extract %reduce_sum3A_1716[15] : f32 from vector<16xf32>
        %broadcast_in_dim3A_1718 = vector.broadcast %reduce_sum3A_1717 : f32 to vector<16xf32>
        %select_n3A_1719 = arith.select %eq3A_1648, %broadcast_in_dim3A_1718, %select_n3A_1530 : vector<16xi1>, vector<16xf32>
        %mul3A_1720 = arith.constant 5 : i32
        %mul3A_1721 = arith.muli %add3A_1621, %mul3A_1720 : i32
        %add3A_1722 = arith.constant 2 : i32
        %add3A_1723 = arith.addi %mul3A_1721, %add3A_1722 : i32
        %get3A_1724 = arith.index_cast %add3A_1723 : i32 to index
        %get3A_1725 = arith.constant 0 : index
        %get3A_1726 = tpu.vector_load %arg13[%get3A_1724, %get3A_1725] {strides = array<i32>} : memref<320x128xf32, #tpu.memory_space<vmem>>, vector<16xf32>,
        %get3A_1727 = arith.index_cast %add3A_1723 : i32 to index
        %get3A_1728 = arith.constant 16 : index
        %get3A_1729 = tpu.vector_load %arg13[%get3A_1727, %get3A_1728] {strides = array<i32>} : memref<320x128xf32, #tpu.memory_space<vmem>>, vector<16xf32>,
        %get3A_1730 = arith.index_cast %add3A_1723 : i32 to index
        %get3A_1731 = arith.constant 32 : index
        %get3A_1732 = tpu.vector_load %arg13[%get3A_1730, %get3A_1731] {strides = array<i32>} : memref<320x128xf32, #tpu.memory_space<vmem>>, vector<16xf32>,
        %get3A_1733 = arith.index_cast %add3A_1723 : i32 to index
        %get3A_1734 = arith.constant 48 : index
        %get3A_1735 = tpu.vector_load %arg13[%get3A_1733, %get3A_1734] {strides = array<i32>} : memref<320x128xf32, #tpu.memory_space<vmem>>, vector<16xf32>,
        %mul3A_1736 = arith.mulf %get3A_1624, %get3A_1726 : vector<16xf32>
        %mul3A_1737 = arith.mulf %get3A_1627, %get3A_1729 : vector<16xf32>
        %add3A_1738 = arith.addf %mul3A_1736, %mul3A_1737 : vector<16xf32>
        %mul3A_1739 = arith.mulf %get3A_1630, %get3A_1732 : vector<16xf32>
        %add3A_1740 = arith.addf %add3A_1738, %mul3A_1739 : vector<16xf32>
        %mul3A_1741 = arith.mulf %get3A_1633, %get3A_1735 : vector<16xf32>
        %add3A_1742 = arith.addf %add3A_1740, %mul3A_1741 : vector<16xf32>
        %reduce_sum3A_1743 = arith.constant true
        %reduce_sum3A_1744 = vector.broadcast %reduce_sum3A_1743 : i1 to vector<16xi1>
        %reduce_sum3A_1745 = tpu.scan <sum>, %add3A_1742 masked %reduce_sum3A_1744 : vector<16xf32>, vector<16xi1> -> vector<16xf32>
        %reduce_sum3A_1746 = vector.extract %reduce_sum3A_1745[15] : f32 from vector<16xf32>
        %broadcast_in_dim3A_1747 = vector.broadcast %reduce_sum3A_1746 : f32 to vector<16xf32>
        %select_n3A_1748 = arith.select %eq3A_1648, %broadcast_in_dim3A_1747, %select_n3A_1559 : vector<16xi1>, vector<16xf32>
        %mul3A_1749 = arith.constant 5 : i32
        %mul3A_1750 = arith.muli %add3A_1621, %mul3A_1749 : i32
        %add3A_1751 = arith.constant 3 : i32
        %add3A_1752 = arith.addi %mul3A_1750, %add3A_1751 : i32
        %get3A_1753 = arith.index_cast %add3A_1752 : i32 to index
        %get3A_1754 = arith.constant 0 : index
        %get3A_1755 = tpu.vector_load %arg13[%get3A_1753, %get3A_1754] {strides = array<i32>} : memref<320x128xf32, #tpu.memory_space<vmem>>, vector<16xf32>,
        %get3A_1756 = arith.index_cast %add3A_1752 : i32 to index
        %get3A_1757 = arith.constant 16 : index
        %get3A_1758 = tpu.vector_load %arg13[%get3A_1756, %get3A_1757] {strides = array<i32>} : memref<320x128xf32, #tpu.memory_space<vmem>>, vector<16xf32>,
        %get3A_1759 = arith.index_cast %add3A_1752 : i32 to index
        %get3A_1760 = arith.constant 32 : index
        %get3A_1761 = tpu.vector_load %arg13[%get3A_1759, %get3A_1760] {strides = array<i32>} : memref<320x128xf32, #tpu.memory_space<vmem>>, vector<16xf32>,
        %get3A_1762 = arith.index_cast %add3A_1752 : i32 to index
        %get3A_1763 = arith.constant 48 : index
        %get3A_1764 = tpu.vector_load %arg13[%get3A_1762, %get3A_1763] {strides = array<i32>} : memref<320x128xf32, #tpu.memory_space<vmem>>, vector<16xf32>,
        %mul3A_1765 = arith.mulf %get3A_1624, %get3A_1755 : vector<16xf32>
        %mul3A_1766 = arith.mulf %get3A_1627, %get3A_1758 : vector<16xf32>
        %add3A_1767 = arith.addf %mul3A_1765, %mul3A_1766 : vector<16xf32>
        %mul3A_1768 = arith.mulf %get3A_1630, %get3A_1761 : vector<16xf32>
        %add3A_1769 = arith.addf %add3A_1767, %mul3A_1768 : vector<16xf32>
        %mul3A_1770 = arith.mulf %get3A_1633, %get3A_1764 : vector<16xf32>
        %add3A_1771 = arith.addf %add3A_1769, %mul3A_1770 : vector<16xf32>
        %reduce_sum3A_1772 = arith.constant true
        %reduce_sum3A_1773 = vector.broadcast %reduce_sum3A_1772 : i1 to vector<16xi1>
        %reduce_sum3A_1774 = tpu.scan <sum>, %add3A_1771 masked %reduce_sum3A_1773 : vector<16xf32>, vector<16xi1> -> vector<16xf32>
        %reduce_sum3A_1775 = vector.extract %reduce_sum3A_1774[15] : f32 from vector<16xf32>
        %broadcast_in_dim3A_1776 = vector.broadcast %reduce_sum3A_1775 : f32 to vector<16xf32>
        %select_n3A_1777 = arith.select %eq3A_1648, %broadcast_in_dim3A_1776, %select_n3A_1588 : vector<16xi1>, vector<16xf32>
        %mul3A_1778 = arith.constant 5 : i32
        %mul3A_1779 = arith.muli %add3A_1621, %mul3A_1778 : i32
        %add3A_1780 = arith.constant 4 : i32
        %add3A_1781 = arith.addi %mul3A_1779, %add3A_1780 : i32
        %get3A_1782 = arith.index_cast %add3A_1781 : i32 to index
        %get3A_1783 = arith.constant 0 : index
        %get3A_1784 = tpu.vector_load %arg13[%get3A_1782, %get3A_1783] {strides = array<i32>} : memref<320x128xf32, #tpu.memory_space<vmem>>, vector<16xf32>,
        %get3A_1785 = arith.index_cast %add3A_1781 : i32 to index
        %get3A_1786 = arith.constant 16 : index
        %get3A_1787 = tpu.vector_load %arg13[%get3A_1785, %get3A_1786] {strides = array<i32>} : memref<320x128xf32, #tpu.memory_space<vmem>>, vector<16xf32>,
        %get3A_1788 = arith.index_cast %add3A_1781 : i32 to index
        %get3A_1789 = arith.constant 32 : index
        %get3A_1790 = tpu.vector_load %arg13[%get3A_1788, %get3A_1789] {strides = array<i32>} : memref<320x128xf32, #tpu.memory_space<vmem>>, vector<16xf32>,
        %get3A_1791 = arith.index_cast %add3A_1781 : i32 to index
        %get3A_1792 = arith.constant 48 : index
        %get3A_1793 = tpu.vector_load %arg13[%get3A_1791, %get3A_1792] {strides = array<i32>} : memref<320x128xf32, #tpu.memory_space<vmem>>, vector<16xf32>,
        %mul3A_1794 = arith.mulf %get3A_1624, %get3A_1784 : vector<16xf32>
        %mul3A_1795 = arith.mulf %get3A_1627, %get3A_1787 : vector<16xf32>
        %add3A_1796 = arith.addf %mul3A_1794, %mul3A_1795 : vector<16xf32>
        %mul3A_1797 = arith.mulf %get3A_1630, %get3A_1790 : vector<16xf32>
        %add3A_1798 = arith.addf %add3A_1796, %mul3A_1797 : vector<16xf32>
        %mul3A_1799 = arith.mulf %get3A_1633, %get3A_1793 : vector<16xf32>
        %add3A_1800 = arith.addf %add3A_1798, %mul3A_1799 : vector<16xf32>
        %reduce_sum3A_1801 = arith.constant true
        %reduce_sum3A_1802 = vector.broadcast %reduce_sum3A_1801 : i1 to vector<16xi1>
        %reduce_sum3A_1803 = tpu.scan <sum>, %add3A_1800 masked %reduce_sum3A_1802 : vector<16xf32>, vector<16xi1> -> vector<16xf32>
        %reduce_sum3A_1804 = vector.extract %reduce_sum3A_1803[15] : f32 from vector<16xf32>
        %broadcast_in_dim3A_1805 = vector.broadcast %reduce_sum3A_1804 : f32 to vector<16xf32>
        %select_n3A_1806 = arith.select %eq3A_1648, %broadcast_in_dim3A_1805, %select_n3A_1617 : vector<16xi1>, vector<16xf32>
        %mul3A_1807 = arith.constant 16 : i32
        %mul3A_1808 = arith.muli %scan3A_93, %mul3A_1807 : i32
        %add3A_1809 = arith.constant 9 : i32
        %add3A_1810 = arith.addi %mul3A_1808, %add3A_1809 : i32
        %get3A_1811 = arith.index_cast %add3A_1810 : i32 to index
        %get3A_1812 = arith.constant 0 : index
        %get3A_1813 = tpu.vector_load %arg11[%get3A_1811, %get3A_1812] {strides = array<i32>} : memref<64x128xf32, #tpu.memory_space<vmem>>, vector<16xf32>,
        %get3A_1814 = arith.index_cast %add3A_1810 : i32 to index
        %get3A_1815 = arith.constant 16 : index
        %get3A_1816 = tpu.vector_load %arg11[%get3A_1814, %get3A_1815] {strides = array<i32>} : memref<64x128xf32, #tpu.memory_space<vmem>>, vector<16xf32>,
        %get3A_1817 = arith.index_cast %add3A_1810 : i32 to index
        %get3A_1818 = arith.constant 32 : index
        %get3A_1819 = tpu.vector_load %arg11[%get3A_1817, %get3A_1818] {strides = array<i32>} : memref<64x128xf32, #tpu.memory_space<vmem>>, vector<16xf32>,
        %get3A_1820 = arith.index_cast %add3A_1810 : i32 to index
        %get3A_1821 = arith.constant 48 : index
        %get3A_1822 = tpu.vector_load %arg11[%get3A_1820, %get3A_1821] {strides = array<i32>} : memref<64x128xf32, #tpu.memory_space<vmem>>, vector<16xf32>,
        %get3A_1823 = arith.index_cast %add3A_1810 : i32 to index
        %get3A_1824 = arith.constant 0 : index
        %get3A_1825 = tpu.vector_load %arg12[%get3A_1823, %get3A_1824] {strides = array<i32>} : memref<64x128xf32, #tpu.memory_space<vmem>>, vector<16xf32>,
        %get3A_1826 = arith.index_cast %add3A_1810 : i32 to index
        %get3A_1827 = arith.constant 16 : index
        %get3A_1828 = tpu.vector_load %arg12[%get3A_1826, %get3A_1827] {strides = array<i32>} : memref<64x128xf32, #tpu.memory_space<vmem>>, vector<16xf32>,
        %get3A_1829 = arith.index_cast %add3A_1810 : i32 to index
        %get3A_1830 = arith.constant 32 : index
        %get3A_1831 = tpu.vector_load %arg12[%get3A_1829, %get3A_1830] {strides = array<i32>} : memref<64x128xf32, #tpu.memory_space<vmem>>, vector<16xf32>,
        %get3A_1832 = arith.index_cast %add3A_1810 : i32 to index
        %get3A_1833 = arith.constant 48 : index
        %get3A_1834 = tpu.vector_load %arg12[%get3A_1832, %get3A_1833] {strides = array<i32>} : memref<64x128xf32, #tpu.memory_space<vmem>>, vector<16xf32>,
        %eq3A_1835 = arith.constant 9 : i32
        %eq3A_1836 = vector.broadcast %eq3A_1835 : i32 to vector<16xi32>
        %eq3A_1837 = arith.cmpi eq, %iota3A, %eq3A_1836 : vector<16xi32>
        %mul3A_1838 = arith.mulf %get3A_1813, %get3A_1825 : vector<16xf32>
        %mul3A_1839 = arith.mulf %get3A_1816, %get3A_1828 : vector<16xf32>
        %add3A_1840 = arith.addf %mul3A_1838, %mul3A_1839 : vector<16xf32>
        %mul3A_1841 = arith.mulf %get3A_1819, %get3A_1831 : vector<16xf32>
        %add3A_1842 = arith.addf %add3A_1840, %mul3A_1841 : vector<16xf32>
        %mul3A_1843 = arith.mulf %get3A_1822, %get3A_1834 : vector<16xf32>
        %add3A_1844 = arith.addf %add3A_1842, %mul3A_1843 : vector<16xf32>
        %reduce_sum3A_1845 = arith.constant true
        %reduce_sum3A_1846 = vector.broadcast %reduce_sum3A_1845 : i1 to vector<16xi1>
        %reduce_sum3A_1847 = tpu.scan <sum>, %add3A_1844 masked %reduce_sum3A_1846 : vector<16xf32>, vector<16xi1> -> vector<16xf32>
        %reduce_sum3A_1848 = vector.extract %reduce_sum3A_1847[15] : f32 from vector<16xf32>
        %broadcast_in_dim3A_1849 = vector.broadcast %reduce_sum3A_1848 : f32 to vector<16xf32>
        %select_n3A_1850 = arith.select %eq3A_1837, %broadcast_in_dim3A_1849, %select_n3A_1661 : vector<16xi1>, vector<16xf32>
        %mul3A_1851 = arith.constant 5 : i32
        %mul3A_1852 = arith.muli %add3A_1810, %mul3A_1851 : i32
        %add3A_1853 = arith.constant 0 : i32
        %add3A_1854 = arith.addi %mul3A_1852, %add3A_1853 : i32
        %get3A_1855 = arith.index_cast %add3A_1854 : i32 to index
        %get3A_1856 = arith.constant 0 : index
        %get3A_1857 = tpu.vector_load %arg13[%get3A_1855, %get3A_1856] {strides = array<i32>} : memref<320x128xf32, #tpu.memory_space<vmem>>, vector<16xf32>,
        %get3A_1858 = arith.index_cast %add3A_1854 : i32 to index
        %get3A_1859 = arith.constant 16 : index
        %get3A_1860 = tpu.vector_load %arg13[%get3A_1858, %get3A_1859] {strides = array<i32>} : memref<320x128xf32, #tpu.memory_space<vmem>>, vector<16xf32>,
        %get3A_1861 = arith.index_cast %add3A_1854 : i32 to index
        %get3A_1862 = arith.constant 32 : index
        %get3A_1863 = tpu.vector_load %arg13[%get3A_1861, %get3A_1862] {strides = array<i32>} : memref<320x128xf32, #tpu.memory_space<vmem>>, vector<16xf32>,
        %get3A_1864 = arith.index_cast %add3A_1854 : i32 to index
        %get3A_1865 = arith.constant 48 : index
        %get3A_1866 = tpu.vector_load %arg13[%get3A_1864, %get3A_1865] {strides = array<i32>} : memref<320x128xf32, #tpu.memory_space<vmem>>, vector<16xf32>,
        %mul3A_1867 = arith.mulf %get3A_1813, %get3A_1857 : vector<16xf32>
        %mul3A_1868 = arith.mulf %get3A_1816, %get3A_1860 : vector<16xf32>
        %add3A_1869 = arith.addf %mul3A_1867, %mul3A_1868 : vector<16xf32>
        %mul3A_1870 = arith.mulf %get3A_1819, %get3A_1863 : vector<16xf32>
        %add3A_1871 = arith.addf %add3A_1869, %mul3A_1870 : vector<16xf32>
        %mul3A_1872 = arith.mulf %get3A_1822, %get3A_1866 : vector<16xf32>
        %add3A_1873 = arith.addf %add3A_1871, %mul3A_1872 : vector<16xf32>
        %reduce_sum3A_1874 = arith.constant true
        %reduce_sum3A_1875 = vector.broadcast %reduce_sum3A_1874 : i1 to vector<16xi1>
        %reduce_sum3A_1876 = tpu.scan <sum>, %add3A_1873 masked %reduce_sum3A_1875 : vector<16xf32>, vector<16xi1> -> vector<16xf32>
        %reduce_sum3A_1877 = vector.extract %reduce_sum3A_1876[15] : f32 from vector<16xf32>
        %broadcast_in_dim3A_1878 = vector.broadcast %reduce_sum3A_1877 : f32 to vector<16xf32>
        %select_n3A_1879 = arith.select %eq3A_1837, %broadcast_in_dim3A_1878, %select_n3A_1690 : vector<16xi1>, vector<16xf32>
        %mul3A_1880 = arith.constant 5 : i32
        %mul3A_1881 = arith.muli %add3A_1810, %mul3A_1880 : i32
        %add3A_1882 = arith.constant 1 : i32
        %add3A_1883 = arith.addi %mul3A_1881, %add3A_1882 : i32
        %get3A_1884 = arith.index_cast %add3A_1883 : i32 to index
        %get3A_1885 = arith.constant 0 : index
        %get3A_1886 = tpu.vector_load %arg13[%get3A_1884, %get3A_1885] {strides = array<i32>} : memref<320x128xf32, #tpu.memory_space<vmem>>, vector<16xf32>,
        %get3A_1887 = arith.index_cast %add3A_1883 : i32 to index
        %get3A_1888 = arith.constant 16 : index
        %get3A_1889 = tpu.vector_load %arg13[%get3A_1887, %get3A_1888] {strides = array<i32>} : memref<320x128xf32, #tpu.memory_space<vmem>>, vector<16xf32>,
        %get3A_1890 = arith.index_cast %add3A_1883 : i32 to index
        %get3A_1891 = arith.constant 32 : index
        %get3A_1892 = tpu.vector_load %arg13[%get3A_1890, %get3A_1891] {strides = array<i32>} : memref<320x128xf32, #tpu.memory_space<vmem>>, vector<16xf32>,
        %get3A_1893 = arith.index_cast %add3A_1883 : i32 to index
        %get3A_1894 = arith.constant 48 : index
        %get3A_1895 = tpu.vector_load %arg13[%get3A_1893, %get3A_1894] {strides = array<i32>} : memref<320x128xf32, #tpu.memory_space<vmem>>, vector<16xf32>,
        %mul3A_1896 = arith.mulf %get3A_1813, %get3A_1886 : vector<16xf32>
        %mul3A_1897 = arith.mulf %get3A_1816, %get3A_1889 : vector<16xf32>
        %add3A_1898 = arith.addf %mul3A_1896, %mul3A_1897 : vector<16xf32>
        %mul3A_1899 = arith.mulf %get3A_1819, %get3A_1892 : vector<16xf32>
        %add3A_1900 = arith.addf %add3A_1898, %mul3A_1899 : vector<16xf32>
        %mul3A_1901 = arith.mulf %get3A_1822, %get3A_1895 : vector<16xf32>
        %add3A_1902 = arith.addf %add3A_1900, %mul3A_1901 : vector<16xf32>
        %reduce_sum3A_1903 = arith.constant true
        %reduce_sum3A_1904 = vector.broadcast %reduce_sum3A_1903 : i1 to vector<16xi1>
        %reduce_sum3A_1905 = tpu.scan <sum>, %add3A_1902 masked %reduce_sum3A_1904 : vector<16xf32>, vector<16xi1> -> vector<16xf32>
        %reduce_sum3A_1906 = vector.extract %reduce_sum3A_1905[15] : f32 from vector<16xf32>
        %broadcast_in_dim3A_1907 = vector.broadcast %reduce_sum3A_1906 : f32 to vector<16xf32>
        %select_n3A_1908 = arith.select %eq3A_1837, %broadcast_in_dim3A_1907, %select_n3A_1719 : vector<16xi1>, vector<16xf32>
        %mul3A_1909 = arith.constant 5 : i32
        %mul3A_1910 = arith.muli %add3A_1810, %mul3A_1909 : i32
        %add3A_1911 = arith.constant 2 : i32
        %add3A_1912 = arith.addi %mul3A_1910, %add3A_1911 : i32
        %get3A_1913 = arith.index_cast %add3A_1912 : i32 to index
        %get3A_1914 = arith.constant 0 : index
        %get3A_1915 = tpu.vector_load %arg13[%get3A_1913, %get3A_1914] {strides = array<i32>} : memref<320x128xf32, #tpu.memory_space<vmem>>, vector<16xf32>,
        %get3A_1916 = arith.index_cast %add3A_1912 : i32 to index
        %get3A_1917 = arith.constant 16 : index
        %get3A_1918 = tpu.vector_load %arg13[%get3A_1916, %get3A_1917] {strides = array<i32>} : memref<320x128xf32, #tpu.memory_space<vmem>>, vector<16xf32>,
        %get3A_1919 = arith.index_cast %add3A_1912 : i32 to index
        %get3A_1920 = arith.constant 32 : index
        %get3A_1921 = tpu.vector_load %arg13[%get3A_1919, %get3A_1920] {strides = array<i32>} : memref<320x128xf32, #tpu.memory_space<vmem>>, vector<16xf32>,
        %get3A_1922 = arith.index_cast %add3A_1912 : i32 to index
        %get3A_1923 = arith.constant 48 : index
        %get3A_1924 = tpu.vector_load %arg13[%get3A_1922, %get3A_1923] {strides = array<i32>} : memref<320x128xf32, #tpu.memory_space<vmem>>, vector<16xf32>,
        %mul3A_1925 = arith.mulf %get3A_1813, %get3A_1915 : vector<16xf32>
        %mul3A_1926 = arith.mulf %get3A_1816, %get3A_1918 : vector<16xf32>
        %add3A_1927 = arith.addf %mul3A_1925, %mul3A_1926 : vector<16xf32>
        %mul3A_1928 = arith.mulf %get3A_1819, %get3A_1921 : vector<16xf32>
        %add3A_1929 = arith.addf %add3A_1927, %mul3A_1928 : vector<16xf32>
        %mul3A_1930 = arith.mulf %get3A_1822, %get3A_1924 : vector<16xf32>
        %add3A_1931 = arith.addf %add3A_1929, %mul3A_1930 : vector<16xf32>
        %reduce_sum3A_1932 = arith.constant true
        %reduce_sum3A_1933 = vector.broadcast %reduce_sum3A_1932 : i1 to vector<16xi1>
        %reduce_sum3A_1934 = tpu.scan <sum>, %add3A_1931 masked %reduce_sum3A_1933 : vector<16xf32>, vector<16xi1> -> vector<16xf32>
        %reduce_sum3A_1935 = vector.extract %reduce_sum3A_1934[15] : f32 from vector<16xf32>
        %broadcast_in_dim3A_1936 = vector.broadcast %reduce_sum3A_1935 : f32 to vector<16xf32>
        %select_n3A_1937 = arith.select %eq3A_1837, %broadcast_in_dim3A_1936, %select_n3A_1748 : vector<16xi1>, vector<16xf32>
        %mul3A_1938 = arith.constant 5 : i32
        %mul3A_1939 = arith.muli %add3A_1810, %mul3A_1938 : i32
        %add3A_1940 = arith.constant 3 : i32
        %add3A_1941 = arith.addi %mul3A_1939, %add3A_1940 : i32
        %get3A_1942 = arith.index_cast %add3A_1941 : i32 to index
        %get3A_1943 = arith.constant 0 : index
        %get3A_1944 = tpu.vector_load %arg13[%get3A_1942, %get3A_1943] {strides = array<i32>} : memref<320x128xf32, #tpu.memory_space<vmem>>, vector<16xf32>,
        %get3A_1945 = arith.index_cast %add3A_1941 : i32 to index
        %get3A_1946 = arith.constant 16 : index
        %get3A_1947 = tpu.vector_load %arg13[%get3A_1945, %get3A_1946] {strides = array<i32>} : memref<320x128xf32, #tpu.memory_space<vmem>>, vector<16xf32>,
        %get3A_1948 = arith.index_cast %add3A_1941 : i32 to index
        %get3A_1949 = arith.constant 32 : index
        %get3A_1950 = tpu.vector_load %arg13[%get3A_1948, %get3A_1949] {strides = array<i32>} : memref<320x128xf32, #tpu.memory_space<vmem>>, vector<16xf32>,
        %get3A_1951 = arith.index_cast %add3A_1941 : i32 to index
        %get3A_1952 = arith.constant 48 : index
        %get3A_1953 = tpu.vector_load %arg13[%get3A_1951, %get3A_1952] {strides = array<i32>} : memref<320x128xf32, #tpu.memory_space<vmem>>, vector<16xf32>,
        %mul3A_1954 = arith.mulf %get3A_1813, %get3A_1944 : vector<16xf32>
        %mul3A_1955 = arith.mulf %get3A_1816, %get3A_1947 : vector<16xf32>
        %add3A_1956 = arith.addf %mul3A_1954, %mul3A_1955 : vector<16xf32>
        %mul3A_1957 = arith.mulf %get3A_1819, %get3A_1950 : vector<16xf32>
        %add3A_1958 = arith.addf %add3A_1956, %mul3A_1957 : vector<16xf32>
        %mul3A_1959 = arith.mulf %get3A_1822, %get3A_1953 : vector<16xf32>
        %add3A_1960 = arith.addf %add3A_1958, %mul3A_1959 : vector<16xf32>
        %reduce_sum3A_1961 = arith.constant true
        %reduce_sum3A_1962 = vector.broadcast %reduce_sum3A_1961 : i1 to vector<16xi1>
        %reduce_sum3A_1963 = tpu.scan <sum>, %add3A_1960 masked %reduce_sum3A_1962 : vector<16xf32>, vector<16xi1> -> vector<16xf32>
        %reduce_sum3A_1964 = vector.extract %reduce_sum3A_1963[15] : f32 from vector<16xf32>
        %broadcast_in_dim3A_1965 = vector.broadcast %reduce_sum3A_1964 : f32 to vector<16xf32>
        %select_n3A_1966 = arith.select %eq3A_1837, %broadcast_in_dim3A_1965, %select_n3A_1777 : vector<16xi1>, vector<16xf32>
        %mul3A_1967 = arith.constant 5 : i32
        %mul3A_1968 = arith.muli %add3A_1810, %mul3A_1967 : i32
        %add3A_1969 = arith.constant 4 : i32
        %add3A_1970 = arith.addi %mul3A_1968, %add3A_1969 : i32
        %get3A_1971 = arith.index_cast %add3A_1970 : i32 to index
        %get3A_1972 = arith.constant 0 : index
        %get3A_1973 = tpu.vector_load %arg13[%get3A_1971, %get3A_1972] {strides = array<i32>} : memref<320x128xf32, #tpu.memory_space<vmem>>, vector<16xf32>,
        %get3A_1974 = arith.index_cast %add3A_1970 : i32 to index
        %get3A_1975 = arith.constant 16 : index
        %get3A_1976 = tpu.vector_load %arg13[%get3A_1974, %get3A_1975] {strides = array<i32>} : memref<320x128xf32, #tpu.memory_space<vmem>>, vector<16xf32>,
        %get3A_1977 = arith.index_cast %add3A_1970 : i32 to index
        %get3A_1978 = arith.constant 32 : index
        %get3A_1979 = tpu.vector_load %arg13[%get3A_1977, %get3A_1978] {strides = array<i32>} : memref<320x128xf32, #tpu.memory_space<vmem>>, vector<16xf32>,
        %get3A_1980 = arith.index_cast %add3A_1970 : i32 to index
        %get3A_1981 = arith.constant 48 : index
        %get3A_1982 = tpu.vector_load %arg13[%get3A_1980, %get3A_1981] {strides = array<i32>} : memref<320x128xf32, #tpu.memory_space<vmem>>, vector<16xf32>,
        %mul3A_1983 = arith.mulf %get3A_1813, %get3A_1973 : vector<16xf32>
        %mul3A_1984 = arith.mulf %get3A_1816, %get3A_1976 : vector<16xf32>
        %add3A_1985 = arith.addf %mul3A_1983, %mul3A_1984 : vector<16xf32>
        %mul3A_1986 = arith.mulf %get3A_1819, %get3A_1979 : vector<16xf32>
        %add3A_1987 = arith.addf %add3A_1985, %mul3A_1986 : vector<16xf32>
        %mul3A_1988 = arith.mulf %get3A_1822, %get3A_1982 : vector<16xf32>
        %add3A_1989 = arith.addf %add3A_1987, %mul3A_1988 : vector<16xf32>
        %reduce_sum3A_1990 = arith.constant true
        %reduce_sum3A_1991 = vector.broadcast %reduce_sum3A_1990 : i1 to vector<16xi1>
        %reduce_sum3A_1992 = tpu.scan <sum>, %add3A_1989 masked %reduce_sum3A_1991 : vector<16xf32>, vector<16xi1> -> vector<16xf32>
        %reduce_sum3A_1993 = vector.extract %reduce_sum3A_1992[15] : f32 from vector<16xf32>
        %broadcast_in_dim3A_1994 = vector.broadcast %reduce_sum3A_1993 : f32 to vector<16xf32>
        %select_n3A_1995 = arith.select %eq3A_1837, %broadcast_in_dim3A_1994, %select_n3A_1806 : vector<16xi1>, vector<16xf32>
        %mul3A_1996 = arith.constant 16 : i32
        %mul3A_1997 = arith.muli %scan3A_93, %mul3A_1996 : i32
        %add3A_1998 = arith.constant 10 : i32
        %add3A_1999 = arith.addi %mul3A_1997, %add3A_1998 : i32
        %get3A_2000 = arith.index_cast %add3A_1999 : i32 to index
        %get3A_2001 = arith.constant 0 : index
        %get3A_2002 = tpu.vector_load %arg11[%get3A_2000, %get3A_2001] {strides = array<i32>} : memref<64x128xf32, #tpu.memory_space<vmem>>, vector<16xf32>,
        %get3A_2003 = arith.index_cast %add3A_1999 : i32 to index
        %get3A_2004 = arith.constant 16 : index
        %get3A_2005 = tpu.vector_load %arg11[%get3A_2003, %get3A_2004] {strides = array<i32>} : memref<64x128xf32, #tpu.memory_space<vmem>>, vector<16xf32>,
        %get3A_2006 = arith.index_cast %add3A_1999 : i32 to index
        %get3A_2007 = arith.constant 32 : index
        %get3A_2008 = tpu.vector_load %arg11[%get3A_2006, %get3A_2007] {strides = array<i32>} : memref<64x128xf32, #tpu.memory_space<vmem>>, vector<16xf32>,
        %get3A_2009 = arith.index_cast %add3A_1999 : i32 to index
        %get3A_2010 = arith.constant 48 : index
        %get3A_2011 = tpu.vector_load %arg11[%get3A_2009, %get3A_2010] {strides = array<i32>} : memref<64x128xf32, #tpu.memory_space<vmem>>, vector<16xf32>,
        %get3A_2012 = arith.index_cast %add3A_1999 : i32 to index
        %get3A_2013 = arith.constant 0 : index
        %get3A_2014 = tpu.vector_load %arg12[%get3A_2012, %get3A_2013] {strides = array<i32>} : memref<64x128xf32, #tpu.memory_space<vmem>>, vector<16xf32>,
        %get3A_2015 = arith.index_cast %add3A_1999 : i32 to index
        %get3A_2016 = arith.constant 16 : index
        %get3A_2017 = tpu.vector_load %arg12[%get3A_2015, %get3A_2016] {strides = array<i32>} : memref<64x128xf32, #tpu.memory_space<vmem>>, vector<16xf32>,
        %get3A_2018 = arith.index_cast %add3A_1999 : i32 to index
        %get3A_2019 = arith.constant 32 : index
        %get3A_2020 = tpu.vector_load %arg12[%get3A_2018, %get3A_2019] {strides = array<i32>} : memref<64x128xf32, #tpu.memory_space<vmem>>, vector<16xf32>,
        %get3A_2021 = arith.index_cast %add3A_1999 : i32 to index
        %get3A_2022 = arith.constant 48 : index
        %get3A_2023 = tpu.vector_load %arg12[%get3A_2021, %get3A_2022] {strides = array<i32>} : memref<64x128xf32, #tpu.memory_space<vmem>>, vector<16xf32>,
        %eq3A_2024 = arith.constant 10 : i32
        %eq3A_2025 = vector.broadcast %eq3A_2024 : i32 to vector<16xi32>
        %eq3A_2026 = arith.cmpi eq, %iota3A, %eq3A_2025 : vector<16xi32>
        %mul3A_2027 = arith.mulf %get3A_2002, %get3A_2014 : vector<16xf32>
        %mul3A_2028 = arith.mulf %get3A_2005, %get3A_2017 : vector<16xf32>
        %add3A_2029 = arith.addf %mul3A_2027, %mul3A_2028 : vector<16xf32>
        %mul3A_2030 = arith.mulf %get3A_2008, %get3A_2020 : vector<16xf32>
        %add3A_2031 = arith.addf %add3A_2029, %mul3A_2030 : vector<16xf32>
        %mul3A_2032 = arith.mulf %get3A_2011, %get3A_2023 : vector<16xf32>
        %add3A_2033 = arith.addf %add3A_2031, %mul3A_2032 : vector<16xf32>
        %reduce_sum3A_2034 = arith.constant true
        %reduce_sum3A_2035 = vector.broadcast %reduce_sum3A_2034 : i1 to vector<16xi1>
        %reduce_sum3A_2036 = tpu.scan <sum>, %add3A_2033 masked %reduce_sum3A_2035 : vector<16xf32>, vector<16xi1> -> vector<16xf32>
        %reduce_sum3A_2037 = vector.extract %reduce_sum3A_2036[15] : f32 from vector<16xf32>
        %broadcast_in_dim3A_2038 = vector.broadcast %reduce_sum3A_2037 : f32 to vector<16xf32>
        %select_n3A_2039 = arith.select %eq3A_2026, %broadcast_in_dim3A_2038, %select_n3A_1850 : vector<16xi1>, vector<16xf32>
        %mul3A_2040 = arith.constant 5 : i32
        %mul3A_2041 = arith.muli %add3A_1999, %mul3A_2040 : i32
        %add3A_2042 = arith.constant 0 : i32
        %add3A_2043 = arith.addi %mul3A_2041, %add3A_2042 : i32
        %get3A_2044 = arith.index_cast %add3A_2043 : i32 to index
        %get3A_2045 = arith.constant 0 : index
        %get3A_2046 = tpu.vector_load %arg13[%get3A_2044, %get3A_2045] {strides = array<i32>} : memref<320x128xf32, #tpu.memory_space<vmem>>, vector<16xf32>,
        %get3A_2047 = arith.index_cast %add3A_2043 : i32 to index
        %get3A_2048 = arith.constant 16 : index
        %get3A_2049 = tpu.vector_load %arg13[%get3A_2047, %get3A_2048] {strides = array<i32>} : memref<320x128xf32, #tpu.memory_space<vmem>>, vector<16xf32>,
        %get3A_2050 = arith.index_cast %add3A_2043 : i32 to index
        %get3A_2051 = arith.constant 32 : index
        %get3A_2052 = tpu.vector_load %arg13[%get3A_2050, %get3A_2051] {strides = array<i32>} : memref<320x128xf32, #tpu.memory_space<vmem>>, vector<16xf32>,
        %get3A_2053 = arith.index_cast %add3A_2043 : i32 to index
        %get3A_2054 = arith.constant 48 : index
        %get3A_2055 = tpu.vector_load %arg13[%get3A_2053, %get3A_2054] {strides = array<i32>} : memref<320x128xf32, #tpu.memory_space<vmem>>, vector<16xf32>,
        %mul3A_2056 = arith.mulf %get3A_2002, %get3A_2046 : vector<16xf32>
        %mul3A_2057 = arith.mulf %get3A_2005, %get3A_2049 : vector<16xf32>
        %add3A_2058 = arith.addf %mul3A_2056, %mul3A_2057 : vector<16xf32>
        %mul3A_2059 = arith.mulf %get3A_2008, %get3A_2052 : vector<16xf32>
        %add3A_2060 = arith.addf %add3A_2058, %mul3A_2059 : vector<16xf32>
        %mul3A_2061 = arith.mulf %get3A_2011, %get3A_2055 : vector<16xf32>
        %add3A_2062 = arith.addf %add3A_2060, %mul3A_2061 : vector<16xf32>
        %reduce_sum3A_2063 = arith.constant true
        %reduce_sum3A_2064 = vector.broadcast %reduce_sum3A_2063 : i1 to vector<16xi1>
        %reduce_sum3A_2065 = tpu.scan <sum>, %add3A_2062 masked %reduce_sum3A_2064 : vector<16xf32>, vector<16xi1> -> vector<16xf32>
        %reduce_sum3A_2066 = vector.extract %reduce_sum3A_2065[15] : f32 from vector<16xf32>
        %broadcast_in_dim3A_2067 = vector.broadcast %reduce_sum3A_2066 : f32 to vector<16xf32>
        %select_n3A_2068 = arith.select %eq3A_2026, %broadcast_in_dim3A_2067, %select_n3A_1879 : vector<16xi1>, vector<16xf32>
        %mul3A_2069 = arith.constant 5 : i32
        %mul3A_2070 = arith.muli %add3A_1999, %mul3A_2069 : i32
        %add3A_2071 = arith.constant 1 : i32
        %add3A_2072 = arith.addi %mul3A_2070, %add3A_2071 : i32
        %get3A_2073 = arith.index_cast %add3A_2072 : i32 to index
        %get3A_2074 = arith.constant 0 : index
        %get3A_2075 = tpu.vector_load %arg13[%get3A_2073, %get3A_2074] {strides = array<i32>} : memref<320x128xf32, #tpu.memory_space<vmem>>, vector<16xf32>,
        %get3A_2076 = arith.index_cast %add3A_2072 : i32 to index
        %get3A_2077 = arith.constant 16 : index
        %get3A_2078 = tpu.vector_load %arg13[%get3A_2076, %get3A_2077] {strides = array<i32>} : memref<320x128xf32, #tpu.memory_space<vmem>>, vector<16xf32>,
        %get3A_2079 = arith.index_cast %add3A_2072 : i32 to index
        %get3A_2080 = arith.constant 32 : index
        %get3A_2081 = tpu.vector_load %arg13[%get3A_2079, %get3A_2080] {strides = array<i32>} : memref<320x128xf32, #tpu.memory_space<vmem>>, vector<16xf32>,
        %get3A_2082 = arith.index_cast %add3A_2072 : i32 to index
        %get3A_2083 = arith.constant 48 : index
        %get3A_2084 = tpu.vector_load %arg13[%get3A_2082, %get3A_2083] {strides = array<i32>} : memref<320x128xf32, #tpu.memory_space<vmem>>, vector<16xf32>,
        %mul3A_2085 = arith.mulf %get3A_2002, %get3A_2075 : vector<16xf32>
        %mul3A_2086 = arith.mulf %get3A_2005, %get3A_2078 : vector<16xf32>
        %add3A_2087 = arith.addf %mul3A_2085, %mul3A_2086 : vector<16xf32>
        %mul3A_2088 = arith.mulf %get3A_2008, %get3A_2081 : vector<16xf32>
        %add3A_2089 = arith.addf %add3A_2087, %mul3A_2088 : vector<16xf32>
        %mul3A_2090 = arith.mulf %get3A_2011, %get3A_2084 : vector<16xf32>
        %add3A_2091 = arith.addf %add3A_2089, %mul3A_2090 : vector<16xf32>
        %reduce_sum3A_2092 = arith.constant true
        %reduce_sum3A_2093 = vector.broadcast %reduce_sum3A_2092 : i1 to vector<16xi1>
        %reduce_sum3A_2094 = tpu.scan <sum>, %add3A_2091 masked %reduce_sum3A_2093 : vector<16xf32>, vector<16xi1> -> vector<16xf32>
        %reduce_sum3A_2095 = vector.extract %reduce_sum3A_2094[15] : f32 from vector<16xf32>
        %broadcast_in_dim3A_2096 = vector.broadcast %reduce_sum3A_2095 : f32 to vector<16xf32>
        %select_n3A_2097 = arith.select %eq3A_2026, %broadcast_in_dim3A_2096, %select_n3A_1908 : vector<16xi1>, vector<16xf32>
        %mul3A_2098 = arith.constant 5 : i32
        %mul3A_2099 = arith.muli %add3A_1999, %mul3A_2098 : i32
        %add3A_2100 = arith.constant 2 : i32
        %add3A_2101 = arith.addi %mul3A_2099, %add3A_2100 : i32
        %get3A_2102 = arith.index_cast %add3A_2101 : i32 to index
        %get3A_2103 = arith.constant 0 : index
        %get3A_2104 = tpu.vector_load %arg13[%get3A_2102, %get3A_2103] {strides = array<i32>} : memref<320x128xf32, #tpu.memory_space<vmem>>, vector<16xf32>,
        %get3A_2105 = arith.index_cast %add3A_2101 : i32 to index
        %get3A_2106 = arith.constant 16 : index
        %get3A_2107 = tpu.vector_load %arg13[%get3A_2105, %get3A_2106] {strides = array<i32>} : memref<320x128xf32, #tpu.memory_space<vmem>>, vector<16xf32>,
        %get3A_2108 = arith.index_cast %add3A_2101 : i32 to index
        %get3A_2109 = arith.constant 32 : index
        %get3A_2110 = tpu.vector_load %arg13[%get3A_2108, %get3A_2109] {strides = array<i32>} : memref<320x128xf32, #tpu.memory_space<vmem>>, vector<16xf32>,
        %get3A_2111 = arith.index_cast %add3A_2101 : i32 to index
        %get3A_2112 = arith.constant 48 : index
        %get3A_2113 = tpu.vector_load %arg13[%get3A_2111, %get3A_2112] {strides = array<i32>} : memref<320x128xf32, #tpu.memory_space<vmem>>, vector<16xf32>,
        %mul3A_2114 = arith.mulf %get3A_2002, %get3A_2104 : vector<16xf32>
        %mul3A_2115 = arith.mulf %get3A_2005, %get3A_2107 : vector<16xf32>
        %add3A_2116 = arith.addf %mul3A_2114, %mul3A_2115 : vector<16xf32>
        %mul3A_2117 = arith.mulf %get3A_2008, %get3A_2110 : vector<16xf32>
        %add3A_2118 = arith.addf %add3A_2116, %mul3A_2117 : vector<16xf32>
        %mul3A_2119 = arith.mulf %get3A_2011, %get3A_2113 : vector<16xf32>
        %add3A_2120 = arith.addf %add3A_2118, %mul3A_2119 : vector<16xf32>
        %reduce_sum3A_2121 = arith.constant true
        %reduce_sum3A_2122 = vector.broadcast %reduce_sum3A_2121 : i1 to vector<16xi1>
        %reduce_sum3A_2123 = tpu.scan <sum>, %add3A_2120 masked %reduce_sum3A_2122 : vector<16xf32>, vector<16xi1> -> vector<16xf32>
        %reduce_sum3A_2124 = vector.extract %reduce_sum3A_2123[15] : f32 from vector<16xf32>
        %broadcast_in_dim3A_2125 = vector.broadcast %reduce_sum3A_2124 : f32 to vector<16xf32>
        %select_n3A_2126 = arith.select %eq3A_2026, %broadcast_in_dim3A_2125, %select_n3A_1937 : vector<16xi1>, vector<16xf32>
        %mul3A_2127 = arith.constant 5 : i32
        %mul3A_2128 = arith.muli %add3A_1999, %mul3A_2127 : i32
        %add3A_2129 = arith.constant 3 : i32
        %add3A_2130 = arith.addi %mul3A_2128, %add3A_2129 : i32
        %get3A_2131 = arith.index_cast %add3A_2130 : i32 to index
        %get3A_2132 = arith.constant 0 : index
        %get3A_2133 = tpu.vector_load %arg13[%get3A_2131, %get3A_2132] {strides = array<i32>} : memref<320x128xf32, #tpu.memory_space<vmem>>, vector<16xf32>,
        %get3A_2134 = arith.index_cast %add3A_2130 : i32 to index
        %get3A_2135 = arith.constant 16 : index
        %get3A_2136 = tpu.vector_load %arg13[%get3A_2134, %get3A_2135] {strides = array<i32>} : memref<320x128xf32, #tpu.memory_space<vmem>>, vector<16xf32>,
        %get3A_2137 = arith.index_cast %add3A_2130 : i32 to index
        %get3A_2138 = arith.constant 32 : index
        %get3A_2139 = tpu.vector_load %arg13[%get3A_2137, %get3A_2138] {strides = array<i32>} : memref<320x128xf32, #tpu.memory_space<vmem>>, vector<16xf32>,
        %get3A_2140 = arith.index_cast %add3A_2130 : i32 to index
        %get3A_2141 = arith.constant 48 : index
        %get3A_2142 = tpu.vector_load %arg13[%get3A_2140, %get3A_2141] {strides = array<i32>} : memref<320x128xf32, #tpu.memory_space<vmem>>, vector<16xf32>,
        %mul3A_2143 = arith.mulf %get3A_2002, %get3A_2133 : vector<16xf32>
        %mul3A_2144 = arith.mulf %get3A_2005, %get3A_2136 : vector<16xf32>
        %add3A_2145 = arith.addf %mul3A_2143, %mul3A_2144 : vector<16xf32>
        %mul3A_2146 = arith.mulf %get3A_2008, %get3A_2139 : vector<16xf32>
        %add3A_2147 = arith.addf %add3A_2145, %mul3A_2146 : vector<16xf32>
        %mul3A_2148 = arith.mulf %get3A_2011, %get3A_2142 : vector<16xf32>
        %add3A_2149 = arith.addf %add3A_2147, %mul3A_2148 : vector<16xf32>
        %reduce_sum3A_2150 = arith.constant true
        %reduce_sum3A_2151 = vector.broadcast %reduce_sum3A_2150 : i1 to vector<16xi1>
        %reduce_sum3A_2152 = tpu.scan <sum>, %add3A_2149 masked %reduce_sum3A_2151 : vector<16xf32>, vector<16xi1> -> vector<16xf32>
        %reduce_sum3A_2153 = vector.extract %reduce_sum3A_2152[15] : f32 from vector<16xf32>
        %broadcast_in_dim3A_2154 = vector.broadcast %reduce_sum3A_2153 : f32 to vector<16xf32>
        %select_n3A_2155 = arith.select %eq3A_2026, %broadcast_in_dim3A_2154, %select_n3A_1966 : vector<16xi1>, vector<16xf32>
        %mul3A_2156 = arith.constant 5 : i32
        %mul3A_2157 = arith.muli %add3A_1999, %mul3A_2156 : i32
        %add3A_2158 = arith.constant 4 : i32
        %add3A_2159 = arith.addi %mul3A_2157, %add3A_2158 : i32
        %get3A_2160 = arith.index_cast %add3A_2159 : i32 to index
        %get3A_2161 = arith.constant 0 : index
        %get3A_2162 = tpu.vector_load %arg13[%get3A_2160, %get3A_2161] {strides = array<i32>} : memref<320x128xf32, #tpu.memory_space<vmem>>, vector<16xf32>,
        %get3A_2163 = arith.index_cast %add3A_2159 : i32 to index
        %get3A_2164 = arith.constant 16 : index
        %get3A_2165 = tpu.vector_load %arg13[%get3A_2163, %get3A_2164] {strides = array<i32>} : memref<320x128xf32, #tpu.memory_space<vmem>>, vector<16xf32>,
        %get3A_2166 = arith.index_cast %add3A_2159 : i32 to index
        %get3A_2167 = arith.constant 32 : index
        %get3A_2168 = tpu.vector_load %arg13[%get3A_2166, %get3A_2167] {strides = array<i32>} : memref<320x128xf32, #tpu.memory_space<vmem>>, vector<16xf32>,
        %get3A_2169 = arith.index_cast %add3A_2159 : i32 to index
        %get3A_2170 = arith.constant 48 : index
        %get3A_2171 = tpu.vector_load %arg13[%get3A_2169, %get3A_2170] {strides = array<i32>} : memref<320x128xf32, #tpu.memory_space<vmem>>, vector<16xf32>,
        %mul3A_2172 = arith.mulf %get3A_2002, %get3A_2162 : vector<16xf32>
        %mul3A_2173 = arith.mulf %get3A_2005, %get3A_2165 : vector<16xf32>
        %add3A_2174 = arith.addf %mul3A_2172, %mul3A_2173 : vector<16xf32>
        %mul3A_2175 = arith.mulf %get3A_2008, %get3A_2168 : vector<16xf32>
        %add3A_2176 = arith.addf %add3A_2174, %mul3A_2175 : vector<16xf32>
        %mul3A_2177 = arith.mulf %get3A_2011, %get3A_2171 : vector<16xf32>
        %add3A_2178 = arith.addf %add3A_2176, %mul3A_2177 : vector<16xf32>
        %reduce_sum3A_2179 = arith.constant true
        %reduce_sum3A_2180 = vector.broadcast %reduce_sum3A_2179 : i1 to vector<16xi1>
        %reduce_sum3A_2181 = tpu.scan <sum>, %add3A_2178 masked %reduce_sum3A_2180 : vector<16xf32>, vector<16xi1> -> vector<16xf32>
        %reduce_sum3A_2182 = vector.extract %reduce_sum3A_2181[15] : f32 from vector<16xf32>
        %broadcast_in_dim3A_2183 = vector.broadcast %reduce_sum3A_2182 : f32 to vector<16xf32>
        %select_n3A_2184 = arith.select %eq3A_2026, %broadcast_in_dim3A_2183, %select_n3A_1995 : vector<16xi1>, vector<16xf32>
        %mul3A_2185 = arith.constant 16 : i32
        %mul3A_2186 = arith.muli %scan3A_93, %mul3A_2185 : i32
        %add3A_2187 = arith.constant 11 : i32
        %add3A_2188 = arith.addi %mul3A_2186, %add3A_2187 : i32
        %get3A_2189 = arith.index_cast %add3A_2188 : i32 to index
        %get3A_2190 = arith.constant 0 : index
        %get3A_2191 = tpu.vector_load %arg11[%get3A_2189, %get3A_2190] {strides = array<i32>} : memref<64x128xf32, #tpu.memory_space<vmem>>, vector<16xf32>,
        %get3A_2192 = arith.index_cast %add3A_2188 : i32 to index
        %get3A_2193 = arith.constant 16 : index
        %get3A_2194 = tpu.vector_load %arg11[%get3A_2192, %get3A_2193] {strides = array<i32>} : memref<64x128xf32, #tpu.memory_space<vmem>>, vector<16xf32>,
        %get3A_2195 = arith.index_cast %add3A_2188 : i32 to index
        %get3A_2196 = arith.constant 32 : index
        %get3A_2197 = tpu.vector_load %arg11[%get3A_2195, %get3A_2196] {strides = array<i32>} : memref<64x128xf32, #tpu.memory_space<vmem>>, vector<16xf32>,
        %get3A_2198 = arith.index_cast %add3A_2188 : i32 to index
        %get3A_2199 = arith.constant 48 : index
        %get3A_2200 = tpu.vector_load %arg11[%get3A_2198, %get3A_2199] {strides = array<i32>} : memref<64x128xf32, #tpu.memory_space<vmem>>, vector<16xf32>,
        %get3A_2201 = arith.index_cast %add3A_2188 : i32 to index
        %get3A_2202 = arith.constant 0 : index
        %get3A_2203 = tpu.vector_load %arg12[%get3A_2201, %get3A_2202] {strides = array<i32>} : memref<64x128xf32, #tpu.memory_space<vmem>>, vector<16xf32>,
        %get3A_2204 = arith.index_cast %add3A_2188 : i32 to index
        %get3A_2205 = arith.constant 16 : index
        %get3A_2206 = tpu.vector_load %arg12[%get3A_2204, %get3A_2205] {strides = array<i32>} : memref<64x128xf32, #tpu.memory_space<vmem>>, vector<16xf32>,
        %get3A_2207 = arith.index_cast %add3A_2188 : i32 to index
        %get3A_2208 = arith.constant 32 : index
        %get3A_2209 = tpu.vector_load %arg12[%get3A_2207, %get3A_2208] {strides = array<i32>} : memref<64x128xf32, #tpu.memory_space<vmem>>, vector<16xf32>,
        %get3A_2210 = arith.index_cast %add3A_2188 : i32 to index
        %get3A_2211 = arith.constant 48 : index
        %get3A_2212 = tpu.vector_load %arg12[%get3A_2210, %get3A_2211] {strides = array<i32>} : memref<64x128xf32, #tpu.memory_space<vmem>>, vector<16xf32>,
        %eq3A_2213 = arith.constant 11 : i32
        %eq3A_2214 = vector.broadcast %eq3A_2213 : i32 to vector<16xi32>
        %eq3A_2215 = arith.cmpi eq, %iota3A, %eq3A_2214 : vector<16xi32>
        %mul3A_2216 = arith.mulf %get3A_2191, %get3A_2203 : vector<16xf32>
        %mul3A_2217 = arith.mulf %get3A_2194, %get3A_2206 : vector<16xf32>
        %add3A_2218 = arith.addf %mul3A_2216, %mul3A_2217 : vector<16xf32>
        %mul3A_2219 = arith.mulf %get3A_2197, %get3A_2209 : vector<16xf32>
        %add3A_2220 = arith.addf %add3A_2218, %mul3A_2219 : vector<16xf32>
        %mul3A_2221 = arith.mulf %get3A_2200, %get3A_2212 : vector<16xf32>
        %add3A_2222 = arith.addf %add3A_2220, %mul3A_2221 : vector<16xf32>
        %reduce_sum3A_2223 = arith.constant true
        %reduce_sum3A_2224 = vector.broadcast %reduce_sum3A_2223 : i1 to vector<16xi1>
        %reduce_sum3A_2225 = tpu.scan <sum>, %add3A_2222 masked %reduce_sum3A_2224 : vector<16xf32>, vector<16xi1> -> vector<16xf32>
        %reduce_sum3A_2226 = vector.extract %reduce_sum3A_2225[15] : f32 from vector<16xf32>
        %broadcast_in_dim3A_2227 = vector.broadcast %reduce_sum3A_2226 : f32 to vector<16xf32>
        %select_n3A_2228 = arith.select %eq3A_2215, %broadcast_in_dim3A_2227, %select_n3A_2039 : vector<16xi1>, vector<16xf32>
        %mul3A_2229 = arith.constant 5 : i32
        %mul3A_2230 = arith.muli %add3A_2188, %mul3A_2229 : i32
        %add3A_2231 = arith.constant 0 : i32
        %add3A_2232 = arith.addi %mul3A_2230, %add3A_2231 : i32
        %get3A_2233 = arith.index_cast %add3A_2232 : i32 to index
        %get3A_2234 = arith.constant 0 : index
        %get3A_2235 = tpu.vector_load %arg13[%get3A_2233, %get3A_2234] {strides = array<i32>} : memref<320x128xf32, #tpu.memory_space<vmem>>, vector<16xf32>,
        %get3A_2236 = arith.index_cast %add3A_2232 : i32 to index
        %get3A_2237 = arith.constant 16 : index
        %get3A_2238 = tpu.vector_load %arg13[%get3A_2236, %get3A_2237] {strides = array<i32>} : memref<320x128xf32, #tpu.memory_space<vmem>>, vector<16xf32>,
        %get3A_2239 = arith.index_cast %add3A_2232 : i32 to index
        %get3A_2240 = arith.constant 32 : index
        %get3A_2241 = tpu.vector_load %arg13[%get3A_2239, %get3A_2240] {strides = array<i32>} : memref<320x128xf32, #tpu.memory_space<vmem>>, vector<16xf32>,
        %get3A_2242 = arith.index_cast %add3A_2232 : i32 to index
        %get3A_2243 = arith.constant 48 : index
        %get3A_2244 = tpu.vector_load %arg13[%get3A_2242, %get3A_2243] {strides = array<i32>} : memref<320x128xf32, #tpu.memory_space<vmem>>, vector<16xf32>,
        %mul3A_2245 = arith.mulf %get3A_2191, %get3A_2235 : vector<16xf32>
        %mul3A_2246 = arith.mulf %get3A_2194, %get3A_2238 : vector<16xf32>
        %add3A_2247 = arith.addf %mul3A_2245, %mul3A_2246 : vector<16xf32>
        %mul3A_2248 = arith.mulf %get3A_2197, %get3A_2241 : vector<16xf32>
        %add3A_2249 = arith.addf %add3A_2247, %mul3A_2248 : vector<16xf32>
        %mul3A_2250 = arith.mulf %get3A_2200, %get3A_2244 : vector<16xf32>
        %add3A_2251 = arith.addf %add3A_2249, %mul3A_2250 : vector<16xf32>
        %reduce_sum3A_2252 = arith.constant true
        %reduce_sum3A_2253 = vector.broadcast %reduce_sum3A_2252 : i1 to vector<16xi1>
        %reduce_sum3A_2254 = tpu.scan <sum>, %add3A_2251 masked %reduce_sum3A_2253 : vector<16xf32>, vector<16xi1> -> vector<16xf32>
        %reduce_sum3A_2255 = vector.extract %reduce_sum3A_2254[15] : f32 from vector<16xf32>
        %broadcast_in_dim3A_2256 = vector.broadcast %reduce_sum3A_2255 : f32 to vector<16xf32>
        %select_n3A_2257 = arith.select %eq3A_2215, %broadcast_in_dim3A_2256, %select_n3A_2068 : vector<16xi1>, vector<16xf32>
        %mul3A_2258 = arith.constant 5 : i32
        %mul3A_2259 = arith.muli %add3A_2188, %mul3A_2258 : i32
        %add3A_2260 = arith.constant 1 : i32
        %add3A_2261 = arith.addi %mul3A_2259, %add3A_2260 : i32
        %get3A_2262 = arith.index_cast %add3A_2261 : i32 to index
        %get3A_2263 = arith.constant 0 : index
        %get3A_2264 = tpu.vector_load %arg13[%get3A_2262, %get3A_2263] {strides = array<i32>} : memref<320x128xf32, #tpu.memory_space<vmem>>, vector<16xf32>,
        %get3A_2265 = arith.index_cast %add3A_2261 : i32 to index
        %get3A_2266 = arith.constant 16 : index
        %get3A_2267 = tpu.vector_load %arg13[%get3A_2265, %get3A_2266] {strides = array<i32>} : memref<320x128xf32, #tpu.memory_space<vmem>>, vector<16xf32>,
        %get3A_2268 = arith.index_cast %add3A_2261 : i32 to index
        %get3A_2269 = arith.constant 32 : index
        %get3A_2270 = tpu.vector_load %arg13[%get3A_2268, %get3A_2269] {strides = array<i32>} : memref<320x128xf32, #tpu.memory_space<vmem>>, vector<16xf32>,
        %get3A_2271 = arith.index_cast %add3A_2261 : i32 to index
        %get3A_2272 = arith.constant 48 : index
        %get3A_2273 = tpu.vector_load %arg13[%get3A_2271, %get3A_2272] {strides = array<i32>} : memref<320x128xf32, #tpu.memory_space<vmem>>, vector<16xf32>,
        %mul3A_2274 = arith.mulf %get3A_2191, %get3A_2264 : vector<16xf32>
        %mul3A_2275 = arith.mulf %get3A_2194, %get3A_2267 : vector<16xf32>
        %add3A_2276 = arith.addf %mul3A_2274, %mul3A_2275 : vector<16xf32>
        %mul3A_2277 = arith.mulf %get3A_2197, %get3A_2270 : vector<16xf32>
        %add3A_2278 = arith.addf %add3A_2276, %mul3A_2277 : vector<16xf32>
        %mul3A_2279 = arith.mulf %get3A_2200, %get3A_2273 : vector<16xf32>
        %add3A_2280 = arith.addf %add3A_2278, %mul3A_2279 : vector<16xf32>
        %reduce_sum3A_2281 = arith.constant true
        %reduce_sum3A_2282 = vector.broadcast %reduce_sum3A_2281 : i1 to vector<16xi1>
        %reduce_sum3A_2283 = tpu.scan <sum>, %add3A_2280 masked %reduce_sum3A_2282 : vector<16xf32>, vector<16xi1> -> vector<16xf32>
        %reduce_sum3A_2284 = vector.extract %reduce_sum3A_2283[15] : f32 from vector<16xf32>
        %broadcast_in_dim3A_2285 = vector.broadcast %reduce_sum3A_2284 : f32 to vector<16xf32>
        %select_n3A_2286 = arith.select %eq3A_2215, %broadcast_in_dim3A_2285, %select_n3A_2097 : vector<16xi1>, vector<16xf32>
        %mul3A_2287 = arith.constant 5 : i32
        %mul3A_2288 = arith.muli %add3A_2188, %mul3A_2287 : i32
        %add3A_2289 = arith.constant 2 : i32
        %add3A_2290 = arith.addi %mul3A_2288, %add3A_2289 : i32
        %get3A_2291 = arith.index_cast %add3A_2290 : i32 to index
        %get3A_2292 = arith.constant 0 : index
        %get3A_2293 = tpu.vector_load %arg13[%get3A_2291, %get3A_2292] {strides = array<i32>} : memref<320x128xf32, #tpu.memory_space<vmem>>, vector<16xf32>,
        %get3A_2294 = arith.index_cast %add3A_2290 : i32 to index
        %get3A_2295 = arith.constant 16 : index
        %get3A_2296 = tpu.vector_load %arg13[%get3A_2294, %get3A_2295] {strides = array<i32>} : memref<320x128xf32, #tpu.memory_space<vmem>>, vector<16xf32>,
        %get3A_2297 = arith.index_cast %add3A_2290 : i32 to index
        %get3A_2298 = arith.constant 32 : index
        %get3A_2299 = tpu.vector_load %arg13[%get3A_2297, %get3A_2298] {strides = array<i32>} : memref<320x128xf32, #tpu.memory_space<vmem>>, vector<16xf32>,
        %get3A_2300 = arith.index_cast %add3A_2290 : i32 to index
        %get3A_2301 = arith.constant 48 : index
        %get3A_2302 = tpu.vector_load %arg13[%get3A_2300, %get3A_2301] {strides = array<i32>} : memref<320x128xf32, #tpu.memory_space<vmem>>, vector<16xf32>,
        %mul3A_2303 = arith.mulf %get3A_2191, %get3A_2293 : vector<16xf32>
        %mul3A_2304 = arith.mulf %get3A_2194, %get3A_2296 : vector<16xf32>
        %add3A_2305 = arith.addf %mul3A_2303, %mul3A_2304 : vector<16xf32>
        %mul3A_2306 = arith.mulf %get3A_2197, %get3A_2299 : vector<16xf32>
        %add3A_2307 = arith.addf %add3A_2305, %mul3A_2306 : vector<16xf32>
        %mul3A_2308 = arith.mulf %get3A_2200, %get3A_2302 : vector<16xf32>
        %add3A_2309 = arith.addf %add3A_2307, %mul3A_2308 : vector<16xf32>
        %reduce_sum3A_2310 = arith.constant true
        %reduce_sum3A_2311 = vector.broadcast %reduce_sum3A_2310 : i1 to vector<16xi1>
        %reduce_sum3A_2312 = tpu.scan <sum>, %add3A_2309 masked %reduce_sum3A_2311 : vector<16xf32>, vector<16xi1> -> vector<16xf32>
        %reduce_sum3A_2313 = vector.extract %reduce_sum3A_2312[15] : f32 from vector<16xf32>
        %broadcast_in_dim3A_2314 = vector.broadcast %reduce_sum3A_2313 : f32 to vector<16xf32>
        %select_n3A_2315 = arith.select %eq3A_2215, %broadcast_in_dim3A_2314, %select_n3A_2126 : vector<16xi1>, vector<16xf32>
        %mul3A_2316 = arith.constant 5 : i32
        %mul3A_2317 = arith.muli %add3A_2188, %mul3A_2316 : i32
        %add3A_2318 = arith.constant 3 : i32
        %add3A_2319 = arith.addi %mul3A_2317, %add3A_2318 : i32
        %get3A_2320 = arith.index_cast %add3A_2319 : i32 to index
        %get3A_2321 = arith.constant 0 : index
        %get3A_2322 = tpu.vector_load %arg13[%get3A_2320, %get3A_2321] {strides = array<i32>} : memref<320x128xf32, #tpu.memory_space<vmem>>, vector<16xf32>,
        %get3A_2323 = arith.index_cast %add3A_2319 : i32 to index
        %get3A_2324 = arith.constant 16 : index
        %get3A_2325 = tpu.vector_load %arg13[%get3A_2323, %get3A_2324] {strides = array<i32>} : memref<320x128xf32, #tpu.memory_space<vmem>>, vector<16xf32>,
        %get3A_2326 = arith.index_cast %add3A_2319 : i32 to index
        %get3A_2327 = arith.constant 32 : index
        %get3A_2328 = tpu.vector_load %arg13[%get3A_2326, %get3A_2327] {strides = array<i32>} : memref<320x128xf32, #tpu.memory_space<vmem>>, vector<16xf32>,
        %get3A_2329 = arith.index_cast %add3A_2319 : i32 to index
        %get3A_2330 = arith.constant 48 : index
        %get3A_2331 = tpu.vector_load %arg13[%get3A_2329, %get3A_2330] {strides = array<i32>} : memref<320x128xf32, #tpu.memory_space<vmem>>, vector<16xf32>,
        %mul3A_2332 = arith.mulf %get3A_2191, %get3A_2322 : vector<16xf32>
        %mul3A_2333 = arith.mulf %get3A_2194, %get3A_2325 : vector<16xf32>
        %add3A_2334 = arith.addf %mul3A_2332, %mul3A_2333 : vector<16xf32>
        %mul3A_2335 = arith.mulf %get3A_2197, %get3A_2328 : vector<16xf32>
        %add3A_2336 = arith.addf %add3A_2334, %mul3A_2335 : vector<16xf32>
        %mul3A_2337 = arith.mulf %get3A_2200, %get3A_2331 : vector<16xf32>
        %add3A_2338 = arith.addf %add3A_2336, %mul3A_2337 : vector<16xf32>
        %reduce_sum3A_2339 = arith.constant true
        %reduce_sum3A_2340 = vector.broadcast %reduce_sum3A_2339 : i1 to vector<16xi1>
        %reduce_sum3A_2341 = tpu.scan <sum>, %add3A_2338 masked %reduce_sum3A_2340 : vector<16xf32>, vector<16xi1> -> vector<16xf32>
        %reduce_sum3A_2342 = vector.extract %reduce_sum3A_2341[15] : f32 from vector<16xf32>
        %broadcast_in_dim3A_2343 = vector.broadcast %reduce_sum3A_2342 : f32 to vector<16xf32>
        %select_n3A_2344 = arith.select %eq3A_2215, %broadcast_in_dim3A_2343, %select_n3A_2155 : vector<16xi1>, vector<16xf32>
        %mul3A_2345 = arith.constant 5 : i32
        %mul3A_2346 = arith.muli %add3A_2188, %mul3A_2345 : i32
        %add3A_2347 = arith.constant 4 : i32
        %add3A_2348 = arith.addi %mul3A_2346, %add3A_2347 : i32
        %get3A_2349 = arith.index_cast %add3A_2348 : i32 to index
        %get3A_2350 = arith.constant 0 : index
        %get3A_2351 = tpu.vector_load %arg13[%get3A_2349, %get3A_2350] {strides = array<i32>} : memref<320x128xf32, #tpu.memory_space<vmem>>, vector<16xf32>,
        %get3A_2352 = arith.index_cast %add3A_2348 : i32 to index
        %get3A_2353 = arith.constant 16 : index
        %get3A_2354 = tpu.vector_load %arg13[%get3A_2352, %get3A_2353] {strides = array<i32>} : memref<320x128xf32, #tpu.memory_space<vmem>>, vector<16xf32>,
        %get3A_2355 = arith.index_cast %add3A_2348 : i32 to index
        %get3A_2356 = arith.constant 32 : index
        %get3A_2357 = tpu.vector_load %arg13[%get3A_2355, %get3A_2356] {strides = array<i32>} : memref<320x128xf32, #tpu.memory_space<vmem>>, vector<16xf32>,
        %get3A_2358 = arith.index_cast %add3A_2348 : i32 to index
        %get3A_2359 = arith.constant 48 : index
        %get3A_2360 = tpu.vector_load %arg13[%get3A_2358, %get3A_2359] {strides = array<i32>} : memref<320x128xf32, #tpu.memory_space<vmem>>, vector<16xf32>,
        %mul3A_2361 = arith.mulf %get3A_2191, %get3A_2351 : vector<16xf32>
        %mul3A_2362 = arith.mulf %get3A_2194, %get3A_2354 : vector<16xf32>
        %add3A_2363 = arith.addf %mul3A_2361, %mul3A_2362 : vector<16xf32>
        %mul3A_2364 = arith.mulf %get3A_2197, %get3A_2357 : vector<16xf32>
        %add3A_2365 = arith.addf %add3A_2363, %mul3A_2364 : vector<16xf32>
        %mul3A_2366 = arith.mulf %get3A_2200, %get3A_2360 : vector<16xf32>
        %add3A_2367 = arith.addf %add3A_2365, %mul3A_2366 : vector<16xf32>
        %reduce_sum3A_2368 = arith.constant true
        %reduce_sum3A_2369 = vector.broadcast %reduce_sum3A_2368 : i1 to vector<16xi1>
        %reduce_sum3A_2370 = tpu.scan <sum>, %add3A_2367 masked %reduce_sum3A_2369 : vector<16xf32>, vector<16xi1> -> vector<16xf32>
        %reduce_sum3A_2371 = vector.extract %reduce_sum3A_2370[15] : f32 from vector<16xf32>
        %broadcast_in_dim3A_2372 = vector.broadcast %reduce_sum3A_2371 : f32 to vector<16xf32>
        %select_n3A_2373 = arith.select %eq3A_2215, %broadcast_in_dim3A_2372, %select_n3A_2184 : vector<16xi1>, vector<16xf32>
        %mul3A_2374 = arith.constant 16 : i32
        %mul3A_2375 = arith.muli %scan3A_93, %mul3A_2374 : i32
        %add3A_2376 = arith.constant 12 : i32
        %add3A_2377 = arith.addi %mul3A_2375, %add3A_2376 : i32
        %get3A_2378 = arith.index_cast %add3A_2377 : i32 to index
        %get3A_2379 = arith.constant 0 : index
        %get3A_2380 = tpu.vector_load %arg11[%get3A_2378, %get3A_2379] {strides = array<i32>} : memref<64x128xf32, #tpu.memory_space<vmem>>, vector<16xf32>,
        %get3A_2381 = arith.index_cast %add3A_2377 : i32 to index
        %get3A_2382 = arith.constant 16 : index
        %get3A_2383 = tpu.vector_load %arg11[%get3A_2381, %get3A_2382] {strides = array<i32>} : memref<64x128xf32, #tpu.memory_space<vmem>>, vector<16xf32>,
        %get3A_2384 = arith.index_cast %add3A_2377 : i32 to index
        %get3A_2385 = arith.constant 32 : index
        %get3A_2386 = tpu.vector_load %arg11[%get3A_2384, %get3A_2385] {strides = array<i32>} : memref<64x128xf32, #tpu.memory_space<vmem>>, vector<16xf32>,
        %get3A_2387 = arith.index_cast %add3A_2377 : i32 to index
        %get3A_2388 = arith.constant 48 : index
        %get3A_2389 = tpu.vector_load %arg11[%get3A_2387, %get3A_2388] {strides = array<i32>} : memref<64x128xf32, #tpu.memory_space<vmem>>, vector<16xf32>,
        %get3A_2390 = arith.index_cast %add3A_2377 : i32 to index
        %get3A_2391 = arith.constant 0 : index
        %get3A_2392 = tpu.vector_load %arg12[%get3A_2390, %get3A_2391] {strides = array<i32>} : memref<64x128xf32, #tpu.memory_space<vmem>>, vector<16xf32>,
        %get3A_2393 = arith.index_cast %add3A_2377 : i32 to index
        %get3A_2394 = arith.constant 16 : index
        %get3A_2395 = tpu.vector_load %arg12[%get3A_2393, %get3A_2394] {strides = array<i32>} : memref<64x128xf32, #tpu.memory_space<vmem>>, vector<16xf32>,
        %get3A_2396 = arith.index_cast %add3A_2377 : i32 to index
        %get3A_2397 = arith.constant 32 : index
        %get3A_2398 = tpu.vector_load %arg12[%get3A_2396, %get3A_2397] {strides = array<i32>} : memref<64x128xf32, #tpu.memory_space<vmem>>, vector<16xf32>,
        %get3A_2399 = arith.index_cast %add3A_2377 : i32 to index
        %get3A_2400 = arith.constant 48 : index
        %get3A_2401 = tpu.vector_load %arg12[%get3A_2399, %get3A_2400] {strides = array<i32>} : memref<64x128xf32, #tpu.memory_space<vmem>>, vector<16xf32>,
        %eq3A_2402 = arith.constant 12 : i32
        %eq3A_2403 = vector.broadcast %eq3A_2402 : i32 to vector<16xi32>
        %eq3A_2404 = arith.cmpi eq, %iota3A, %eq3A_2403 : vector<16xi32>
        %mul3A_2405 = arith.mulf %get3A_2380, %get3A_2392 : vector<16xf32>
        %mul3A_2406 = arith.mulf %get3A_2383, %get3A_2395 : vector<16xf32>
        %add3A_2407 = arith.addf %mul3A_2405, %mul3A_2406 : vector<16xf32>
        %mul3A_2408 = arith.mulf %get3A_2386, %get3A_2398 : vector<16xf32>
        %add3A_2409 = arith.addf %add3A_2407, %mul3A_2408 : vector<16xf32>
        %mul3A_2410 = arith.mulf %get3A_2389, %get3A_2401 : vector<16xf32>
        %add3A_2411 = arith.addf %add3A_2409, %mul3A_2410 : vector<16xf32>
        %reduce_sum3A_2412 = arith.constant true
        %reduce_sum3A_2413 = vector.broadcast %reduce_sum3A_2412 : i1 to vector<16xi1>
        %reduce_sum3A_2414 = tpu.scan <sum>, %add3A_2411 masked %reduce_sum3A_2413 : vector<16xf32>, vector<16xi1> -> vector<16xf32>
        %reduce_sum3A_2415 = vector.extract %reduce_sum3A_2414[15] : f32 from vector<16xf32>
        %broadcast_in_dim3A_2416 = vector.broadcast %reduce_sum3A_2415 : f32 to vector<16xf32>
        %select_n3A_2417 = arith.select %eq3A_2404, %broadcast_in_dim3A_2416, %select_n3A_2228 : vector<16xi1>, vector<16xf32>
        %mul3A_2418 = arith.constant 5 : i32
        %mul3A_2419 = arith.muli %add3A_2377, %mul3A_2418 : i32
        %add3A_2420 = arith.constant 0 : i32
        %add3A_2421 = arith.addi %mul3A_2419, %add3A_2420 : i32
        %get3A_2422 = arith.index_cast %add3A_2421 : i32 to index
        %get3A_2423 = arith.constant 0 : index
        %get3A_2424 = tpu.vector_load %arg13[%get3A_2422, %get3A_2423] {strides = array<i32>} : memref<320x128xf32, #tpu.memory_space<vmem>>, vector<16xf32>,
        %get3A_2425 = arith.index_cast %add3A_2421 : i32 to index
        %get3A_2426 = arith.constant 16 : index
        %get3A_2427 = tpu.vector_load %arg13[%get3A_2425, %get3A_2426] {strides = array<i32>} : memref<320x128xf32, #tpu.memory_space<vmem>>, vector<16xf32>,
        %get3A_2428 = arith.index_cast %add3A_2421 : i32 to index
        %get3A_2429 = arith.constant 32 : index
        %get3A_2430 = tpu.vector_load %arg13[%get3A_2428, %get3A_2429] {strides = array<i32>} : memref<320x128xf32, #tpu.memory_space<vmem>>, vector<16xf32>,
        %get3A_2431 = arith.index_cast %add3A_2421 : i32 to index
        %get3A_2432 = arith.constant 48 : index
        %get3A_2433 = tpu.vector_load %arg13[%get3A_2431, %get3A_2432] {strides = array<i32>} : memref<320x128xf32, #tpu.memory_space<vmem>>, vector<16xf32>,
        %mul3A_2434 = arith.mulf %get3A_2380, %get3A_2424 : vector<16xf32>
        %mul3A_2435 = arith.mulf %get3A_2383, %get3A_2427 : vector<16xf32>
        %add3A_2436 = arith.addf %mul3A_2434, %mul3A_2435 : vector<16xf32>
        %mul3A_2437 = arith.mulf %get3A_2386, %get3A_2430 : vector<16xf32>
        %add3A_2438 = arith.addf %add3A_2436, %mul3A_2437 : vector<16xf32>
        %mul3A_2439 = arith.mulf %get3A_2389, %get3A_2433 : vector<16xf32>
        %add3A_2440 = arith.addf %add3A_2438, %mul3A_2439 : vector<16xf32>
        %reduce_sum3A_2441 = arith.constant true
        %reduce_sum3A_2442 = vector.broadcast %reduce_sum3A_2441 : i1 to vector<16xi1>
        %reduce_sum3A_2443 = tpu.scan <sum>, %add3A_2440 masked %reduce_sum3A_2442 : vector<16xf32>, vector<16xi1> -> vector<16xf32>
        %reduce_sum3A_2444 = vector.extract %reduce_sum3A_2443[15] : f32 from vector<16xf32>
        %broadcast_in_dim3A_2445 = vector.broadcast %reduce_sum3A_2444 : f32 to vector<16xf32>
        %select_n3A_2446 = arith.select %eq3A_2404, %broadcast_in_dim3A_2445, %select_n3A_2257 : vector<16xi1>, vector<16xf32>
        %mul3A_2447 = arith.constant 5 : i32
        %mul3A_2448 = arith.muli %add3A_2377, %mul3A_2447 : i32
        %add3A_2449 = arith.constant 1 : i32
        %add3A_2450 = arith.addi %mul3A_2448, %add3A_2449 : i32
        %get3A_2451 = arith.index_cast %add3A_2450 : i32 to index
        %get3A_2452 = arith.constant 0 : index
        %get3A_2453 = tpu.vector_load %arg13[%get3A_2451, %get3A_2452] {strides = array<i32>} : memref<320x128xf32, #tpu.memory_space<vmem>>, vector<16xf32>,
        %get3A_2454 = arith.index_cast %add3A_2450 : i32 to index
        %get3A_2455 = arith.constant 16 : index
        %get3A_2456 = tpu.vector_load %arg13[%get3A_2454, %get3A_2455] {strides = array<i32>} : memref<320x128xf32, #tpu.memory_space<vmem>>, vector<16xf32>,
        %get3A_2457 = arith.index_cast %add3A_2450 : i32 to index
        %get3A_2458 = arith.constant 32 : index
        %get3A_2459 = tpu.vector_load %arg13[%get3A_2457, %get3A_2458] {strides = array<i32>} : memref<320x128xf32, #tpu.memory_space<vmem>>, vector<16xf32>,
        %get3A_2460 = arith.index_cast %add3A_2450 : i32 to index
        %get3A_2461 = arith.constant 48 : index
        %get3A_2462 = tpu.vector_load %arg13[%get3A_2460, %get3A_2461] {strides = array<i32>} : memref<320x128xf32, #tpu.memory_space<vmem>>, vector<16xf32>,
        %mul3A_2463 = arith.mulf %get3A_2380, %get3A_2453 : vector<16xf32>
        %mul3A_2464 = arith.mulf %get3A_2383, %get3A_2456 : vector<16xf32>
        %add3A_2465 = arith.addf %mul3A_2463, %mul3A_2464 : vector<16xf32>
        %mul3A_2466 = arith.mulf %get3A_2386, %get3A_2459 : vector<16xf32>
        %add3A_2467 = arith.addf %add3A_2465, %mul3A_2466 : vector<16xf32>
        %mul3A_2468 = arith.mulf %get3A_2389, %get3A_2462 : vector<16xf32>
        %add3A_2469 = arith.addf %add3A_2467, %mul3A_2468 : vector<16xf32>
        %reduce_sum3A_2470 = arith.constant true
        %reduce_sum3A_2471 = vector.broadcast %reduce_sum3A_2470 : i1 to vector<16xi1>
        %reduce_sum3A_2472 = tpu.scan <sum>, %add3A_2469 masked %reduce_sum3A_2471 : vector<16xf32>, vector<16xi1> -> vector<16xf32>
        %reduce_sum3A_2473 = vector.extract %reduce_sum3A_2472[15] : f32 from vector<16xf32>
        %broadcast_in_dim3A_2474 = vector.broadcast %reduce_sum3A_2473 : f32 to vector<16xf32>
        %select_n3A_2475 = arith.select %eq3A_2404, %broadcast_in_dim3A_2474, %select_n3A_2286 : vector<16xi1>, vector<16xf32>
        %mul3A_2476 = arith.constant 5 : i32
        %mul3A_2477 = arith.muli %add3A_2377, %mul3A_2476 : i32
        %add3A_2478 = arith.constant 2 : i32
        %add3A_2479 = arith.addi %mul3A_2477, %add3A_2478 : i32
        %get3A_2480 = arith.index_cast %add3A_2479 : i32 to index
        %get3A_2481 = arith.constant 0 : index
        %get3A_2482 = tpu.vector_load %arg13[%get3A_2480, %get3A_2481] {strides = array<i32>} : memref<320x128xf32, #tpu.memory_space<vmem>>, vector<16xf32>,
        %get3A_2483 = arith.index_cast %add3A_2479 : i32 to index
        %get3A_2484 = arith.constant 16 : index
        %get3A_2485 = tpu.vector_load %arg13[%get3A_2483, %get3A_2484] {strides = array<i32>} : memref<320x128xf32, #tpu.memory_space<vmem>>, vector<16xf32>,
        %get3A_2486 = arith.index_cast %add3A_2479 : i32 to index
        %get3A_2487 = arith.constant 32 : index
        %get3A_2488 = tpu.vector_load %arg13[%get3A_2486, %get3A_2487] {strides = array<i32>} : memref<320x128xf32, #tpu.memory_space<vmem>>, vector<16xf32>,
        %get3A_2489 = arith.index_cast %add3A_2479 : i32 to index
        %get3A_2490 = arith.constant 48 : index
        %get3A_2491 = tpu.vector_load %arg13[%get3A_2489, %get3A_2490] {strides = array<i32>} : memref<320x128xf32, #tpu.memory_space<vmem>>, vector<16xf32>,
        %mul3A_2492 = arith.mulf %get3A_2380, %get3A_2482 : vector<16xf32>
        %mul3A_2493 = arith.mulf %get3A_2383, %get3A_2485 : vector<16xf32>
        %add3A_2494 = arith.addf %mul3A_2492, %mul3A_2493 : vector<16xf32>
        %mul3A_2495 = arith.mulf %get3A_2386, %get3A_2488 : vector<16xf32>
        %add3A_2496 = arith.addf %add3A_2494, %mul3A_2495 : vector<16xf32>
        %mul3A_2497 = arith.mulf %get3A_2389, %get3A_2491 : vector<16xf32>
        %add3A_2498 = arith.addf %add3A_2496, %mul3A_2497 : vector<16xf32>
        %reduce_sum3A_2499 = arith.constant true
        %reduce_sum3A_2500 = vector.broadcast %reduce_sum3A_2499 : i1 to vector<16xi1>
        %reduce_sum3A_2501 = tpu.scan <sum>, %add3A_2498 masked %reduce_sum3A_2500 : vector<16xf32>, vector<16xi1> -> vector<16xf32>
        %reduce_sum3A_2502 = vector.extract %reduce_sum3A_2501[15] : f32 from vector<16xf32>
        %broadcast_in_dim3A_2503 = vector.broadcast %reduce_sum3A_2502 : f32 to vector<16xf32>
        %select_n3A_2504 = arith.select %eq3A_2404, %broadcast_in_dim3A_2503, %select_n3A_2315 : vector<16xi1>, vector<16xf32>
        %mul3A_2505 = arith.constant 5 : i32
        %mul3A_2506 = arith.muli %add3A_2377, %mul3A_2505 : i32
        %add3A_2507 = arith.constant 3 : i32
        %add3A_2508 = arith.addi %mul3A_2506, %add3A_2507 : i32
        %get3A_2509 = arith.index_cast %add3A_2508 : i32 to index
        %get3A_2510 = arith.constant 0 : index
        %get3A_2511 = tpu.vector_load %arg13[%get3A_2509, %get3A_2510] {strides = array<i32>} : memref<320x128xf32, #tpu.memory_space<vmem>>, vector<16xf32>,
        %get3A_2512 = arith.index_cast %add3A_2508 : i32 to index
        %get3A_2513 = arith.constant 16 : index
        %get3A_2514 = tpu.vector_load %arg13[%get3A_2512, %get3A_2513] {strides = array<i32>} : memref<320x128xf32, #tpu.memory_space<vmem>>, vector<16xf32>,
        %get3A_2515 = arith.index_cast %add3A_2508 : i32 to index
        %get3A_2516 = arith.constant 32 : index
        %get3A_2517 = tpu.vector_load %arg13[%get3A_2515, %get3A_2516] {strides = array<i32>} : memref<320x128xf32, #tpu.memory_space<vmem>>, vector<16xf32>,
        %get3A_2518 = arith.index_cast %add3A_2508 : i32 to index
        %get3A_2519 = arith.constant 48 : index
        %get3A_2520 = tpu.vector_load %arg13[%get3A_2518, %get3A_2519] {strides = array<i32>} : memref<320x128xf32, #tpu.memory_space<vmem>>, vector<16xf32>,
        %mul3A_2521 = arith.mulf %get3A_2380, %get3A_2511 : vector<16xf32>
        %mul3A_2522 = arith.mulf %get3A_2383, %get3A_2514 : vector<16xf32>
        %add3A_2523 = arith.addf %mul3A_2521, %mul3A_2522 : vector<16xf32>
        %mul3A_2524 = arith.mulf %get3A_2386, %get3A_2517 : vector<16xf32>
        %add3A_2525 = arith.addf %add3A_2523, %mul3A_2524 : vector<16xf32>
        %mul3A_2526 = arith.mulf %get3A_2389, %get3A_2520 : vector<16xf32>
        %add3A_2527 = arith.addf %add3A_2525, %mul3A_2526 : vector<16xf32>
        %reduce_sum3A_2528 = arith.constant true
        %reduce_sum3A_2529 = vector.broadcast %reduce_sum3A_2528 : i1 to vector<16xi1>
        %reduce_sum3A_2530 = tpu.scan <sum>, %add3A_2527 masked %reduce_sum3A_2529 : vector<16xf32>, vector<16xi1> -> vector<16xf32>
        %reduce_sum3A_2531 = vector.extract %reduce_sum3A_2530[15] : f32 from vector<16xf32>
        %broadcast_in_dim3A_2532 = vector.broadcast %reduce_sum3A_2531 : f32 to vector<16xf32>
        %select_n3A_2533 = arith.select %eq3A_2404, %broadcast_in_dim3A_2532, %select_n3A_2344 : vector<16xi1>, vector<16xf32>
        %mul3A_2534 = arith.constant 5 : i32
        %mul3A_2535 = arith.muli %add3A_2377, %mul3A_2534 : i32
        %add3A_2536 = arith.constant 4 : i32
        %add3A_2537 = arith.addi %mul3A_2535, %add3A_2536 : i32
        %get3A_2538 = arith.index_cast %add3A_2537 : i32 to index
        %get3A_2539 = arith.constant 0 : index
        %get3A_2540 = tpu.vector_load %arg13[%get3A_2538, %get3A_2539] {strides = array<i32>} : memref<320x128xf32, #tpu.memory_space<vmem>>, vector<16xf32>,
        %get3A_2541 = arith.index_cast %add3A_2537 : i32 to index
        %get3A_2542 = arith.constant 16 : index
        %get3A_2543 = tpu.vector_load %arg13[%get3A_2541, %get3A_2542] {strides = array<i32>} : memref<320x128xf32, #tpu.memory_space<vmem>>, vector<16xf32>,
        %get3A_2544 = arith.index_cast %add3A_2537 : i32 to index
        %get3A_2545 = arith.constant 32 : index
        %get3A_2546 = tpu.vector_load %arg13[%get3A_2544, %get3A_2545] {strides = array<i32>} : memref<320x128xf32, #tpu.memory_space<vmem>>, vector<16xf32>,
        %get3A_2547 = arith.index_cast %add3A_2537 : i32 to index
        %get3A_2548 = arith.constant 48 : index
        %get3A_2549 = tpu.vector_load %arg13[%get3A_2547, %get3A_2548] {strides = array<i32>} : memref<320x128xf32, #tpu.memory_space<vmem>>, vector<16xf32>,
        %mul3A_2550 = arith.mulf %get3A_2380, %get3A_2540 : vector<16xf32>
        %mul3A_2551 = arith.mulf %get3A_2383, %get3A_2543 : vector<16xf32>
        %add3A_2552 = arith.addf %mul3A_2550, %mul3A_2551 : vector<16xf32>
        %mul3A_2553 = arith.mulf %get3A_2386, %get3A_2546 : vector<16xf32>
        %add3A_2554 = arith.addf %add3A_2552, %mul3A_2553 : vector<16xf32>
        %mul3A_2555 = arith.mulf %get3A_2389, %get3A_2549 : vector<16xf32>
        %add3A_2556 = arith.addf %add3A_2554, %mul3A_2555 : vector<16xf32>
        %reduce_sum3A_2557 = arith.constant true
        %reduce_sum3A_2558 = vector.broadcast %reduce_sum3A_2557 : i1 to vector<16xi1>
        %reduce_sum3A_2559 = tpu.scan <sum>, %add3A_2556 masked %reduce_sum3A_2558 : vector<16xf32>, vector<16xi1> -> vector<16xf32>
        %reduce_sum3A_2560 = vector.extract %reduce_sum3A_2559[15] : f32 from vector<16xf32>
        %broadcast_in_dim3A_2561 = vector.broadcast %reduce_sum3A_2560 : f32 to vector<16xf32>
        %select_n3A_2562 = arith.select %eq3A_2404, %broadcast_in_dim3A_2561, %select_n3A_2373 : vector<16xi1>, vector<16xf32>
        %mul3A_2563 = arith.constant 16 : i32
        %mul3A_2564 = arith.muli %scan3A_93, %mul3A_2563 : i32
        %add3A_2565 = arith.constant 13 : i32
        %add3A_2566 = arith.addi %mul3A_2564, %add3A_2565 : i32
        %get3A_2567 = arith.index_cast %add3A_2566 : i32 to index
        %get3A_2568 = arith.constant 0 : index
        %get3A_2569 = tpu.vector_load %arg11[%get3A_2567, %get3A_2568] {strides = array<i32>} : memref<64x128xf32, #tpu.memory_space<vmem>>, vector<16xf32>,
        %get3A_2570 = arith.index_cast %add3A_2566 : i32 to index
        %get3A_2571 = arith.constant 16 : index
        %get3A_2572 = tpu.vector_load %arg11[%get3A_2570, %get3A_2571] {strides = array<i32>} : memref<64x128xf32, #tpu.memory_space<vmem>>, vector<16xf32>,
        %get3A_2573 = arith.index_cast %add3A_2566 : i32 to index
        %get3A_2574 = arith.constant 32 : index
        %get3A_2575 = tpu.vector_load %arg11[%get3A_2573, %get3A_2574] {strides = array<i32>} : memref<64x128xf32, #tpu.memory_space<vmem>>, vector<16xf32>,
        %get3A_2576 = arith.index_cast %add3A_2566 : i32 to index
        %get3A_2577 = arith.constant 48 : index
        %get3A_2578 = tpu.vector_load %arg11[%get3A_2576, %get3A_2577] {strides = array<i32>} : memref<64x128xf32, #tpu.memory_space<vmem>>, vector<16xf32>,
        %get3A_2579 = arith.index_cast %add3A_2566 : i32 to index
        %get3A_2580 = arith.constant 0 : index
        %get3A_2581 = tpu.vector_load %arg12[%get3A_2579, %get3A_2580] {strides = array<i32>} : memref<64x128xf32, #tpu.memory_space<vmem>>, vector<16xf32>,
        %get3A_2582 = arith.index_cast %add3A_2566 : i32 to index
        %get3A_2583 = arith.constant 16 : index
        %get3A_2584 = tpu.vector_load %arg12[%get3A_2582, %get3A_2583] {strides = array<i32>} : memref<64x128xf32, #tpu.memory_space<vmem>>, vector<16xf32>,
        %get3A_2585 = arith.index_cast %add3A_2566 : i32 to index
        %get3A_2586 = arith.constant 32 : index
        %get3A_2587 = tpu.vector_load %arg12[%get3A_2585, %get3A_2586] {strides = array<i32>} : memref<64x128xf32, #tpu.memory_space<vmem>>, vector<16xf32>,
        %get3A_2588 = arith.index_cast %add3A_2566 : i32 to index
        %get3A_2589 = arith.constant 48 : index
        %get3A_2590 = tpu.vector_load %arg12[%get3A_2588, %get3A_2589] {strides = array<i32>} : memref<64x128xf32, #tpu.memory_space<vmem>>, vector<16xf32>,
        %eq3A_2591 = arith.constant 13 : i32
        %eq3A_2592 = vector.broadcast %eq3A_2591 : i32 to vector<16xi32>
        %eq3A_2593 = arith.cmpi eq, %iota3A, %eq3A_2592 : vector<16xi32>
        %mul3A_2594 = arith.mulf %get3A_2569, %get3A_2581 : vector<16xf32>
        %mul3A_2595 = arith.mulf %get3A_2572, %get3A_2584 : vector<16xf32>
        %add3A_2596 = arith.addf %mul3A_2594, %mul3A_2595 : vector<16xf32>
        %mul3A_2597 = arith.mulf %get3A_2575, %get3A_2587 : vector<16xf32>
        %add3A_2598 = arith.addf %add3A_2596, %mul3A_2597 : vector<16xf32>
        %mul3A_2599 = arith.mulf %get3A_2578, %get3A_2590 : vector<16xf32>
        %add3A_2600 = arith.addf %add3A_2598, %mul3A_2599 : vector<16xf32>
        %reduce_sum3A_2601 = arith.constant true
        %reduce_sum3A_2602 = vector.broadcast %reduce_sum3A_2601 : i1 to vector<16xi1>
        %reduce_sum3A_2603 = tpu.scan <sum>, %add3A_2600 masked %reduce_sum3A_2602 : vector<16xf32>, vector<16xi1> -> vector<16xf32>
        %reduce_sum3A_2604 = vector.extract %reduce_sum3A_2603[15] : f32 from vector<16xf32>
        %broadcast_in_dim3A_2605 = vector.broadcast %reduce_sum3A_2604 : f32 to vector<16xf32>
        %select_n3A_2606 = arith.select %eq3A_2593, %broadcast_in_dim3A_2605, %select_n3A_2417 : vector<16xi1>, vector<16xf32>
        %mul3A_2607 = arith.constant 5 : i32
        %mul3A_2608 = arith.muli %add3A_2566, %mul3A_2607 : i32
        %add3A_2609 = arith.constant 0 : i32
        %add3A_2610 = arith.addi %mul3A_2608, %add3A_2609 : i32
        %get3A_2611 = arith.index_cast %add3A_2610 : i32 to index
        %get3A_2612 = arith.constant 0 : index
        %get3A_2613 = tpu.vector_load %arg13[%get3A_2611, %get3A_2612] {strides = array<i32>} : memref<320x128xf32, #tpu.memory_space<vmem>>, vector<16xf32>,
        %get3A_2614 = arith.index_cast %add3A_2610 : i32 to index
        %get3A_2615 = arith.constant 16 : index
        %get3A_2616 = tpu.vector_load %arg13[%get3A_2614, %get3A_2615] {strides = array<i32>} : memref<320x128xf32, #tpu.memory_space<vmem>>, vector<16xf32>,
        %get3A_2617 = arith.index_cast %add3A_2610 : i32 to index
        %get3A_2618 = arith.constant 32 : index
        %get3A_2619 = tpu.vector_load %arg13[%get3A_2617, %get3A_2618] {strides = array<i32>} : memref<320x128xf32, #tpu.memory_space<vmem>>, vector<16xf32>,
        %get3A_2620 = arith.index_cast %add3A_2610 : i32 to index
        %get3A_2621 = arith.constant 48 : index
        %get3A_2622 = tpu.vector_load %arg13[%get3A_2620, %get3A_2621] {strides = array<i32>} : memref<320x128xf32, #tpu.memory_space<vmem>>, vector<16xf32>,
        %mul3A_2623 = arith.mulf %get3A_2569, %get3A_2613 : vector<16xf32>
        %mul3A_2624 = arith.mulf %get3A_2572, %get3A_2616 : vector<16xf32>
        %add3A_2625 = arith.addf %mul3A_2623, %mul3A_2624 : vector<16xf32>
        %mul3A_2626 = arith.mulf %get3A_2575, %get3A_2619 : vector<16xf32>
        %add3A_2627 = arith.addf %add3A_2625, %mul3A_2626 : vector<16xf32>
        %mul3A_2628 = arith.mulf %get3A_2578, %get3A_2622 : vector<16xf32>
        %add3A_2629 = arith.addf %add3A_2627, %mul3A_2628 : vector<16xf32>
        %reduce_sum3A_2630 = arith.constant true
        %reduce_sum3A_2631 = vector.broadcast %reduce_sum3A_2630 : i1 to vector<16xi1>
        %reduce_sum3A_2632 = tpu.scan <sum>, %add3A_2629 masked %reduce_sum3A_2631 : vector<16xf32>, vector<16xi1> -> vector<16xf32>
        %reduce_sum3A_2633 = vector.extract %reduce_sum3A_2632[15] : f32 from vector<16xf32>
        %broadcast_in_dim3A_2634 = vector.broadcast %reduce_sum3A_2633 : f32 to vector<16xf32>
        %select_n3A_2635 = arith.select %eq3A_2593, %broadcast_in_dim3A_2634, %select_n3A_2446 : vector<16xi1>, vector<16xf32>
        %mul3A_2636 = arith.constant 5 : i32
        %mul3A_2637 = arith.muli %add3A_2566, %mul3A_2636 : i32
        %add3A_2638 = arith.constant 1 : i32
        %add3A_2639 = arith.addi %mul3A_2637, %add3A_2638 : i32
        %get3A_2640 = arith.index_cast %add3A_2639 : i32 to index
        %get3A_2641 = arith.constant 0 : index
        %get3A_2642 = tpu.vector_load %arg13[%get3A_2640, %get3A_2641] {strides = array<i32>} : memref<320x128xf32, #tpu.memory_space<vmem>>, vector<16xf32>,
        %get3A_2643 = arith.index_cast %add3A_2639 : i32 to index
        %get3A_2644 = arith.constant 16 : index
        %get3A_2645 = tpu.vector_load %arg13[%get3A_2643, %get3A_2644] {strides = array<i32>} : memref<320x128xf32, #tpu.memory_space<vmem>>, vector<16xf32>,
        %get3A_2646 = arith.index_cast %add3A_2639 : i32 to index
        %get3A_2647 = arith.constant 32 : index
        %get3A_2648 = tpu.vector_load %arg13[%get3A_2646, %get3A_2647] {strides = array<i32>} : memref<320x128xf32, #tpu.memory_space<vmem>>, vector<16xf32>,
        %get3A_2649 = arith.index_cast %add3A_2639 : i32 to index
        %get3A_2650 = arith.constant 48 : index
        %get3A_2651 = tpu.vector_load %arg13[%get3A_2649, %get3A_2650] {strides = array<i32>} : memref<320x128xf32, #tpu.memory_space<vmem>>, vector<16xf32>,
        %mul3A_2652 = arith.mulf %get3A_2569, %get3A_2642 : vector<16xf32>
        %mul3A_2653 = arith.mulf %get3A_2572, %get3A_2645 : vector<16xf32>
        %add3A_2654 = arith.addf %mul3A_2652, %mul3A_2653 : vector<16xf32>
        %mul3A_2655 = arith.mulf %get3A_2575, %get3A_2648 : vector<16xf32>
        %add3A_2656 = arith.addf %add3A_2654, %mul3A_2655 : vector<16xf32>
        %mul3A_2657 = arith.mulf %get3A_2578, %get3A_2651 : vector<16xf32>
        %add3A_2658 = arith.addf %add3A_2656, %mul3A_2657 : vector<16xf32>
        %reduce_sum3A_2659 = arith.constant true
        %reduce_sum3A_2660 = vector.broadcast %reduce_sum3A_2659 : i1 to vector<16xi1>
        %reduce_sum3A_2661 = tpu.scan <sum>, %add3A_2658 masked %reduce_sum3A_2660 : vector<16xf32>, vector<16xi1> -> vector<16xf32>
        %reduce_sum3A_2662 = vector.extract %reduce_sum3A_2661[15] : f32 from vector<16xf32>
        %broadcast_in_dim3A_2663 = vector.broadcast %reduce_sum3A_2662 : f32 to vector<16xf32>
        %select_n3A_2664 = arith.select %eq3A_2593, %broadcast_in_dim3A_2663, %select_n3A_2475 : vector<16xi1>, vector<16xf32>
        %mul3A_2665 = arith.constant 5 : i32
        %mul3A_2666 = arith.muli %add3A_2566, %mul3A_2665 : i32
        %add3A_2667 = arith.constant 2 : i32
        %add3A_2668 = arith.addi %mul3A_2666, %add3A_2667 : i32
        %get3A_2669 = arith.index_cast %add3A_2668 : i32 to index
        %get3A_2670 = arith.constant 0 : index
        %get3A_2671 = tpu.vector_load %arg13[%get3A_2669, %get3A_2670] {strides = array<i32>} : memref<320x128xf32, #tpu.memory_space<vmem>>, vector<16xf32>,
        %get3A_2672 = arith.index_cast %add3A_2668 : i32 to index
        %get3A_2673 = arith.constant 16 : index
        %get3A_2674 = tpu.vector_load %arg13[%get3A_2672, %get3A_2673] {strides = array<i32>} : memref<320x128xf32, #tpu.memory_space<vmem>>, vector<16xf32>,
        %get3A_2675 = arith.index_cast %add3A_2668 : i32 to index
        %get3A_2676 = arith.constant 32 : index
        %get3A_2677 = tpu.vector_load %arg13[%get3A_2675, %get3A_2676] {strides = array<i32>} : memref<320x128xf32, #tpu.memory_space<vmem>>, vector<16xf32>,
        %get3A_2678 = arith.index_cast %add3A_2668 : i32 to index
        %get3A_2679 = arith.constant 48 : index
        %get3A_2680 = tpu.vector_load %arg13[%get3A_2678, %get3A_2679] {strides = array<i32>} : memref<320x128xf32, #tpu.memory_space<vmem>>, vector<16xf32>,
        %mul3A_2681 = arith.mulf %get3A_2569, %get3A_2671 : vector<16xf32>
        %mul3A_2682 = arith.mulf %get3A_2572, %get3A_2674 : vector<16xf32>
        %add3A_2683 = arith.addf %mul3A_2681, %mul3A_2682 : vector<16xf32>
        %mul3A_2684 = arith.mulf %get3A_2575, %get3A_2677 : vector<16xf32>
        %add3A_2685 = arith.addf %add3A_2683, %mul3A_2684 : vector<16xf32>
        %mul3A_2686 = arith.mulf %get3A_2578, %get3A_2680 : vector<16xf32>
        %add3A_2687 = arith.addf %add3A_2685, %mul3A_2686 : vector<16xf32>
        %reduce_sum3A_2688 = arith.constant true
        %reduce_sum3A_2689 = vector.broadcast %reduce_sum3A_2688 : i1 to vector<16xi1>
        %reduce_sum3A_2690 = tpu.scan <sum>, %add3A_2687 masked %reduce_sum3A_2689 : vector<16xf32>, vector<16xi1> -> vector<16xf32>
        %reduce_sum3A_2691 = vector.extract %reduce_sum3A_2690[15] : f32 from vector<16xf32>
        %broadcast_in_dim3A_2692 = vector.broadcast %reduce_sum3A_2691 : f32 to vector<16xf32>
        %select_n3A_2693 = arith.select %eq3A_2593, %broadcast_in_dim3A_2692, %select_n3A_2504 : vector<16xi1>, vector<16xf32>
        %mul3A_2694 = arith.constant 5 : i32
        %mul3A_2695 = arith.muli %add3A_2566, %mul3A_2694 : i32
        %add3A_2696 = arith.constant 3 : i32
        %add3A_2697 = arith.addi %mul3A_2695, %add3A_2696 : i32
        %get3A_2698 = arith.index_cast %add3A_2697 : i32 to index
        %get3A_2699 = arith.constant 0 : index
        %get3A_2700 = tpu.vector_load %arg13[%get3A_2698, %get3A_2699] {strides = array<i32>} : memref<320x128xf32, #tpu.memory_space<vmem>>, vector<16xf32>,
        %get3A_2701 = arith.index_cast %add3A_2697 : i32 to index
        %get3A_2702 = arith.constant 16 : index
        %get3A_2703 = tpu.vector_load %arg13[%get3A_2701, %get3A_2702] {strides = array<i32>} : memref<320x128xf32, #tpu.memory_space<vmem>>, vector<16xf32>,
        %get3A_2704 = arith.index_cast %add3A_2697 : i32 to index
        %get3A_2705 = arith.constant 32 : index
        %get3A_2706 = tpu.vector_load %arg13[%get3A_2704, %get3A_2705] {strides = array<i32>} : memref<320x128xf32, #tpu.memory_space<vmem>>, vector<16xf32>,
        %get3A_2707 = arith.index_cast %add3A_2697 : i32 to index
        %get3A_2708 = arith.constant 48 : index
        %get3A_2709 = tpu.vector_load %arg13[%get3A_2707, %get3A_2708] {strides = array<i32>} : memref<320x128xf32, #tpu.memory_space<vmem>>, vector<16xf32>,
        %mul3A_2710 = arith.mulf %get3A_2569, %get3A_2700 : vector<16xf32>
        %mul3A_2711 = arith.mulf %get3A_2572, %get3A_2703 : vector<16xf32>
        %add3A_2712 = arith.addf %mul3A_2710, %mul3A_2711 : vector<16xf32>
        %mul3A_2713 = arith.mulf %get3A_2575, %get3A_2706 : vector<16xf32>
        %add3A_2714 = arith.addf %add3A_2712, %mul3A_2713 : vector<16xf32>
        %mul3A_2715 = arith.mulf %get3A_2578, %get3A_2709 : vector<16xf32>
        %add3A_2716 = arith.addf %add3A_2714, %mul3A_2715 : vector<16xf32>
        %reduce_sum3A_2717 = arith.constant true
        %reduce_sum3A_2718 = vector.broadcast %reduce_sum3A_2717 : i1 to vector<16xi1>
        %reduce_sum3A_2719 = tpu.scan <sum>, %add3A_2716 masked %reduce_sum3A_2718 : vector<16xf32>, vector<16xi1> -> vector<16xf32>
        %reduce_sum3A_2720 = vector.extract %reduce_sum3A_2719[15] : f32 from vector<16xf32>
        %broadcast_in_dim3A_2721 = vector.broadcast %reduce_sum3A_2720 : f32 to vector<16xf32>
        %select_n3A_2722 = arith.select %eq3A_2593, %broadcast_in_dim3A_2721, %select_n3A_2533 : vector<16xi1>, vector<16xf32>
        %mul3A_2723 = arith.constant 5 : i32
        %mul3A_2724 = arith.muli %add3A_2566, %mul3A_2723 : i32
        %add3A_2725 = arith.constant 4 : i32
        %add3A_2726 = arith.addi %mul3A_2724, %add3A_2725 : i32
        %get3A_2727 = arith.index_cast %add3A_2726 : i32 to index
        %get3A_2728 = arith.constant 0 : index
        %get3A_2729 = tpu.vector_load %arg13[%get3A_2727, %get3A_2728] {strides = array<i32>} : memref<320x128xf32, #tpu.memory_space<vmem>>, vector<16xf32>,
        %get3A_2730 = arith.index_cast %add3A_2726 : i32 to index
        %get3A_2731 = arith.constant 16 : index
        %get3A_2732 = tpu.vector_load %arg13[%get3A_2730, %get3A_2731] {strides = array<i32>} : memref<320x128xf32, #tpu.memory_space<vmem>>, vector<16xf32>,
        %get3A_2733 = arith.index_cast %add3A_2726 : i32 to index
        %get3A_2734 = arith.constant 32 : index
        %get3A_2735 = tpu.vector_load %arg13[%get3A_2733, %get3A_2734] {strides = array<i32>} : memref<320x128xf32, #tpu.memory_space<vmem>>, vector<16xf32>,
        %get3A_2736 = arith.index_cast %add3A_2726 : i32 to index
        %get3A_2737 = arith.constant 48 : index
        %get3A_2738 = tpu.vector_load %arg13[%get3A_2736, %get3A_2737] {strides = array<i32>} : memref<320x128xf32, #tpu.memory_space<vmem>>, vector<16xf32>,
        %mul3A_2739 = arith.mulf %get3A_2569, %get3A_2729 : vector<16xf32>
        %mul3A_2740 = arith.mulf %get3A_2572, %get3A_2732 : vector<16xf32>
        %add3A_2741 = arith.addf %mul3A_2739, %mul3A_2740 : vector<16xf32>
        %mul3A_2742 = arith.mulf %get3A_2575, %get3A_2735 : vector<16xf32>
        %add3A_2743 = arith.addf %add3A_2741, %mul3A_2742 : vector<16xf32>
        %mul3A_2744 = arith.mulf %get3A_2578, %get3A_2738 : vector<16xf32>
        %add3A_2745 = arith.addf %add3A_2743, %mul3A_2744 : vector<16xf32>
        %reduce_sum3A_2746 = arith.constant true
        %reduce_sum3A_2747 = vector.broadcast %reduce_sum3A_2746 : i1 to vector<16xi1>
        %reduce_sum3A_2748 = tpu.scan <sum>, %add3A_2745 masked %reduce_sum3A_2747 : vector<16xf32>, vector<16xi1> -> vector<16xf32>
        %reduce_sum3A_2749 = vector.extract %reduce_sum3A_2748[15] : f32 from vector<16xf32>
        %broadcast_in_dim3A_2750 = vector.broadcast %reduce_sum3A_2749 : f32 to vector<16xf32>
        %select_n3A_2751 = arith.select %eq3A_2593, %broadcast_in_dim3A_2750, %select_n3A_2562 : vector<16xi1>, vector<16xf32>
        %mul3A_2752 = arith.constant 16 : i32
        %mul3A_2753 = arith.muli %scan3A_93, %mul3A_2752 : i32
        %add3A_2754 = arith.constant 14 : i32
        %add3A_2755 = arith.addi %mul3A_2753, %add3A_2754 : i32
        %get3A_2756 = arith.index_cast %add3A_2755 : i32 to index
        %get3A_2757 = arith.constant 0 : index
        %get3A_2758 = tpu.vector_load %arg11[%get3A_2756, %get3A_2757] {strides = array<i32>} : memref<64x128xf32, #tpu.memory_space<vmem>>, vector<16xf32>,
        %get3A_2759 = arith.index_cast %add3A_2755 : i32 to index
        %get3A_2760 = arith.constant 16 : index
        %get3A_2761 = tpu.vector_load %arg11[%get3A_2759, %get3A_2760] {strides = array<i32>} : memref<64x128xf32, #tpu.memory_space<vmem>>, vector<16xf32>,
        %get3A_2762 = arith.index_cast %add3A_2755 : i32 to index
        %get3A_2763 = arith.constant 32 : index
        %get3A_2764 = tpu.vector_load %arg11[%get3A_2762, %get3A_2763] {strides = array<i32>} : memref<64x128xf32, #tpu.memory_space<vmem>>, vector<16xf32>,
        %get3A_2765 = arith.index_cast %add3A_2755 : i32 to index
        %get3A_2766 = arith.constant 48 : index
        %get3A_2767 = tpu.vector_load %arg11[%get3A_2765, %get3A_2766] {strides = array<i32>} : memref<64x128xf32, #tpu.memory_space<vmem>>, vector<16xf32>,
        %get3A_2768 = arith.index_cast %add3A_2755 : i32 to index
        %get3A_2769 = arith.constant 0 : index
        %get3A_2770 = tpu.vector_load %arg12[%get3A_2768, %get3A_2769] {strides = array<i32>} : memref<64x128xf32, #tpu.memory_space<vmem>>, vector<16xf32>,
        %get3A_2771 = arith.index_cast %add3A_2755 : i32 to index
        %get3A_2772 = arith.constant 16 : index
        %get3A_2773 = tpu.vector_load %arg12[%get3A_2771, %get3A_2772] {strides = array<i32>} : memref<64x128xf32, #tpu.memory_space<vmem>>, vector<16xf32>,
        %get3A_2774 = arith.index_cast %add3A_2755 : i32 to index
        %get3A_2775 = arith.constant 32 : index
        %get3A_2776 = tpu.vector_load %arg12[%get3A_2774, %get3A_2775] {strides = array<i32>} : memref<64x128xf32, #tpu.memory_space<vmem>>, vector<16xf32>,
        %get3A_2777 = arith.index_cast %add3A_2755 : i32 to index
        %get3A_2778 = arith.constant 48 : index
        %get3A_2779 = tpu.vector_load %arg12[%get3A_2777, %get3A_2778] {strides = array<i32>} : memref<64x128xf32, #tpu.memory_space<vmem>>, vector<16xf32>,
        %eq3A_2780 = arith.constant 14 : i32
        %eq3A_2781 = vector.broadcast %eq3A_2780 : i32 to vector<16xi32>
        %eq3A_2782 = arith.cmpi eq, %iota3A, %eq3A_2781 : vector<16xi32>
        %mul3A_2783 = arith.mulf %get3A_2758, %get3A_2770 : vector<16xf32>
        %mul3A_2784 = arith.mulf %get3A_2761, %get3A_2773 : vector<16xf32>
        %add3A_2785 = arith.addf %mul3A_2783, %mul3A_2784 : vector<16xf32>
        %mul3A_2786 = arith.mulf %get3A_2764, %get3A_2776 : vector<16xf32>
        %add3A_2787 = arith.addf %add3A_2785, %mul3A_2786 : vector<16xf32>
        %mul3A_2788 = arith.mulf %get3A_2767, %get3A_2779 : vector<16xf32>
        %add3A_2789 = arith.addf %add3A_2787, %mul3A_2788 : vector<16xf32>
        %reduce_sum3A_2790 = arith.constant true
        %reduce_sum3A_2791 = vector.broadcast %reduce_sum3A_2790 : i1 to vector<16xi1>
        %reduce_sum3A_2792 = tpu.scan <sum>, %add3A_2789 masked %reduce_sum3A_2791 : vector<16xf32>, vector<16xi1> -> vector<16xf32>
        %reduce_sum3A_2793 = vector.extract %reduce_sum3A_2792[15] : f32 from vector<16xf32>
        %broadcast_in_dim3A_2794 = vector.broadcast %reduce_sum3A_2793 : f32 to vector<16xf32>
        %select_n3A_2795 = arith.select %eq3A_2782, %broadcast_in_dim3A_2794, %select_n3A_2606 : vector<16xi1>, vector<16xf32>
        %mul3A_2796 = arith.constant 5 : i32
        %mul3A_2797 = arith.muli %add3A_2755, %mul3A_2796 : i32
        %add3A_2798 = arith.constant 0 : i32
        %add3A_2799 = arith.addi %mul3A_2797, %add3A_2798 : i32
        %get3A_2800 = arith.index_cast %add3A_2799 : i32 to index
        %get3A_2801 = arith.constant 0 : index
        %get3A_2802 = tpu.vector_load %arg13[%get3A_2800, %get3A_2801] {strides = array<i32>} : memref<320x128xf32, #tpu.memory_space<vmem>>, vector<16xf32>,
        %get3A_2803 = arith.index_cast %add3A_2799 : i32 to index
        %get3A_2804 = arith.constant 16 : index
        %get3A_2805 = tpu.vector_load %arg13[%get3A_2803, %get3A_2804] {strides = array<i32>} : memref<320x128xf32, #tpu.memory_space<vmem>>, vector<16xf32>,
        %get3A_2806 = arith.index_cast %add3A_2799 : i32 to index
        %get3A_2807 = arith.constant 32 : index
        %get3A_2808 = tpu.vector_load %arg13[%get3A_2806, %get3A_2807] {strides = array<i32>} : memref<320x128xf32, #tpu.memory_space<vmem>>, vector<16xf32>,
        %get3A_2809 = arith.index_cast %add3A_2799 : i32 to index
        %get3A_2810 = arith.constant 48 : index
        %get3A_2811 = tpu.vector_load %arg13[%get3A_2809, %get3A_2810] {strides = array<i32>} : memref<320x128xf32, #tpu.memory_space<vmem>>, vector<16xf32>,
        %mul3A_2812 = arith.mulf %get3A_2758, %get3A_2802 : vector<16xf32>
        %mul3A_2813 = arith.mulf %get3A_2761, %get3A_2805 : vector<16xf32>
        %add3A_2814 = arith.addf %mul3A_2812, %mul3A_2813 : vector<16xf32>
        %mul3A_2815 = arith.mulf %get3A_2764, %get3A_2808 : vector<16xf32>
        %add3A_2816 = arith.addf %add3A_2814, %mul3A_2815 : vector<16xf32>
        %mul3A_2817 = arith.mulf %get3A_2767, %get3A_2811 : vector<16xf32>
        %add3A_2818 = arith.addf %add3A_2816, %mul3A_2817 : vector<16xf32>
        %reduce_sum3A_2819 = arith.constant true
        %reduce_sum3A_2820 = vector.broadcast %reduce_sum3A_2819 : i1 to vector<16xi1>
        %reduce_sum3A_2821 = tpu.scan <sum>, %add3A_2818 masked %reduce_sum3A_2820 : vector<16xf32>, vector<16xi1> -> vector<16xf32>
        %reduce_sum3A_2822 = vector.extract %reduce_sum3A_2821[15] : f32 from vector<16xf32>
        %broadcast_in_dim3A_2823 = vector.broadcast %reduce_sum3A_2822 : f32 to vector<16xf32>
        %select_n3A_2824 = arith.select %eq3A_2782, %broadcast_in_dim3A_2823, %select_n3A_2635 : vector<16xi1>, vector<16xf32>
        %mul3A_2825 = arith.constant 5 : i32
        %mul3A_2826 = arith.muli %add3A_2755, %mul3A_2825 : i32
        %add3A_2827 = arith.constant 1 : i32
        %add3A_2828 = arith.addi %mul3A_2826, %add3A_2827 : i32
        %get3A_2829 = arith.index_cast %add3A_2828 : i32 to index
        %get3A_2830 = arith.constant 0 : index
        %get3A_2831 = tpu.vector_load %arg13[%get3A_2829, %get3A_2830] {strides = array<i32>} : memref<320x128xf32, #tpu.memory_space<vmem>>, vector<16xf32>,
        %get3A_2832 = arith.index_cast %add3A_2828 : i32 to index
        %get3A_2833 = arith.constant 16 : index
        %get3A_2834 = tpu.vector_load %arg13[%get3A_2832, %get3A_2833] {strides = array<i32>} : memref<320x128xf32, #tpu.memory_space<vmem>>, vector<16xf32>,
        %get3A_2835 = arith.index_cast %add3A_2828 : i32 to index
        %get3A_2836 = arith.constant 32 : index
        %get3A_2837 = tpu.vector_load %arg13[%get3A_2835, %get3A_2836] {strides = array<i32>} : memref<320x128xf32, #tpu.memory_space<vmem>>, vector<16xf32>,
        %get3A_2838 = arith.index_cast %add3A_2828 : i32 to index
        %get3A_2839 = arith.constant 48 : index
        %get3A_2840 = tpu.vector_load %arg13[%get3A_2838, %get3A_2839] {strides = array<i32>} : memref<320x128xf32, #tpu.memory_space<vmem>>, vector<16xf32>,
        %mul3A_2841 = arith.mulf %get3A_2758, %get3A_2831 : vector<16xf32>
        %mul3A_2842 = arith.mulf %get3A_2761, %get3A_2834 : vector<16xf32>
        %add3A_2843 = arith.addf %mul3A_2841, %mul3A_2842 : vector<16xf32>
        %mul3A_2844 = arith.mulf %get3A_2764, %get3A_2837 : vector<16xf32>
        %add3A_2845 = arith.addf %add3A_2843, %mul3A_2844 : vector<16xf32>
        %mul3A_2846 = arith.mulf %get3A_2767, %get3A_2840 : vector<16xf32>
        %add3A_2847 = arith.addf %add3A_2845, %mul3A_2846 : vector<16xf32>
        %reduce_sum3A_2848 = arith.constant true
        %reduce_sum3A_2849 = vector.broadcast %reduce_sum3A_2848 : i1 to vector<16xi1>
        %reduce_sum3A_2850 = tpu.scan <sum>, %add3A_2847 masked %reduce_sum3A_2849 : vector<16xf32>, vector<16xi1> -> vector<16xf32>
        %reduce_sum3A_2851 = vector.extract %reduce_sum3A_2850[15] : f32 from vector<16xf32>
        %broadcast_in_dim3A_2852 = vector.broadcast %reduce_sum3A_2851 : f32 to vector<16xf32>
        %select_n3A_2853 = arith.select %eq3A_2782, %broadcast_in_dim3A_2852, %select_n3A_2664 : vector<16xi1>, vector<16xf32>
        %mul3A_2854 = arith.constant 5 : i32
        %mul3A_2855 = arith.muli %add3A_2755, %mul3A_2854 : i32
        %add3A_2856 = arith.constant 2 : i32
        %add3A_2857 = arith.addi %mul3A_2855, %add3A_2856 : i32
        %get3A_2858 = arith.index_cast %add3A_2857 : i32 to index
        %get3A_2859 = arith.constant 0 : index
        %get3A_2860 = tpu.vector_load %arg13[%get3A_2858, %get3A_2859] {strides = array<i32>} : memref<320x128xf32, #tpu.memory_space<vmem>>, vector<16xf32>,
        %get3A_2861 = arith.index_cast %add3A_2857 : i32 to index
        %get3A_2862 = arith.constant 16 : index
        %get3A_2863 = tpu.vector_load %arg13[%get3A_2861, %get3A_2862] {strides = array<i32>} : memref<320x128xf32, #tpu.memory_space<vmem>>, vector<16xf32>,
        %get3A_2864 = arith.index_cast %add3A_2857 : i32 to index
        %get3A_2865 = arith.constant 32 : index
        %get3A_2866 = tpu.vector_load %arg13[%get3A_2864, %get3A_2865] {strides = array<i32>} : memref<320x128xf32, #tpu.memory_space<vmem>>, vector<16xf32>,
        %get3A_2867 = arith.index_cast %add3A_2857 : i32 to index
        %get3A_2868 = arith.constant 48 : index
        %get3A_2869 = tpu.vector_load %arg13[%get3A_2867, %get3A_2868] {strides = array<i32>} : memref<320x128xf32, #tpu.memory_space<vmem>>, vector<16xf32>,
        %mul3A_2870 = arith.mulf %get3A_2758, %get3A_2860 : vector<16xf32>
        %mul3A_2871 = arith.mulf %get3A_2761, %get3A_2863 : vector<16xf32>
        %add3A_2872 = arith.addf %mul3A_2870, %mul3A_2871 : vector<16xf32>
        %mul3A_2873 = arith.mulf %get3A_2764, %get3A_2866 : vector<16xf32>
        %add3A_2874 = arith.addf %add3A_2872, %mul3A_2873 : vector<16xf32>
        %mul3A_2875 = arith.mulf %get3A_2767, %get3A_2869 : vector<16xf32>
        %add3A_2876 = arith.addf %add3A_2874, %mul3A_2875 : vector<16xf32>
        %reduce_sum3A_2877 = arith.constant true
        %reduce_sum3A_2878 = vector.broadcast %reduce_sum3A_2877 : i1 to vector<16xi1>
        %reduce_sum3A_2879 = tpu.scan <sum>, %add3A_2876 masked %reduce_sum3A_2878 : vector<16xf32>, vector<16xi1> -> vector<16xf32>
        %reduce_sum3A_2880 = vector.extract %reduce_sum3A_2879[15] : f32 from vector<16xf32>
        %broadcast_in_dim3A_2881 = vector.broadcast %reduce_sum3A_2880 : f32 to vector<16xf32>
        %select_n3A_2882 = arith.select %eq3A_2782, %broadcast_in_dim3A_2881, %select_n3A_2693 : vector<16xi1>, vector<16xf32>
        %mul3A_2883 = arith.constant 5 : i32
        %mul3A_2884 = arith.muli %add3A_2755, %mul3A_2883 : i32
        %add3A_2885 = arith.constant 3 : i32
        %add3A_2886 = arith.addi %mul3A_2884, %add3A_2885 : i32
        %get3A_2887 = arith.index_cast %add3A_2886 : i32 to index
        %get3A_2888 = arith.constant 0 : index
        %get3A_2889 = tpu.vector_load %arg13[%get3A_2887, %get3A_2888] {strides = array<i32>} : memref<320x128xf32, #tpu.memory_space<vmem>>, vector<16xf32>,
        %get3A_2890 = arith.index_cast %add3A_2886 : i32 to index
        %get3A_2891 = arith.constant 16 : index
        %get3A_2892 = tpu.vector_load %arg13[%get3A_2890, %get3A_2891] {strides = array<i32>} : memref<320x128xf32, #tpu.memory_space<vmem>>, vector<16xf32>,
        %get3A_2893 = arith.index_cast %add3A_2886 : i32 to index
        %get3A_2894 = arith.constant 32 : index
        %get3A_2895 = tpu.vector_load %arg13[%get3A_2893, %get3A_2894] {strides = array<i32>} : memref<320x128xf32, #tpu.memory_space<vmem>>, vector<16xf32>,
        %get3A_2896 = arith.index_cast %add3A_2886 : i32 to index
        %get3A_2897 = arith.constant 48 : index
        %get3A_2898 = tpu.vector_load %arg13[%get3A_2896, %get3A_2897] {strides = array<i32>} : memref<320x128xf32, #tpu.memory_space<vmem>>, vector<16xf32>,
        %mul3A_2899 = arith.mulf %get3A_2758, %get3A_2889 : vector<16xf32>
        %mul3A_2900 = arith.mulf %get3A_2761, %get3A_2892 : vector<16xf32>
        %add3A_2901 = arith.addf %mul3A_2899, %mul3A_2900 : vector<16xf32>
        %mul3A_2902 = arith.mulf %get3A_2764, %get3A_2895 : vector<16xf32>
        %add3A_2903 = arith.addf %add3A_2901, %mul3A_2902 : vector<16xf32>
        %mul3A_2904 = arith.mulf %get3A_2767, %get3A_2898 : vector<16xf32>
        %add3A_2905 = arith.addf %add3A_2903, %mul3A_2904 : vector<16xf32>
        %reduce_sum3A_2906 = arith.constant true
        %reduce_sum3A_2907 = vector.broadcast %reduce_sum3A_2906 : i1 to vector<16xi1>
        %reduce_sum3A_2908 = tpu.scan <sum>, %add3A_2905 masked %reduce_sum3A_2907 : vector<16xf32>, vector<16xi1> -> vector<16xf32>
        %reduce_sum3A_2909 = vector.extract %reduce_sum3A_2908[15] : f32 from vector<16xf32>
        %broadcast_in_dim3A_2910 = vector.broadcast %reduce_sum3A_2909 : f32 to vector<16xf32>
        %select_n3A_2911 = arith.select %eq3A_2782, %broadcast_in_dim3A_2910, %select_n3A_2722 : vector<16xi1>, vector<16xf32>
        %mul3A_2912 = arith.constant 5 : i32
        %mul3A_2913 = arith.muli %add3A_2755, %mul3A_2912 : i32
        %add3A_2914 = arith.constant 4 : i32
        %add3A_2915 = arith.addi %mul3A_2913, %add3A_2914 : i32
        %get3A_2916 = arith.index_cast %add3A_2915 : i32 to index
        %get3A_2917 = arith.constant 0 : index
        %get3A_2918 = tpu.vector_load %arg13[%get3A_2916, %get3A_2917] {strides = array<i32>} : memref<320x128xf32, #tpu.memory_space<vmem>>, vector<16xf32>,
        %get3A_2919 = arith.index_cast %add3A_2915 : i32 to index
        %get3A_2920 = arith.constant 16 : index
        %get3A_2921 = tpu.vector_load %arg13[%get3A_2919, %get3A_2920] {strides = array<i32>} : memref<320x128xf32, #tpu.memory_space<vmem>>, vector<16xf32>,
        %get3A_2922 = arith.index_cast %add3A_2915 : i32 to index
        %get3A_2923 = arith.constant 32 : index
        %get3A_2924 = tpu.vector_load %arg13[%get3A_2922, %get3A_2923] {strides = array<i32>} : memref<320x128xf32, #tpu.memory_space<vmem>>, vector<16xf32>,
        %get3A_2925 = arith.index_cast %add3A_2915 : i32 to index
        %get3A_2926 = arith.constant 48 : index
        %get3A_2927 = tpu.vector_load %arg13[%get3A_2925, %get3A_2926] {strides = array<i32>} : memref<320x128xf32, #tpu.memory_space<vmem>>, vector<16xf32>,
        %mul3A_2928 = arith.mulf %get3A_2758, %get3A_2918 : vector<16xf32>
        %mul3A_2929 = arith.mulf %get3A_2761, %get3A_2921 : vector<16xf32>
        %add3A_2930 = arith.addf %mul3A_2928, %mul3A_2929 : vector<16xf32>
        %mul3A_2931 = arith.mulf %get3A_2764, %get3A_2924 : vector<16xf32>
        %add3A_2932 = arith.addf %add3A_2930, %mul3A_2931 : vector<16xf32>
        %mul3A_2933 = arith.mulf %get3A_2767, %get3A_2927 : vector<16xf32>
        %add3A_2934 = arith.addf %add3A_2932, %mul3A_2933 : vector<16xf32>
        %reduce_sum3A_2935 = arith.constant true
        %reduce_sum3A_2936 = vector.broadcast %reduce_sum3A_2935 : i1 to vector<16xi1>
        %reduce_sum3A_2937 = tpu.scan <sum>, %add3A_2934 masked %reduce_sum3A_2936 : vector<16xf32>, vector<16xi1> -> vector<16xf32>
        %reduce_sum3A_2938 = vector.extract %reduce_sum3A_2937[15] : f32 from vector<16xf32>
        %broadcast_in_dim3A_2939 = vector.broadcast %reduce_sum3A_2938 : f32 to vector<16xf32>
        %select_n3A_2940 = arith.select %eq3A_2782, %broadcast_in_dim3A_2939, %select_n3A_2751 : vector<16xi1>, vector<16xf32>
        %mul3A_2941 = arith.constant 16 : i32
        %mul3A_2942 = arith.muli %scan3A_93, %mul3A_2941 : i32
        %add3A_2943 = arith.constant 15 : i32
        %add3A_2944 = arith.addi %mul3A_2942, %add3A_2943 : i32
        %get3A_2945 = arith.index_cast %add3A_2944 : i32 to index
        %get3A_2946 = arith.constant 0 : index
        %get3A_2947 = tpu.vector_load %arg11[%get3A_2945, %get3A_2946] {strides = array<i32>} : memref<64x128xf32, #tpu.memory_space<vmem>>, vector<16xf32>,
        %get3A_2948 = arith.index_cast %add3A_2944 : i32 to index
        %get3A_2949 = arith.constant 16 : index
        %get3A_2950 = tpu.vector_load %arg11[%get3A_2948, %get3A_2949] {strides = array<i32>} : memref<64x128xf32, #tpu.memory_space<vmem>>, vector<16xf32>,
        %get3A_2951 = arith.index_cast %add3A_2944 : i32 to index
        %get3A_2952 = arith.constant 32 : index
        %get3A_2953 = tpu.vector_load %arg11[%get3A_2951, %get3A_2952] {strides = array<i32>} : memref<64x128xf32, #tpu.memory_space<vmem>>, vector<16xf32>,
        %get3A_2954 = arith.index_cast %add3A_2944 : i32 to index
        %get3A_2955 = arith.constant 48 : index
        %get3A_2956 = tpu.vector_load %arg11[%get3A_2954, %get3A_2955] {strides = array<i32>} : memref<64x128xf32, #tpu.memory_space<vmem>>, vector<16xf32>,
        %get3A_2957 = arith.index_cast %add3A_2944 : i32 to index
        %get3A_2958 = arith.constant 0 : index
        %get3A_2959 = tpu.vector_load %arg12[%get3A_2957, %get3A_2958] {strides = array<i32>} : memref<64x128xf32, #tpu.memory_space<vmem>>, vector<16xf32>,
        %get3A_2960 = arith.index_cast %add3A_2944 : i32 to index
        %get3A_2961 = arith.constant 16 : index
        %get3A_2962 = tpu.vector_load %arg12[%get3A_2960, %get3A_2961] {strides = array<i32>} : memref<64x128xf32, #tpu.memory_space<vmem>>, vector<16xf32>,
        %get3A_2963 = arith.index_cast %add3A_2944 : i32 to index
        %get3A_2964 = arith.constant 32 : index
        %get3A_2965 = tpu.vector_load %arg12[%get3A_2963, %get3A_2964] {strides = array<i32>} : memref<64x128xf32, #tpu.memory_space<vmem>>, vector<16xf32>,
        %get3A_2966 = arith.index_cast %add3A_2944 : i32 to index
        %get3A_2967 = arith.constant 48 : index
        %get3A_2968 = tpu.vector_load %arg12[%get3A_2966, %get3A_2967] {strides = array<i32>} : memref<64x128xf32, #tpu.memory_space<vmem>>, vector<16xf32>,
        %eq3A_2969 = arith.constant 15 : i32
        %eq3A_2970 = vector.broadcast %eq3A_2969 : i32 to vector<16xi32>
        %eq3A_2971 = arith.cmpi eq, %iota3A, %eq3A_2970 : vector<16xi32>
        %mul3A_2972 = arith.mulf %get3A_2947, %get3A_2959 : vector<16xf32>
        %mul3A_2973 = arith.mulf %get3A_2950, %get3A_2962 : vector<16xf32>
        %add3A_2974 = arith.addf %mul3A_2972, %mul3A_2973 : vector<16xf32>
        %mul3A_2975 = arith.mulf %get3A_2953, %get3A_2965 : vector<16xf32>
        %add3A_2976 = arith.addf %add3A_2974, %mul3A_2975 : vector<16xf32>
        %mul3A_2977 = arith.mulf %get3A_2956, %get3A_2968 : vector<16xf32>
        %add3A_2978 = arith.addf %add3A_2976, %mul3A_2977 : vector<16xf32>
        %reduce_sum3A_2979 = arith.constant true
        %reduce_sum3A_2980 = vector.broadcast %reduce_sum3A_2979 : i1 to vector<16xi1>
        %reduce_sum3A_2981 = tpu.scan <sum>, %add3A_2978 masked %reduce_sum3A_2980 : vector<16xf32>, vector<16xi1> -> vector<16xf32>
        %reduce_sum3A_2982 = vector.extract %reduce_sum3A_2981[15] : f32 from vector<16xf32>
        %broadcast_in_dim3A_2983 = vector.broadcast %reduce_sum3A_2982 : f32 to vector<16xf32>
        %select_n3A_2984 = arith.select %eq3A_2971, %broadcast_in_dim3A_2983, %select_n3A_2795 : vector<16xi1>, vector<16xf32>
        %mul3A_2985 = arith.constant 5 : i32
        %mul3A_2986 = arith.muli %add3A_2944, %mul3A_2985 : i32
        %add3A_2987 = arith.constant 0 : i32
        %add3A_2988 = arith.addi %mul3A_2986, %add3A_2987 : i32
        %get3A_2989 = arith.index_cast %add3A_2988 : i32 to index
        %get3A_2990 = arith.constant 0 : index
        %get3A_2991 = tpu.vector_load %arg13[%get3A_2989, %get3A_2990] {strides = array<i32>} : memref<320x128xf32, #tpu.memory_space<vmem>>, vector<16xf32>,
        %get3A_2992 = arith.index_cast %add3A_2988 : i32 to index
        %get3A_2993 = arith.constant 16 : index
        %get3A_2994 = tpu.vector_load %arg13[%get3A_2992, %get3A_2993] {strides = array<i32>} : memref<320x128xf32, #tpu.memory_space<vmem>>, vector<16xf32>,
        %get3A_2995 = arith.index_cast %add3A_2988 : i32 to index
        %get3A_2996 = arith.constant 32 : index
        %get3A_2997 = tpu.vector_load %arg13[%get3A_2995, %get3A_2996] {strides = array<i32>} : memref<320x128xf32, #tpu.memory_space<vmem>>, vector<16xf32>,
        %get3A_2998 = arith.index_cast %add3A_2988 : i32 to index
        %get3A_2999 = arith.constant 48 : index
        %get3A_3000 = tpu.vector_load %arg13[%get3A_2998, %get3A_2999] {strides = array<i32>} : memref<320x128xf32, #tpu.memory_space<vmem>>, vector<16xf32>,
        %mul3A_3001 = arith.mulf %get3A_2947, %get3A_2991 : vector<16xf32>
        %mul3A_3002 = arith.mulf %get3A_2950, %get3A_2994 : vector<16xf32>
        %add3A_3003 = arith.addf %mul3A_3001, %mul3A_3002 : vector<16xf32>
        %mul3A_3004 = arith.mulf %get3A_2953, %get3A_2997 : vector<16xf32>
        %add3A_3005 = arith.addf %add3A_3003, %mul3A_3004 : vector<16xf32>
        %mul3A_3006 = arith.mulf %get3A_2956, %get3A_3000 : vector<16xf32>
        %add3A_3007 = arith.addf %add3A_3005, %mul3A_3006 : vector<16xf32>
        %reduce_sum3A_3008 = arith.constant true
        %reduce_sum3A_3009 = vector.broadcast %reduce_sum3A_3008 : i1 to vector<16xi1>
        %reduce_sum3A_3010 = tpu.scan <sum>, %add3A_3007 masked %reduce_sum3A_3009 : vector<16xf32>, vector<16xi1> -> vector<16xf32>
        %reduce_sum3A_3011 = vector.extract %reduce_sum3A_3010[15] : f32 from vector<16xf32>
        %broadcast_in_dim3A_3012 = vector.broadcast %reduce_sum3A_3011 : f32 to vector<16xf32>
        %select_n3A_3013 = arith.select %eq3A_2971, %broadcast_in_dim3A_3012, %select_n3A_2824 : vector<16xi1>, vector<16xf32>
        %mul3A_3014 = arith.constant 5 : i32
        %mul3A_3015 = arith.muli %add3A_2944, %mul3A_3014 : i32
        %add3A_3016 = arith.constant 1 : i32
        %add3A_3017 = arith.addi %mul3A_3015, %add3A_3016 : i32
        %get3A_3018 = arith.index_cast %add3A_3017 : i32 to index
        %get3A_3019 = arith.constant 0 : index
        %get3A_3020 = tpu.vector_load %arg13[%get3A_3018, %get3A_3019] {strides = array<i32>} : memref<320x128xf32, #tpu.memory_space<vmem>>, vector<16xf32>,
        %get3A_3021 = arith.index_cast %add3A_3017 : i32 to index
        %get3A_3022 = arith.constant 16 : index
        %get3A_3023 = tpu.vector_load %arg13[%get3A_3021, %get3A_3022] {strides = array<i32>} : memref<320x128xf32, #tpu.memory_space<vmem>>, vector<16xf32>,
        %get3A_3024 = arith.index_cast %add3A_3017 : i32 to index
        %get3A_3025 = arith.constant 32 : index
        %get3A_3026 = tpu.vector_load %arg13[%get3A_3024, %get3A_3025] {strides = array<i32>} : memref<320x128xf32, #tpu.memory_space<vmem>>, vector<16xf32>,
        %get3A_3027 = arith.index_cast %add3A_3017 : i32 to index
        %get3A_3028 = arith.constant 48 : index
        %get3A_3029 = tpu.vector_load %arg13[%get3A_3027, %get3A_3028] {strides = array<i32>} : memref<320x128xf32, #tpu.memory_space<vmem>>, vector<16xf32>,
        %mul3A_3030 = arith.mulf %get3A_2947, %get3A_3020 : vector<16xf32>
        %mul3A_3031 = arith.mulf %get3A_2950, %get3A_3023 : vector<16xf32>
        %add3A_3032 = arith.addf %mul3A_3030, %mul3A_3031 : vector<16xf32>
        %mul3A_3033 = arith.mulf %get3A_2953, %get3A_3026 : vector<16xf32>
        %add3A_3034 = arith.addf %add3A_3032, %mul3A_3033 : vector<16xf32>
        %mul3A_3035 = arith.mulf %get3A_2956, %get3A_3029 : vector<16xf32>
        %add3A_3036 = arith.addf %add3A_3034, %mul3A_3035 : vector<16xf32>
        %reduce_sum3A_3037 = arith.constant true
        %reduce_sum3A_3038 = vector.broadcast %reduce_sum3A_3037 : i1 to vector<16xi1>
        %reduce_sum3A_3039 = tpu.scan <sum>, %add3A_3036 masked %reduce_sum3A_3038 : vector<16xf32>, vector<16xi1> -> vector<16xf32>
        %reduce_sum3A_3040 = vector.extract %reduce_sum3A_3039[15] : f32 from vector<16xf32>
        %broadcast_in_dim3A_3041 = vector.broadcast %reduce_sum3A_3040 : f32 to vector<16xf32>
        %select_n3A_3042 = arith.select %eq3A_2971, %broadcast_in_dim3A_3041, %select_n3A_2853 : vector<16xi1>, vector<16xf32>
        %mul3A_3043 = arith.constant 5 : i32
        %mul3A_3044 = arith.muli %add3A_2944, %mul3A_3043 : i32
        %add3A_3045 = arith.constant 2 : i32
        %add3A_3046 = arith.addi %mul3A_3044, %add3A_3045 : i32
        %get3A_3047 = arith.index_cast %add3A_3046 : i32 to index
        %get3A_3048 = arith.constant 0 : index
        %get3A_3049 = tpu.vector_load %arg13[%get3A_3047, %get3A_3048] {strides = array<i32>} : memref<320x128xf32, #tpu.memory_space<vmem>>, vector<16xf32>,
        %get3A_3050 = arith.index_cast %add3A_3046 : i32 to index
        %get3A_3051 = arith.constant 16 : index
        %get3A_3052 = tpu.vector_load %arg13[%get3A_3050, %get3A_3051] {strides = array<i32>} : memref<320x128xf32, #tpu.memory_space<vmem>>, vector<16xf32>,
        %get3A_3053 = arith.index_cast %add3A_3046 : i32 to index
        %get3A_3054 = arith.constant 32 : index
        %get3A_3055 = tpu.vector_load %arg13[%get3A_3053, %get3A_3054] {strides = array<i32>} : memref<320x128xf32, #tpu.memory_space<vmem>>, vector<16xf32>,
        %get3A_3056 = arith.index_cast %add3A_3046 : i32 to index
        %get3A_3057 = arith.constant 48 : index
        %get3A_3058 = tpu.vector_load %arg13[%get3A_3056, %get3A_3057] {strides = array<i32>} : memref<320x128xf32, #tpu.memory_space<vmem>>, vector<16xf32>,
        %mul3A_3059 = arith.mulf %get3A_2947, %get3A_3049 : vector<16xf32>
        %mul3A_3060 = arith.mulf %get3A_2950, %get3A_3052 : vector<16xf32>
        %add3A_3061 = arith.addf %mul3A_3059, %mul3A_3060 : vector<16xf32>
        %mul3A_3062 = arith.mulf %get3A_2953, %get3A_3055 : vector<16xf32>
        %add3A_3063 = arith.addf %add3A_3061, %mul3A_3062 : vector<16xf32>
        %mul3A_3064 = arith.mulf %get3A_2956, %get3A_3058 : vector<16xf32>
        %add3A_3065 = arith.addf %add3A_3063, %mul3A_3064 : vector<16xf32>
        %reduce_sum3A_3066 = arith.constant true
        %reduce_sum3A_3067 = vector.broadcast %reduce_sum3A_3066 : i1 to vector<16xi1>
        %reduce_sum3A_3068 = tpu.scan <sum>, %add3A_3065 masked %reduce_sum3A_3067 : vector<16xf32>, vector<16xi1> -> vector<16xf32>
        %reduce_sum3A_3069 = vector.extract %reduce_sum3A_3068[15] : f32 from vector<16xf32>
        %broadcast_in_dim3A_3070 = vector.broadcast %reduce_sum3A_3069 : f32 to vector<16xf32>
        %select_n3A_3071 = arith.select %eq3A_2971, %broadcast_in_dim3A_3070, %select_n3A_2882 : vector<16xi1>, vector<16xf32>
        %mul3A_3072 = arith.constant 5 : i32
        %mul3A_3073 = arith.muli %add3A_2944, %mul3A_3072 : i32
        %add3A_3074 = arith.constant 3 : i32
        %add3A_3075 = arith.addi %mul3A_3073, %add3A_3074 : i32
        %get3A_3076 = arith.index_cast %add3A_3075 : i32 to index
        %get3A_3077 = arith.constant 0 : index
        %get3A_3078 = tpu.vector_load %arg13[%get3A_3076, %get3A_3077] {strides = array<i32>} : memref<320x128xf32, #tpu.memory_space<vmem>>, vector<16xf32>,
        %get3A_3079 = arith.index_cast %add3A_3075 : i32 to index
        %get3A_3080 = arith.constant 16 : index
        %get3A_3081 = tpu.vector_load %arg13[%get3A_3079, %get3A_3080] {strides = array<i32>} : memref<320x128xf32, #tpu.memory_space<vmem>>, vector<16xf32>,
        %get3A_3082 = arith.index_cast %add3A_3075 : i32 to index
        %get3A_3083 = arith.constant 32 : index
        %get3A_3084 = tpu.vector_load %arg13[%get3A_3082, %get3A_3083] {strides = array<i32>} : memref<320x128xf32, #tpu.memory_space<vmem>>, vector<16xf32>,
        %get3A_3085 = arith.index_cast %add3A_3075 : i32 to index
        %get3A_3086 = arith.constant 48 : index
        %get3A_3087 = tpu.vector_load %arg13[%get3A_3085, %get3A_3086] {strides = array<i32>} : memref<320x128xf32, #tpu.memory_space<vmem>>, vector<16xf32>,
        %mul3A_3088 = arith.mulf %get3A_2947, %get3A_3078 : vector<16xf32>
        %mul3A_3089 = arith.mulf %get3A_2950, %get3A_3081 : vector<16xf32>
        %add3A_3090 = arith.addf %mul3A_3088, %mul3A_3089 : vector<16xf32>
        %mul3A_3091 = arith.mulf %get3A_2953, %get3A_3084 : vector<16xf32>
        %add3A_3092 = arith.addf %add3A_3090, %mul3A_3091 : vector<16xf32>
        %mul3A_3093 = arith.mulf %get3A_2956, %get3A_3087 : vector<16xf32>
        %add3A_3094 = arith.addf %add3A_3092, %mul3A_3093 : vector<16xf32>
        %reduce_sum3A_3095 = arith.constant true
        %reduce_sum3A_3096 = vector.broadcast %reduce_sum3A_3095 : i1 to vector<16xi1>
        %reduce_sum3A_3097 = tpu.scan <sum>, %add3A_3094 masked %reduce_sum3A_3096 : vector<16xf32>, vector<16xi1> -> vector<16xf32>
        %reduce_sum3A_3098 = vector.extract %reduce_sum3A_3097[15] : f32 from vector<16xf32>
        %broadcast_in_dim3A_3099 = vector.broadcast %reduce_sum3A_3098 : f32 to vector<16xf32>
        %select_n3A_3100 = arith.select %eq3A_2971, %broadcast_in_dim3A_3099, %select_n3A_2911 : vector<16xi1>, vector<16xf32>
        %mul3A_3101 = arith.constant 5 : i32
        %mul3A_3102 = arith.muli %add3A_2944, %mul3A_3101 : i32
        %add3A_3103 = arith.constant 4 : i32
        %add3A_3104 = arith.addi %mul3A_3102, %add3A_3103 : i32
        %get3A_3105 = arith.index_cast %add3A_3104 : i32 to index
        %get3A_3106 = arith.constant 0 : index
        %get3A_3107 = tpu.vector_load %arg13[%get3A_3105, %get3A_3106] {strides = array<i32>} : memref<320x128xf32, #tpu.memory_space<vmem>>, vector<16xf32>,
        %get3A_3108 = arith.index_cast %add3A_3104 : i32 to index
        %get3A_3109 = arith.constant 16 : index
        %get3A_3110 = tpu.vector_load %arg13[%get3A_3108, %get3A_3109] {strides = array<i32>} : memref<320x128xf32, #tpu.memory_space<vmem>>, vector<16xf32>,
        %get3A_3111 = arith.index_cast %add3A_3104 : i32 to index
        %get3A_3112 = arith.constant 32 : index
        %get3A_3113 = tpu.vector_load %arg13[%get3A_3111, %get3A_3112] {strides = array<i32>} : memref<320x128xf32, #tpu.memory_space<vmem>>, vector<16xf32>,
        %get3A_3114 = arith.index_cast %add3A_3104 : i32 to index
        %get3A_3115 = arith.constant 48 : index
        %get3A_3116 = tpu.vector_load %arg13[%get3A_3114, %get3A_3115] {strides = array<i32>} : memref<320x128xf32, #tpu.memory_space<vmem>>, vector<16xf32>,
        %mul3A_3117 = arith.mulf %get3A_2947, %get3A_3107 : vector<16xf32>
        %mul3A_3118 = arith.mulf %get3A_2950, %get3A_3110 : vector<16xf32>
        %add3A_3119 = arith.addf %mul3A_3117, %mul3A_3118 : vector<16xf32>
        %mul3A_3120 = arith.mulf %get3A_2953, %get3A_3113 : vector<16xf32>
        %add3A_3121 = arith.addf %add3A_3119, %mul3A_3120 : vector<16xf32>
        %mul3A_3122 = arith.mulf %get3A_2956, %get3A_3116 : vector<16xf32>
        %add3A_3123 = arith.addf %add3A_3121, %mul3A_3122 : vector<16xf32>
        %reduce_sum3A_3124 = arith.constant true
        %reduce_sum3A_3125 = vector.broadcast %reduce_sum3A_3124 : i1 to vector<16xi1>
        %reduce_sum3A_3126 = tpu.scan <sum>, %add3A_3123 masked %reduce_sum3A_3125 : vector<16xf32>, vector<16xi1> -> vector<16xf32>
        %reduce_sum3A_3127 = vector.extract %reduce_sum3A_3126[15] : f32 from vector<16xf32>
        %broadcast_in_dim3A_3128 = vector.broadcast %reduce_sum3A_3127 : f32 to vector<16xf32>
        %select_n3A_3129 = arith.select %eq3A_2971, %broadcast_in_dim3A_3128, %select_n3A_2940 : vector<16xi1>, vector<16xf32>
        %add3A_3130 = arith.constant 0 : i32
        %add3A_3131 = arith.addi %add3A_3130, %add3A_98 : i32
        %swap3A = arith.index_cast %add3A_3131 : i32 to index
        %swap3A_3132 = tpu.vector_load %arg14[%swap3A] {strides = array<i32>} : memref<3072xf32, #tpu.memory_space<vmem>>, vector<16xf32>,
        tpu.vector_store %arg14[%swap3A], %select_n3A_2984 {strides = array<i32>} : memref<3072xf32, #tpu.memory_space<vmem>>, vector<16xf32>,
        %add3A_3133 = arith.constant 512 : i32
        %add3A_3134 = arith.addi %add3A_3133, %add3A_98 : i32
        %swap3A_3135 = arith.index_cast %add3A_3134 : i32 to index
        %swap3A_3136 = tpu.vector_load %arg14[%swap3A_3135] {strides = array<i32>} : memref<3072xf32, #tpu.memory_space<vmem>>, vector<16xf32>,
        tpu.vector_store %arg14[%swap3A_3135], %select_n3A_3013 {strides = array<i32>} : memref<3072xf32, #tpu.memory_space<vmem>>, vector<16xf32>,
        %add3A_3137 = arith.constant 1024 : i32
        %add3A_3138 = arith.addi %add3A_3137, %add3A_98 : i32
        %swap3A_3139 = arith.index_cast %add3A_3138 : i32 to index
        %swap3A_3140 = tpu.vector_load %arg14[%swap3A_3139] {strides = array<i32>} : memref<3072xf32, #tpu.memory_space<vmem>>, vector<16xf32>,
        tpu.vector_store %arg14[%swap3A_3139], %select_n3A_3042 {strides = array<i32>} : memref<3072xf32, #tpu.memory_space<vmem>>, vector<16xf32>,
        %add3A_3141 = arith.constant 1536 : i32
        %add3A_3142 = arith.addi %add3A_3141, %add3A_98 : i32
        %swap3A_3143 = arith.index_cast %add3A_3142 : i32 to index
        %swap3A_3144 = tpu.vector_load %arg14[%swap3A_3143] {strides = array<i32>} : memref<3072xf32, #tpu.memory_space<vmem>>, vector<16xf32>,
        tpu.vector_store %arg14[%swap3A_3143], %select_n3A_3071 {strides = array<i32>} : memref<3072xf32, #tpu.memory_space<vmem>>, vector<16xf32>,
        %add3A_3145 = arith.constant 2048 : i32
        %add3A_3146 = arith.addi %add3A_3145, %add3A_98 : i32
        %swap3A_3147 = arith.index_cast %add3A_3146 : i32 to index
        %swap3A_3148 = tpu.vector_load %arg14[%swap3A_3147] {strides = array<i32>} : memref<3072xf32, #tpu.memory_space<vmem>>, vector<16xf32>,
        tpu.vector_store %arg14[%swap3A_3147], %select_n3A_3100 {strides = array<i32>} : memref<3072xf32, #tpu.memory_space<vmem>>, vector<16xf32>,
        %add3A_3149 = arith.constant 2560 : i32
        %add3A_3150 = arith.addi %add3A_3149, %add3A_98 : i32
        %swap3A_3151 = arith.index_cast %add3A_3150 : i32 to index
        %swap3A_3152 = tpu.vector_load %arg14[%swap3A_3151] {strides = array<i32>} : memref<3072xf32, #tpu.memory_space<vmem>>, vector<16xf32>,
        tpu.vector_store %arg14[%swap3A_3151], %select_n3A_3129 {strides = array<i32>} : memref<3072xf32, #tpu.memory_space<vmem>>, vector<16xf32>,
      }
      %scan3A_92 = arith.constant 4 : i32
    }
    %scan3A_9 = arith.constant 8 : i32
    %mul3A_10 = arith.constant 6 : i32
    %mul3A_11 = arith.muli %add3A, %mul3A_10 : i32
    %mul3A_12 = arith.constant 512 : i32
    %mul3A_13 = arith.muli %mul3A_11, %mul3A_12 : i32
    "tpu.region"() ({
      %run_scoped3A = tpu.sem_alloc : memref<!tpu.dma_semaphore, #tpu.memory_space<semaphore_mem>>
      %dma_start3A = tpu.memref_slice %arg7[%mul3A_13] : memref<98304xf32, #tpu.memory_space<hbm>> -> memref<3072xf32, #tpu.memory_space<hbm>>
      %dma_start3A_14 = tpu.memref_slice %arg7[%mul3A_13] : memref<98304xf32, #tpu.memory_space<hbm>> -> memref<3072xf32, #tpu.memory_space<hbm>>
      tpu.enqueue_dma source(%arg14 : memref<3072xf32, #tpu.memory_space<vmem>>) target(%dma_start3A_14 : memref<3072xf32, #tpu.memory_space<hbm>>) target_semaphore(%run_scoped3A : memref<!tpu.dma_semaphore, #tpu.memory_space<semaphore_mem>>)
      %dma_wait3A = tpu.memref_slice %arg7[%mul3A_13] : memref<98304xf32, #tpu.memory_space<hbm>> -> memref<3072xf32, #tpu.memory_space<hbm>>
      %dma_wait3A_15 = tpu.memref_slice %arg7[%mul3A_13] : memref<98304xf32, #tpu.memory_space<hbm>> -> memref<3072xf32, #tpu.memory_space<hbm>>
      tpu.wait_dma2 semaphore(%run_scoped3A : memref<!tpu.dma_semaphore, #tpu.memory_space<semaphore_mem>>) src(%arg14 : memref<3072xf32, #tpu.memory_space<vmem>>) dst(%dma_wait3A_15 : memref<3072xf32, #tpu.memory_space<hbm>>)
      tpu.yield
    }) : () -> ()
    return
  }
}

module attributes {stable_mosaic.version = 14 : i64} {
  func.func @body(%arg0: memref<768x128xf32, #tpu.memory_space<vmem>>, %arg1: memref<1x1xf32, #tpu.memory_space<smem>>) attributes {dimension_semantics = [], scalar_prefetch = 0 : i64, scratch_operands = 0 : i64, tpu.core_type = #tpu.core_type<tc>} {
    %get3A = arith.constant 0 : index
    %get3A_0 = arith.constant 0 : index
    %get3A_1 = vector.load %arg0[%get3A, %get3A_0] : memref<768x128xf32, #tpu.memory_space<vmem>>, vector<768x128xf32>
    %iota3A = tpu.iota {dimensions = array<i32: 0>} : vector<768x128xi32>
    %mul3A = arith.constant 128 : i32
    %mul3A_2 = vector.broadcast %mul3A : i32 to vector<768x128xi32>
    %mul3A_3 = arith.muli %iota3A, %mul3A_2 : vector<768x128xi32>
    %iota3A_4 = tpu.iota {dimensions = array<i32: 1>} : vector<768x128xi32>
    %add3A = arith.addi %mul3A_3, %iota3A_4 : vector<768x128xi32>
    %jit3A = arith.constant 512 : i32
    %div3A = vector.broadcast %jit3A : i32 to vector<768x128xi32>
    %div3A_5 = arith.divsi %add3A, %div3A : vector<768x128xi32>
    %sign3A = arith.constant 0 : i32
    %sign3A_6 = vector.broadcast %sign3A : i32 to vector<768x128xi32>
    %sign3A_7 = arith.cmpi sgt, %add3A, %sign3A_6 : vector<768x128xi32>
    %sign3A_8 = arith.extui %sign3A_7 : vector<768x128xi1> to vector<768x128xi32>
    %sign3A_9 = arith.constant 0 : i32
    %sign3A_10 = vector.broadcast %sign3A_9 : i32 to vector<768x128xi32>
    %sign3A_11 = arith.cmpi slt, %add3A, %sign3A_10 : vector<768x128xi32>
    %sign3A_12 = arith.extui %sign3A_11 : vector<768x128xi1> to vector<768x128xi32>
    %sign3A_13 = arith.subi %sign3A_8, %sign3A_12 : vector<768x128xi32>
    %sign3A_14 = arith.constant 0 : i32
    %sign3A_15 = arith.cmpi sgt, %jit3A, %sign3A_14 : i32
    %sign3A_16 = arith.extui %sign3A_15 : i1 to i32
    %sign3A_17 = arith.constant 0 : i32
    %sign3A_18 = arith.cmpi slt, %jit3A, %sign3A_17 : i32
    %sign3A_19 = arith.extui %sign3A_18 : i1 to i32
    %sign3A_20 = arith.subi %sign3A_16, %sign3A_19 : i32
    %ne3A = vector.broadcast %sign3A_20 : i32 to vector<768x128xi32>
    %ne3A_21 = arith.cmpi ne, %sign3A_13, %ne3A : vector<768x128xi32>
    %rem3A = vector.broadcast %jit3A : i32 to vector<768x128xi32>
    %rem3A_22 = arith.remsi %add3A, %rem3A : vector<768x128xi32>
    %ne3A_23 = arith.constant 0 : i32
    %ne3A_24 = vector.broadcast %ne3A_23 : i32 to vector<768x128xi32>
    %ne3A_25 = arith.cmpi ne, %rem3A_22, %ne3A_24 : vector<768x128xi32>
    %and3A = arith.andi %ne3A_21, %ne3A_25 : vector<768x128xi1>
    %sub3A = arith.constant 1 : i32
    %sub3A_26 = vector.broadcast %sub3A : i32 to vector<768x128xi32>
    %sub3A_27 = arith.subi %div3A_5, %sub3A_26 : vector<768x128xi32>
    %select_n3A = arith.select %and3A, %sub3A_27, %div3A_5 : vector<768x128xi1>, vector<768x128xi32>
    %jit3A_28 = arith.constant 6 : i32
    %eq3A = arith.constant 0 : i32
    %eq3A_29 = arith.cmpi eq, %jit3A_28, %eq3A : i32
    %jit3A_30 = arith.constant 1 : i32
    %select_n3A_31 = arith.select %eq3A_29, %jit3A_30, %jit3A_28 : i32
    %rem3A_32 = vector.broadcast %select_n3A_31 : i32 to vector<768x128xi32>
    %rem3A_33 = arith.remsi %select_n3A, %rem3A_32 : vector<768x128xi32>
    %ne3A_34 = arith.constant 0 : i32
    %ne3A_35 = vector.broadcast %ne3A_34 : i32 to vector<768x128xi32>
    %ne3A_36 = arith.cmpi ne, %rem3A_33, %ne3A_35 : vector<768x128xi32>
    %lt3A = arith.constant 0 : i32
    %lt3A_37 = vector.broadcast %lt3A : i32 to vector<768x128xi32>
    %lt3A_38 = arith.cmpi slt, %rem3A_33, %lt3A_37 : vector<768x128xi32>
    %lt3A_39 = arith.constant 0 : i32
    %lt3A_40 = arith.cmpi slt, %select_n3A_31, %lt3A_39 : i32
    %ne3A_41 = vector.broadcast %lt3A_40 : i1 to vector<768x128xi1>
    %ne3A_42 = vector.broadcast %ne3A_41 : vector<768x128xi1> to vector<768x128xi1>
    %ne3A_43 = arith.xori %lt3A_38, %ne3A_42 : vector<768x128xi1>
    %and3A_44 = arith.andi %ne3A_43, %ne3A_36 : vector<768x128xi1>
    %add3A_45 = vector.broadcast %select_n3A_31 : i32 to vector<768x128xi32>
    %add3A_46 = arith.addi %rem3A_33, %add3A_45 : vector<768x128xi32>
    %select_n3A_47 = arith.select %and3A_44, %add3A_46, %rem3A_33 : vector<768x128xi1>, vector<768x128xi32>
    %jit3A_48 = arith.constant -1.000000e+01 : f32
    %jit3A_49 = arith.constant 1.000000e+01 : f32
    %max3A = vector.broadcast %jit3A_48 : f32 to vector<768x128xf32>
    %max3A_50 = arith.maximumf %max3A, %get3A_1 : vector<768x128xf32>
    %min3A = vector.broadcast %jit3A_49 : f32 to vector<768x128xf32>
    %min3A_51 = arith.minimumf %min3A, %max3A_50 : vector<768x128xf32>
    %eq3A_52 = arith.constant 0 : i32
    %eq3A_53 = vector.broadcast %eq3A_52 : i32 to vector<768x128xi32>
    %eq3A_54 = arith.cmpi eq, %select_n3A_47, %eq3A_53 : vector<768x128xi32>
    %neg3A = arith.constant 0.000000e+00 : f32
    %neg3A_55 = vector.broadcast %neg3A : f32 to vector<768x128xf32>
    %neg3A_56 = arith.subf %neg3A_55, %min3A_51 : vector<768x128xf32>
    %select_n3A_57 = arith.select %eq3A_54, %neg3A_56, %min3A_51 : vector<768x128xi1>, vector<768x128xf32>
    %exp3A = math.exp %select_n3A_57 : vector<768x128xf32>
    %add3A_58 = arith.constant 1.000000e+00 : f32
    %add3A_59 = vector.broadcast %add3A_58 : f32 to vector<768x128xf32>
    %add3A_60 = arith.addf %add3A_59, %exp3A : vector<768x128xf32>
    %log3A = math.log %add3A_60 : vector<768x128xf32>
    %reduce_sum3A = vector.shape_cast %log3A : vector<768x128xf32> to vector<1x768x128xf32>
    %reduce_sum3A_61 = arith.constant dense<0.000000e+00> : vector<1xf32>
    %reduce_sum3A_62 = vector.multi_reduction <add>, %reduce_sum3A, %reduce_sum3A_61 [1, 2] : vector<1x768x128xf32> to vector<1xf32>
    %reduce_sum3A_63 = vector.shape_cast %reduce_sum3A_62 : vector<1xf32> to vector<1x1x1xf32>
    %reduce_sum3A_64 = vector.extract %reduce_sum3A_63[0, 0, 0] : f32 from vector<1x1x1xf32>
    %div3A_65 = arith.constant 1.638400e+04 : f32
    %div3A_66 = arith.divf %reduce_sum3A_64, %div3A_65 : f32
    %swap3A = arith.constant 0 : index
    %swap3A_67 = arith.constant 0 : index
    %swap3A_68 = memref.load %arg1[%swap3A, %swap3A_67] : memref<1x1xf32, #tpu.memory_space<smem>>
    memref.store %div3A_66, %arg1[%swap3A, %swap3A_67] : memref<1x1xf32, #tpu.memory_space<smem>>
    return
  }
}

</mosaic_0001>

<sc_bundles>
// kernel: kernel.4.cloned.1.call-start
scs
__scs_entry_jumppad:
0x0: {  	(pc) =	sbr.rel $0x88, $3  }
0x1: {  	(tag) =	ssettag $0x0;
	lr =	simm.s32 $0x1  }
0x2: {  	[smem:$0x3F9C] =	sst lr;
	_ =	strace $0xD0000000  }
0x3: {  	_ = 	snop  }
0x4: {  	_ = 	snop  }
0x5: {  	_ = 	snop  }
0x6: {  	_ = 	snop  }
0x7: {  	_ = 	snop  }
__scs_overlays_trampoline_lowered:
0x8: {  	[smem:$0x3FAB] =	sst s0  }
0x9: {  	[smem:$0x3FAC] =	sst s1  }
0xa: {  	[smem:$0x3FAD] =	sst s2  }
0xb: {  	[smem:$0x3FAE] =	sst s3  }
0xc: {  	[smem:$0x3FAF] =	sst s4  }
0xd: {  	[smem:$0x3FB0] =	sst s5  }
0xe: {  	[smem:$0x3FB1] =	sst s6  }
0xf: {  	[smem:$0x3FB2] =	sst s7  }
0x10: {  	[smem:$0x3FB3] =	sst s8  }
0x11: {  	[smem:$0x3FB4] =	sst s9;
	s0 =	simm.s32 @!p0 $0x0  }
0x12: {  	s1 =	sld [smem:$0x3F9A];
	s0 =	simm.s32 @p0 $0x1  }
0x13: {  	[smem:$0x3FB5] =	sst s0;
	s0 =	simm.s32 @!p1 $0x0  }
0x14: {  	s2 =	sld [smem:$0x3F99];
	s0 =	simm.s32 @p1 $0x1  }
0x15: {  	[smem:$0x3FB6] =	sst s0;
	s0 =	simm.s32 @!p2 $0x0  }
0x16: {  	s3 =	sld [smem:$0x3FDB];
	s0 =	simm.s32 @p2 $0x1  }
0x17: {  	s4 =	simm.s32 $0x1BF5;
	[smem:$0x3FB8] =	sst s0  }
0x18: {  	s0 =	sld [smem:$0x3F9B];
	_ =	swait.ge [sflag:s4], $0x0  }
0x19: {  	s7 =	sld [smem:$0x3F9C]  }
0x1a: {  	s8 =	sadd.s32 $0xFFFFE003, lr  }
0x1b: {  	s9 =	sadd.s32 $0xFFFFFEF7, lr;
	s5 =	simm.s32 $0xFFFFFFFF;
	p2 =	slt.u32 s8, $0xFFFFF086  }
0x1c: {  	p1 =	slt.u32 s9, $0xF7A;
	s5 =	simm.s32 @!p2 $0x0  }
0x1d: {  	s5 =	simm.s32 @p1 $0x1;
	p0 =	seq.s32 s7, s2  }
0x1e: {  	s7 =	smul.u32 @!p0 $0xF7A, s2;
	p2 =	seq.s32 @!p0 s5, $0x0  }
0x1f: {  	s9 =	smul.u32 $0xF7A, s1;
	s8 =	simm.s32 @!p0 $0x1BF5;
	p2 =	por !p2, p0  }
0x20: {  	[sflag:s8] =	ssyncset.s32 @!p0 $0xFFFFF086;
	s6 =	sadd.s32 @!p0 s3, s7;
	s7 =	simm.s32 @!p0 $0x108  }
0x21: {  	s3 =	sadd.s32 s3, s9;
	s6 =	sadd.s32 @!p0 $0x88, s6;
	s7 =	simm.s32 @p2 $0x1082  }
0x22: {  	[simem:s7], [sflag:s8] =	dma.local @!p0 [hbm:s6], $0xF7A  }
0x23: {  	s9 =	sor.u32 $0xD0000000, s2;
	s6 =	simm.s32 $0x108;
	_ =	swait.ge @!p0 [sflag:s8], $0x0  }
0x24: {  	s3 =	sadd.s32 $0x88, s3;
	s6 =	simm.s32 @!p1 $0x1082;
	[sflag:s4] =	ssyncset.s32 $0xFFFFF086  }
0x25: {  	[simem:s6], [sflag:s4] =	dma.local [hbm:s3], $0xF7A  }
0x26: {  	[smem:$0x3F9C] =	sst s1;
	(tag) =	ssettag s2;
	_ =	strace s9  }
0x27: {  	s1 =	sld [smem:$0x3FAC]  }
0x28: {  	s2 =	sld [smem:$0x3FAD]  }
0x29: {  	s4 =	sld [smem:$0x3FAF]  }
0x2a: {  	p0 =	seq.s32 s5, $0x0;
	s5 =	sld [smem:$0x3FB0]  }
0x2b: {  	s6 =	sld [smem:$0x3FB1]  }
0x2c: {  	s7 =	sld [smem:$0x3FB2]  }
0x2d: {  	s3 =	simm.s32 $0x108;
	s8 =	sld [smem:$0x3FB3]  }
0x2e: {  	s3 =	simm.s32 @!p0 $0x1082;
	s9 =	sld [smem:$0x3FB4]  }
0x2f: {  	lr =	sadd.s32 s0, s3;
	s0 =	sld [smem:$0x3FAB]  }
0x30: {  	s3 =	sld [smem:$0x3FAE]  }
0x31: {  	[smem:$0x3FB7] =	sst s10  }
0x32: {  	s10 =	sld [smem:$0x3FB5];
	_ =	sdelay $0x3  }
0x33: {  	p0 =	seq.s32 s10, $0x1;
	s10 =	sld [smem:$0x3FB7];
	_ =	sdelay $0x3  }
0x34: {  	[smem:$0x3FB7] =	sst s10  }
0x35: {  	s10 =	sld [smem:$0x3FB6];
	_ =	sdelay $0x3  }
0x36: {  	p1 =	seq.s32 s10, $0x1;
	s10 =	sld [smem:$0x3FB7];
	_ =	sdelay $0x3  }
0x37: {  	[smem:$0x3FB7] =	sst s10  }
0x38: {  	s10 =	sld [smem:$0x3FB8]  }
0x39: {  	_ = 	snop;
	(pc) =	sbr.ind lr, $3  }
0x3a: {  	_ = 	snop  }
0x3b: {  	_ = 	snop  }
0x3c: {  	p2 =	seq.s32 s10, $0x1;
	s10 =	sld [smem:$0x3FB7]  }
0x3d: {  	_ =	shalt  }
0x3e: {  	_ =	shalt  }
0x3f: {  	_ =	shalt  }
0x40: {  	_ =	shalt  }
0x41: {  	_ =	shalt  }
0x42: {  	_ =	shalt  }
0x43: {  	_ =	shalt  }
0x44: {  	_ =	shalt  }
0x45: {  	_ =	shalt  }
0x46: {  	_ =	shalt  }
0x47: {  	_ =	shalt  }
0x48: {  	_ =	shalt  }
0x49: {  	_ =	shalt  }
0x4a: {  	_ =	shalt  }
0x4b: {  	_ =	shalt  }
0x4c: {  	_ =	shalt  }
0x4d: {  	_ =	shalt  }
0x4e: {  	_ =	shalt  }
0x4f: {  	_ =	shalt  }
0x50: {  	_ =	shalt  }
0x51: {  	_ =	shalt  }
0x52: {  	_ =	shalt  }
0x53: {  	_ =	shalt  }
0x54: {  	_ =	shalt  }
0x55: {  	_ =	shalt  }
0x56: {  	_ =	shalt  }
0x57: {  	_ =	shalt  }
0x58: {  	_ =	shalt  }
0x59: {  	_ =	shalt  }
0x5a: {  	_ =	shalt  }
0x5b: {  	_ =	shalt  }
0x5c: {  	_ =	shalt  }
0x5d: {  	_ =	shalt  }
0x5e: {  	_ =	shalt  }
0x5f: {  	_ =	shalt  }
0x60: {  	_ =	shalt  }
0x61: {  	_ =	shalt  }
0x62: {  	_ =	shalt  }
0x63: {  	_ =	shalt  }
0x64: {  	_ =	shalt  }
0x65: {  	_ =	shalt  }
0x66: {  	_ =	shalt  }
0x67: {  	_ =	shalt  }
0x68: {  	_ =	shalt  }
0x69: {  	_ =	shalt  }
0x6a: {  	_ =	shalt  }
0x6b: {  	_ =	shalt  }
0x6c: {  	_ =	shalt  }
0x6d: {  	_ =	shalt  }
0x6e: {  	_ =	shalt  }
0x6f: {  	_ =	shalt  }
0x70: {  	_ =	shalt  }
0x71: {  	_ =	shalt  }
0x72: {  	_ =	shalt  }
0x73: {  	_ =	shalt  }
0x74: {  	_ =	shalt  }
0x75: {  	_ =	shalt  }
0x76: {  	_ =	shalt  }
0x77: {  	_ =	shalt  }
0x78: {  	_ =	shalt  }
0x79: {  	_ =	shalt  }
0x7a: {  	_ =	shalt  }
0x7b: {  	_ =	shalt  }
0x7c: {  	_ =	shalt  }
0x7d: {  	_ =	shalt  }
0x7e: {  	_ =	shalt  }
0x7f: {  	_ =	shalt  }
0x80: {  	_ =	shalt  }
0x81: {  	_ =	shalt  }
0x82: {  	_ =	shalt  }
0x83: {  	_ =	shalt  }
0x84: {  	_ =	shalt  }
0x85: {  	_ =	shalt  }
0x86: {  	_ =	shalt  }
0x87: {  	_ =	shalt  }
.Lfunc_end0:
.L_simem_size_0:
called_computation_lowered:
.L_overlay_start_0:
0x88: {  	s2 =	sld [smem:$0x3FD9]  }
0x89: {  	s3 =	sld [smem:$0x3FFE];
	_ =	sdelay $0x1  }
0x8a: {  	s1 =	srdreg.scid  }
0x8b: {  	s0 =	sand.u32 $0x1, s1  }
0x8c: {  	s17 =	sshll.u32 s0, $0xA;
	s2 =	sadd.s32 s3, s2  }
0x8d: {  	s2 =	sadd.s32 s2, s17  }
0x8e: {  	[smem:$0x3FC3] =	sst s2  }
0x8f: {  	_ = 	snop  }
0x90: {  	s2 =	sld [smem:$0x3FC9]  }
0x91: {  	s18 =	sld [smem:$0x3FC8];
	(tm) =	ssettm $0x1  }
0x92: {  	s4 =	sld [smem:$0x3FFB];
	_ =	sdelay $0x3  }
0x93: {  	_ =	strace s4  }
0x94: {  	s4 =	sld [smem:$0x3FFC];
	_ =	sdelay $0x3  }
0x95: {  	_ =	strace s4  }
0x96: {  	s4 =	sld [smem:$0x3FFD];
	_ =	sdelay $0x3  }
0x97: {  	_ =	strace s4  }
0x98: {  	_ =	strace $0x8FFFFFFF  }
0x99: {  	s19 =	sld [smem:$0x3FDB];
	_ =	sdelay $0x1  }
0x9a: {  	s5 =	simm.s32 $_scs_section_size  }
0x9b: {  	s6 =	simm.s32 $_size__tile_overlayer_lowered;
	s7 =	simm.s32 $_tile_overlayer_lowered  }
0x9c: {  	s22 =	simm.s32 $0x1BFF;
	s21 =	sshll.u32 s7, $0x1;
	s4 =	sadd.s32 s5, s19  }
0x9d: {  	s8 =	simm.s32 $0x0;
	s20 =	sshll.u32 s6, $0x1;
	s6 =	sadd.s32 s21, s4  }
0x9e: {  	[timem:s8], [sflag:s22] =	dma.local [hbm:s6], s20  }
0x9f: {  	_ =	swait.ge [sflag:s22], s20  }
0xa0: {  	s5 =	ssub.s32 $0x0, s20;
	[sflag:s22] =	ssyncset.done $0x0  }
0xa1: {  	[sflag:s22] =	ssyncadd.s32 s5;
	_ =	sdelay $0x1  }
0xa2: {  	s23 =	simm.s32 $0x1B8B  }
0xa3: {  	_ =	swait.ge [sflag:s23], $0x1  }
0xa4: {  	[sflag:s23] =	ssyncset.done $0x0  }
0xa5: {  	s25 =	simm.s32 $0x1B8E;
	s24 =	sld [smem:$0x3FFE];
	[sflag:s23] =	ssyncadd.s32 $0xFFFFFFFF  }
0xa6: {  	s26 =	simm.s32 $execute0_lowered;
	[smem:$0x3FD2] =	sst s25  }
0xa7: {  	s6 =	sshll.u32 s26, $0x1;
	_ =	strace $0x80000046;
	[dreg:$0x1] =	wrdreg $0xFFFFFFFF  }
0xa8: {  	s28 =	simm.s32 $_size_execute0_lowered;
	s4 =	sadd.s32 s4, s6;
	[dreg:$0x0] =	wrdreg $0x0  }
0xa9: {  	s6 =	sshll.u32 s28, $0x1;
	[dreg:$0x2] =	wrdreg s4  }
0xaa: {  	[dreg:$0x3] =	wrdreg s6  }
0xab: {  	[dreg:$0x4] =	wrdreg $0xC0  }
0xac: {  	_ =	task [dreg:s8], $0x5FFFF  }
0xad: {  	[dreg:$0x1] =	wrdreg $0xFFFFFFFF  }
0xae: {  	[dreg:$0x0] =	wrdreg $0x60  }
0xaf: {  	[dreg:$0x2] =	wrdreg s2  }
0xb0: {  	[dreg:$0x3] =	wrdreg s18  }
0xb1: {  	[dreg:$0x4] =	wrdreg s24  }
0xb2: {  	[dreg:$0x5] =	wrdreg $0x9  }
0xb3: {  	_ =	task.clear_ibuf [dreg:s8], $0x6FFFF;
	_ =	strace $0x90000046  }
0xb4: {  	s29 =	simm.s32 $0x9;
	_ =	strace $0x80000048  }
0xb5: {  	_ =	swait.ge [sflag:s29], $0x1  }
0xb6: {  	[sflag:s29] =	ssyncadd.s32 $0xFFFFFFFF  }
0xb7: {  	_ =	strace $0x90000048  }
0xb8: {  	_ =	sfence  }
0xb9: {  	s30 =	sld [smem:$0x0];
	_ =	sdelay $0x2  }
0xba: {  	s31 =	sshll.u32 s1, $0xD;
	s1 =	sshrl.u32 s1, $0x2  }
0xbb: {  	s3 =	sand.u32 $0x4000, s31;
	s1 =	sadd.s32 s1, s30  }
0xbc: {  	s0 =	sor.u32 s3, s0;
	s1 =	sshll.u32 s1, $0x11  }
0xbd: {  	s0 =	sor.u32 s1, s0  }
0xbe: {  	s0 =	sadd.s32 $0x8F2B, s0  }
0xbf: {  	[sflag:s0] =	ssyncadd.remote.s32 $0x1  }
0xc0: {  	_ =	sfence.sel $0xFFFF  }
0xc1: {  	[dreg:$0x0] =	wrdreg $0xFFFFFFFF;
	(pc) =	sbr.abs _section_cstart, $3  }
0xc2: {  	[dreg:$0x1] =	wrdreg $0xFFFFFFFF  }
0xc3: {  	_ =	task.clear_ibuf [dreg:s8], $0x2FFFF;
	_ =	strace $0x9FFFFFFF  }
0xc4: {  	(tm) =	ssettm $0x7FFFFFFF  }
0xc5: {  	_ =	shalt  }
tec
execute0_lowered:
.L_overlay_start_1:
0x0: {  	(tag) =	ssettag $0x1  }
0x1: {  	s5 =	rddreg [dreg:$0x0]  }
0x2: {  	s6 =	rddreg [dreg:$0x1]  }
0x3: {  	s1 =	srdreg.scid;
	s0 =	stileid.u32  }
0x4: {  	s7 =	rddreg [dreg:$0x2];
	s2 =	simm.s32 $0x0;
	s13 =	simm.s32 $0x40  }
0x5: {  	s14 =	simm.s32 $0xE00;
	s15 =	simm.s32 $0x2E00;
	s16 =	simm.s32 $0x80  }
0x6: {  	s17 =	simm.s32 $0x4E00;
	s18 =	simm.s32 $0x8E00;
	s19 =	simm.s32 $0xCE00  }
0x7: {  	s20 =	simm.s32 $0x1;
	s21 =	simm.s32 $0xEE00;
	s22 =	simm.s32 $0x0  }
0x8: {  	s3 =	sand.u32 $0x1, s1;
	s4 =	sshll.u32 s0, $0x1;
	[smem:$0x7FF] =	sst s2  }
0x9: {  	s1 =	rddreg [dreg:$0x3];
	s8 =	sor.u32 s3, s4;
	_ =	strace $0x80000047  }
0xa: {  	s11 =	ssub.s32 $0x2, s3;
	s3 =	sadd.s32 $0x1E85000, s7;
	s4 =	smul.u32 $0x140, s8  }
0xb: {  	vm0 =	vmmov $0x1;
	vm1 =	vmmov $0x3;
	vm2 =	vmmov $0x7;
	s10 =	smul.u32 $0x180, s8;
	s12 =	sshrl.u32 s11, $0x1;
	s31 =	sshll.u32 s8, $0x6  }
0xc: {  	vm3 =	vmmov $0xf;
	vm4 =	vmmov $0x1f;
	vm5 =	vmmov $0x3f;
	s11 =	ssub.s32 s11, s12;
	s5 =	sadd.s32 s5, s31;
	s12 =	simm.s32 $0x400  }
0xd: {  	vm6 =	vmmov $0x7f;
	vm7 =	vmmov $0xff;
	vm8 =	vmmov $0x1ff;
	s9 =	sadd.s32 s4, s7;
	s4 =	sadd.s32 $0x800, s7;
	s10 =	sadd.s32 s10, s7  }
0xe: {  	vm9 =	vmmov $0x3ff;
	vm10 =	vmmov $0x7ff;
	vm11 =	vmmov $0xfff;
	s6 =	sadd.s32 s6, s31;
	s7 =	sadd.s32 $0xF42C00, s9;
	s8 =	sadd.s32 $0xF45400, s10  }
0xf: {  	vm12 =	vmmov $0x1fff;
	vm13 =	vmmov $0x3fff;
	vm14 =	vmmov $0x7fff;
	s9 =	smax.u32 s11, $0x1;
	s10 =	simm.s32 $0x2;
	s11 =	simm.s32 $0x200  }
.LBB2_1:
0x10: {  	[tilespmem:s2], [sflag:$0x2] =	stream.linear.gather [hbm4b:s5+s2], $0x200, $0x38;
	[tilespmem:$0xFA00] =	vst v63  }
0x11: {  	_ =	swait.ge [sflag:s10], $0x200  }
0x12: {  	[sflag:s10] =	ssyncset.done $0x0  }
0x13: {  	[sflag:s10] =	ssyncadd.s32 $0xFFFFFE00  }
0x14: {  	[tilespmem:s11], [sflag:$0x2] =	stream.linear.gather [hbm4b:s6+s2], $0x200, $0x38;
	[tilespmem:$0xFA00] =	vst v63  }
0x15: {  	_ =	swait.ge [sflag:s10], $0x200  }
0x16: {  	[sflag:s10] =	ssyncset.done $0x0  }
0x17: {  	[sflag:s10] =	ssyncadd.s32 $0xFFFFFE00  }
0x18: {  	[tilespmem:s12], [sflag:$0x2] =	stream.linear.gather [hbm4b:s7+s2], $0xA00, $0x38;
	[tilespmem:$0xFA00] =	vst v63  }
0x19: {  	_ =	swait.ge [sflag:s10], $0xA00  }
0x1a: {  	[sflag:s10] =	ssyncset.done $0x0  }
0x1b: {  	s23 =	simm.s32 $0x0;
	[sflag:s10] =	ssyncadd.s32 $0xFFFFF600  }
.LBB2_2:
0x1c: {  	s24 =	sshll.u32 s23, $0x6;
	s26 =	smul.u32 $0x500, s23  }
0x1d: {  	[tilespmem:s14], [sflag:$0x1] =	stream.indirect.gather [hbm4b:s3+s13], $0x80, s24, s13, $0xb8;
	[tilespmem:$0xFA00] =	vst v63  }
0x1e: {  	s25 =	sadd.s32 $0x200, s24;
	s29 =	sshra.s32 s26, $0x2  }
0x1f: {  	[tilespmem:s15], [sflag:$0x1] =	stream.indirect.gather [hbm4b:s4+s13], $0x80, s25, s13, $0xb8;
	[tilespmem:$0xFA00] =	vst v63  }
0x20: {  	s26 =	sadd.s32 $0x400, s29  }
0x21: {  	[tilespmem:s17], [sflag:$0x1] =	stream.indirect.gather [hbm4b:s4+s16], $0x80, s26, s16, $0xb8;
	[tilespmem:$0xFA00] =	vst v63  }
0x22: {  	s30 =	sadd.s32 $0x480, s29  }
0x23: {  	[tilespmem:s18], [sflag:$0x1] =	stream.indirect.gather [hbm4b:s4+s16], $0x80, s30, s16, $0xb8;
	[tilespmem:$0xFA00] =	vst v63  }
0x24: {  	s25 =	sadd.s32 $0x500, s29  }
0x25: {  	[tilespmem:s19], [sflag:$0x1] =	stream.indirect.gather [hbm4b:s4+s13], $0x80, s25, s13, $0xb8;
	[tilespmem:$0xFA00] =	vst v63  }
0x26: {  	_ =	swait.ge [sflag:s20], $0x2000  }
0x27: {  	[sflag:s20] =	ssyncset.done $0x0  }
0x28: {  	[sflag:s20] =	ssyncadd.s32 $0xFFFFE000  }
0x29: {  	_ =	swait.ge [sflag:s20], $0x2000  }
0x2a: {  	[sflag:s20] =	ssyncset.done $0x0  }
0x2b: {  	[sflag:s20] =	ssyncadd.s32 $0xFFFFE000  }
0x2c: {  	_ =	swait.ge [sflag:s20], $0x4000  }
0x2d: {  	[sflag:s20] =	ssyncset.done $0x0  }
0x2e: {  	[sflag:s20] =	ssyncadd.s32 $0xFFFFC000  }
0x2f: {  	_ =	swait.ge [sflag:s20], $0x4000  }
0x30: {  	s31 =	sand.u32 $0x180, s24;
	[sflag:s20] =	ssyncset.done $0x0  }
0x31: {  	s26 =	sor.u32 $0xF000, s31;
	[sflag:s20] =	ssyncadd.s32 $0xFFFFC000  }
0x32: {  	s28 =	sor.u32 $0xF200, s31;
	v0 =	vmov s26;
	_ =	swait.ge [sflag:s20], $0x2000  }
0x33: {  	s29 =	sor.u32 $0xF400, s31;
	v60 =	vmov s28;
	[tilespmem:$0x1FFB0] =	vst v0  }
0x34: {  	v61 =	vmov s29;
	s30 =	sor.u32 $0xF600, s31;
	[tilespmem:$0x1FFC0] =	vst v60  }
0x35: {  	s31 =	sor.u32 $0xF800, s31;
	v62 =	vmov s30;
	[tilespmem:$0x1FFD0] =	vst v61  }
0x36: {  	v63 =	vmov s31;
	[sflag:s20] =	ssyncset.done $0x0;
	[tilespmem:$0x1FFE0] =	vst v62  }
0x37: {  	s25 =	simm.s32 $0x0;
	[tilespmem:$0x1FFF0] =	vst v63;
	[sflag:s20] =	ssyncadd.s32 $0xFFFFE000  }
.LBB2_3:
0x38: {  	s26 =	sshll.u32 s25, $0xB  }
0x39: {  	v8 =	vld [tilespmem:s26+$0xE00]  }
0x3a: {  	v9 =	vld [tilespmem:s26+$0xE10]  }
0x3b: {  	v10 =	vld [tilespmem:s26+$0xE20]  }
0x3c: {  	v11 =	vld [tilespmem:s26+$0xE30]  }
0x3d: {  	v0 =	vld [tilespmem:s26+$0x2E00]  }
0x3e: {  	s28 =	smul.u32 $0xA000, s25;
	v1 =	vld [tilespmem:s26+$0x2E10]  }
0x3f: {  	v2 =	vld [tilespmem:s26+$0x2E20]  }
0x40: {  	v3 =	vld [tilespmem:s26+$0x2E30];
	s28 =	sshra.s32 s28, $0x2  }
0x41: {  	v12 =	vld [tilespmem:s28+$0x4E00]  }
0x42: {  	v13 =	vld [tilespmem:s28+$0x4E10]  }
0x43: {  	v14 =	vld [tilespmem:s28+$0x4E20]  }
0x44: {  	v15 =	vld [tilespmem:s28+$0x4E30]  }
0x45: {  	v16 =	vld [tilespmem:s28+$0x4E80]  }
0x46: {  	v17 =	vld [tilespmem:s28+$0x4E90]  }
0x47: {  	v18 =	vld [tilespmem:s28+$0x4EA0]  }
0x48: {  	v19 =	vld [tilespmem:s28+$0x4EB0]  }
0x49: {  	v20 =	vld [tilespmem:s28+$0x4F00]  }
0x4a: {  	v21 =	vld [tilespmem:s28+$0x4F10]  }
0x4b: {  	v22 =	vld [tilespmem:s28+$0x4F20]  }
0x4c: {  	v23 =	vld [tilespmem:s28+$0x4F30]  }
0x4d: {  	v24 =	vld [tilespmem:s28+$0x4F80]  }
0x4e: {  	v25 =	vld [tilespmem:s28+$0x4F90]  }
0x4f: {  	v26 =	vld [tilespmem:s28+$0x4FA0]  }
0x50: {  	v27 =	vld [tilespmem:s28+$0x4FB0]  }
0x51: {  	v28 =	vld [tilespmem:s28+$0x5000]  }
0x52: {  	s26 =	sshll.u32 s25, $0x4;
	v29 =	vld [tilespmem:s28+$0x5010]  }
0x53: {  	s29 =	sor.u32 $0x1, s26;
	v30 =	vld [tilespmem:s28+$0x5020]  }
0x54: {  	v31 =	vld [tilespmem:s28+$0x5030];
	s30 =	sshll.u32 s29, $0x7  }
0x55: {  	v6 =	vld [tilespmem:s30+$0xE00]  }
0x56: {  	v7 =	vld [tilespmem:s30+$0xE10]  }
0x57: {  	v5 =	vld [tilespmem:s30+$0xE20]  }
0x58: {  	v4 =	vld [tilespmem:s30+$0xE30]  }
0x59: {  	v32 =	vld [tilespmem:s30+$0x2E00]  }
0x5a: {  	s29 =	smul.u32 $0xA00, s29;
	v33 =	vld [tilespmem:s30+$0x2E10]  }
0x5b: {  	v34 =	vld [tilespmem:s30+$0x2E20]  }
0x5c: {  	v35 =	vld [tilespmem:s30+$0x2E30];
	s31 =	sshra.s32 s29, $0x2  }
0x5d: {  	v36 =	vld [tilespmem:s31+$0x4E00]  }
0x5e: {  	v37 =	vld [tilespmem:s31+$0x4E10]  }
0x5f: {  	v38 =	vld [tilespmem:s31+$0x4E20]  }
0x60: {  	v39 =	vld [tilespmem:s31+$0x4E30]  }
0x61: {  	v40 =	vld [tilespmem:s31+$0x4E80]  }
0x62: {  	v41 =	vld [tilespmem:s31+$0x4E90]  }
0x63: {  	v42 =	vld [tilespmem:s31+$0x4EA0]  }
0x64: {  	v43 =	vld [tilespmem:s31+$0x4EB0]  }
0x65: {  	v44 =	vld [tilespmem:s31+$0x4F00]  }
0x66: {  	v45 =	vld [tilespmem:s31+$0x4F10]  }
0x67: {  	v46 =	vld [tilespmem:s31+$0x4F20]  }
0x68: {  	v47 =	vld [tilespmem:s31+$0x4F30]  }
0x69: {  	v48 =	vld [tilespmem:s31+$0x4F80]  }
0x6a: {  	v49 =	vld [tilespmem:s31+$0x4F90]  }
0x6b: {  	v50 =	vld [tilespmem:s31+$0x4FA0]  }
0x6c: {  	v51 =	vld [tilespmem:s31+$0x4FB0]  }
0x6d: {  	v52 =	vld [tilespmem:s31+$0x5000]  }
0x6e: {  	v53 =	vld [tilespmem:s31+$0x5010]  }
0x6f: {  	s30 =	sor.u32 $0x2, s26;
	v54 =	vld [tilespmem:s31+$0x5020]  }
0x70: {  	v0 =	vmul.f32 v0, v8;
	v1 =	vmul.f32 v1, v9;
	v55 =	vld [tilespmem:s31+$0x5030];
	s31 =	sshll.u32 s30, $0x7  }
0x71: {  	v56 =	vmul.f32 v2, v10;
	v57 =	vmul.f32 v3, v11;
	v2 =	vld [tilespmem:s31+$0xE00]  }
0x72: {  	v3 =	vld [tilespmem:s31+$0xE20];
	v12 =	vmul.f32 v12, v8;
	v13 =	vmul.f32 v13, v9  }
0x73: {  	v0 =	vadd.f32 v1, v0;
	v1 =	vld [tilespmem:s31+$0xE10];
	v16 =	vmul.f32 v16, v8;
	v17 =	vmul.f32 v17, v9  }
0x74: {  	v62 =	vmul.f32 v14, v10;
	v14 =	vld [tilespmem:s31+$0x2E00];
	v15 =	vmul.f32 v15, v11  }
0x75: {  	s29 =	smul.u32 $0xA00, s30;
	v63 =	vmul.f32 v18, v10;
	v18 =	vld [tilespmem:s31+$0x2E10];
	v58 =	vmul.f32 v21, v9  }
0x76: {  	v21 =	vld [tilespmem:s31+$0x2E20];
	v59 =	vmul.f32 v24, v8;
	v60 =	vmul.f32 v25, v9  }
0x77: {  	s30 =	sshra.s32 s29, $0x2;
	v25 =	vld [tilespmem:s31+$0x2E30];
	v19 =	vmul.f32 v19, v11;
	v61 =	vmul.f32 v22, v10  }
0x78: {  	v22 =	vld [tilespmem:s30+$0x4E00];
	v27 =	vmul.f32 v27, v11;
	v9 =	vmul.f32 v29, v9;
	v56 =	vadd.f32 v56, v0  }
0x79: {  	v24 =	vld [tilespmem:s30+$0x4E10];
	v32 =	vmul.f32 v32, v6;
	v33 =	vmul.f32 v33, v7;
	v16 =	vadd.f32 v17, v16  }
0x7a: {  	v29 =	vld [tilespmem:s30+$0x4F10];
	v12 =	vadd.f32 v13, v12;
	v56 =	vadd.f32 v57, v56;
	v57 =	vmul.f32 v20, v8  }
0x7b: {  	v0 =	vld [tilespmem:s31+$0xE30];
	v16 =	vadd.f32 v63, v16;
	v63 =	vmul.f32 v26, v10;
	v26 =	vmul.f32 v23, v11  }
0x7c: {  	v12 =	vadd.f32 v62, v12;
	v20 =	vld [tilespmem:s30+$0x4E20];
	v8 =	vmul.f32 v28, v8;
	v10 =	vmul.f32 v30, v10  }
0x7d: {  	v62 =	vadd.f32 v60, v59;
	v23 =	vld [tilespmem:s30+$0x4E30];
	v59 =	vmul.f32 v37, v7;
	v60 =	vmul.f32 v40, v6  }
0x7e: {  	v28 =	vld [tilespmem:s30+$0x4EA0];
	v37 =	vmul.f32 v42, v5;
	v42 =	vmul.f32 v44, v6  }
0x7f: {  	v30 =	vld [tilespmem:s30+$0x4EB0];
	v44 =	vmul.f32 v48, v6;
	v13 =	vadd.f32 v58, v57;
	v15 =	vadd.f32 v15, v12  }
0x80: {  	v16 =	vadd.f32 v19, v16;
	v19 =	vld [tilespmem:s30+$0x4E80];
	v8 =	vadd.f32 v9, v8;
	v9 =	vmul.f32 v31, v11  }
0x81: {  	v12 =	vadd.f32 v63, v62;
	v57 =	vmul.f32 v34, v5;
	v58 =	vmul.f32 v36, v6;
	v34 =	vld [tilespmem:s30+$0x4F20]  }
0x82: {  	v63 =	vmul.f32 v38, v5;
	v31 =	vld [tilespmem:s30+$0x4F80];
	v13 =	vadd.f32 v61, v13;
	v61 =	vmul.f32 v41, v7  }
0x83: {  	v17 =	vadd.f32 v27, v12;
	v27 =	vld [tilespmem:s30+$0x4E90];
	v41 =	vmul.f32 v43, v4;
	v43 =	vmul.f32 v45, v7  }
0x84: {  	v12 =	vadd.f32 v33, v32;
	v32 =	vld [tilespmem:s30+$0x4F00];
	v45 =	vmul.f32 v49, v7;
	v49 =	vmul.f32 v50, v5  }
0x85: {  	v8 =	vadd.f32 v10, v8;
	v50 =	vmul.f32 v51, v4;
	v51 =	vmul.f32 v14, v2;
	v14 =	vld [tilespmem:s30+$0x5020]  }
0x86: {  	v6 =	vmul.f32 v52, v6;
	v62 =	vadd.f32 v59, v58;
	v13 =	vadd.f32 v26, v13;
	v26 =	vld [tilespmem:s30+$0x4F30]  }
0x87: {  	v7 =	vmul.f32 v53, v7;
	v8 =	vadd.f32 v9, v8;
	v9 =	vadd.f32 v43, v42;
	v42 =	vld [tilespmem:s30+$0x5000]  }
0x88: {  	v36 =	vmul.f32 v35, v4;
	v11 =	vadd.f32 v57, v12;
	v43 =	vld [tilespmem:s30+$0x5010]  }
0x89: {  	v40 =	vmul.f32 v39, v4;
	v38 =	vadd.f32 v63, v62;
	v6 =	vadd.f32 v7, v6;
	v7 =	vld [tilespmem:s30+$0x5030]  }
0x8a: {  	v33 =	vadd.f32 v36, v11;
	v36 =	vld [tilespmem:s30+$0x4F90]  }
0x8b: {  	s31 =	sor.u32 $0x3, s26;
	v35 =	vadd.f32 v40, v38;
	v38 =	vld [tilespmem:s30+$0x4FA0]  }
0x8c: {  	v40 =	vld [tilespmem:s30+$0x4FB0];
	s30 =	sshll.u32 s31, $0x7  }
0x8d: {  	v12 =	vld [tilespmem:s30+$0xE20]  }
0x8e: {  	s29 =	smul.u32 $0xA00, s31;
	v59 =	vld [tilespmem:s30+$0x2E00]  }
0x8f: {  	v52 =	vmul.f32 v18, v1;
	v62 =	vld [tilespmem:s30+$0x2E10]  }
0x90: {  	v10 =	vadd.f32 v61, v60;
	v61 =	vmul.f32 v28, v3;
	s31 =	sshra.s32 s29, $0x2;
	v28 =	vmul.f32 v32, v2;
	v32 =	vld [tilespmem:s30+$0x2E20]  }
0x91: {  	v46 =	vmul.f32 v46, v5;
	v48 =	vmul.f32 v47, v4;
	v11 =	vadd.f32 v52, v51;
	v51 =	vld [tilespmem:s31+$0x4E10]  }
0x92: {  	v22 =	vmul.f32 v22, v2;
	v24 =	vmul.f32 v24, v1;
	(xrf2) =	vadd.scan.msk.f32 $0xffff, v56;
	v56 =	vld [tilespmem:s31+$0x4E90]  }
0x93: {  	v4 =	vmul.f32 v55, v4;
	v55 =	vmul.f32 v19, v2;
	v9 =	vadd.f32 v46, v9;
	v19 =	vld [tilespmem:s31+$0x4F90]  }
0x94: {  	v5 =	vmul.f32 v54, v5;
	v53 =	vmul.f32 v21, v3;
	v58 =	vadd.f32 v24, v22;
	v24 =	vld [tilespmem:s31+$0x4FA0]  }
0x95: {  	(xrf2) =	vadd.scan.msk.f32 $0xffff, v15;
	v10 =	vadd.f32 v37, v10;
	v18 =	vadd.f32 v48, v9;
	v9 =	vld [tilespmem:s30+$0xE00]  }
0x96: {  	(xrf2) =	vadd.scan.msk.f32 $0xffff, v16;
	v5 =	vadd.f32 v5, v6;
	v21 =	vadd.f32 v53, v11;
	v11 =	vld [tilespmem:s30+$0xE30]  }
0x97: {  	v57 =	vmul.f32 v27, v1;
	v37 =	vadd.f32 v41, v10;
	v10 =	vadd.f32 v45, v44;
	v45 =	vld [tilespmem:s30+$0x2E30]  }
0x98: {  	v20 =	vmul.f32 v20, v3;
	(xrf2) =	vadd.scan.msk.f32 $0xffff, v13;
	v48 =	vld [tilespmem:s31+$0x4E00]  }
0x99: {  	v29 =	vmul.f32 v29, v1;
	(xrf2) =	vadd.scan.msk.f32 $0xffff, v17;
	v4 =	vadd.f32 v4, v5;
	v5 =	vadd.f32 v57, v55;
	v57 =	vld [tilespmem:s31+$0x4E20]  }
0x9a: {  	v63 =	vadd.f32 v20, v58;
	v53 =	vmul.f32 v26, v0;
	v26 =	vld [tilespmem:s31+$0x4EA0]  }
0x9b: {  	v54 =	vmul.f32 v25, v0;
	(xrf2) =	vadd.scan.msk.f32 $0xffff, v8;
	v20 =	vadd.f32 v29, v28;
	v29 =	vld [tilespmem:s31+$0x4E30]  }
0x9c: {  	v60 =	vmul.f32 v23, v0;
	(xrf2) =	vadd.scan.msk.f32 $0xffff, v33;
	v33 =	vld [tilespmem:s31+$0x4EB0];
	v10 =	vadd.f32 v49, v10  }
0x9d: {  	v47 =	vmul.f32 v34, v3;
	v46 =	vmul.f32 v30, v0;
	v6 =	vadd.f32 v54, v21;
	v54 =	vld [tilespmem:s31+$0x4E80]  }
0x9e: {  	v41 =	vmul.f32 v31, v2;
	v49 =	vadd.f32 v60, v63;
	v63, _, _ =	vpop (xrf2);
	v39 =	vadd.f32 v50, v10;
	v10 =	vld [tilespmem:s30+$0xE10]  }
0x9f: {  	v2 =	vmul.f32 v42, v2;
	v44 =	vmul.f32 v36, v1;
	v52 =	vadd.f32 v47, v20;
	v20 =	vld [tilespmem:s31+$0x4F80];
	v30, _, _ =	vpop (xrf2)  }
0xa0: {  	v28 =	vmul.f32 v32, v12;
	v32 =	vmul.f32 v48, v9;
	v34, _, _ =	vpop (xrf2);
	v48 =	vld [tilespmem:s31+$0x4F00]  }
0xa1: {  	(xrf2) =	vadd.scan.msk.f32 $0xffff, v35;
	v55 =	vmul.f32 v40, v0;
	v1 =	vmul.f32 v43, v1;
	[tilespmem:$0x1F510] =	vst v34;
	v34 =	vld [tilespmem:s31+$0x4FB0]  }
0xa2: {  	(xrf2) =	vadd.scan.msk.f32 $0xffff, v37;
	v58 =	vmul.f32 v59, v9;
	v35 =	vmul.f32 v54, v9;
	v54 =	vld [tilespmem:s31+$0x4F20];
	v37, _, _ =	vpop (xrf2)  }
0xa3: {  	v59 =	vmul.f32 v62, v10;
	v16 =	vmul.f32 v51, v10;
	v40, _, _ =	vpop (xrf2);
	v51 =	vld [tilespmem:s31+$0x4F10]  }
0xa4: {  	v50 =	vmul.f32 v38, v3;
	v3 =	vmul.f32 v14, v3;
	[tilespmem:$0x1F550] =	vst v40;
	v40 =	vld [tilespmem:s31+$0x5030]  }
0xa5: {  	(xrf2) =	vadd.scan.msk.f32 $0xffff, v18;
	v1 =	vadd.f32 v1, v2;
	v36 =	vmul.f32 v56, v10;
	v31 =	vadd.f32 v59, v58;
	v59 =	vld [tilespmem:s31+$0x4F30]  }
0xa6: {  	v5 =	vadd.f32 v61, v5;
	(xrf2) =	vadd.scan.msk.f32 $0xffff, v39;
	v38 =	vadd.f32 v16, v32;
	v32 =	vld [tilespmem:s31+$0x5000]  }
0xa7: {  	s30 =	sor.u32 $0x4, s26;
	(xrf2) =	vadd.scan.msk.f32 $0xffff, v4;
	v1 =	vadd.f32 v3, v1;
	v3 =	vadd.f32 v36, v35;
	v35 =	vld [tilespmem:s31+$0x5010]  }
0xa8: {  	v5 =	vadd.f32 v46, v5;
	(xrf2) =	vadd.scan.msk.f32 $0xffff, v6;
	v36 =	vld [tilespmem:s31+$0x5020];
	s31 =	sshll.u32 s30, $0x7  }
0xa9: {  	(xrf2) =	vadd.scan.msk.f32 $0xffff, v49;
	v4 =	vld [tilespmem:s31+$0xE20]  }
0xaa: {  	(xrf2) =	vadd.scan.msk.f32 $0xffff, v5;
	v5 =	vld [tilespmem:s31+$0xE30]  }
0xab: {  	v42 =	vmul.f32 v26, v12;
	v26 =	vld [tilespmem:s31+$0x2E00]  }
0xac: {  	s29 =	smul.u32 $0xA00, s30;
	v25 =	vld [tilespmem:s31+$0x2E10]  }
0xad: {  	v43, _, _ =	vpop (xrf2);
	v27 =	vld [tilespmem:s31+$0x2E20]  }
0xae: {  	[tilespmem:$0x1F560] =	vst v43;
	s30 =	sshra.s32 s29, $0x2;
	v43 =	vld [tilespmem:s31+$0x2E30]  }
0xaf: {  	v13 =	vadd.f32 v44, v41;
	v41 =	vmul.f32 v45, v11;
	v45 =	vmul.f32 v29, v11;
	v29 =	vld [tilespmem:s30+$0x4E10]  }
0xb0: {  	v0 =	vmul.f32 v7, v0;
	[tilespmem:$0x1F520] =	vst v37;
	v37 =	vld [tilespmem:s30+$0x4E20]  }
0xb1: {  	[tilespmem:$0x1F500] =	vst v30;
	v30 =	vld [tilespmem:s30+$0x4E80]  }
0xb2: {  	v17 =	vadd.f32 v53, v52;
	v0 =	vadd.f32 v0, v1;
	v1 =	vmul.f32 v48, v9;
	v48 =	vld [tilespmem:s30+$0x5000]  }
0xb3: {  	v16 =	vld [tilespmem:s30+$0x5020]  }
0xb4: {  	v13 =	vadd.f32 v50, v13;
	(xrf2) =	vadd.scan.msk.f32 $0xffff, v17;
	v17 =	vld [tilespmem:s30+$0x5030]  }
0xb5: {  	v39 =	vmul.f32 v57, v12;
	v2 =	vadd.f32 v28, v31;
	v28 =	vld [tilespmem:s30+$0x4E00]  }
0xb6: {  	v13 =	vadd.f32 v55, v13;
	v31 =	vld [tilespmem:s30+$0x4E90]  }
0xb7: {  	v44 =	vadd.f32 v39, v38;
	v39 =	vld [tilespmem:s30+$0x4EA0]  }
0xb8: {  	v55, _, _ =	vpop (xrf2);
	(xrf2) =	vadd.scan.msk.f32 $0xffff, v13;
	v3 =	vadd.f32 v42, v3;
	v42 =	vld [tilespmem:s30+$0x4EB0]  }
0xb9: {  	v46 =	vmul.f32 v33, v11;
	v49, _, _ =	vpop (xrf2);
	(xrf2) =	vadd.scan.msk.f32 $0xffff, v0;
	v0 =	vmul.f32 v54, v12;
	v54 =	vld [tilespmem:s30+$0x5010]  }
0xba: {  	v2 =	vadd.f32 v41, v2;
	v41 =	vld [tilespmem:s30+$0x4E30]  }
0xbb: {  	v50 =	vadd.f32 v46, v3;
	v46 =	vld [tilespmem:s30+$0x4F00]  }
0xbc: {  	v47 =	vadd.f32 v45, v44;
	v44 =	vld [tilespmem:s30+$0x4F80]  }
0xbd: {  	v53, _, _ =	vpop (xrf2);
	v45 =	vld [tilespmem:s30+$0x4F90]  }
0xbe: {  	v58, _, _ =	vpop (xrf2);
	v3 =	vmul.f32 v51, v10;
	v8 =	vmul.f32 v59, v11;
	v59 =	vld [tilespmem:s30+$0x4FA0]  }
0xbf: {  	v52, _, _ =	vpop (xrf2);
	(xrf2) =	vadd.scan.msk.f32 $0xffff, v2;
	v2 =	vld [tilespmem:s31+$0xE00]  }
0xc0: {  	v56, _, _ =	vpop (xrf2);
	v1 =	vadd.f32 v3, v1;
	v3 =	vld [tilespmem:s31+$0xE10];
	s31 =	sor.u32 $0x5, s26  }
0xc1: {  	(xrf2) =	vadd.scan.msk.f32 $0xffff, v47;
	v57, _, _ =	vpop (xrf2);
	v47 =	vld [tilespmem:s30+$0x4F10];
	s29 =	smul.u32 $0xA00, s31  }
0xc2: {  	[tilespmem:$0x1F590] =	vst v56;
	v56 =	vld [tilespmem:s30+$0x4F20];
	v60, _, _ =	vpop (xrf2)  }
0xc3: {  	[tilespmem:$0x1F5B0] =	vst v60;
	v60 =	vld [tilespmem:s30+$0x4FB0];
	s29 =	sshra.s32 s29, $0x2  }
0xc4: {  	v21 =	vld [tilespmem:s29+$0x4E00]  }
0xc5: {  	v33 =	vld [tilespmem:s29+$0x4E10]  }
0xc6: {  	v38 =	vld [tilespmem:s29+$0x4E20]  }
0xc7: {  	(xrf2) =	vadd.scan.msk.f32 $0xffff, v50;
	v0 =	vadd.f32 v0, v1;
	v50 =	vld [tilespmem:s29+$0x4E30]  }
0xc8: {  	[tilespmem:$0x1F5A0] =	vst v57;
	v57 =	vld [tilespmem:s29+$0x4E80]  }
0xc9: {  	v0 =	vadd.f32 v8, v0;
	v8 =	vld [tilespmem:s29+$0x4EA0]  }
0xca: {  	[tilespmem:$0x1F530] =	vst v16;
	v61, _, _ =	vpop (xrf2);
	v16 =	vld [tilespmem:s29+$0x4F10]  }
0xcb: {  	[tilespmem:$0x1F540] =	vst v17;
	v62, _, _ =	vpop (xrf2);
	v17 =	vld [tilespmem:s29+$0x4F20]  }
0xcc: {  	[tilespmem:$0x1F5D0] =	vst v62;
	v62 =	vld [tilespmem:s30+$0x4F30];
	s30 =	sshll.u32 s31, $0x7  }
0xcd: {  	v23 =	vld [tilespmem:s30+$0xE00]  }
0xce: {  	v6, _, _ =	vpop (xrf2);
	v22 =	vld [tilespmem:s30+$0xE20]  }
0xcf: {  	[tilespmem:$0x1F5E0] =	vst v6;
	v6 =	vld [tilespmem:s30+$0xE30]  }
0xd0: {  	[tilespmem:$0x1F580] =	vst v52;
	v52 =	vld [tilespmem:s30+$0x2E00]  }
0xd1: {  	v51 =	vld [tilespmem:s30+$0x2E10]  }
0xd2: {  	[tilespmem:$0x1F5C0] =	vst v61;
	v61 =	vld [tilespmem:s30+$0x2E20]  }
0xd3: {  	v7, _, _ =	vpop (xrf2);
	v18 =	vld [tilespmem:s30+$0x2E30]  }
0xd4: {  	[tilespmem:$0x1F5F0] =	vst v7;
	v7 =	vld [tilespmem:s29+$0x4E90]  }
0xd5: {  	[tilespmem:$0x1F630] =	vst v21;
	v21 =	vld [tilespmem:s29+$0x4F80]  }
0xd6: {  	[tilespmem:$0x1F640] =	vst v33;
	v33 =	vld [tilespmem:s29+$0x4F90]  }
0xd7: {  	[tilespmem:$0x1F650] =	vst v38;
	v38 =	vld [tilespmem:s29+$0x4FA0]  }
0xd8: {  	[tilespmem:$0x1F680] =	vst v50;
	v50 =	vld [tilespmem:s29+$0x4FB0]  }
0xd9: {  	[tilespmem:$0x1F660] =	vst v57;
	v57 =	vld [tilespmem:s29+$0x5000]  }
0xda: {  	[tilespmem:$0x1F690] =	vst v8;
	v8 =	vld [tilespmem:s29+$0x5020];
	v13, _, _ =	vpop (xrf2)  }
0xdb: {  	[tilespmem:$0x1F600] =	vst v13;
	v13 =	vld [tilespmem:s29+$0x4EB0]  }
0xdc: {  	v14, _, _ =	vpop (xrf2);
	[tilespmem:$0x1F570] =	vst v18;
	v18 =	vld [tilespmem:s29+$0x4F30]  }
0xdd: {  	[tilespmem:$0x1F610] =	vst v14;
	v14 =	vld [tilespmem:s30+$0xE10]  }
0xde: {  	s31 =	sor.u32 $0x6, s26;
	v15, _, _ =	vpop (xrf2);
	[tilespmem:$0x1F670] =	vst v7;
	v7 =	vld [tilespmem:s29+$0x5010]  }
0xdf: {  	s28 =	smul.u32 $0xA00, s31;
	s30 =	sshll.u32 s31, $0x7;
	[tilespmem:$0x1F620] =	vst v15;
	v15 =	vld [tilespmem:s29+$0x4F00]  }
0xe0: {  	[tilespmem:$0x1F6B0] =	vst v16;
	v16 =	vld [tilespmem:s30+$0x2E10]  }
0xe1: {  	s28 =	sshra.s32 s28, $0x2;
	[tilespmem:$0x1F6F0] =	vst v17;
	v17 =	vld [tilespmem:s30+$0x2E20]  }
0xe2: {  	[tilespmem:$0x1F6C0] =	vst v21;
	v21 =	vld [tilespmem:s28+$0x4E00]  }
0xe3: {  	[tilespmem:$0x1F6D0] =	vst v33;
	v33 =	vld [tilespmem:s28+$0x4E10]  }
0xe4: {  	[tilespmem:$0x1F710] =	vst v38;
	v38 =	vld [tilespmem:s28+$0x4E20]  }
0xe5: {  	[tilespmem:$0x1F740] =	vst v50;
	v50 =	vld [tilespmem:s28+$0x4E30]  }
0xe6: {  	[tilespmem:$0x1F700] =	vst v13;
	v13 =	vld [tilespmem:s29+$0x5030]  }
0xe7: {  	[tilespmem:$0x1F730] =	vst v18;
	v18 =	vld [tilespmem:s30+$0x2E30]  }
0xe8: {  	[tilespmem:$0x1F6A0] =	vst v15;
	v15 =	vld [tilespmem:s30+$0x2E00]  }
0xe9: {  	[tilespmem:$0x1F770] =	vst v16;
	v16 =	vld [tilespmem:s28+$0x4E90]  }
0xea: {  	[tilespmem:$0x1F7B0] =	vst v17;
	v17 =	vld [tilespmem:s28+$0x4EA0]  }
0xeb: {  	[tilespmem:$0x1F780] =	vst v21;
	v21 =	vld [tilespmem:s28+$0x4F00]  }
0xec: {  	[tilespmem:$0x1F790] =	vst v33;
	v33 =	vld [tilespmem:s28+$0x4F10]  }
0xed: {  	[tilespmem:$0x1F7D0] =	vst v38;
	v38 =	vld [tilespmem:s28+$0x4F20]  }
0xee: {  	[tilespmem:$0x1F800] =	vst v50;
	v50 =	vld [tilespmem:s28+$0x4F30]  }
0xef: {  	[tilespmem:$0x1F7C0] =	vst v18;
	v18 =	vld [tilespmem:s28+$0x4EB0]  }
0xf0: {  	[tilespmem:$0x1F760] =	vst v15;
	v15 =	vld [tilespmem:s28+$0x4E80]  }
0xf1: {  	[tilespmem:$0x1F7F0] =	vst v16;
	v16 =	vld [tilespmem:s28+$0x4F90]  }
0xf2: {  	[tilespmem:$0x1F810] =	vst v17;
	v17 =	vld [tilespmem:s28+$0x4FA0]  }
0xf3: {  	[tilespmem:$0x1F820] =	vst v21;
	v21 =	vld [tilespmem:s28+$0x5000]  }
0xf4: {  	[tilespmem:$0x1F830] =	vst v33;
	v33 =	vld [tilespmem:s28+$0x5010]  }
0xf5: {  	[tilespmem:$0x1F870] =	vst v38;
	v38 =	vld [tilespmem:s28+$0x5020]  }
0xf6: {  	[tilespmem:$0x1F8B0] =	vst v50;
	v50 =	vld [tilespmem:s28+$0x5030]  }
0xf7: {  	s29 =	sor.u32 $0x7, s26;
	[tilespmem:$0x1F880] =	vst v18;
	v18 =	vld [tilespmem:s28+$0x4FB0]  }
0xf8: {  	s31 =	sshll.u32 s29, $0x7;
	[tilespmem:$0x1F7E0] =	vst v15;
	v15 =	vld [tilespmem:s28+$0x4F80]  }
0xf9: {  	[tilespmem:$0x1F850] =	vst v16;
	v16 =	vld [tilespmem:s31+$0x2E10]  }
0xfa: {  	[tilespmem:$0x1F890] =	vst v17;
	v17 =	vld [tilespmem:s31+$0x2E20]  }
0xfb: {  	[tilespmem:$0x1F920] =	vst v50;
	v50 =	vld [tilespmem:s31+$0xE00]  }
0xfc: {  	[tilespmem:$0x1F8D0] =	vst v38;
	v38 =	vld [tilespmem:s31+$0xE10]  }
0xfd: {  	[tilespmem:$0x1F8A0] =	vst v33;
	v33 =	vld [tilespmem:s31+$0xE20]  }
0xfe: {  	s29 =	smul.u32 $0xA00, s29;
	[tilespmem:$0x1F8C0] =	vst v18;
	v18 =	vld [tilespmem:s31+$0x2E30]  }
0xff: {  	[tilespmem:$0x1F840] =	vst v15;
	v15 =	vld [tilespmem:s31+$0x2E00]  }
0x100: {  	s28 =	sshra.s32 s29, $0x2;
	[tilespmem:$0x1F860] =	vst v21;
	v21 =	vld [tilespmem:s31+$0xE30]  }
0x101: {  	[tilespmem:$0x1F8F0] =	vst v16;
	v16 =	vld [tilespmem:s28+$0x4E10]  }
0x102: {  	[tilespmem:$0x1F930] =	vst v17;
	v17 =	vld [tilespmem:s28+$0x4E20]  }
0x103: {  	s29 =	sor.u32 $0x8, s26;
	[tilespmem:$0x1F940] =	vst v18;
	v18 =	vld [tilespmem:s28+$0x4E30]  }
0x104: {  	s31 =	sshll.u32 s29, $0x7;
	[tilespmem:$0x1F8E0] =	vst v15;
	v15 =	vld [tilespmem:s28+$0x4E00]  }
0x105: {  	(xrf2) =	vadd.scan.msk.f32 $0xffff, v0;
	v0 =	vld [tilespmem:s31+$0x2E00]  }
0x106: {  	[tilespmem:$0x1F910] =	vst v16;
	v16 =	vld [tilespmem:s28+$0x4E90]  }
0x107: {  	[tilespmem:$0x1F950] =	vst v17;
	v17 =	vld [tilespmem:s28+$0x4EA0]  }
0x108: {  	[tilespmem:$0x1F980] =	vst v18;
	v18 =	vld [tilespmem:s28+$0x4EB0]  }
0x109: {  	[tilespmem:$0x1F900] =	vst v15;
	v15 =	vld [tilespmem:s28+$0x4E80]  }
0x10a: {  	[tilespmem:$0x1FA60] =	vst v0;
	v0 =	vld [tilespmem:s31+$0x2E10]  }
0x10b: {  	[tilespmem:$0x1F970] =	vst v16;
	v16 =	vld [tilespmem:s28+$0x4F10]  }
0x10c: {  	[tilespmem:$0x1F990] =	vst v17;
	v17 =	vld [tilespmem:s28+$0x4F20]  }
0x10d: {  	[tilespmem:$0x1FA00] =	vst v18;
	v18 =	vld [tilespmem:s28+$0x4F30]  }
0x10e: {  	[tilespmem:$0x1F960] =	vst v15;
	v15 =	vld [tilespmem:s28+$0x4F00]  }
0x10f: {  	[tilespmem:$0x1FA70] =	vst v0;
	v0 =	vld [tilespmem:s31+$0x2E20]  }
0x110: {  	[tilespmem:$0x1F9B0] =	vst v16;
	v16 =	vld [tilespmem:s28+$0x4F90]  }
0x111: {  	[tilespmem:$0x1F9F0] =	vst v17;
	v17 =	vld [tilespmem:s28+$0x4FA0]  }
0x112: {  	[tilespmem:$0x1FA30] =	vst v18;
	v18 =	vld [tilespmem:s28+$0x4FB0]  }
0x113: {  	[tilespmem:$0x1F9A0] =	vst v15;
	v15 =	vld [tilespmem:s28+$0x4F80]  }
0x114: {  	[tilespmem:$0x1FAB0] =	vst v0;
	v0 =	vld [tilespmem:s31+$0x2E30]  }
0x115: {  	[tilespmem:$0x1F9D0] =	vst v16;
	v16 =	vld [tilespmem:s28+$0x5010]  }
0x116: {  	s29 =	smul.u32 $0xA00, s29;
	[tilespmem:$0x1FA10] =	vst v17;
	v17 =	vld [tilespmem:s28+$0x5020]  }
0x117: {  	[tilespmem:$0x1FA40] =	vst v18;
	v18 =	vld [tilespmem:s28+$0x5030]  }
0x118: {  	[tilespmem:$0x1F9C0] =	vst v15;
	v15 =	vld [tilespmem:s28+$0x5000];
	s28 =	sshra.s32 s29, $0x2  }
0x119: {  	[tilespmem:$0x1FAC0] =	vst v0;
	v0 =	vld [tilespmem:s28+$0x4E00];
	_ =	sdelay $0x4  }
0x11a: {  	[tilespmem:$0x1FA80] =	vst v0;
	v0 =	vbroadcast v63, $0xF;
	v63 =	vld [tilespmem:$0x1F500];
	_ =	sdelay $0x4  }
0x11b: {  	v1 =	vbroadcast v63, $0xF;
	v63 =	vld [tilespmem:s28+$0x4E10];
	_ =	sdelay $0x4  }
0x11c: {  	[tilespmem:$0x1FA90] =	vst v63;
	v63 =	vld [tilespmem:s28+$0x4E20];
	_ =	sdelay $0x4  }
0x11d: {  	[tilespmem:$0x1FAD0] =	vst v63;
	v63 =	vld [tilespmem:s28+$0x4E30]  }
0x11e: {  	[tilespmem:$0x1F750] =	vst v8;
	v8 =	vld [tilespmem:s30+$0xE10]  }
0x11f: {  	[tilespmem:$0x1F6E0] =	vst v57;
	v57 =	vld [tilespmem:s30+$0xE30]  }
0x120: {  	[tilespmem:$0x1F720] =	vst v7;
	v7 =	vld [tilespmem:s30+$0xE00]  }
0x121: {  	[tilespmem:$0x1F7A0] =	vst v13;
	v13 =	vld [tilespmem:s30+$0xE20]  }
0x122: {  	[tilespmem:$0x1FB00] =	vst v63;
	v63 =	vld [tilespmem:$0x1F510]  }
0x123: {  	v20 =	vmul.f32 v20, v9;
	[tilespmem:$0x1FA20] =	vst v16;
	v16 =	vld [tilespmem:s31+$0xE10]  }
0x124: {  	v19 =	vmul.f32 v19, v10;
	v55 =	vbroadcast v55, $0xF;
	[tilespmem:$0x1FA50] =	vst v17;
	v17 =	vld [tilespmem:s31+$0xE20]  }
0x125: {  	v49 =	vbroadcast v49, $0xF;
	v10 =	vmul.f32 v35, v10;
	v35 =	vld [tilespmem:s28+$0x4F10]  }
0x126: {  	v19 =	vadd.f32 v19, v20;
	v53 =	vbroadcast v53, $0xF;
	v9 =	vmul.f32 v32, v9;
	[tilespmem:$0x1FAA0] =	vst v18;
	v18 =	vld [tilespmem:s31+$0xE30]  }
0x127: {  	v0 =	vsel vm0, v0, v55;
	v1 =	vsel vm0, v1, v49;
	v49 =	vld [tilespmem:s28+$0x4E90];
	v55 =	vbroadcast v63, $0xF  }
0x128: {  	v20 =	vmul.f32 v24, v12;
	v12 =	vmul.f32 v36, v12;
	v9 =	vadd.f32 v10, v9;
	v63 =	vld [tilespmem:s28+$0x4E80]  }
0x129: {  	v24 =	vsel vm0, v55, v53;
	v55 =	vld [tilespmem:$0x1F520]  }
0x12a: {  	v10 =	vmul.f32 v40, v11;
	v9 =	vadd.f32 v12, v9;
	s29 =	sor.u32 $0x9, s26;
	v53 =	vbroadcast v58, $0xF;
	v58 =	vld [tilespmem:s28+$0x4EB0]  }
0x12b: {  	[tilespmem:$0x1F9E0] =	vst v15;
	v15 =	vld [tilespmem:s31+$0xE00];
	s31 =	sshll.u32 s29, $0x7  }
0x12c: {  	v9 =	vadd.f32 v10, v9;
	[tilespmem:$0x1FB40] =	vst v35;
	v10 =	vld [tilespmem:s31+$0xE10]  }
0x12d: {  	v35 =	vmul.f32 v31, v3;
	[tilespmem:$0x1FAE0] =	vst v63;
	v63 =	vld [tilespmem:s28+$0x4EA0]  }
0x12e: {  	v19 =	vadd.f32 v20, v19;
	v31 =	vld [tilespmem:$0x1F580];
	[tilespmem:$0x1FAF0] =	vst v49;
	v49 =	vbroadcast v55, $0xF;
	v55 =	vmul.f32 v34, v11  }
0x12f: {  	[tilespmem:$0x1FB20] =	vst v58;
	v58 =	vld [tilespmem:s28+$0x4F20]  }
0x130: {  	v25 =	vmul.f32 v25, v3;
	v34 =	vmul.f32 v26, v2;
	v19 =	vadd.f32 v55, v19;
	v55 =	vld [tilespmem:s28+$0x4F30]  }
0x131: {  	v32 =	vsel vm0, v49, v53;
	v49 =	vld [tilespmem:s28+$0x4F80]  }
0x132: {  	v20 =	vadd.f32 v25, v34;
	v34 =	vmul.f32 v30, v2;
	[tilespmem:$0x1FB10] =	vst v63;
	v63 =	vld [tilespmem:s28+$0x4F00]  }
0x133: {  	v53 =	vld [tilespmem:s28+$0x4F90]  }
0x134: {  	v12 =	vadd.f32 v35, v34;
	v34 =	vmul.f32 v39, v4;
	v35 =	vld [tilespmem:s28+$0x4FA0];
	(xrf2) =	vadd.scan.msk.f32 $0xffff, v19  }
0x135: {  	(xrf2) =	vadd.scan.msk.f32 $0xffff, v9;
	v9 =	vld [tilespmem:s31+$0xE30]  }
0x136: {  	v36 =	vmul.f32 v27, v4;
	v39 =	vadd.f32 v34, v12;
	v34 =	vld [tilespmem:s28+$0x5020]  }
0x137: {  	v40 =	vmul.f32 v28, v2;
	v12 =	vld [tilespmem:s31+$0x2E00];
	[tilespmem:$0x1FB30] =	vst v63;
	v63 =	vmul.f32 v29, v3  }
0x138: {  	v11 =	vadd.f32 v36, v20;
	[tilespmem:$0x1FB50] =	vst v53;
	v53 =	vld [tilespmem:s28+$0x4FB0]  }
0x139: {  	v29 =	vld [tilespmem:$0x1F570];
	v36 =	vadd.f32 v63, v40;
	v40 =	vmul.f32 v37, v4;
	v63 =	vmul.f32 v43, v5  }
0x13a: {  	v37 =	vmul.f32 v41, v5;
	v41 =	vld [tilespmem:s28+$0x5000];
	v43 =	vmul.f32 v47, v3  }
0x13b: {  	v47 =	vmul.f32 v44, v2;
	v44 =	vmul.f32 v52, v23;
	v52 =	vld [tilespmem:s31+$0x2E10]  }
0x13c: {  	[tilespmem:$0x1FB90] =	vst v34;
	v34 =	vld [tilespmem:$0x1F590]  }
0x13d: {  	v36 =	vadd.f32 v40, v36;
	v40 =	vmul.f32 v42, v5;
	v42 =	vmul.f32 v46, v2;
	v46 =	vld [tilespmem:s28+$0x5010]  }
0x13e: {  	v25 =	vadd.f32 v63, v11;
	v63 =	vmul.f32 v45, v3;
	v45 =	vmul.f32 v51, v14;
	v51 =	vld [tilespmem:s31+$0x2E30]  }
0x13f: {  	v3 =	vmul.f32 v54, v3;
	v54 =	vld [tilespmem:$0x1F5E0]  }
0x140: {  	v27 =	vadd.f32 v40, v39;
	v39 =	vld [tilespmem:s28+$0x5030]  }
0x141: {  	v20 =	vadd.f32 v37, v36;
	v36 =	vld [tilespmem:s31+$0xE00]  }
0x142: {  	v26 =	vadd.f32 v43, v42;
	v42 =	vmul.f32 v60, v5;
	v60 =	vld [tilespmem:s31+$0xE20]  }
0x143: {  	s29 =	smul.u32 $0xA00, s29;
	v40 =	vmul.f32 v59, v4;
	v59 =	vld [tilespmem:s31+$0x2E20]  }
0x144: {  	v11 =	vadd.f32 v63, v47;
	v63 =	vmul.f32 v61, v22;
	v61 =	vld [tilespmem:$0x1F5F0]  }
0x145: {  	s28 =	sshra.s32 s29, $0x2;
	[tilespmem:$0x1FB70] =	vst v41;
	v41 =	vmul.f32 v62, v5;
	v62 =	vadd.f32 v45, v44;
	v45 =	vld [tilespmem:$0x1F5C0]  }
0x146: {  	v2 =	vmul.f32 v48, v2;
	v48 =	vld [tilespmem:s28+$0x4E20]  }
0x147: {  	v30 =	vmul.f32 v29, v6;
	v29 =	vld [tilespmem:s28+$0x4E30]  }
0x148: {  	[tilespmem:$0x1FB60] =	vst v35;
	v35 =	vmul.f32 v56, v4;
	(xrf2) =	vadd.scan.msk.f32 $0xffff, v25;
	v43 =	vadd.f32 v40, v11;
	v11 =	vld [tilespmem:$0x1F540]  }
0x149: {  	(xrf2) =	vadd.scan.msk.f32 $0xffff, v20;
	v20 =	vld [tilespmem:$0x1F550]  }
0x14a: {  	v26 =	vadd.f32 v35, v26;
	[tilespmem:$0x1FB80] =	vst v46;
	v46 =	vld [tilespmem:$0x1F530]  }
0x14b: {  	(xrf2) =	vadd.scan.msk.f32 $0xffff, v27;
	v27 =	vld [tilespmem:$0x1F560]  }
0x14c: {  	v26 =	vadd.f32 v41, v26;
	v41 =	vld [tilespmem:$0x1F5B0]  }
0x14d: {  	v19 =	vadd.f32 v63, v62;
	v47 =	vadd.f32 v42, v43;
	v43 =	vld [tilespmem:s28+$0x4E00]  }
0x14e: {  	[tilespmem:$0x1FBA0] =	vst v39;
	v39 =	vld [tilespmem:$0x1F5A0]  }
0x14f: {  	v37 =	vadd.f32 v30, v19;
	v30 =	vld [tilespmem:$0x1F600]  }
0x150: {  	v62 =	vbroadcast v61, $0xF;
	v61 =	vld [tilespmem:s28+$0x4F00]  }
0x151: {  	(xrf2) =	vadd.scan.msk.f32 $0xffff, v26;
	v26 =	vld [tilespmem:s28+$0x4FB0]  }
0x152: {  	(xrf2) =	vadd.scan.msk.f32 $0xffff, v47;
	v47 =	vld [tilespmem:$0x1F5D0]  }
0x153: {  	v2 =	vadd.f32 v3, v2;
	v3 =	vmul.f32 v46, v4;
	v46 =	vld [tilespmem:s28+$0x4E10]  }
0x154: {  	v35 =	vbroadcast v34, $0xF;
	v28 =	vbroadcast v27, $0xF;
	v27 =	vld [tilespmem:s28+$0x4F10]  }
0x155: {  	v42 =	vbroadcast v41, $0xF;
	v40 =	vbroadcast v39, $0xF;
	v39 =	vld [tilespmem:$0x1F620]  }
0x156: {  	v2 =	vadd.f32 v3, v2;
	v3 =	vmul.f32 v11, v5;
	[tilespmem:$0x1FC30] =	vst v61;
	v61 =	vld [tilespmem:s28+$0x4FA0]  }
0x157: {  	v63, _, _ =	vpop (xrf2);
	v1 =	vsel vm1, v1, v42;
	v42 =	vld [tilespmem:s28+$0x4E90]  }
0x158: {  	v44 =	vsel vm0, v28, v35;
	v35, _, _ =	vpop (xrf2);
	v2 =	vadd.f32 v3, v2;
	v4 =	vbroadcast v47, $0xF;
	v47 =	vld [tilespmem:s28+$0x4EB0]  }
0x159: {  	v41, _, _ =	vpop (xrf2);
	v3 =	vbroadcast v31, $0xF;
	v31 =	vbroadcast v30, $0xF;
	v30 =	vld [tilespmem:s28+$0x4F20]  }
0x15a: {  	[tilespmem:$0x1FBF0] =	vst v48;
	v5 =	vbroadcast v20, $0xF;
	v20 =	vbroadcast v41, $0xF;
	v41 =	vld [tilespmem:s28+$0x4F80];
	(xrf2) =	vadd.scan.msk.f32 $0xffff, v2  }
0x15b: {  	[tilespmem:$0x1FC00] =	vst v29;
	v4 =	vsel vm1, v32, v4;
	v32 =	vld [tilespmem:$0x1F610]  }
0x15c: {  	[tilespmem:$0x1FBB0] =	vst v43;
	v0 =	vsel vm1, v0, v40;
	v43, _, _ =	vpop (xrf2);
	v3 =	vsel vm0, v5, v3;
	v5 =	vsel vm1, v44, v62;
	v44 =	vld [tilespmem:s28+$0x4EA0]  }
0x15d: {  	v56 =	vbroadcast v54, $0xF;
	[tilespmem:$0x1FCF0] =	vst v26;
	v48 =	vbroadcast v43, $0xF;
	v0 =	vsel vm2, v0, v31;
	v31 =	vld [tilespmem:$0x1F630]  }
0x15e: {  	[tilespmem:$0x1FBC0] =	vst v46;
	v2 =	vbroadcast v45, $0xF;
	v45 =	vbroadcast v35, $0xF;
	v35 =	vld [tilespmem:s28+$0x4F30]  }
0x15f: {  	[tilespmem:$0x1FC40] =	vst v27;
	(xrf2) =	vadd.scan.msk.f32 $0xffff, v37;
	v37 =	vld [tilespmem:s28+$0x4E80]  }
0x160: {  	v46, _, _ =	vpop (xrf2);
	v0 =	vsel vm3, v0, v48;
	v48 =	vld [tilespmem:$0x1F660];
	[tilespmem:$0x1FC80] =	vst v61;
	v34 =	vbroadcast v32, $0xF  }
0x161: {  	v3 =	vsel vm1, v3, v56;
	v56, _, _ =	vpop (xrf2);
	[tilespmem:$0x1FBE0] =	vst v42;
	v42 =	vld [tilespmem:$0x1F650]  }
0x162: {  	v2 =	vsel vm1, v24, v2;
	v24 =	vbroadcast v63, $0xF;
	v63, _, _ =	vpop (xrf2);
	[tilespmem:$0x1FC20] =	vst v47;
	v47 =	vld [tilespmem:s28+$0x4F90]  }
0x163: {  	v40 =	vbroadcast v39, $0xF;
	v29, _, _ =	vpop (xrf2);
	[tilespmem:$0x1FC70] =	vst v30;
	v30 =	vld [tilespmem:s28+$0x5000]  }
0x164: {  	v62 =	vbroadcast v56, $0xF;
	[tilespmem:$0x1FC50] =	vst v41;
	v32 =	vld [tilespmem:$0x1F640];
	v1 =	vsel vm2, v1, v34;
	v34, _, _ =	vpop (xrf2)  }
0x165: {  	v2 =	vsel vm2, v2, v40;
	[tilespmem:$0x1FC10] =	vst v44;
	v39 =	vbroadcast v34, $0xF;
	v34 =	vld [tilespmem:s28+$0x5010]  }
0x166: {  	v11 =	vsel vm3, v2, v62;
	v62 =	vld [tilespmem:$0x1F680];
	[tilespmem:$0x1FCE0] =	vst v35  }
0x167: {  	v54 =	vbroadcast v46, $0xF;
	v2 =	vmul.f32 v31, v23;
	v31 =	vld [tilespmem:$0x1F6A0];
	[tilespmem:$0x1FBD0] =	vst v37  }
0x168: {  	v37 =	vbroadcast v29, $0xF;
	v29 =	vld [tilespmem:$0x1F690];
	[tilespmem:$0x1FC60] =	vst v47  }
0x169: {  	v19 =	vsel vm3, v1, v54;
	v54 =	vld [tilespmem:$0x1F670];
	[tilespmem:$0x1FC90] =	vst v30  }
0x16a: {  	v5 =	vsel vm2, v5, v20;
	v20 =	vmul.f32 v32, v14;
	v32 =	vld [tilespmem:$0x1F6B0];
	v40, _, _ =	vpop (xrf2);
	[tilespmem:$0x1FCA0] =	vst v34  }
0x16b: {  	v3 =	vsel vm2, v3, v45;
	v35 =	vld [tilespmem:$0x1F6C0]  }
0x16c: {  	v47 =	vsel vm3, v3, v37;
	v37 =	vld [tilespmem:$0x1F6D0]  }
0x16d: {  	v2 =	vadd.f32 v20, v2;
	v20 =	vsel vm3, v5, v39;
	v39 =	vld [tilespmem:s28+$0x5020]  }
0x16e: {  	v25 =	vbroadcast v40, $0xF;
	v40 =	vld [tilespmem:$0x1F6E0]  }
0x16f: {  	v43 =	vmul.f32 v42, v22;
	v41 =	vld [tilespmem:$0x1F6F0]  }
0x170: {  	v42 =	vld [tilespmem:s28+$0x5030]  }
0x171: {  	v2 =	vadd.f32 v43, v2;
	v43 =	vld [tilespmem:$0x1F700]  }
0x172: {  	v44 =	vld [tilespmem:$0x1F710]  }
0x173: {  	s29 =	sor.u32 $0xA, s26;
	v45 =	vld [tilespmem:$0x1F720]  }
0x174: {  	s31 =	sshll.u32 s29, $0x7;
	v46 =	vld [tilespmem:$0x1F730]  }
0x175: {  	v28 =	vbroadcast v63, $0xF;
	v34 =	vld [tilespmem:s31+$0xE10]  }
0x176: {  	v1 =	vmul.f32 v48, v23;
	v56 =	vmul.f32 v54, v14;
	v48 =	vld [tilespmem:$0x1F740]  }
0x177: {  	v4 =	vsel vm2, v4, v24;
	v54 =	vld [tilespmem:$0x1F750]  }
0x178: {  	v24 =	vsel vm3, v4, v28;
	v28 =	vadd.f32 v56, v1;
	v1 =	vmul.f32 v29, v22;
	v56 =	vld [tilespmem:$0x1F760]  }
0x179: {  	v63 =	vmul.f32 v62, v6;
	v62 =	vld [tilespmem:$0x1F770]  }
0x17a: {  	v3 =	vsel vm4, v0, v25;
	v0 =	vadd.f32 v1, v28;
	v28 =	vld [tilespmem:s31+$0x2E00]  }
0x17b: {  	v29 =	vld [tilespmem:$0x1F780]  }
0x17c: {  	v30 =	vld [tilespmem:$0x1F790]  }
0x17d: {  	v5 =	vmul.f32 v32, v14;
	v32 =	vld [tilespmem:s31+$0x2E10]  }
0x17e: {  	v25 =	vmul.f32 v37, v14;
	v37 =	vld [tilespmem:s31+$0xE00]  }
0x17f: {  	[tilespmem:$0x1FCD0] =	vst v39;
	v39 =	vld [tilespmem:s31+$0xE20]  }
0x180: {  	v4 =	vmul.f32 v31, v23;
	[tilespmem:$0x1FD10] =	vst v42;
	v42 =	vld [tilespmem:s31+$0xE30]  }
0x181: {  	v1 =	vmul.f32 v35, v23;
	v35 =	vld [tilespmem:$0x1F7A0]  }
0x182: {  	v4 =	vadd.f32 v5, v4;
	v5 =	vmul.f32 v40, v23;
	v40 =	vld [tilespmem:$0x1F7B0]  }
0x183: {  	s29 =	smul.u32 $0xA00, s29;
	v26 =	vmul.f32 v44, v22;
	v44 =	vld [tilespmem:$0x1F7C0]  }
0x184: {  	v61 =	vmul.f32 v56, v7;
	v56 =	vld [tilespmem:$0x1F7E0]  }
0x185: {  	v2 =	vadd.f32 v63, v2;
	s28 =	sshra.s32 s29, $0x2;
	v63 =	vmul.f32 v62, v8;
	v62 =	vld [tilespmem:$0x1F7F0]  }
0x186: {  	v23 =	vmul.f32 v41, v22;
	[tilespmem:$0x1FCC0] =	vst v32;
	v32 =	vld [tilespmem:s28+$0x4E80]  }
0x187: {  	v14 =	vmul.f32 v45, v14;
	v1 =	vadd.f32 v25, v1;
	v25 =	vmul.f32 v43, v6;
	v43 =	vld [tilespmem:s31+$0x2E20]  }
0x188: {  	s29 =	sor.u32 $0xB, s26;
	v4 =	vadd.f32 v23, v4;
	v23 =	vmul.f32 v46, v6;
	v46 =	vld [tilespmem:$0x1F7D0]  }
0x189: {  	v5 =	vadd.f32 v14, v5;
	v14 =	vmul.f32 v54, v22;
	v54 =	vld [tilespmem:s31+$0x2E30];
	s31 =	sshll.u32 s29, $0x7  }
0x18a: {  	[tilespmem:$0x1FCB0] =	vst v28;
	v28 =	vld [tilespmem:s31+$0xE00]  }
0x18b: {  	v5 =	vadd.f32 v14, v5;
	v14 =	vmul.f32 v29, v7;
	v29 =	vld [tilespmem:$0x1F850]  }
0x18c: {  	v0 =	vadd.f32 v25, v0;
	v25 =	vmul.f32 v48, v6;
	v6 =	vmul.f32 v35, v6;
	v35 =	vld [tilespmem:s28+$0x4E00]  }
0x18d: {  	v4 =	vadd.f32 v23, v4;
	v23 =	vadd.f32 v63, v61;
	v61 =	vmul.f32 v56, v7;
	v56 =	vld [tilespmem:$0x1F830]  }
0x18e: {  	v41 =	vmul.f32 v40, v13;
	v63 =	vmul.f32 v62, v8;
	v62 =	vld [tilespmem:$0x1F840]  }
0x18f: {  	[tilespmem:$0x1FD50] =	vst v32;
	v32 =	vld [tilespmem:$0x1F8D0]  }
0x190: {  	v31 =	vmul.f32 v30, v8;
	v23 =	vadd.f32 v41, v23;
	v41 =	vld [tilespmem:$0x1F800]  }
0x191: {  	[tilespmem:$0x1FD00] =	vst v43;
	v43 =	vld [tilespmem:s28+$0x4E10]  }
0x192: {  	v45 =	vmul.f32 v44, v57;
	v14 =	vadd.f32 v31, v14;
	v48 =	vmul.f32 v46, v13;
	[tilespmem:$0x1FD20] =	vst v54;
	v54 =	vld [tilespmem:$0x1F820]  }
0x193: {  	v44 =	vadd.f32 v63, v61;
	v61 =	vld [tilespmem:s28+$0x4E30]  }
0x194: {  	v40 =	vadd.f32 v48, v14;
	v14 =	vadd.f32 v45, v23;
	v45 =	vld [tilespmem:$0x1F810]  }
0x195: {  	v48 =	vld [tilespmem:s28+$0x4E20]  }
0x196: {  	v30 =	vmul.f32 v29, v8;
	v29 =	vld [tilespmem:s28+$0x4F00]  }
0x197: {  	[tilespmem:$0x1FD30] =	vst v35;
	v35 =	vld [tilespmem:$0x1F860]  }
0x198: {  	v31 =	vadd.f32 v6, v5;
	v6 =	vmul.f32 v41, v57;
	v41 =	vld [tilespmem:s28+$0x4E90]  }
0x199: {  	v1 =	vadd.f32 v26, v1;
	v63 =	vmul.f32 v62, v7;
	[tilespmem:$0x1FD40] =	vst v43;
	v43 =	vld [tilespmem:$0x1F880]  }
0x19a: {  	v5 =	vmul.f32 v54, v7;
	v54 =	vld [tilespmem:$0x1F8A0]  }
0x19b: {  	v1 =	vadd.f32 v25, v1;
	v25 =	vadd.f32 v30, v63;
	v63 =	vld [tilespmem:s28+$0x4EB0]  }
0x19c: {  	[tilespmem:$0x1FD80] =	vst v61;
	v61 =	vld [tilespmem:$0x1F8C0]  }
0x19d: {  	v26 =	vadd.f32 v6, v40;
	v40 =	vld [tilespmem:$0x1F870]  }
0x19e: {  	v46 =	vmul.f32 v45, v13;
	v45 =	vld [tilespmem:$0x1F890]  }
0x19f: {  	[tilespmem:$0x1FD70] =	vst v48;
	v48 =	vld [tilespmem:s28+$0x4EA0]  }
0x1a0: {  	v6 =	vmul.f32 v56, v8;
	v56 =	vld [tilespmem:$0x1F8B0]  }
0x1a1: {  	[tilespmem:$0x1FDA0] =	vst v29;
	v29 =	vld [tilespmem:s31+$0xE20]  }
0x1a2: {  	v5 =	vadd.f32 v6, v5;
	v6 =	vmul.f32 v35, v7;
	v35 =	vld [tilespmem:s28+$0x4F10]  }
0x1a3: {  	[tilespmem:$0x1FD60] =	vst v41;
	v41 =	vld [tilespmem:$0x1F8F0]  }
0x1a4: {  	v23 =	vadd.f32 v46, v44;
	v44 =	vmul.f32 v43, v57;
	v62 =	vmul.f32 v61, v57;
	v61 =	vld [tilespmem:$0x1F930]  }
0x1a5: {  	v7 =	vmul.f32 v40, v13;
	v40 =	vld [tilespmem:$0x1F8E0]  }
0x1a6: {  	v46 =	vmul.f32 v45, v13;
	v23 =	vadd.f32 v44, v23;
	v44 =	vld [tilespmem:s28+$0x4F20]  }
0x1a7: {  	v45 =	vld [tilespmem:$0x1F900]  }
0x1a8: {  	v25 =	vadd.f32 v46, v25;
	v46 =	vld [tilespmem:$0x1F910]  }
0x1a9: {  	v5 =	vadd.f32 v7, v5;
	v7 =	vmul.f32 v54, v8;
	v54 =	vld [tilespmem:s28+$0x4F30]  }
0x1aa: {  	v8 =	vmul.f32 v56, v57;
	v56 =	vld [tilespmem:$0x1F920]  }
0x1ab: {  	[tilespmem:$0x1FDB0] =	vst v35;
	v35 =	vld [tilespmem:$0x1F940]  }
0x1ac: {  	v30 =	vadd.f32 v7, v6;
	v6 =	vmul.f32 v32, v13;
	v32 =	vld [tilespmem:s28+$0x4F80]  }
0x1ad: {  	v43 =	vmul.f32 v41, v38;
	v13 =	vmul.f32 v40, v50;
	v40 =	vld [tilespmem:$0x1F950]  }
0x1ae: {  	[tilespmem:$0x1FDE0] =	vst v44;
	v44 =	vld [tilespmem:$0x1F960]  }
0x1af: {  	v13 =	vadd.f32 v43, v13;
	v43 =	vld [tilespmem:s28+$0x4F90]  }
0x1b0: {  	[tilespmem:$0x1FD90] =	vst v48;
	v48 =	vmul.f32 v46, v38;
	v46 =	vld [tilespmem:$0x1F970]  }
0x1b1: {  	v8 =	vadd.f32 v8, v5;
	v5 =	vadd.f32 v6, v30;
	[tilespmem:$0x1FE30] =	vst v54;
	v57 =	vmul.f32 v56, v57;
	v54 =	vld [tilespmem:s28+$0x4FA0]  }
0x1b2: {  	v7 =	vadd.f32 v62, v25;
	v62 =	vmul.f32 v61, v33;
	v27 =	vmul.f32 v35, v21;
	v35 =	vld [tilespmem:$0x1F990]  }
0x1b3: {  	v6 =	vmul.f32 v45, v50;
	v30 =	vadd.f32 v57, v5;
	v57 =	vld [tilespmem:$0x1F980]  }
0x1b4: {  	v13 =	vadd.f32 v62, v13;
	v62 =	vld [tilespmem:s28+$0x4FB0]  }
0x1b5: {  	v6 =	vadd.f32 v48, v6;
	v5 =	vld [tilespmem:$0x1FA00];
	v41 =	vmul.f32 v40, v33  }
0x1b6: {  	v45 =	vmul.f32 v44, v50;
	v44 =	vld [tilespmem:$0x1F9B0]  }
0x1b7: {  	v56 =	vadd.f32 v41, v6;
	v41 =	vld [tilespmem:s28+$0x5000]  }
0x1b8: {  	[tilespmem:$0x1FDD0] =	vst v43;
	v43 =	vld [tilespmem:$0x1F9A0]  }
0x1b9: {  	v48 =	vmul.f32 v46, v38;
	v46 =	vld [tilespmem:s28+$0x5010]  }
0x1ba: {  	[tilespmem:$0x1FDF0] =	vst v54;
	v54 =	vld [tilespmem:$0x1F9D0]  }
0x1bb: {  	v40 =	vmul.f32 v35, v33;
	v35 =	vld [tilespmem:$0x1FA60]  }
0x1bc: {  	v22 =	vadd.f32 v48, v45;
	v48 =	vld [tilespmem:$0x1F9C0]  }
0x1bd: {  	v61 =	vmul.f32 v57, v21;
	v57 =	vld [tilespmem:$0x1F9E0]  }
0x1be: {  	[tilespmem:$0x1FE40] =	vst v62;
	v62 =	vld [tilespmem:s28+$0x5030]  }
0x1bf: {  	v6 =	vmul.f32 v5, v21;
	v5 =	vld [tilespmem:s31+$0x2E10]  }
0x1c0: {  	v13 =	vadd.f32 v27, v13;
	v27 =	vadd.f32 v61, v56;
	v56 =	vld [tilespmem:s28+$0x5020]  }
0x1c1: {  	(xrf2) =	vadd.scan.msk.f32 $0xffff, v2;
	v61 =	vld [tilespmem:$0x1F9F0]  }
0x1c2: {  	(xrf2) =	vadd.scan.msk.f32 $0xffff, v0;
	v45 =	vmul.f32 v44, v38;
	v25 =	vadd.f32 v40, v22;
	v22 =	vld [tilespmem:s31+$0xE10];
	v0 =	vmul.f32 v43, v50  }
0x1c3: {  	v43 =	vld [tilespmem:$0x1FA10]  }
0x1c4: {  	v0 =	vadd.f32 v45, v0;
	v45 =	vld [tilespmem:$0x1FA20]  }
0x1c5: {  	v40 =	vld [tilespmem:$0x1FA70]  }
0x1c6: {  	(xrf2) =	vadd.scan.msk.f32 $0xffff, v4;
	[tilespmem:$0x1FE00] =	vst v41;
	v4 =	vmul.f32 v54, v38;
	v41 =	vld [tilespmem:s31+$0xE30];
	v2 =	vmul.f32 v48, v50  }
0x1c7: {  	[tilespmem:$0x1FDC0] =	vst v32;
	v48 =	vld [tilespmem:$0x1FA30]  }
0x1c8: {  	v32 =	vmul.f32 v57, v50;
	[tilespmem:$0x1FE20] =	vst v56;
	v4 =	vadd.f32 v4, v2;
	v56 =	vld [tilespmem:$0x1FA40];
	v44 =	vmul.f32 v43, v33  }
0x1c9: {  	(xrf2) =	vadd.scan.msk.f32 $0xffff, v1;
	[tilespmem:$0x1FE10] =	vst v46;
	v1 =	vmul.f32 v61, v33;
	v61 =	vld [tilespmem:$0x1FA50];
	v46 =	vmul.f32 v45, v38  }
0x1ca: {  	(xrf2) =	vadd.scan.msk.f32 $0xffff, v31;
	v54 =	vadd.f32 v44, v4;
	v44 =	vld [tilespmem:$0x1FA80]  }
0x1cb: {  	(xrf2) =	vadd.scan.msk.f32 $0xffff, v14;
	v14 =	vadd.f32 v46, v32;
	v46 =	vld [tilespmem:$0x1FA90]  }
0x1cc: {  	v25 =	vadd.f32 v6, v25;
	v6 =	vld [tilespmem:s31+$0x2E00]  }
0x1cd: {  	(xrf2) =	vadd.scan.msk.f32 $0xffff, v26;
	v43 =	vmul.f32 v40, v16;
	v40 =	vld [tilespmem:$0x1FAD0];
	v0 =	vadd.f32 v1, v0;
	v50 =	vmul.f32 v48, v21  }
0x1ce: {  	(xrf2) =	vadd.scan.msk.f32 $0xffff, v23;
	v38 =	vmul.f32 v35, v15;
	v35 =	vld [tilespmem:$0x1FAC0]  }
0x1cf: {  	[tilespmem:$0x1FE60] =	vst v62;
	v57 =	vmul.f32 v56, v21;
	v23 =	vadd.f32 v50, v0;
	v62 =	vmul.f32 v61, v33;
	v50 =	vld [tilespmem:$0x1FAA0]  }
0x1d0: {  	v61 =	vld [tilespmem:s31+$0x2E20];
	v45 =	vmul.f32 v44, v15;
	v48 =	vmul.f32 v46, v16  }
0x1d1: {  	(xrf2) =	vadd.scan.msk.f32 $0xffff, v8;
	v8 =	vadd.f32 v57, v54;
	v54 =	vld [tilespmem:$0x1FAB0]  }
0x1d2: {  	(xrf2) =	vadd.scan.msk.f32 $0xffff, v7;
	v7 =	vadd.f32 v62, v14;
	v62 =	vadd.f32 v48, v45;
	v45 =	vld [tilespmem:$0x1FAE0]  }
0x1d3: {  	v48 =	vld [tilespmem:$0x1FAF0]  }
0x1d4: {  	s29 =	smul.u32 $0xA00, s29;
	v26 =	vadd.f32 v43, v38;
	v43 =	vmul.f32 v40, v17;
	v40 =	vld [tilespmem:$0x1FB10]  }
0x1d5: {  	(xrf2) =	vadd.scan.msk.f32 $0xffff, v30;
	v44 =	vld [tilespmem:s31+$0x2E30]  }
0x1d6: {  	s28 =	sshra.s32 s29, $0x2;
	v57, _, _ =	vpop (xrf2);
	(xrf2) =	vadd.scan.msk.f32 $0xffff, v13;
	v56 =	vmul.f32 v54, v17;
	v13 =	vadd.f32 v43, v62;
	v62 =	vld [tilespmem:$0x1FB00]  }
0x1d7: {  	v38 =	vmul.f32 v35, v18;
	v21 =	vmul.f32 v50, v21;
	[tilespmem:$0x1FE50] =	vst v61;
	v33, _, _ =	vpop (xrf2);
	(xrf2) =	vadd.scan.msk.f32 $0xffff, v27;
	v61 =	vld [tilespmem:s28+$0x4E00]  }
0x1d8: {  	v54, _, _ =	vpop (xrf2);
	(xrf2) =	vadd.scan.msk.f32 $0xffff, v25;
	v25 =	vld [tilespmem:s28+$0x4E10];
	v26 =	vadd.f32 v56, v26;
	v46 =	vmul.f32 v45, v15;
	v50 =	vmul.f32 v48, v16  }
0x1d9: {  	v56 =	vld [tilespmem:$0x1FB30]  }
0x1da: {  	v14 =	vadd.f32 v38, v26;
	v38 =	vadd.f32 v50, v46;
	v46 =	vld [tilespmem:$0x1FB20]  }
0x1db: {  	v32, _, _ =	vpop (xrf2);
	v4 =	vmul.f32 v62, v18;
	v62 =	vld [tilespmem:$0x1FB40]  }
0x1dc: {  	[tilespmem:$0x1FE70] =	vst v44;
	(xrf2) =	vadd.scan.msk.f32 $0xffff, v23;
	v44 =	vld [tilespmem:s28+$0x4E20];
	v43 =	vmul.f32 v40, v17;
	v30, _, _ =	vpop (xrf2)  }
0x1dd: {  	v7 =	vadd.f32 v21, v7;
	v54 =	vbroadcast v54, $0xF;
	(xrf2) =	vadd.scan.msk.f32 $0xffff, v8;
	v40 =	vbroadcast v33, $0xF;
	v31, _, _ =	vpop (xrf2);
	v48 =	vld [tilespmem:s28+$0x4E30]  }
0x1de: {  	v35 =	vld [tilespmem:s28+$0x5000];
	v1 =	vbroadcast v32, $0xF;
	[tilespmem:$0x1FE80] =	vst v61;
	v26 =	vmul.f32 v55, v18;
	v50 =	vadd.f32 v43, v38;
	v38, _, _ =	vpop (xrf2)  }
0x1df: {  	(xrf2) =	vadd.scan.msk.f32 $0xffff, v7;
	v61 =	vld [tilespmem:s28+$0x4E80];
	v45 =	vbroadcast v57, $0xF;
	v57 =	vmul.f32 v56, v15;
	v8 =	vadd.f32 v4, v13;
	v0, _, _ =	vpop (xrf2)  }
0x1e0: {  	v55 =	vld [tilespmem:s28+$0x4F20];
	[tilespmem:$0x1FE90] =	vst v25;
	(xrf2) =	vadd.scan.msk.f32 $0xffff, v14;
	v21 =	vmul.f32 v46, v18;
	v2 =	vmul.f32 v62, v16;
	v62, _, _ =	vpop (xrf2)  }
0x1e1: {  	v31 =	vbroadcast v31, $0xF;
	v25 =	vbroadcast v30, $0xF;
	v30 =	vld [tilespmem:s28+$0x5010];
	[tilespmem:$0x1FEA0] =	vst v44;
	(xrf2) =	vadd.scan.msk.f32 $0xffff, v8;
	v32, _, _ =	vpop (xrf2)  }
0x1e2: {  	v44 =	vld [tilespmem:s28+$0x4E90];
	[tilespmem:$0x1FEB0] =	vst v48;
	v7 =	vadd.f32 v21, v50;
	v48 =	vadd.f32 v2, v57;
	v50 =	vmul.f32 v58, v17;
	v27, _, _ =	vpop (xrf2)  }
0x1e3: {  	v3 =	vsel vm5, v3, v31;
	v56 =	vld [tilespmem:s28+$0x4EB0];
	v13 =	vsel vm4, v19, v45;
	v33, _, _ =	vpop (xrf2)  }
0x1e4: {  	v19 =	vsel vm4, v24, v54;
	v14 =	vsel vm4, v11, v40;
	v11 =	vld [tilespmem:s28+$0x4F30];
	v2 =	vadd.f32 v50, v48;
	v58, _, _ =	vpop (xrf2)  }
0x1e5: {  	v54 =	vld [tilespmem:s28+$0x4F00];
	v40 =	vsel vm4, v47, v1;
	v38 =	vbroadcast v38, $0xF;
	v23 =	vbroadcast v62, $0xF;
	(xrf2) =	vadd.scan.msk.f32 $0xffff, v7;
	v62, _, _ =	vpop (xrf2)  }
0x1e6: {  	v43 =	vld [tilespmem:s28+$0x4F80];
	v8 =	vsel vm4, v20, v25;
	v24 =	vbroadcast v32, $0xF;
	v7 =	vadd.f32 v26, v2;
	v26, _, _ =	vpop (xrf2)  }
0x1e7: {  	v13 =	vsel vm5, v13, v38;
	v48 =	vbroadcast v0, $0xF;
	v4 =	vbroadcast v26, $0xF;
	v26 =	vld [tilespmem:$0x1FB50]  }
0x1e8: {  	v20 =	vld [tilespmem:$0x1FB80];
	v25 =	vbroadcast v27, $0xF;
	v19 =	vsel vm5, v19, v23;
	v27 =	vbroadcast v33, $0xF;
	v46, _, _ =	vpop (xrf2)  }
0x1e9: {  	v57 =	vld [tilespmem:s28+$0x4EA0];
	[tilespmem:$0x1FEC0] =	vst v11;
	v14 =	vsel vm5, v14, v48;
	v47 =	vbroadcast v62, $0xF;
	v62, _, _ =	vpop (xrf2);
	v38 =	vbroadcast v46, $0xF  }
0x1ea: {  	v50 =	vld [tilespmem:s28+$0x4F10];
	v45 =	vbroadcast v58, $0xF;
	v8 =	vsel vm5, v8, v25;
	(xrf2) =	vadd.scan.msk.f32 $0xffff, v7;
	v7 =	vsel vm5, v40, v24;
	v11, _, _ =	vpop (xrf2)  }
0x1eb: {  	v33 =	vld [tilespmem:s28+$0x4F90];
	v25 =	vmul.f32 v49, v15;
	v31 =	vbroadcast v62, $0xF;
	v21, _, _ =	vpop (xrf2);
	v24 =	vsel vm6, v7, v38  }
0x1ec: {  	v3 =	vsel vm6, v3, v27;
	v23 =	vbroadcast v21, $0xF;
	[tilespmem:$0x1FED0] =	vst v24;
	v24 =	vld [tilespmem:$0x1FB70];
	v27 =	vmul.f32 v26, v16  }
0x1ed: {  	v48 =	vld [tilespmem:s28+$0x4FA0];
	v13 =	vsel vm6, v13, v45;
	v32 =	vbroadcast v11, $0xF;
	v26 =	vmul.f32 v12, v36  }
0x1ee: {  	v45 =	vsel vm7, v13, v23;
	v13 =	vld [tilespmem:$0x1FB60];
	v7 =	vadd.f32 v27, v25;
	v27 =	vmul.f32 v52, v10  }
0x1ef: {  	v46 =	vsel vm6, v19, v4;
	v62 =	vsel vm6, v8, v31;
	v8 =	vsel vm7, v3, v32;
	v4, _, _ =	vpop (xrf2);
	v52 =	vld [tilespmem:$0x1FB90]  }
0x1f0: {  	v58 =	vld [tilespmem:s28+$0x4FB0];
	[tilespmem:$0x1FEE0] =	vst v8;
	v8 =	vmul.f32 v59, v60;
	v11 =	vbroadcast v4, $0xF;
	v4 =	vadd.f32 v27, v26  }
0x1f1: {  	s29 =	sor.u32 $0xC, s26;
	v14 =	vsel vm6, v14, v47;
	v25 =	vmul.f32 v24, v15;
	v15 =	vld [tilespmem:$0x1FBA0]  }
0x1f2: {  	s31 =	sshll.u32 s29, $0x7;
	s29 =	smul.u32 $0xA00, s29;
	v49 =	vld [tilespmem:s28+$0x5030];
	v21 =	vmul.f32 v20, v16;
	v16 =	vadd.f32 v8, v4;
	v4 =	vmul.f32 v51, v9  }
0x1f3: {  	v40 =	vld [tilespmem:s28+$0x5020];
	v23 =	vsel vm7, v14, v11;
	v19 =	vmul.f32 v13, v17  }
0x1f4: {  	s28 =	sshra.s32 s29, $0x2;
	v14 =	vadd.f32 v21, v25;
	v17 =	vmul.f32 v52, v17;
	v24 =	vadd.f32 v4, v16;
	v16 =	vld [tilespmem:$0x1FBD0]  }
0x1f5: {  	[tilespmem:$0x1FEF0] =	vst v23;
	v23 =	vadd.f32 v19, v7;
	v7 =	vmul.f32 v53, v18;
	v4 =	vld [tilespmem:s28+$0x4E00]  }
0x1f6: {  	v17 =	vadd.f32 v17, v14;
	v18 =	vmul.f32 v15, v18;
	v14 =	vld [tilespmem:$0x1FBC0]  }
0x1f7: {  	v21 =	vadd.f32 v7, v23;
	v7 =	vld [tilespmem:$0x1FBB0]  }
0x1f8: {  	v23 =	vadd.f32 v18, v17;
	v18 =	vld [tilespmem:$0x1FBE0];
	_ =	sdelay $0x1  }
0x1f9: {  	v52 =	vld [tilespmem:s28+$0x4E20]  }
0x1fa: {  	v53 =	vld [tilespmem:$0x1FC30];
	v17 =	vmul.f32 v16, v36  }
0x1fb: {  	v16 =	vld [tilespmem:s28+$0x4E10];
	v15 =	vmul.f32 v14, v10;
	v8 =	vmul.f32 v7, v36  }
0x1fc: {  	[tilespmem:$0x1FF00] =	vst v4;
	v4 =	vld [tilespmem:$0x1FC40];
	v20 =	vmul.f32 v18, v10  }
0x1fd: {  	v7 =	vadd.f32 v15, v8;
	v8 =	vld [tilespmem:$0x1FBF0]  }
0x1fe: {  	v32 =	vadd.f32 v20, v17;
	v17 =	vld [tilespmem:$0x1FC10]  }
0x1ff: {  	v47, _, _ =	vpop (xrf2);
	v20 =	vld [tilespmem:$0x1FC20]  }
0x200: {  	v38 =	vbroadcast v47, $0xF;
	v47 =	vmul.f32 v53, v36;
	v53 =	vld [tilespmem:$0x1FC70]  }
0x201: {  	v15 =	vld [tilespmem:$0x1FC00]  }
0x202: {  	[tilespmem:$0x1FF10] =	vst v16;
	v16 =	vld [tilespmem:$0x1FC90]  }
0x203: {  	v14 =	vmul.f32 v8, v60;
	v8 =	vld [tilespmem:s28+$0x4E30]  }
0x204: {  	v18 =	vmul.f32 v17, v60;
	v1 =	vmul.f32 v20, v9;
	v20 =	vld [tilespmem:s28+$0x4E80]  }
0x205: {  	v59 =	vsel vm7, v46, v38;
	v46 =	vadd.f32 v14, v7;
	v7 =	vmul.f32 v4, v10;
	v14 =	vld [tilespmem:$0x1FC50]  }
0x206: {  	v32 =	vadd.f32 v18, v32;
	v18 =	vld [tilespmem:$0x1FC60]  }
0x207: {  	[tilespmem:$0x1FF20] =	vst v52;
	v4 =	vmul.f32 v53, v60;
	v52 =	vadd.f32 v7, v47;
	v7 =	vld [tilespmem:s28+$0x4E90]  }
0x208: {  	v47 =	vld [tilespmem:$0x1FCB0]  }
0x209: {  	v38 =	vadd.f32 v4, v52;
	v4 =	vld [tilespmem:s28+$0x4F00]  }
0x20a: {  	[tilespmem:$0x1FF50] =	vst v8;
	v8 =	vld [tilespmem:$0x1FC80]  }
0x20b: {  	v52 =	vld [tilespmem:$0x1FCC0]  }
0x20c: {  	v51 =	vmul.f32 v15, v9;
	v17 =	vld [tilespmem:$0x1FCA0]  }
0x20d: {  	v15 =	vmul.f32 v14, v36;
	v0 =	vmul.f32 v18, v10;
	[tilespmem:$0x1FF40] =	vst v7;
	v7 =	vld [tilespmem:$0x1FCD0]  }
0x20e: {  	[tilespmem:$0x1FF70] =	vst v4;
	v4 =	vld [tilespmem:$0x1FD00]  }
0x20f: {  	v18 =	vadd.f32 v51, v46;
	v51 =	vmul.f32 v47, v37;
	v0 =	vadd.f32 v0, v15;
	v15 =	vld [tilespmem:s28+$0x4EA0]  }
0x210: {  	v14 =	vmul.f32 v8, v60;
	v8 =	vld [tilespmem:$0x1FCE0];
	v53 =	vmul.f32 v52, v34  }
0x211: {  	v36 =	vmul.f32 v16, v36;
	v10 =	vmul.f32 v17, v10;
	v52 =	vld [tilespmem:$0x1FD10]  }
0x212: {  	[tilespmem:$0x1FF30] =	vst v20;
	v20 =	vadd.f32 v1, v32;
	v32 =	vadd.f32 v53, v51;
	v53 =	vld [tilespmem:s28+$0x4F30]  }
0x213: {  	v10 =	vadd.f32 v10, v36;
	v36 =	vmul.f32 v7, v60;
	v7 =	vmul.f32 v4, v39;
	v4 =	vld [tilespmem:$0x1FD20]  }
0x214: {  	[tilespmem:$0x1FF60] =	vst v15;
	v15 =	vld [tilespmem:$0x1FCF0]  }
0x215: {  	v17 =	vld [tilespmem:s28+$0x4F20]  }
0x216: {  	v47 =	vld [tilespmem:$0x1FD30]  }
0x217: {  	v0 =	vadd.f32 v14, v0;
	[tilespmem:$0x1FFA0] =	vst v53;
	v53 =	vld [tilespmem:$0x1FD50]  }
0x218: {  	v14 =	vmul.f32 v8, v9;
	v32 =	vadd.f32 v7, v32;
	v7 =	vmul.f32 v4, v42;
	v4 =	vld [tilespmem:$0x1FD60]  }
0x219: {  	v10 =	vadd.f32 v36, v10;
	v16 =	vmul.f32 v15, v9;
	v9 =	vmul.f32 v52, v9;
	v52 =	vld [tilespmem:$0x1FD40];
	_ =	sdelay $0x1  }
0x21a: {  	v15 =	vadd.f32 v16, v0;
	v16 =	vadd.f32 v9, v10;
	v9 =	vmul.f32 v47, v37;
	v47 =	vld [tilespmem:$0x1FD70];
	_ =	sdelay $0x1  }
0x21b: {  	[tilespmem:$0x1FF80] =	vst v17;
	v17 =	vadd.f32 v7, v32;
	v32 =	vmul.f32 v53, v37;
	v53 =	vld [tilespmem:$0x1FD80];
	v7 =	vmul.f32 v4, v34  }
0x21c: {  	v31 =	vld [tilespmem:s31+$0x2E30];
	v10 =	vmul.f32 v52, v34  }
0x21d: {  	v36 =	vadd.f32 v7, v32;
	v7 =	vld [tilespmem:$0x1FDA0]  }
0x21e: {  	v12 =	vld [tilespmem:s31+$0xE20];
	v9 =	vadd.f32 v10, v9;
	v10 =	vmul.f32 v47, v39  }
0x21f: {  	v4 =	vld [tilespmem:$0x1FD90]  }
0x220: {  	v8 =	vld [tilespmem:$0x1FDB0];
	v47 =	vmul.f32 v53, v42;
	v9 =	vadd.f32 v10, v9  }
0x221: {  	v32 =	vld [tilespmem:$0x1FDC0]  }
0x222: {  	v10 =	vmul.f32 v7, v37;
	v7 =	vadd.f32 v47, v9;
	v47 =	vld [tilespmem:$0x1FDE0]  }
0x223: {  	v11 =	vld [tilespmem:s31+$0xE10]  }
0x224: {  	v26 =	vld [tilespmem:s31+$0x2E00];
	v0 =	vmul.f32 v4, v39  }
0x225: {  	v27 =	vld [tilespmem:s31+$0x2E20];
	v1 =	vmul.f32 v8, v34  }
0x226: {  	v13 =	vld [tilespmem:s31+$0xE00];
	v3 =	vadd.f32 v0, v36  }
0x227: {  	v2 =	vmul.f32 v32, v37;
	v36 =	vld [tilespmem:$0x1FDD0];
	v1 =	vadd.f32 v1, v10;
	v32 =	vmul.f32 v47, v39  }
0x228: {  	v10 =	vld [tilespmem:$0x1FE00]  }
0x229: {  	v1 =	vadd.f32 v32, v1;
	v32 =	vld [tilespmem:$0x1FE10]  }
0x22a: {  	v9 =	vld [tilespmem:$0x1FDF0]  }
0x22b: {  	v25 =	vld [tilespmem:s31+$0x2E10];
	v4 =	vmul.f32 v63, v42  }
0x22c: {  	v46 =	vld [tilespmem:s28+$0x4EB0]  }
0x22d: {  	v19 =	vld [tilespmem:s31+$0xE30];
	v8 =	vadd.f32 v4, v3;
	v0 =	vmul.f32 v36, v34;
	v4 =	vmul.f32 v10, v37  }
0x22e: {  	v37 =	vmul.f32 v32, v34;
	v34 =	vmul.f32 v5, v22;
	v5 =	vld [tilespmem:$0x1FE20]  }
0x22f: {  	v0 =	vadd.f32 v0, v2;
	v2 =	vmul.f32 v9, v39;
	v32 =	vld [tilespmem:$0x1FE30]  }
0x230: {  	v51 =	vld [tilespmem:s28+$0x4F80]  }
0x231: {  	[tilespmem:$0x1FF90] =	vst v46;
	v46 =	vld [tilespmem:s28+$0x4F90];
	v3 =	vadd.f32 v2, v0;
	v2 =	vmul.f32 v6, v28  }
0x232: {  	v60 =	vld [tilespmem:s28+$0x4F10]  }
0x233: {  	(xrf2) =	vadd.scan.msk.f32 $0xffff, v21;
	v14 =	vadd.f32 v14, v38;
	v21 =	vadd.f32 v34, v2;
	v34 =	vld [tilespmem:$0x1FE40]  }
0x234: {  	v38 =	vld [tilespmem:s28+$0x5010];
	v4 =	vadd.f32 v37, v4;
	v37 =	vmul.f32 v5, v39;
	v39 =	vmul.f32 v32, v42  }
0x235: {  	v52 =	vld [tilespmem:s28+$0x4FA0]  }
0x236: {  	(xrf2) =	vadd.scan.msk.f32 $0xffff, v23;
	v23 =	vadd.f32 v39, v1;
	v39 =	vld [tilespmem:$0x1FE60]  }
0x237: {  	v53 =	vld [tilespmem:s28+$0x4FB0]  }
0x238: {  	v32 =	vld [tilespmem:$0x1FE50];
	v34 =	vmul.f32 v34, v42  }
0x239: {  	v4 =	vadd.f32 v37, v4;
	v37 =	vld [tilespmem:$0x1FE80]  }
0x23a: {  	v3 =	vadd.f32 v34, v3;
	v34 =	vld [tilespmem:$0x1FE70]  }
0x23b: {  	v42 =	vmul.f32 v39, v42;
	v39 =	vld [tilespmem:$0x1FE90]  }
0x23c: {  	v63 =	vld [tilespmem:s28+$0x5000]  }
0x23d: {  	s29 =	sor.u32 $0xD, s26;
	v36 =	vld [tilespmem:s28+$0x5020];
	v0 =	vmul.f32 v32, v29  }
0x23e: {  	s31 =	sshll.u32 s29, $0x7;
	v47 =	vld [tilespmem:s28+$0x5030]  }
0x23f: {  	(xrf2) =	vadd.scan.msk.f32 $0xffff, v24;
	v9 =	vld [tilespmem:s31+$0xE00];
	v0 =	vadd.f32 v0, v21;
	v21 =	vmul.f32 v34, v41  }
0x240: {  	(xrf2) =	vadd.scan.msk.f32 $0xffff, v18;
	v10 =	vld [tilespmem:s31+$0xE10];
	v24 =	vmul.f32 v37, v28;
	v18 =	vadd.f32 v42, v4;
	v42 =	vmul.f32 v39, v22  }
0x241: {  	(xrf2) =	vadd.scan.msk.f32 $0xffff, v20;
	v6 =	vld [tilespmem:s31+$0xE20];
	v20 =	vadd.f32 v21, v0  }
0x242: {  	(xrf2) =	vadd.scan.msk.f32 $0xffff, v14;
	v0 =	vmul.f32 v61, v28;
	v61 =	vmul.f32 v44, v22;
	v14 =	vadd.f32 v42, v24;
	v42 =	vld [tilespmem:$0x1FEA0]  }
0x243: {  	v44 =	vld [tilespmem:$0x1FEB0]  }
0x244: {  	v48 =	vmul.f32 v48, v29;
	v2 =	vld [tilespmem:s31+$0x2E10];
	v0 =	vadd.f32 v61, v0;
	v61 =	vmul.f32 v57, v29  }
0x245: {  	(xrf2) =	vadd.scan.msk.f32 $0xffff, v15;
	v5 =	vld [tilespmem:s31+$0xE30];
	v21 =	vmul.f32 v56, v41;
	v56 =	vmul.f32 v43, v28  }
0x246: {  	s29 =	smul.u32 $0xA00, s29;
	(xrf2) =	vadd.scan.msk.f32 $0xffff, v16;
	v1 =	vld [tilespmem:s31+$0x2E20];
	v43 =	vmul.f32 v55, v29;
	v0 =	vadd.f32 v61, v0;
	v61 =	vmul.f32 v33, v22  }
0x247: {  	(xrf2) =	vadd.scan.msk.f32 $0xffff, v17;
	v32 =	vld [tilespmem:s31+$0x2E00];
	v55 =	vmul.f32 v25, v11;
	v24 =	vmul.f32 v42, v29  }
0x248: {  	(xrf2) =	vadd.scan.msk.f32 $0xffff, v7;
	s28 =	sshra.s32 s29, $0x2;
	v39 =	vmul.f32 v44, v41;
	v15 =	vadd.f32 v61, v56;
	v61 =	vmul.f32 v40, v29;
	v40 =	vld [tilespmem:$0x1FEC0]  }
0x249: {  	(xrf2) =	vadd.scan.msk.f32 $0xffff, v8;
	v37 =	vld [tilespmem:s28+$0x4E20];
	v8 =	vadd.f32 v21, v0;
	v42 =	vmul.f32 v54, v28;
	v54 =	vmul.f32 v50, v22  }
0x24a: {  	v34 =	vld [tilespmem:s31+$0x2E30];
	v21, _, _ =	vpop (xrf2);
	v50 =	vmul.f32 v35, v28;
	v22 =	vmul.f32 v30, v22;
	v14 =	vadd.f32 v24, v14  }
0x24b: {  	v4 =	vld [tilespmem:s28+$0x4E00];
	(xrf2) =	vadd.scan.msk.f32 $0xffff, v23;
	v15 =	vadd.f32 v48, v15;
	v42 =	vadd.f32 v54, v42;
	v54 =	vmul.f32 v26, v13;
	v24, _, _ =	vpop (xrf2)  }
0x24c: {  	v57 =	vld [tilespmem:s28+$0x4E30];
	v16 =	vadd.f32 v22, v50;
	v7 =	vadd.f32 v39, v14;
	(xrf2) =	vadd.scan.msk.f32 $0xffff, v3;
	v25, _, _ =	vpop (xrf2)  }
0x24d: {  	v33 =	vld [tilespmem:s28+$0x4E80];
	v14 =	vadd.f32 v43, v42;
	v42 =	vmul.f32 v40, v41;
	v17 =	vadd.f32 v55, v54;
	(xrf2) =	vadd.scan.msk.f32 $0xffff, v18;
	v26, _, _ =	vpop (xrf2)  }
0x24e: {  	v44 =	vld [tilespmem:s28+$0x4E10];
	v43 =	vmul.f32 v58, v41;
	v50 =	vadd.f32 v61, v16;
	v54 =	vmul.f32 v49, v41;
	(xrf2) =	vadd.scan.msk.f32 $0xffff, v20;
	v28, _, _ =	vpop (xrf2)  }
0x24f: {  	v27 =	vmul.f32 v27, v12;
	v0 =	vld [tilespmem:s28+$0x4EA0];
	v58 =	vmul.f32 v31, v19;
	v48 =	vadd.f32 v42, v14;
	(xrf2) =	vadd.scan.msk.f32 $0xffff, v7;
	v18, _, _ =	vpop (xrf2)  }
0x250: {  	v61 =	vbroadcast v24, $0xF;
	v55 =	vadd.f32 v43, v15;
	v14 =	vadd.f32 v54, v50;
	v54 =	vld [tilespmem:$0x1FED0];
	(xrf2) =	vadd.scan.msk.f32 $0xffff, v8;
	v15, _, _ =	vpop (xrf2)  }
0x251: {  	v17 =	vadd.f32 v27, v17;
	v50 =	vld [tilespmem:$0x1FEF0];
	(xrf2) =	vadd.scan.msk.f32 $0xffff, v48;
	v29, _, _ =	vpop (xrf2)  }
0x252: {  	v42 =	vbroadcast v26, $0xF;
	v22 =	vsel vm7, v62, v61;
	v61 =	vld [tilespmem:$0x1FEE0];
	(xrf2) =	vadd.scan.msk.f32 $0xffff, v55;
	v55 =	vbroadcast v28, $0xF;
	v40, _, _ =	vpop (xrf2)  }
0x253: {  	v56 =	vld [tilespmem:s28+$0x4EB0];
	v21 =	vbroadcast v21, $0xF;
	v20 =	vadd.f32 v58, v17;
	v58, _, _ =	vpop (xrf2)  }
0x254: {  	v23 =	vld [tilespmem:s28+$0x4F30];
	v41 =	vbroadcast v25, $0xF;
	v62 =	vsel vm8, v45, v42;
	v31, _, _ =	vpop (xrf2)  }
0x255: {  	v35 =	vld [tilespmem:s28+$0x4F00];
	v18 =	vbroadcast v18, $0xF;
	v21 =	vsel vm7, v54, v21;
	(xrf2) =	vadd.scan.msk.f32 $0xffff, v14;
	v8 =	vbroadcast v40, $0xF;
	v54, _, _ =	vpop (xrf2)  }
0x256: {  	v30 =	vld [tilespmem:s28+$0x4F20];
	(xrf2) =	vadd.scan.msk.f32 $0xffff, v20;
	v20 =	vsel vm8, v50, v55;
	v26 =	vbroadcast v58, $0xF;
	v58 =	vbroadcast v31, $0xF;
	v55, _, _ =	vpop (xrf2)  }
0x257: {  	v39 =	vld [tilespmem:s28+$0x4E90];
	v18 =	vsel vm8, v59, v18;
	v14 =	vsel vm8, v61, v41;
	v59, _, _ =	vpop (xrf2)  }
0x258: {  	s29 =	sor.u32 $0xE, s26;
	v3 =	vld [tilespmem:s28+$0x4F10];
	v8 =	vsel vm9, v14, v8;
	v14 =	vsel vm9, v62, v26;
	v62, _, _ =	vpop (xrf2)  }
0x259: {  	s31 =	sshll.u32 s29, $0x7;
	v49 =	vld [tilespmem:s28+$0x4F90];
	v7 =	vbroadcast v29, $0xF;
	v42, _, _ =	vpop (xrf2)  }
0x25a: {  	v16 =	vld [tilespmem:s31+$0xE00];
	v41 =	vsel vm9, v20, v58;
	v27 =	vbroadcast v55, $0xF;
	v55 =	vbroadcast v42, $0xF;
	v58, _, _ =	vpop (xrf2)  }
0x25b: {  	v7 =	vsel vm8, v22, v7;
	v22 =	vbroadcast v59, $0xF;
	v59 =	vbroadcast v58, $0xF;
	v58 =	vld [tilespmem:$0x1FF10]  }
0x25c: {  	v24 =	vsel vm10, v14, v55;
	v55 =	vld [tilespmem:$0x1FF00]  }
0x25d: {  	v43 =	vld [tilespmem:s28+$0x4F80]  }
0x25e: {  	v17 =	vld [tilespmem:s28+$0x4FB0]  }
0x25f: {  	v48 =	vld [tilespmem:s28+$0x4FA0];
	v61 =	vbroadcast v54, $0xF  }
0x260: {  	v45 =	vld [tilespmem:s28+$0x5000];
	v15 =	vbroadcast v15, $0xF;
	v7 =	vsel vm9, v7, v22  }
0x261: {  	v40 =	vld [tilespmem:s28+$0x5020];
	v22 =	vsel vm10, v41, v59;
	v59 =	vmul.f32 v58, v11;
	v29 =	vmul.f32 v55, v13  }
0x262: {  	v15 =	vsel vm8, v21, v15;
	v21 =	vld [tilespmem:s31+$0xE10]  }
0x263: {  	v28 =	vsel vm9, v18, v61;
	v61, _, _ =	vpop (xrf2);
	v29 =	vadd.f32 v59, v29;
	v59 =	vld [tilespmem:$0x1FF20]  }
0x264: {  	v4 =	vmul.f32 v4, v9;
	v50 =	vld [tilespmem:s28+$0x5010];
	v54 =	vbroadcast v62, $0xF;
	v62, _, _ =	vpop (xrf2)  }
0x265: {  	s29 =	smul.u32 $0xA00, s29;
	v31 =	vld [tilespmem:s28+$0x5030];
	v14 =	vbroadcast v61, $0xF;
	v61, _, _ =	vpop (xrf2);
	v62 =	vbroadcast v62, $0xF  }
0x266: {  	v44 =	vmul.f32 v44, v10;
	v15 =	vsel vm9, v15, v27;
	v25 =	vbroadcast v61, $0xF;
	v61 =	vld [tilespmem:$0x1FF30]  }
0x267: {  	s28 =	sshra.s32 s29, $0x2;
	v26 =	vsel vm10, v28, v14;
	v14 =	vsel vm10, v15, v62;
	v62 =	vld [tilespmem:$0x1FF40]  }
0x268: {  	v4 =	vadd.f32 v44, v4;
	v44 =	vmul.f32 v39, v10;
	v39 =	vld [tilespmem:s28+$0x5020];
	v41 =	vmul.f32 v59, v12  }
0x269: {  	v20 =	vld [tilespmem:s31+$0xE20]  }
0x26a: {  	v58, _, _ =	vpop (xrf2);
	v25 =	vsel vm10, v7, v25;
	v7 =	vadd.f32 v41, v29;
	v41 =	vld [tilespmem:$0x1FF50]  }
0x26b: {  	v18 =	vld [tilespmem:s31+$0xE30];
	v28 =	vbroadcast v58, $0xF  }
0x26c: {  	v27 =	vld [tilespmem:s31+$0x2E00];
	v58 =	vmul.f32 v61, v13;
	v59 =	vmul.f32 v62, v11  }
0x26d: {  	v42 =	vld [tilespmem:s31+$0x2E20];
	v8 =	vsel vm10, v8, v54  }
0x26e: {  	v15 =	vsel vm11, v8, v28;
	v8 =	vadd.f32 v59, v58;
	v58 =	vld [tilespmem:$0x1FF60]  }
0x26f: {  	v59 =	vld [tilespmem:$0x1FF70];
	v62 =	vmul.f32 v41, v19  }
0x270: {  	v54 =	vld [tilespmem:s31+$0x2E10]  }
0x271: {  	v29 =	vadd.f32 v62, v7;
	v62 =	vld [tilespmem:$0x1FF80]  }
0x272: {  	v55 =	vld [tilespmem:s31+$0x2E30]  }
0x273: {  	v61 =	vld [tilespmem:s28+$0x4E00];
	v28 =	vmul.f32 v58, v12  }
0x274: {  	v41 =	vld [tilespmem:s28+$0x4E10];
	v7 =	vmul.f32 v59, v13;
	v59 =	vmul.f32 v60, v11  }
0x275: {  	v8 =	vadd.f32 v28, v8;
	v28 =	vmul.f32 v51, v13;
	v13 =	vmul.f32 v63, v13;
	v63 =	vld [tilespmem:$0x1FF90]  }
0x276: {  	v58 =	vld [tilespmem:s28+$0x4E20];
	v7 =	vadd.f32 v59, v7;
	v59 =	vmul.f32 v62, v12  }
0x277: {  	v60 =	vld [tilespmem:s28+$0x4E30]  }
0x278: {  	v46 =	vmul.f32 v46, v11;
	v7 =	vadd.f32 v59, v7;
	v59 =	vld [tilespmem:$0x1FFA0]  }
0x279: {  	v51 =	vld [tilespmem:s28+$0x4E80]  }
0x27a: {  	v11 =	vmul.f32 v38, v11;
	v38 =	vld [tilespmem:s28+$0x4EB0];
	v28 =	vadd.f32 v46, v28;
	v46 =	vmul.f32 v63, v19  }
0x27b: {  	v52 =	vmul.f32 v52, v12;
	v2 =	vmul.f32 v2, v10;
	v62 =	vld [tilespmem:s28+$0x4E90]  }
0x27c: {  	v1 =	vmul.f32 v1, v6;
	v0 =	vmul.f32 v0, v6;
	v63 =	vld [tilespmem:s28+$0x4EA0];
	v46 =	vadd.f32 v46, v8  }
0x27d: {  	v8 =	vadd.f32 v52, v28;
	v28 =	vmul.f32 v53, v19;
	v52 =	vld [tilespmem:s28+$0x4F00];
	v59 =	vmul.f32 v59, v19  }
0x27e: {  	v19 =	vmul.f32 v47, v19;
	v47 =	vmul.f32 v37, v6;
	v37 =	vld [tilespmem:s28+$0x4FA0]  }
0x27f: {  	v23 =	vmul.f32 v23, v5;
	v53 =	vadd.f32 v59, v7;
	v59 =	vmul.f32 v36, v12;
	v12 =	vld [tilespmem:s28+$0x4F10]  }
0x280: {  	v3 =	vmul.f32 v3, v10;
	v7 =	vadd.f32 v11, v13;
	v13 =	vadd.f32 v28, v8;
	v28 =	vld [tilespmem:s28+$0x4F20]  }
0x281: {  	v17 =	vmul.f32 v17, v5;
	v36 =	vmul.f32 v32, v9;
	v32 =	vld [tilespmem:s28+$0x4F30]  }
0x282: {  	v45 =	vmul.f32 v45, v9;
	v8 =	vmul.f32 v34, v5;
	v34 =	vld [tilespmem:s28+$0x4F90]  }
0x283: {  	v41 =	vmul.f32 v41, v21;
	v38 =	vmul.f32 v38, v18;
	v11 =	vld [tilespmem:s28+$0x4FB0]  }
0x284: {  	v4 =	vadd.f32 v47, v4;
	v47 =	vmul.f32 v57, v5;
	v57 =	vmul.f32 v35, v9;
	v35 =	vld [tilespmem:s28+$0x5010]  }
0x285: {  	v7 =	vadd.f32 v59, v7;
	v2 =	vadd.f32 v2, v36;
	v36 =	vld [tilespmem:s28+$0x4F80];
	v59 =	vmul.f32 v33, v9  }
0x286: {  	s31 =	sshllo.u32 s25, $0x4;
	v33 =	vld [tilespmem:s28+$0x5000];
	v4 =	vadd.f32 v47, v4;
	v47 =	vmul.f32 v49, v10;
	v49 =	vmul.f32 v56, v5  }
0x287: {  	s30 =	sshll.u32 s31, $0x7;
	s29 =	smul.u32 $0xA00, s31;
	v3 =	vadd.f32 v3, v57;
	v56 =	vmul.f32 v30, v6;
	v30 =	vld [tilespmem:s28+$0x5030];
	v57 =	vmul.f32 v48, v6  }
0x288: {  	v10 =	vmul.f32 v50, v10;
	v6 =	vmul.f32 v40, v6;
	v40 =	vld [tilespmem:s30+$0x2E00]  }
0x289: {  	s31 =	sshra.s32 s29, $0x2;
	(xrf2) =	vadd.scan.msk.f32 $0xffff, v29;
	v5 =	vmul.f32 v31, v5;
	v48 =	vmul.f32 v42, v20;
	v31 =	vld [tilespmem:s30+$0x2E20]  }
0x28a: {  	(xrf2) =	vadd.scan.msk.f32 $0xffff, v46;
	v50 =	vmul.f32 v58, v20;
	v58 =	vmul.f32 v60, v18;
	v42 =	vld [tilespmem:s31+$0x4E80]  }
0x28b: {  	v60 =	vmul.f32 v63, v20;
	(xrf2) =	vadd.scan.msk.f32 $0xffff, v53;
	v53 =	vld [tilespmem:s31+$0x4F20];
	v1 =	vadd.f32 v1, v2;
	v19 =	vadd.f32 v19, v7  }
0x28c: {  	v2 =	vadd.f32 v44, v59;
	v59 =	vmul.f32 v43, v9;
	v3 =	vadd.f32 v56, v3;
	v9 =	vld [tilespmem:s30+$0xE10]  }
0x28d: {  	v7 =	vld [tilespmem:s30+$0xE20];
	v10 =	vadd.f32 v10, v45;
	v45 =	vmul.f32 v54, v21;
	v54 =	vmul.f32 v51, v16  }
0x28e: {  	v43 =	vld [tilespmem:s30+$0x2E10];
	v12 =	vmul.f32 v12, v21;
	v34 =	vmul.f32 v34, v21;
	v1 =	vadd.f32 v8, v1  }
0x28f: {  	v44 =	vld [tilespmem:s30+$0x2E30];
	v11 =	vmul.f32 v11, v18;
	v0 =	vadd.f32 v0, v2;
	v2 =	vadd.f32 v47, v59  }
0x290: {  	v56 =	vld [tilespmem:s31+$0x4E00];
	v23 =	vadd.f32 v23, v3;
	v59 =	vmul.f32 v27, v16;
	v47 =	vmul.f32 v61, v16  }
0x291: {  	v8 =	vld [tilespmem:s30+$0xE00];
	v6 =	vadd.f32 v6, v10;
	v61 =	vmul.f32 v52, v16;
	v36 =	vmul.f32 v36, v16  }
0x292: {  	v3 =	vld [tilespmem:s30+$0xE30];
	v16 =	vmul.f32 v33, v16;
	v0 =	vadd.f32 v49, v0;
	v2 =	vadd.f32 v57, v2  }
0x293: {  	v33 =	vld [tilespmem:s31+$0x4EA0];
	v49 =	vmul.f32 v55, v18;
	v10 =	vadd.f32 v41, v47;
	v55 =	vmul.f32 v62, v21  }
0x294: {  	v5 =	vadd.f32 v5, v6;
	v62 =	vmul.f32 v28, v20;
	v28 =	vld [tilespmem:s31+$0x4E90];
	v63 =	vadd.f32 v34, v36  }
0x295: {  	v36 =	vmul.f32 v37, v20;
	v37 =	vmul.f32 v32, v18;
	v32 =	vld [tilespmem:s31+$0x4EB0];
	v2 =	vadd.f32 v17, v2  }
0x296: {  	v21 =	vmul.f32 v35, v21;
	v34 =	vld [tilespmem:s31+$0x4F00];
	v17 =	vadd.f32 v45, v59;
	v57 =	vadd.f32 v50, v10  }
0x297: {  	v52 =	vmul.f32 v43, v9;
	v59 =	vld [tilespmem:s31+$0x4E10];
	v27 =	vadd.f32 v55, v54;
	v10 =	vadd.f32 v12, v61  }
0x298: {  	v45 =	vld [tilespmem:s31+$0x4E20];
	v46 =	vadd.f32 v21, v16;
	v29 =	vadd.f32 v36, v63;
	v51 =	vmul.f32 v40, v8  }
0x299: {  	v50 =	vld [tilespmem:s31+$0x4F10];
	v55 =	vmul.f32 v56, v8;
	v61 =	vmul.f32 v44, v3;
	v17 =	vadd.f32 v48, v17  }
0x29a: {  	(xrf2) =	vadd.scan.msk.f32 $0xffff, v13;
	v63 =	vld [tilespmem:s31+$0x4F90];
	v35 =	vmul.f32 v42, v8;
	v6 =	vadd.f32 v58, v57;
	v27 =	vadd.f32 v60, v27  }
0x29b: {  	(xrf2) =	vadd.scan.msk.f32 $0xffff, v19;
	v40 =	vld [tilespmem:s31+$0x5010];
	v10 =	vadd.f32 v62, v10;
	v57 =	vmul.f32 v30, v18;
	v43 =	vmul.f32 v33, v7  }
0x29c: {  	(xrf2) =	vadd.scan.msk.f32 $0xffff, v1;
	v48 =	vld [tilespmem:s31+$0x4E30];
	v11 =	vadd.f32 v11, v29;
	v58 =	vadd.f32 v52, v51;
	v36 =	vmul.f32 v28, v9  }
0x29d: {  	(xrf2) =	vadd.scan.msk.f32 $0xffff, v4;
	v60 =	vld [tilespmem:s31+$0x4F80];
	v17 =	vadd.f32 v49, v17;
	v27 =	vadd.f32 v38, v27;
	v49 =	vmul.f32 v39, v20  }
0x29e: {  	(xrf2) =	vadd.scan.msk.f32 $0xffff, v0;
	v29 =	vld [tilespmem:s31+$0x4F30];
	v10 =	vadd.f32 v37, v10;
	v56 =	vmul.f32 v59, v9;
	v59 =	vmul.f32 v31, v7  }
0x29f: {  	(xrf2) =	vadd.scan.msk.f32 $0xffff, v23;
	v51 =	vld [tilespmem:s31+$0x4FB0];
	v62 =	vmul.f32 v45, v7;
	v42 =	vadd.f32 v36, v35;
	v16 =	vmul.f32 v50, v9  }
0x2a0: {  	(xrf2) =	vadd.scan.msk.f32 $0xffff, v2;
	v37 =	vld [tilespmem:s31+$0x5000];
	v50 =	vmul.f32 v53, v7;
	v54 =	vadd.f32 v49, v46;
	v46 =	vmul.f32 v34, v8  }
0x2a1: {  	v41, _, _ =	vpop (xrf2);
	v44 =	vld [tilespmem:s31+$0x4FA0];
	(xrf2) =	vadd.scan.msk.f32 $0xffff, v5;
	v49 =	vmul.f32 v32, v3;
	v12 =	vadd.f32 v56, v55;
	v18 =	vadd.f32 v59, v58  }
0x2a2: {  	v47 =	vld [tilespmem:s31+$0x5020];
	v45, _, _ =	vpop (xrf2);
	(xrf2) =	vadd.scan.msk.f32 $0xffff, v17;
	v39 =	vmul.f32 v48, v3;
	v5 =	vadd.f32 v43, v42;
	v53 =	vmul.f32 v60, v8  }
0x2a3: {  	v48, _, _ =	vpop (xrf2);
	(xrf2) =	vadd.scan.msk.f32 $0xffff, v6;
	v58 =	vmul.f32 v40, v9;
	v1 =	vadd.f32 v57, v54;
	v54 =	vmul.f32 v63, v9  }
0x2a4: {  	v55 =	vld [tilespmem:s31+$0x5030];
	v52, _, _ =	vpop (xrf2);
	(xrf2) =	vadd.scan.msk.f32 $0xffff, v27;
	v4 =	vadd.f32 v16, v46;
	v16 =	vmul.f32 v29, v3;
	v19 =	vmul.f32 v51, v3  }
0x2a5: {  	v38 =	vadd.f32 v62, v12;
	v0 =	vadd.f32 v61, v18;
	v56, _, _ =	vpop (xrf2);
	(xrf2) =	vadd.scan.msk.f32 $0xffff, v10;
	v57 =	vmul.f32 v37, v8  }
0x2a6: {  	v61 =	vmul.f32 v44, v7;
	v59, _, _ =	vpop (xrf2);
	(xrf2) =	vadd.scan.msk.f32 $0xffff, v11;
	v4 =	vadd.f32 v50, v4;
	v60 =	vadd.f32 v54, v53  }
0x2a7: {  	v7 =	vmul.f32 v47, v7;
	v2 =	vadd.f32 v39, v38;
	v62, _, _ =	vpop (xrf2);
	(xrf2) =	vadd.scan.msk.f32 $0xffff, v1;
	v63 =	vadd.f32 v58, v57  }
0x2a8: {  	v29 =	vbroadcast v45, $0xF;
	v5 =	vadd.f32 v49, v5;
	v17, _, _ =	vpop (xrf2);
	(xrf2) =	vadd.scan.msk.f32 $0xffff, v0;
	v10 =	vadd.f32 v61, v60  }
0x2a9: {  	v21 =	vadd.f32 v16, v4;
	v3 =	vmul.f32 v55, v3;
	v20, _, _ =	vpop (xrf2);
	(xrf2) =	vadd.scan.msk.f32 $0xffff, v2;
	v1 =	vadd.f32 v7, v63  }
0x2aa: {  	v35 =	vbroadcast v48, $0xF;
	v18 =	vbroadcast v41, $0xF;
	v28, _, _ =	vpop (xrf2);
	(xrf2) =	vadd.scan.msk.f32 $0xffff, v5;
	v33 =	vadd.f32 v19, v10  }
0x2ab: {  	v38 =	vbroadcast v56, $0xF;
	v9 =	vbroadcast v59, $0xF;
	v34, _, _ =	vpop (xrf2);
	(xrf2) =	vadd.scan.msk.f32 $0xffff, v21;
	v1 =	vadd.f32 v3, v1  }
0x2ac: {  	v36 =	vbroadcast v52, $0xF;
	v0 =	vsel vm11, v24, v18;
	v39 =	vbroadcast v62, $0xF;
	v37, _, _ =	vpop (xrf2);
	(xrf2) =	vadd.scan.msk.f32 $0xffff, v33  }
0x2ad: {  	v56 =	vld [tilespmem:$0x1FFB0];
	v2 =	vsel vm11, v26, v35;
	v6 =	vsel vm11, v25, v38;
	v9 =	vsel vm12, v15, v9;
	v40, _, _ =	vpop (xrf2);
	(xrf2) =	vadd.scan.msk.f32 $0xffff, v1  }
0x2ae: {  	v58 =	vld [tilespmem:$0x1FFC0];
	v8 =	vbroadcast v17, $0xF;
	v5 =	vsel vm11, v22, v29;
	v0 =	vsel vm12, v0, v39;
	v41, _, _ =	vpop (xrf2)  }
0x2af: {  	v61 =	vld [tilespmem:$0x1FFD0];
	v43 =	vbroadcast v20, $0xF;
	v3 =	vsel vm11, v14, v36;
	v4 =	vbroadcast v28, $0xF;
	v42, _, _ =	vpop (xrf2)  }
0x2b0: {  	v62 =	vld [tilespmem:$0x1FFE0];
	v5 =	vsel vm12, v5, v8;
	v7 =	vbroadcast v34, $0xF;
	v45 =	vbroadcast v37, $0xF;
	v44, _, _ =	vpop (xrf2)  }
0x2b1: {  	v63 =	vld [tilespmem:$0x1FFF0];
	v2 =	vsel vm12, v2, v43;
	v3 =	vsel vm12, v3, v4;
	v47 =	vbroadcast v40, $0xF;
	v46, _, _ =	vpop (xrf2)  }
0x2b2: {  	v6 =	vsel vm12, v6, v7;
	v49 =	vsel vm13, v9, v45;
	v1 =	vbroadcast v41, $0xF;
	v48, _, _ =	vpop (xrf2)  }
0x2b3: {  	s26 =	sor.u32 s24, s26;
	v0 =	vsel vm13, v0, v47;
	v51 =	vbroadcast v42, $0xF;
	v50, _, _ =	vpop (xrf2);
	v7 =	vsel vm14, v49, v48  }
0x2b4: {  	p0 =	sne.s32 s25, $0x3;
	v1 =	vsel vm13, v5, v1;
	v53 =	vbroadcast v44, $0xF;
	v52, _, _ =	vpop (xrf2);
	v0 =	vsel vm14, v0, v50;
	[tilespmem:s26+$0xEE00] =	vst v7;
	s26 =	sand.u32 $0x70, s26  }
.Ltmp0:
0x2b5: {  	v2 =	vsel vm13, v2, v51;
	v55 =	vbroadcast v46, $0xF;
	v54, _, _ =	vpop (xrf2);
	v1 =	vsel vm14, v1, v52;
	[tilespmem:v56+s26+$0x0 ss:$0x1] =	vst.idx.msk $0xffff, v0;
	(pc) =	sbr.rel @p0 .LBB2_3-.Ltmp0, $4  }
0x2b6: {  	v3 =	vsel vm13, v3, v53;
	v57, _, _ =	vpop (xrf2);
	v2 =	vsel vm14, v2, v54;
	[tilespmem:v58+s26+$0x0 ss:$0x1] =	vst.idx.msk $0xffff, v1  }
0x2b7: {  	v59 =	vsel vm13, v6, v55;
	v0 =	vsel vm14, v3, v57;
	v60, _, _ =	vpop (xrf2);
	[tilespmem:v61+s26+$0x0 ss:$0x1] =	vst.idx.msk $0xffff, v2  }
0x2b8: {  	v1 =	vsel vm14, v59, v60;
	[tilespmem:v62+s26+$0x0 ss:$0x1] =	vst.idx.msk $0xffff, v0  }
0x2b9: {  	s25 =	sadd.s32 $0x1, s25;
	[tilespmem:v63+s26+$0x0 ss:$0x1] =	vst.idx.msk $0xffff, v1  }
0x2ba: {  	s23 =	sadd.s32 $0x1, s23  }
0x2bb: {  	p0 =	sne.s32 s23, $0x8  }
.Ltmp1:
0x2bc: {  	_ = 	snop;
	(pc) =	sbr.rel @p0 .LBB2_2-.Ltmp1, $1  }
0x2bd: {  	_ =	sdelay $0x3  }
0x2be: {  	s22 =	sadd.s32 $0x1, s22  }
0x2bf: {  	p0 =	sne.s32 s22, s9  }
.Ltmp2:
0x2c0: {  	_ = 	snop;
	(pc) =	sbr.rel @p0 .LBB2_1-.Ltmp2, $4  }
0x2c1: {  	[hbm4b:s8+s2] =	stream.linear.scatter [tilespmem:s21], [sflag:$0x2], $0xC00, $0x38;
	[tilespmem:$0xFA00] =	vst v63  }
0x2c2: {  	_ =	swait.ge [sflag:s10], $0xC00  }
0x2c3: {  	[sflag:s10] =	ssyncset.done $0x0  }
0x2c4: {  	[sflag:s10] =	ssyncadd.s32 $0xFFFFF400  }
0x2c5: {  	_ =	sfence.sel $0x180000  }
0x2c6: {  	[bflag:$0x0] =	sbarrier.arrive $0xFFFF  }
0x2c7: {  	p0 =	sne.s32 s0, $0x0;
	_ =	strace $0x90000047  }
0x2c8: {  	s0 =	sadd.s32 @!p0 $0x100000, s1;
	[bflag:$0x2] =	sbarrier.arrive $0xFFFF  }
0x2c9: {  	[sflag:s0] =	ssyncadd.tile.s32 @!p0 $0x1;
	_ =	shalt  }
.Lfunc_end2:
_tile_overlayer_lowered:
.L_overlay_start_2:
0x2ca: {  	(tag) =	ssettag $0x2  }
0x2cb: {  	s0 =	rddreg [dreg:$0x0];
	s2 =	stileid.u32  }
0x2cc: {  	s1 =	rddreg [dreg:$0x1];
	p0 =	sne.s32 s2, $0x0  }
0x2cd: {  	s3 =	rddreg [dreg:$0x2];
	[bflag:$0x3] =	sbarrier.arrive $0xFFFF;
	s2 =	simm.s32 @!p0 $0x1C02  }
0x2ce: {  	[timem:s3], [sflag:s2] =	dma.local @!p0 [hbm:s0], s1  }
0x2cf: {  	s0 =	simm.s32 @!p0 $0x2  }
0x2d0: {  	_ =	swait.ge @!p0 [sflag:s0], s1  }
0x2d1: {  	s1 =	ssub.s32 @!p0 $0x0, s1;
	[sflag:s0] =	ssyncset.done @!p0 $0x0  }
0x2d2: {  	[sflag:s0] =	ssyncadd.s32 @!p0 s1  }
0x2d3: {  	[bflag:$0x3] =	sbarrier.arrive $0xFFFF  }
0x2d4: {  	_ =	shalt  }

</sc_bundles>
